<compile_context>
chip_gen: v7x
topology: tpu7x:2x2x1
jax: 0.10.2.dev20260603
libtpu: 0.0.44.dev20260713+nightly
codegen_flags: <defaults>
</compile_context>

<pallas_src>
import functools

import jax
import jax.numpy as jnp
from jax import lax
from jax.experimental import pallas as pl
from jax.experimental.pallas import tpu as pltpu
from jax.experimental.pallas import tpu_sc as plsc

N = 10000
EPS = 1e-5
NC = 2
NS = 16
NW = NC * NS
G = 128
NP = 10240
RPT = NP // NS
R = 400
GRID = N // R

_mesh = lambda: plsc.VectorSubcoreMesh(
    core_axis_name="c", subcore_axis_name="s", num_cores=NC, num_subcores=NS)



@functools.lru_cache(maxsize=None)
def _sc_deg(e_pad):
    epw = e_pad // NW
    ch = epw // G
    assert ch % 8 == 0
    NB = 8

    @functools.partial(
        pl.kernel,
        out_type=jax.ShapeDtypeStruct((NC * NP,), jnp.float32),
        mesh=_mesh(),
        scratch_types=(
            [pltpu.VMEM((G,), jnp.int32) for _ in range(NB)] + [
                pltpu.VMEM((G,), jnp.float32),
                pltpu.VMEM((RPT,), jnp.float32),
                pltpu.VMEM_SHARED((NP,), jnp.float32),
            ] + [pltpu.SemaphoreType.DMA for _ in range(2 * NB)]
        ),
    )
    def k(dst_hbm, out_hbm, *refs):
        idxf = refs[:NB]
        upd_v = refs[NB]
        buf_v = refs[NB + 1]
        acc_sh = refs[NB + 2]
        isem = refs[NB + 3:NB + 3 + NB]
        esem = refs[NB + 3 + NB:NB + 3 + 2 * NB]
        c = lax.axis_index("c")
        s = lax.axis_index("s")
        wid = s * NC + c
        ones16 = jnp.ones((16,), jnp.float32)
        zeros16 = jnp.zeros((16,), jnp.float32)

        def fill_upd(i, carry):
            upd_v[pl.ds(16 * i, 16)] = ones16
            return carry

        lax.fori_loop(0, G // 16, fill_upd, 0)

        def fill_buf(i, carry):
            buf_v[pl.ds(16 * i, 16)] = zeros16
            return carry

        lax.fori_loop(0, RPT // 16, fill_buf, 0)
        pltpu.sync_copy(buf_v, acc_sh.at[pl.ds(s * RPT, RPT)])
        plsc.subcore_barrier()
        base = wid * epw

        def trip(kk, carry):
            for b in range(NB):
                off = pl.multiple_of(base + (NB * kk + b) * G, G)
                pl.when(kk > 0)(lambda b=b: pltpu.make_async_copy(
                    upd_v, acc_sh.at[idxf[b]], esem[b]).wait())
                pltpu.async_copy(dst_hbm.at[pl.ds(off, G)], idxf[b], isem[b])
            for b in range(NB):
                pltpu.make_async_copy(
                    dst_hbm.at[pl.ds(base, G)], idxf[b], isem[b]).wait()
                pltpu.async_copy(upd_v, acc_sh.at[idxf[b]], esem[b], add=True)
            return carry

        lax.fori_loop(0, ch // NB, trip, 0)
        for b in range(NB):
            pltpu.make_async_copy(upd_v, acc_sh.at[idxf[b]], esem[b]).wait()
        plsc.subcore_barrier()
        pltpu.sync_copy(acc_sh.at[pl.ds(s * RPT, RPT)], buf_v)
        pltpu.sync_copy(buf_v, out_hbm.at[pl.ds(c * NP + s * RPT, RPT)])

    return k


@functools.lru_cache(maxsize=None)
def _sc_mp_edges(e_pad):
    epw = e_pad // NW
    ch = epw // G
    assert ch % 4 == 0
    nbt = ch // 4

    @functools.partial(
        pl.kernel,
        out_type=jax.ShapeDtypeStruct((NC * NP, 128), jnp.float32),
        mesh=_mesh(),
        scratch_types=(
            [pltpu.VMEM((G,), jnp.int32) for _ in range(8)] + [
                pltpu.VMEM((G, 128), jnp.float32),
                pltpu.VMEM((G, 128), jnp.float32),
                pltpu.VMEM_SHARED((NP, 128), jnp.float32),
            ] + [pltpu.SemaphoreType.DMA for _ in range(12)]
        ),
    )
    def k(table_hbm, src_hbm, dst_hbm, zeros_hbm, out_hbm, *refs):
        sf = refs[0:4]
        df = refs[4:8]
        rows = refs[8:10]
        acc_sh = refs[10]
        lss = refs[11:15]
        lds = refs[15:19]
        gs = refs[19:21]
        ss = refs[21:23]
        c = lax.axis_index("c")
        s = lax.axis_index("s")
        wid = s * NC + c
        pltpu.sync_copy(zeros_hbm, rows[0])
        for r in range(RPT // G):
            pltpu.sync_copy(rows[0], acc_sh.at[pl.ds(s * RPT + r * G, G)])
        plsc.subcore_barrier()
        base = wid * epw

        def load_idx(slot, off):
            pltpu.async_copy(src_hbm.at[pl.ds(off, G)], sf[slot], lss[slot])
            pltpu.async_copy(dst_hbm.at[pl.ds(off, G)], df[slot], lds[slot])

        def scat_wait(b2):
            pltpu.make_async_copy(rows[b2], acc_sh.at[df[0]], ss[b2]).wait()

        def scat_start(b2, slot):
            pltpu.make_async_copy(table_hbm.at[sf[slot]], rows[b2],
                                  gs[b2]).wait()
            pltpu.make_async_copy(dst_hbm.at[pl.ds(base, G)], df[slot],
                                  lds[slot]).wait()
            pltpu.async_copy(rows[b2], acc_sh.at[df[slot]], ss[b2], add=True)

        for slot in range(2):
            load_idx(slot, pl.multiple_of(base + slot * G, G))

        def trip(kk, carry):
            j0 = 4 * kk
            for u in range(4):
                b2 = u % 2
                if u < 2:
                    pl.when(kk > 0)(lambda b2=b2: scat_wait(b2))
                else:
                    scat_wait(b2)
                pre = (u + 2) % 4
                off_pre = pl.multiple_of(base + (j0 + u + 2) * G, G)
                if u < 2:
                    load_idx(pre, off_pre)
                else:
                    pl.when(kk < nbt - 1)(
                        lambda pre=pre, off_pre=off_pre: load_idx(pre,
                                                                  off_pre))
                pltpu.make_async_copy(src_hbm.at[pl.ds(base, G)], sf[u],
                                      lss[u]).wait()
                pltpu.async_copy(table_hbm.at[sf[u]], rows[b2], gs[b2])
                if u >= 1:
                    scat_start(b2 ^ 1, u - 1)
            scat_start(1, 3)
            return carry

        lax.fori_loop(0, nbt, trip, 0)
        for b2 in range(2):
            scat_wait(b2)
        plsc.subcore_barrier()
        for r in range(RPT // G):
            pltpu.sync_copy(acc_sh.at[pl.ds(s * RPT + r * G, G)], rows[0])
            pltpu.sync_copy(rows[0],
                            out_hbm.at[pl.ds(c * NP + s * RPT + r * G, G)])

    return k


NDIS = 10048


@functools.lru_cache(maxsize=None)
def _sc_mp_feats(e_pad):
    ept = e_pad // NS
    ch = ept // G
    assert ch % 4 == 0
    nbt = ch // 4

    @functools.partial(
        pl.kernel,
        out_type=[jax.ShapeDtypeStruct((NC * NP, 128), jnp.float32),
                  jax.ShapeDtypeStruct((NP,), jnp.float32)],
        mesh=_mesh(),
        compiler_params=pltpu.CompilerParams(needs_layout_passes=False),
        scratch_types=(
            [pltpu.VMEM((G,), jnp.int32) for _ in range(8)] + [
                pltpu.VMEM((G, 128), jnp.float32),
                pltpu.VMEM((G, 128), jnp.float32),
                pltpu.VMEM((G,), jnp.float32),
                pltpu.VMEM((G,), jnp.float32),
                pltpu.VMEM((NDIS,), jnp.float32),
                pltpu.VMEM_SHARED((NP, 128), jnp.float32),
                pltpu.VMEM_SHARED((NP,), jnp.float32),
            ] + [pltpu.SemaphoreType.DMA for _ in range(14)]
        ),
    )
    def k(ta_hbm, tb_hbm, src_hbm, dst_hbm, dis_hbm, zeros_hbm,
          out_hbm, out2_hbm, *refs):
        sf = refs[0:4]
        df = refs[4:8]
        rows = refs[8:10]
        uf = refs[10:12]
        dis_v = refs[12]
        acc_sh = refs[13]
        acc2_sh = refs[14]
        lss = refs[15:19]
        lds = refs[19:23]
        gs = refs[23:25]
        ss = refs[25:27]
        ts = refs[27:29]
        c = lax.axis_index("c")
        s = lax.axis_index("s")
        pltpu.sync_copy(zeros_hbm, rows[0])
        for r in range(RPT // G):
            pltpu.sync_copy(rows[0], acc_sh.at[pl.ds(s * RPT + r * G, G)])
        zeros16 = jnp.zeros((16,), jnp.float32)

        @pl.when(c == 0)
        def _():
            def fill0(i, carry):
                dis_v[pl.ds(16 * i, 16)] = zeros16
                return carry

            lax.fori_loop(0, RPT // 16, fill0, 0)
            pltpu.sync_copy(dis_v.at[pl.ds(0, RPT)],
                            acc2_sh.at[pl.ds(s * RPT, RPT)])

        pltpu.sync_copy(dis_hbm.at[pl.ds(0, NDIS)], dis_v)
        plsc.subcore_barrier()
        base = s * ept

        def load_idx(slot, off):
            pltpu.async_copy(src_hbm.at[pl.ds(off, G)], sf[slot], lss[slot])
            pltpu.async_copy(dst_hbm.at[pl.ds(off, G)], df[slot], lds[slot])

        def scat_wait(b2):
            pltpu.make_async_copy(rows[b2], acc_sh.at[df[0]], ss[b2]).wait()

        def t_wait(b2):
            pltpu.make_async_copy(uf[b2], acc2_sh.at[sf[0]], ts[b2]).wait()

        def run(tbl, do_t):
            def scat_start(b2, slot):
                pltpu.make_async_copy(tbl.at[sf[slot]], rows[b2],
                                      gs[b2]).wait()
                pltpu.make_async_copy(dst_hbm.at[pl.ds(base, G)], df[slot],
                                      lds[slot]).wait()
                if do_t:
                    for jj in range(G // 16):
                        uf[b2][pl.ds(16 * jj, 16)] = plsc.load_gather(
                            dis_v, [df[slot][pl.ds(16 * jj, 16)]])
                    pltpu.async_copy(uf[b2], acc2_sh.at[sf[slot]], ts[b2],
                                     add=True)
                pltpu.async_copy(rows[b2], acc_sh.at[df[slot]], ss[b2],
                                 add=True)

            for slot in range(2):
                load_idx(slot, pl.multiple_of(base + slot * G, G))

            def trip(kk, carry):
                j0 = 4 * kk
                for u in range(4):
                    b2 = u % 2
                    if u < 2:
                        pl.when(kk > 0)(lambda b2=b2: scat_wait(b2))
                        if do_t:
                            pl.when(kk > 0)(lambda b2=b2: t_wait(b2))
                    else:
                        scat_wait(b2)
                        if do_t:
                            t_wait(b2)
                    pre = (u + 2) % 4
                    off_pre = pl.multiple_of(base + (j0 + u + 2) * G, G)
                    if u < 2:
                        load_idx(pre, off_pre)
                    else:
                        pl.when(kk < nbt - 1)(
                            lambda pre=pre, off_pre=off_pre: load_idx(
                                pre, off_pre))
                    pltpu.make_async_copy(src_hbm.at[pl.ds(base, G)], sf[u],
                                          lss[u]).wait()
                    pltpu.async_copy(tbl.at[sf[u]], rows[b2], gs[b2])
                    if u >= 1:
                        scat_start(b2 ^ 1, u - 1)
                scat_start(1, 3)
                return carry

            lax.fori_loop(0, nbt, trip, 0)
            for b2 in range(2):
                scat_wait(b2)
            if do_t:
                for b2 in range(2):
                    t_wait(b2)

        @pl.when(c == 0)
        def _():
            run(ta_hbm, True)

        @pl.when(c == 1)
        def _():
            run(tb_hbm, False)

        plsc.subcore_barrier()
        for r in range(RPT // G):
            pltpu.sync_copy(acc_sh.at[pl.ds(s * RPT + r * G, G)], rows[0])
            pltpu.sync_copy(rows[0],
                            out_hbm.at[pl.ds(c * NP + s * RPT + r * G, G)])

        @pl.when(c == 0)
        def _():
            pltpu.sync_copy(acc2_sh.at[pl.ds(s * RPT, RPT)],
                            dis_v.at[pl.ds(0, RPT)])
            pltpu.sync_copy(dis_v.at[pl.ds(0, RPT)],
                            out2_hbm.at[pl.ds(s * RPT, RPT)])

    return k



def _t1a_body(degp_ref, dis_ref):
    deg = degp_ref[0:1, :] + degp_ref[1:2, :] + 1.0
    dis = lax.rsqrt(deg)
    cols = lax.broadcasted_iota(jnp.int32, (1, NP), 1)
    dis_ref[...] = jnp.where(cols < N, dis, 0.0)


def _t1a(degp):
    return pl.pallas_call(
        _t1a_body,
        out_shape=jax.ShapeDtypeStruct((1, NP), jnp.float32),
    )(degp)


def _t1b_body(dis_ref, x_ref, xt_ref):
    xt_ref[...] = dis_ref[...] * x_ref[...]


def _t1b(dis_col, x):
    return pl.pallas_call(
        _t1b_body,
        grid=(GRID,),
        in_specs=[
            pl.BlockSpec((R, 1), lambda i: (i, 0)),
            pl.BlockSpec((R, 128), lambda i: (i, 0)),
        ],
        out_specs=pl.BlockSpec((R, 128), lambda i: (i, 0)),
        out_shape=jax.ShapeDtypeStruct((N, 128), jnp.float32),
    )(dis_col, x)


def _t23_body(sp_ref, h_ref, dis_ref, w_ref, b_ref, g_ref, be_ref,
              ha_ref, hb_ref, zbuf, acc):
    i = pl.program_id(0)

    @pl.when(i < GRID)
    def _():
        a = dis_ref[...] * (sp_ref[0] + sp_ref[1] + h_ref[...])
        z = (jnp.dot(a, w_ref[...], preferred_element_type=jnp.float32)
             + b_ref[...])
        zbuf[pl.ds(i * R, R), :] = z

        @pl.when(i == 0)
        def _():
            acc[...] = jnp.zeros_like(acc)

        acc[0:1, :] += jnp.sum(z, axis=0, keepdims=True)
        acc[1:2, :] += jnp.sum(z * z, axis=0, keepdims=True)

    @pl.when(i >= GRID)
    def _():
        ri = i - GRID
        mu = acc[0:1, :] * (1.0 / N)
        var = acc[1:2, :] * (1.0 / N) - mu * mu
        z = zbuf[pl.ds(ri * R, R), :]
        hn = (z - mu) * lax.rsqrt(var + EPS) * g_ref[...] + be_ref[...]
        h = jnp.maximum(hn, 0.0) * dis_ref[...]
        ha_ref[...] = h[:, :128]
        hb_ref[...] = h[:, 128:]


def _t23(s1p, xt, dis_col, w1, b1, g1, be1):
    rowmap = lambda i: (jnp.where(i < GRID, i, i - GRID), 0)
    rowmap3 = lambda i: (0, jnp.where(i < GRID, i, i - GRID), 0)
    outmap = lambda i: (jnp.maximum(i - GRID, 0), 0)
    return pl.pallas_call(
        _t23_body,
        grid=(2 * GRID,),
        in_specs=[
            pl.BlockSpec((NC, R, 128), rowmap3),
            pl.BlockSpec((R, 128), rowmap),
            pl.BlockSpec((R, 1), rowmap),
            pl.BlockSpec((128, 256), lambda i: (0, 0)),
            pl.BlockSpec((1, 256), lambda i: (0, 0)),
            pl.BlockSpec((1, 256), lambda i: (0, 0)),
            pl.BlockSpec((1, 256), lambda i: (0, 0)),
        ],
        out_specs=[
            pl.BlockSpec((R, 128), outmap),
            pl.BlockSpec((R, 128), outmap),
        ],
        out_shape=[jax.ShapeDtypeStruct((N, 128), jnp.float32),
                   jax.ShapeDtypeStruct((N, 128), jnp.float32)],
        scratch_shapes=[pltpu.VMEM((N, 256), jnp.float32),
                        pltpu.VMEM((2, 256), jnp.float32)],
    )(s1p, xt, dis_col, w1, b1, g1, be1)


def _t45_body(sp_ref, ha_ref, hb_ref, dis_ref, w_ref, b_ref, g_ref, be_ref,
              tp_ref, w3_ref, b3_ref, out_ref, zbuf, acc, vacc):
    i = pl.program_id(0)
    d = dis_ref[...]

    @pl.when(i < GRID)
    def _():
        a = jnp.concatenate(
            [d * (sp_ref[0] + ha_ref[...]), d * (sp_ref[1] + hb_ref[...])],
            axis=1)
        z = (jnp.dot(a, w_ref[...], preferred_element_type=jnp.float32)
             + b_ref[...])
        zbuf[pl.ds(i * R, R), :] = z

        @pl.when(i == 0)
        def _():
            acc[...] = jnp.zeros_like(acc)

        acc[0:1, :] += jnp.sum(z, axis=0, keepdims=True)
        acc[1:2, :] += jnp.sum(z * z, axis=0, keepdims=True)

    @pl.when(i >= GRID)
    def _():
        ri = i - GRID
        mu = acc[0:1, :] * (1.0 / N)
        var = acc[1:2, :] * (1.0 / N) - mu * mu
        z = zbuf[pl.ds(ri * R, R), :]
        h = jnp.maximum(
            (z - mu) * lax.rsqrt(var + EPS) * g_ref[...] + be_ref[...], 0.0)
        cv = d * (tp_ref[...] + d)

        @pl.when(i == GRID)
        def _():
            vacc[...] = jnp.zeros_like(vacc)

        vacc[...] += jnp.sum(cv * h, axis=0, keepdims=True)
        out_ref[...] = jnp.dot(vacc[...] * (1.0 / N), w3_ref[...],
                               preferred_element_type=jnp.float32) + b3_ref[...]


def _t45(s2p, ha, hb, dis_col, w2, b2, g2, be2, tp, w3, b3):
    rowmap = lambda i: (jnp.where(i < GRID, i, i - GRID), 0)
    rowmap3 = lambda i: (0, jnp.where(i < GRID, i, i - GRID), 0)
    return pl.pallas_call(
        _t45_body,
        grid=(2 * GRID,),
        in_specs=[
            pl.BlockSpec((NC, R, 128), rowmap3),
            pl.BlockSpec((R, 128), rowmap),
            pl.BlockSpec((R, 128), rowmap),
            pl.BlockSpec((R, 1), rowmap),
            pl.BlockSpec((256, 256), lambda i: (0, 0)),
            pl.BlockSpec((1, 256), lambda i: (0, 0)),
            pl.BlockSpec((1, 256), lambda i: (0, 0)),
            pl.BlockSpec((1, 256), lambda i: (0, 0)),
            pl.BlockSpec((R, 1), rowmap),
            pl.BlockSpec((256, 128), lambda i: (0, 0)),
            pl.BlockSpec((1, 128), lambda i: (0, 0)),
        ],
        out_specs=pl.BlockSpec((1, 128), lambda i: (0, 0)),
        out_shape=jax.ShapeDtypeStruct((1, 128), jnp.float32),
        scratch_shapes=[pltpu.VMEM((N, 256), jnp.float32),
                        pltpu.VMEM((2, 256), jnp.float32),
                        pltpu.VMEM((1, 256), jnp.float32)],
    )(s2p, ha, hb, dis_col, w2, b2, g2, be2, tp, w3, b3)



def kernel(x, edge_index, W1, b1, g1, be1, W2, b2, g2, be2, W3, b3):
    src = edge_index[0]
    dst = edge_index[1]
    e = src.shape[0]
    e_pad = -(-e // (NW * G * 2)) * (NW * G * 2)
    pidx = jnp.arange(e_pad - e, dtype=jnp.int32) % 16
    src_p = jnp.concatenate([src, pidx])
    dst_p = jnp.concatenate([dst, N + pidx])
    zeros_128 = jnp.zeros((G, 128), jnp.float32)

    degp = jnp.reshape(_sc_deg(e_pad)(dst_p), (NC, NP))
    dis_row = _t1a(degp)
    dis_flat = jnp.reshape(dis_row, (NP,))
    dis_col = jnp.reshape(dis_row, (NP, 1))
    xt = _t1b(dis_col, x)
    s1p = jnp.reshape(_sc_mp_edges(e_pad)(xt, src_p, dst_p, zeros_128),
                      (NC, NP, 128))
    ha, hb = _t23(s1p, xt, dis_col, W1, b1.reshape(1, -1),
                  g1.reshape(1, -1), be1.reshape(1, -1))
    s2_flat, tp_flat = _sc_mp_feats(e_pad)(ha, hb, src_p, dst_p, dis_flat,
                                           zeros_128)
    s2p = jnp.reshape(s2_flat, (NC, NP, 128))
    tp = jnp.reshape(tp_flat, (NP, 1))
    return _t45(s2p, ha, hb, dis_col, W2, b2.reshape(1, -1),
                g2.reshape(1, -1), be2.reshape(1, -1), tp,
                W3, b3.reshape(1, -1))

# --- scband reference (transcript-rebuilt; emitter-appended) ---
"""Pipeline reference for scband-graph-neural-network-59030030516276 (READ-ONLY COPY).

The authoritative reference and input builder live on the scoring server;
editing this copy changes nothing except your own understanding.
"""

import jax, jax.numpy as jnp
import numpy as np

N = 10000
E = 320000
D_IN = 128
D_H = 256
D_OUT = 128
EPS = 1e-5


def setup_inputs(seed: int = 0) -> dict:
    key = jax.random.key(seed)
    ks = jax.random.split(key, 14)
    x = jax.random.normal(ks[0], (N, D_IN), dtype=jnp.float32)
    edge_index = jax.random.randint(ks[1], (2, E), 0, N, dtype=jnp.int32)
    W1 = jax.random.normal(ks[2], (D_IN, D_H), dtype=jnp.float32) * (1.0 / np.sqrt(D_IN))
    b1 = jnp.zeros((D_H,), dtype=jnp.float32)
    g1 = jnp.ones((D_H,), dtype=jnp.float32)
    be1 = jnp.zeros((D_H,), dtype=jnp.float32)
    W2 = jax.random.normal(ks[3], (D_H, D_H), dtype=jnp.float32) * (1.0 / np.sqrt(D_H))
    b2 = jnp.zeros((D_H,), dtype=jnp.float32)
    g2 = jnp.ones((D_H,), dtype=jnp.float32)
    be2 = jnp.zeros((D_H,), dtype=jnp.float32)
    W3 = jax.random.normal(ks[4], (D_H, D_OUT), dtype=jnp.float32) * (1.0 / np.sqrt(D_H))
    b3 = jnp.zeros((D_OUT,), dtype=jnp.float32)
    return {"x": x, "edge_index": edge_index, "W1": W1, "b1": b1, "g1": g1, "be1": be1,
            "W2": W2, "b2": b2, "g2": g2, "be2": be2, "W3": W3, "b3": b3}


def gcn_conv(x, edge_index, W, b):
    n = x.shape[0]
    loop = jnp.arange(n, dtype=edge_index.dtype)
    src = jnp.concatenate([edge_index[0], loop])
    dst = jnp.concatenate([edge_index[1], loop])
    deg = jnp.zeros((n,), dtype=x.dtype).at[dst].add(1.0)
    dis = jnp.where(deg > 0, deg ** -0.5, 0.0)
    norm = dis[src] * dis[dst]
    h = x @ W
    msg = h[src] * norm[:, None]
    out = jnp.zeros((n, W.shape[1]), dtype=x.dtype).at[dst].add(msg)
    return out + b


def batchnorm(h, g, be):
    mu = jnp.mean(h, axis=0)
    var = jnp.var(h, axis=0)
    return (h - mu) / jnp.sqrt(var + EPS) * g + be


def reference(x, edge_index, W1, b1, g1, be1, W2, b2, g2, be2, W3, b3):
    h = gcn_conv(x, edge_index, W1, b1)
    h = batchnorm(h, g1, be1)
    h = jax.nn.relu(h)
    h = gcn_conv(h, edge_index, W2, b2)
    h = batchnorm(h, g2, be2)
    h = jax.nn.relu(h)
    h = gcn_conv(h, edge_index, W3, b3)
    return jnp.mean(h, axis=0, keepdims=True)

if __name__ == "__main__":
    import jax
    _d = setup_inputs()
    print(jax.jit(kernel)(*tuple(_d.values())))

</pallas_src>

<mosaic_0001>
#map = affine_map<(d0, d1) -> (0)>
module attributes {stable_mosaic.version = 14 : i64} {
  func.func @k(%arg0: i32, %arg1: i32, %arg2: memref<327680xi32, #tpu.memory_space<hbm>>, %arg3: memref<20480xf32, #tpu.memory_space<hbm>>, %arg4: memref<128xi32, #tpu.memory_space<vmem>>, %arg5: memref<128xi32, #tpu.memory_space<vmem>>, %arg6: memref<128xi32, #tpu.memory_space<vmem>>, %arg7: memref<128xi32, #tpu.memory_space<vmem>>, %arg8: memref<128xi32, #tpu.memory_space<vmem>>, %arg9: memref<128xi32, #tpu.memory_space<vmem>>, %arg10: memref<128xi32, #tpu.memory_space<vmem>>, %arg11: memref<128xi32, #tpu.memory_space<vmem>>, %arg12: memref<128xf32, #tpu.memory_space<vmem>>, %arg13: memref<640xf32, #tpu.memory_space<vmem>>, %arg14: memref<10240xf32, #tpu.memory_space<vmem_shared>>, %arg15: memref<!tpu.dma_semaphore, #tpu.memory_space<semaphore_mem>>, %arg16: memref<!tpu.dma_semaphore, #tpu.memory_space<semaphore_mem>>, %arg17: memref<!tpu.dma_semaphore, #tpu.memory_space<semaphore_mem>>, %arg18: memref<!tpu.dma_semaphore, #tpu.memory_space<semaphore_mem>>, %arg19: memref<!tpu.dma_semaphore, #tpu.memory_space<semaphore_mem>>, %arg20: memref<!tpu.dma_semaphore, #tpu.memory_space<semaphore_mem>>, %arg21: memref<!tpu.dma_semaphore, #tpu.memory_space<semaphore_mem>>, %arg22: memref<!tpu.dma_semaphore, #tpu.memory_space<semaphore_mem>>, %arg23: memref<!tpu.dma_semaphore, #tpu.memory_space<semaphore_mem>>, %arg24: memref<!tpu.dma_semaphore, #tpu.memory_space<semaphore_mem>>, %arg25: memref<!tpu.dma_semaphore, #tpu.memory_space<semaphore_mem>>, %arg26: memref<!tpu.dma_semaphore, #tpu.memory_space<semaphore_mem>>, %arg27: memref<!tpu.dma_semaphore, #tpu.memory_space<semaphore_mem>>, %arg28: memref<!tpu.dma_semaphore, #tpu.memory_space<semaphore_mem>>, %arg29: memref<!tpu.dma_semaphore, #tpu.memory_space<semaphore_mem>>, %arg30: memref<!tpu.dma_semaphore, #tpu.memory_space<semaphore_mem>>) attributes {dimension_semantics = [#tpu.dimension_semantics<core_parallel>, #tpu.dimension_semantics<subcore_parallel>], iteration_bounds = array<i64: 2, 16>, scalar_prefetch = 0 : i64, scratch_operands = 27 : i64, tpu.core_type = #tpu.core_type<sc_vector_subcore>, window_params = [{transform_indices = #map}, {transform_indices = #map}]} {
    %mul3A = arith.constant 2 : i32
    %mul3A_0 = arith.muli %arg1, %mul3A : i32
    %add3A = arith.addi %mul3A_0, %arg0 : i32
    %broadcast_in_dim3A = arith.constant 1.000000e+00 : f32
    %broadcast_in_dim3A_1 = vector.broadcast %broadcast_in_dim3A : f32 to vector<16xf32>
    %broadcast_in_dim3A_2 = arith.constant 0.000000e+00 : f32
    %broadcast_in_dim3A_3 = vector.broadcast %broadcast_in_dim3A_2 : f32 to vector<16xf32>
    %scan3A = arith.constant 0 : i32
    %scan3A_4 = arith.constant 0 : i32
    %scan3A_5 = arith.constant 8 : i32
    %scan3A_6 = arith.addi %scan3A_4, %scan3A_5 : i32
    %scan3A_7 = arith.constant 1 : i32
    scf.for %scan3A_48 = %scan3A_4 to %scan3A_6 step %scan3A_7  : i32 {
      %mul3A_49 = arith.constant 16 : i32
      %mul3A_50 = arith.muli %mul3A_49, %scan3A_48 : i32
      %swap3A = arith.index_cast %mul3A_50 : i32 to index
      %swap3A_51 = tpu.vector_load %arg12[%swap3A] {strides = array<i32>} : memref<128xf32, #tpu.memory_space<vmem>>, vector<16xf32>,
      %swap3A_52 = vector.shape_cast %swap3A_51 : vector<16xf32> to vector<16xf32>
      %swap3A_53 = vector.shape_cast %broadcast_in_dim3A_1 : vector<16xf32> to vector<16xf32>
      tpu.vector_store %arg12[%swap3A], %swap3A_53 {strides = array<i32>} : memref<128xf32, #tpu.memory_space<vmem>>, vector<16xf32>,
    }
    %scan3A_8 = arith.constant 8 : i32
    %scan3A_9 = arith.constant 0 : i32
    %scan3A_10 = arith.constant 0 : i32
    %scan3A_11 = arith.constant 40 : i32
    %scan3A_12 = arith.addi %scan3A_10, %scan3A_11 : i32
    %scan3A_13 = arith.constant 1 : i32
    scf.for %scan3A_48 = %scan3A_10 to %scan3A_12 step %scan3A_13  : i32 {
      %mul3A_49 = arith.constant 16 : i32
      %mul3A_50 = arith.muli %mul3A_49, %scan3A_48 : i32
      %swap3A = arith.index_cast %mul3A_50 : i32 to index
      %swap3A_51 = tpu.vector_load %arg13[%swap3A] {strides = array<i32>} : memref<640xf32, #tpu.memory_space<vmem>>, vector<16xf32>,
      %swap3A_52 = vector.shape_cast %swap3A_51 : vector<16xf32> to vector<16xf32>
      %swap3A_53 = vector.shape_cast %broadcast_in_dim3A_3 : vector<16xf32> to vector<16xf32>
      tpu.vector_store %arg13[%swap3A], %swap3A_53 {strides = array<i32>} : memref<640xf32, #tpu.memory_space<vmem>>, vector<16xf32>,
    }
    %scan3A_14 = arith.constant 40 : i32
    %mul3A_15 = arith.constant 640 : i32
    %mul3A_16 = arith.muli %arg1, %mul3A_15 : i32
    "tpu.region"() ({
      %run_scoped3A = tpu.sem_alloc : memref<!tpu.dma_semaphore, #tpu.memory_space<semaphore_mem>>
      %dma_start3A = tpu.memref_slice %arg14[%mul3A_16] : memref<10240xf32, #tpu.memory_space<vmem_shared>> -> memref<640xf32, #tpu.memory_space<vmem_shared>>
      %dma_start3A_48 = tpu.memref_slice %arg14[%mul3A_16] : memref<10240xf32, #tpu.memory_space<vmem_shared>> -> memref<640xf32, #tpu.memory_space<vmem_shared>>
      tpu.enqueue_dma source(%arg13 : memref<640xf32, #tpu.memory_space<vmem>>) target(%dma_start3A_48 : memref<640xf32, #tpu.memory_space<vmem_shared>>) target_semaphore(%run_scoped3A : memref<!tpu.dma_semaphore, #tpu.memory_space<semaphore_mem>>)
      %dma_wait3A_49 = tpu.memref_slice %arg14[%mul3A_16] : memref<10240xf32, #tpu.memory_space<vmem_shared>> -> memref<640xf32, #tpu.memory_space<vmem_shared>>
      %dma_wait3A_50 = tpu.memref_slice %arg14[%mul3A_16] : memref<10240xf32, #tpu.memory_space<vmem_shared>> -> memref<640xf32, #tpu.memory_space<vmem_shared>>
      tpu.wait_dma2 semaphore(%run_scoped3A : memref<!tpu.dma_semaphore, #tpu.memory_space<semaphore_mem>>) src(%arg13 : memref<640xf32, #tpu.memory_space<vmem>>) dst(%dma_wait3A_50 : memref<640xf32, #tpu.memory_space<vmem_shared>>)
      tpu.yield
    }) : () -> ()
    %barrier3A = arith.constant 0 : index
    tpu.barrier barrier_id(%barrier3A)
    %mul3A_17 = arith.constant 10240 : i32
    %mul3A_18 = arith.muli %add3A, %mul3A_17 : i32
    %scan3A_19 = arith.constant 0 : i32
    %scan3A_20 = arith.constant 0 : i32
    %scan3A_21 = arith.constant 10 : i32
    %scan3A_22 = arith.addi %scan3A_20, %scan3A_21 : i32
    %scan3A_23 = arith.constant 1 : i32
    scf.for %scan3A_48 = %scan3A_20 to %scan3A_22 step %scan3A_23  : i32 {
      %mul3A_49 = arith.constant 8 : i32
      %mul3A_50 = arith.muli %mul3A_49, %scan3A_48 : i32
      %add3A_51 = arith.constant 0 : i32
      %add3A_52 = arith.addi %mul3A_50, %add3A_51 : i32
      %mul3A_53 = arith.constant 128 : i32
      %mul3A_54 = arith.muli %add3A_52, %mul3A_53 : i32
      %add3A_55 = arith.addi %mul3A_18, %mul3A_54 : i32
      %multiple_of3A = tpu.assume_multiple %add3A_55, 128 : i32
      %gt3A = arith.constant 0 : i32
      %gt3A_56 = arith.cmpi sgt, %scan3A_48, %gt3A : i32
      %convert_element_type3A = arith.extui %gt3A_56 : i1 to i32
      %cond3A = arith.constant 0 : i32
      %cond3A_57 = arith.cmpi ne, %convert_element_type3A, %cond3A : i32
      scf.if %cond3A_57 {
        %dma_wait3A_196 = arith.constant 0 : i32
        %dma_wait3A_197 = tpu.memref_slice %arg14[%dma_wait3A_196] : memref<10240xf32, #tpu.memory_space<vmem_shared>> -> memref<10240xf32, #tpu.memory_space<vmem_shared>>
        tpu.wait_indirect_dma semaphore(%arg23 : memref<!tpu.dma_semaphore, #tpu.memory_space<semaphore_mem>>) src(%arg12 : memref<128xf32, #tpu.memory_space<vmem>>) dst(%dma_wait3A_197 : memref<10240xf32, #tpu.memory_space<vmem_shared>>)
      } else {
      }
      %dma_start3A = tpu.memref_slice %arg2[%multiple_of3A] : memref<327680xi32, #tpu.memory_space<hbm>> -> memref<128xi32, #tpu.memory_space<hbm>>
      %dma_start3A_58 = tpu.memref_slice %arg2[%multiple_of3A] : memref<327680xi32, #tpu.memory_space<hbm>> -> memref<128xi32, #tpu.memory_space<hbm>>
      tpu.enqueue_dma source(%dma_start3A_58 : memref<128xi32, #tpu.memory_space<hbm>>) target(%arg4 : memref<128xi32, #tpu.memory_space<vmem>>) target_semaphore(%arg15 : memref<!tpu.dma_semaphore, #tpu.memory_space<semaphore_mem>>)
      %mul3A_59 = arith.constant 8 : i32
      %mul3A_60 = arith.muli %mul3A_59, %scan3A_48 : i32
      %add3A_61 = arith.constant 1 : i32
      %add3A_62 = arith.addi %mul3A_60, %add3A_61 : i32
      %mul3A_63 = arith.constant 128 : i32
      %mul3A_64 = arith.muli %add3A_62, %mul3A_63 : i32
      %add3A_65 = arith.addi %mul3A_18, %mul3A_64 : i32
      %multiple_of3A_66 = tpu.assume_multiple %add3A_65, 128 : i32
      %gt3A_67 = arith.constant 0 : i32
      %gt3A_68 = arith.cmpi sgt, %scan3A_48, %gt3A_67 : i32
      %convert_element_type3A_69 = arith.extui %gt3A_68 : i1 to i32
      %cond3A_70 = arith.constant 0 : i32
      %cond3A_71 = arith.cmpi ne, %convert_element_type3A_69, %cond3A_70 : i32
      scf.if %cond3A_71 {
        %dma_wait3A_196 = arith.constant 0 : i32
        %dma_wait3A_197 = tpu.memref_slice %arg14[%dma_wait3A_196] : memref<10240xf32, #tpu.memory_space<vmem_shared>> -> memref<10240xf32, #tpu.memory_space<vmem_shared>>
        tpu.wait_indirect_dma semaphore(%arg24 : memref<!tpu.dma_semaphore, #tpu.memory_space<semaphore_mem>>) src(%arg12 : memref<128xf32, #tpu.memory_space<vmem>>) dst(%dma_wait3A_197 : memref<10240xf32, #tpu.memory_space<vmem_shared>>)
      } else {
      }
      %dma_start3A_72 = tpu.memref_slice %arg2[%multiple_of3A_66] : memref<327680xi32, #tpu.memory_space<hbm>> -> memref<128xi32, #tpu.memory_space<hbm>>
      %dma_start3A_73 = tpu.memref_slice %arg2[%multiple_of3A_66] : memref<327680xi32, #tpu.memory_space<hbm>> -> memref<128xi32, #tpu.memory_space<hbm>>
      tpu.enqueue_dma source(%dma_start3A_73 : memref<128xi32, #tpu.memory_space<hbm>>) target(%arg5 : memref<128xi32, #tpu.memory_space<vmem>>) target_semaphore(%arg16 : memref<!tpu.dma_semaphore, #tpu.memory_space<semaphore_mem>>)
      %mul3A_74 = arith.constant 8 : i32
      %mul3A_75 = arith.muli %mul3A_74, %scan3A_48 : i32
      %add3A_76 = arith.constant 2 : i32
      %add3A_77 = arith.addi %mul3A_75, %add3A_76 : i32
      %mul3A_78 = arith.constant 128 : i32
      %mul3A_79 = arith.muli %add3A_77, %mul3A_78 : i32
      %add3A_80 = arith.addi %mul3A_18, %mul3A_79 : i32
      %multiple_of3A_81 = tpu.assume_multiple %add3A_80, 128 : i32
      %gt3A_82 = arith.constant 0 : i32
      %gt3A_83 = arith.cmpi sgt, %scan3A_48, %gt3A_82 : i32
      %convert_element_type3A_84 = arith.extui %gt3A_83 : i1 to i32
      %cond3A_85 = arith.constant 0 : i32
      %cond3A_86 = arith.cmpi ne, %convert_element_type3A_84, %cond3A_85 : i32
      scf.if %cond3A_86 {
        %dma_wait3A_196 = arith.constant 0 : i32
        %dma_wait3A_197 = tpu.memref_slice %arg14[%dma_wait3A_196] : memref<10240xf32, #tpu.memory_space<vmem_shared>> -> memref<10240xf32, #tpu.memory_space<vmem_shared>>
        tpu.wait_indirect_dma semaphore(%arg25 : memref<!tpu.dma_semaphore, #tpu.memory_space<semaphore_mem>>) src(%arg12 : memref<128xf32, #tpu.memory_space<vmem>>) dst(%dma_wait3A_197 : memref<10240xf32, #tpu.memory_space<vmem_shared>>)
      } else {
      }
      %dma_start3A_87 = tpu.memref_slice %arg2[%multiple_of3A_81] : memref<327680xi32, #tpu.memory_space<hbm>> -> memref<128xi32, #tpu.memory_space<hbm>>
      %dma_start3A_88 = tpu.memref_slice %arg2[%multiple_of3A_81] : memref<327680xi32, #tpu.memory_space<hbm>> -> memref<128xi32, #tpu.memory_space<hbm>>
      tpu.enqueue_dma source(%dma_start3A_88 : memref<128xi32, #tpu.memory_space<hbm>>) target(%arg6 : memref<128xi32, #tpu.memory_space<vmem>>) target_semaphore(%arg17 : memref<!tpu.dma_semaphore, #tpu.memory_space<semaphore_mem>>)
      %mul3A_89 = arith.constant 8 : i32
      %mul3A_90 = arith.muli %mul3A_89, %scan3A_48 : i32
      %add3A_91 = arith.constant 3 : i32
      %add3A_92 = arith.addi %mul3A_90, %add3A_91 : i32
      %mul3A_93 = arith.constant 128 : i32
      %mul3A_94 = arith.muli %add3A_92, %mul3A_93 : i32
      %add3A_95 = arith.addi %mul3A_18, %mul3A_94 : i32
      %multiple_of3A_96 = tpu.assume_multiple %add3A_95, 128 : i32
      %gt3A_97 = arith.constant 0 : i32
      %gt3A_98 = arith.cmpi sgt, %scan3A_48, %gt3A_97 : i32
      %convert_element_type3A_99 = arith.extui %gt3A_98 : i1 to i32
      %cond3A_100 = arith.constant 0 : i32
      %cond3A_101 = arith.cmpi ne, %convert_element_type3A_99, %cond3A_100 : i32
      scf.if %cond3A_101 {
        %dma_wait3A_196 = arith.constant 0 : i32
        %dma_wait3A_197 = tpu.memref_slice %arg14[%dma_wait3A_196] : memref<10240xf32, #tpu.memory_space<vmem_shared>> -> memref<10240xf32, #tpu.memory_space<vmem_shared>>
        tpu.wait_indirect_dma semaphore(%arg26 : memref<!tpu.dma_semaphore, #tpu.memory_space<semaphore_mem>>) src(%arg12 : memref<128xf32, #tpu.memory_space<vmem>>) dst(%dma_wait3A_197 : memref<10240xf32, #tpu.memory_space<vmem_shared>>)
      } else {
      }
      %dma_start3A_102 = tpu.memref_slice %arg2[%multiple_of3A_96] : memref<327680xi32, #tpu.memory_space<hbm>> -> memref<128xi32, #tpu.memory_space<hbm>>
      %dma_start3A_103 = tpu.memref_slice %arg2[%multiple_of3A_96] : memref<327680xi32, #tpu.memory_space<hbm>> -> memref<128xi32, #tpu.memory_space<hbm>>
      tpu.enqueue_dma source(%dma_start3A_103 : memref<128xi32, #tpu.memory_space<hbm>>) target(%arg7 : memref<128xi32, #tpu.memory_space<vmem>>) target_semaphore(%arg18 : memref<!tpu.dma_semaphore, #tpu.memory_space<semaphore_mem>>)
      %mul3A_104 = arith.constant 8 : i32
      %mul3A_105 = arith.muli %mul3A_104, %scan3A_48 : i32
      %add3A_106 = arith.constant 4 : i32
      %add3A_107 = arith.addi %mul3A_105, %add3A_106 : i32
      %mul3A_108 = arith.constant 128 : i32
      %mul3A_109 = arith.muli %add3A_107, %mul3A_108 : i32
      %add3A_110 = arith.addi %mul3A_18, %mul3A_109 : i32
      %multiple_of3A_111 = tpu.assume_multiple %add3A_110, 128 : i32
      %gt3A_112 = arith.constant 0 : i32
      %gt3A_113 = arith.cmpi sgt, %scan3A_48, %gt3A_112 : i32
      %convert_element_type3A_114 = arith.extui %gt3A_113 : i1 to i32
      %cond3A_115 = arith.constant 0 : i32
      %cond3A_116 = arith.cmpi ne, %convert_element_type3A_114, %cond3A_115 : i32
      scf.if %cond3A_116 {
        %dma_wait3A_196 = arith.constant 0 : i32
        %dma_wait3A_197 = tpu.memref_slice %arg14[%dma_wait3A_196] : memref<10240xf32, #tpu.memory_space<vmem_shared>> -> memref<10240xf32, #tpu.memory_space<vmem_shared>>
        tpu.wait_indirect_dma semaphore(%arg27 : memref<!tpu.dma_semaphore, #tpu.memory_space<semaphore_mem>>) src(%arg12 : memref<128xf32, #tpu.memory_space<vmem>>) dst(%dma_wait3A_197 : memref<10240xf32, #tpu.memory_space<vmem_shared>>)
      } else {
      }
      %dma_start3A_117 = tpu.memref_slice %arg2[%multiple_of3A_111] : memref<327680xi32, #tpu.memory_space<hbm>> -> memref<128xi32, #tpu.memory_space<hbm>>
      %dma_start3A_118 = tpu.memref_slice %arg2[%multiple_of3A_111] : memref<327680xi32, #tpu.memory_space<hbm>> -> memref<128xi32, #tpu.memory_space<hbm>>
      tpu.enqueue_dma source(%dma_start3A_118 : memref<128xi32, #tpu.memory_space<hbm>>) target(%arg8 : memref<128xi32, #tpu.memory_space<vmem>>) target_semaphore(%arg19 : memref<!tpu.dma_semaphore, #tpu.memory_space<semaphore_mem>>)
      %mul3A_119 = arith.constant 8 : i32
      %mul3A_120 = arith.muli %mul3A_119, %scan3A_48 : i32
      %add3A_121 = arith.constant 5 : i32
      %add3A_122 = arith.addi %mul3A_120, %add3A_121 : i32
      %mul3A_123 = arith.constant 128 : i32
      %mul3A_124 = arith.muli %add3A_122, %mul3A_123 : i32
      %add3A_125 = arith.addi %mul3A_18, %mul3A_124 : i32
      %multiple_of3A_126 = tpu.assume_multiple %add3A_125, 128 : i32
      %gt3A_127 = arith.constant 0 : i32
      %gt3A_128 = arith.cmpi sgt, %scan3A_48, %gt3A_127 : i32
      %convert_element_type3A_129 = arith.extui %gt3A_128 : i1 to i32
      %cond3A_130 = arith.constant 0 : i32
      %cond3A_131 = arith.cmpi ne, %convert_element_type3A_129, %cond3A_130 : i32
      scf.if %cond3A_131 {
        %dma_wait3A_196 = arith.constant 0 : i32
        %dma_wait3A_197 = tpu.memref_slice %arg14[%dma_wait3A_196] : memref<10240xf32, #tpu.memory_space<vmem_shared>> -> memref<10240xf32, #tpu.memory_space<vmem_shared>>
        tpu.wait_indirect_dma semaphore(%arg28 : memref<!tpu.dma_semaphore, #tpu.memory_space<semaphore_mem>>) src(%arg12 : memref<128xf32, #tpu.memory_space<vmem>>) dst(%dma_wait3A_197 : memref<10240xf32, #tpu.memory_space<vmem_shared>>)
      } else {
      }
      %dma_start3A_132 = tpu.memref_slice %arg2[%multiple_of3A_126] : memref<327680xi32, #tpu.memory_space<hbm>> -> memref<128xi32, #tpu.memory_space<hbm>>
      %dma_start3A_133 = tpu.memref_slice %arg2[%multiple_of3A_126] : memref<327680xi32, #tpu.memory_space<hbm>> -> memref<128xi32, #tpu.memory_space<hbm>>
      tpu.enqueue_dma source(%dma_start3A_133 : memref<128xi32, #tpu.memory_space<hbm>>) target(%arg9 : memref<128xi32, #tpu.memory_space<vmem>>) target_semaphore(%arg20 : memref<!tpu.dma_semaphore, #tpu.memory_space<semaphore_mem>>)
      %mul3A_134 = arith.constant 8 : i32
      %mul3A_135 = arith.muli %mul3A_134, %scan3A_48 : i32
      %add3A_136 = arith.constant 6 : i32
      %add3A_137 = arith.addi %mul3A_135, %add3A_136 : i32
      %mul3A_138 = arith.constant 128 : i32
      %mul3A_139 = arith.muli %add3A_137, %mul3A_138 : i32
      %add3A_140 = arith.addi %mul3A_18, %mul3A_139 : i32
      %multiple_of3A_141 = tpu.assume_multiple %add3A_140, 128 : i32
      %gt3A_142 = arith.constant 0 : i32
      %gt3A_143 = arith.cmpi sgt, %scan3A_48, %gt3A_142 : i32
      %convert_element_type3A_144 = arith.extui %gt3A_143 : i1 to i32
      %cond3A_145 = arith.constant 0 : i32
      %cond3A_146 = arith.cmpi ne, %convert_element_type3A_144, %cond3A_145 : i32
      scf.if %cond3A_146 {
        %dma_wait3A_196 = arith.constant 0 : i32
        %dma_wait3A_197 = tpu.memref_slice %arg14[%dma_wait3A_196] : memref<10240xf32, #tpu.memory_space<vmem_shared>> -> memref<10240xf32, #tpu.memory_space<vmem_shared>>
        tpu.wait_indirect_dma semaphore(%arg29 : memref<!tpu.dma_semaphore, #tpu.memory_space<semaphore_mem>>) src(%arg12 : memref<128xf32, #tpu.memory_space<vmem>>) dst(%dma_wait3A_197 : memref<10240xf32, #tpu.memory_space<vmem_shared>>)
      } else {
      }
      %dma_start3A_147 = tpu.memref_slice %arg2[%multiple_of3A_141] : memref<327680xi32, #tpu.memory_space<hbm>> -> memref<128xi32, #tpu.memory_space<hbm>>
      %dma_start3A_148 = tpu.memref_slice %arg2[%multiple_of3A_141] : memref<327680xi32, #tpu.memory_space<hbm>> -> memref<128xi32, #tpu.memory_space<hbm>>
      tpu.enqueue_dma source(%dma_start3A_148 : memref<128xi32, #tpu.memory_space<hbm>>) target(%arg10 : memref<128xi32, #tpu.memory_space<vmem>>) target_semaphore(%arg21 : memref<!tpu.dma_semaphore, #tpu.memory_space<semaphore_mem>>)
      %mul3A_149 = arith.constant 8 : i32
      %mul3A_150 = arith.muli %mul3A_149, %scan3A_48 : i32
      %add3A_151 = arith.constant 7 : i32
      %add3A_152 = arith.addi %mul3A_150, %add3A_151 : i32
      %mul3A_153 = arith.constant 128 : i32
      %mul3A_154 = arith.muli %add3A_152, %mul3A_153 : i32
      %add3A_155 = arith.addi %mul3A_18, %mul3A_154 : i32
      %multiple_of3A_156 = tpu.assume_multiple %add3A_155, 128 : i32
      %gt3A_157 = arith.constant 0 : i32
      %gt3A_158 = arith.cmpi sgt, %scan3A_48, %gt3A_157 : i32
      %convert_element_type3A_159 = arith.extui %gt3A_158 : i1 to i32
      %cond3A_160 = arith.constant 0 : i32
      %cond3A_161 = arith.cmpi ne, %convert_element_type3A_159, %cond3A_160 : i32
      scf.if %cond3A_161 {
        %dma_wait3A_196 = arith.constant 0 : i32
        %dma_wait3A_197 = tpu.memref_slice %arg14[%dma_wait3A_196] : memref<10240xf32, #tpu.memory_space<vmem_shared>> -> memref<10240xf32, #tpu.memory_space<vmem_shared>>
        tpu.wait_indirect_dma semaphore(%arg30 : memref<!tpu.dma_semaphore, #tpu.memory_space<semaphore_mem>>) src(%arg12 : memref<128xf32, #tpu.memory_space<vmem>>) dst(%dma_wait3A_197 : memref<10240xf32, #tpu.memory_space<vmem_shared>>)
      } else {
      }
      %dma_start3A_162 = tpu.memref_slice %arg2[%multiple_of3A_156] : memref<327680xi32, #tpu.memory_space<hbm>> -> memref<128xi32, #tpu.memory_space<hbm>>
      %dma_start3A_163 = tpu.memref_slice %arg2[%multiple_of3A_156] : memref<327680xi32, #tpu.memory_space<hbm>> -> memref<128xi32, #tpu.memory_space<hbm>>
      tpu.enqueue_dma source(%dma_start3A_163 : memref<128xi32, #tpu.memory_space<hbm>>) target(%arg11 : memref<128xi32, #tpu.memory_space<vmem>>) target_semaphore(%arg22 : memref<!tpu.dma_semaphore, #tpu.memory_space<semaphore_mem>>)
      %dma_wait3A_164 = tpu.memref_slice %arg2[%mul3A_18] : memref<327680xi32, #tpu.memory_space<hbm>> -> memref<128xi32, #tpu.memory_space<hbm>>
      %dma_wait3A_165 = tpu.memref_slice %arg2[%mul3A_18] : memref<327680xi32, #tpu.memory_space<hbm>> -> memref<128xi32, #tpu.memory_space<hbm>>
      tpu.wait_dma2 semaphore(%arg15 : memref<!tpu.dma_semaphore, #tpu.memory_space<semaphore_mem>>) src(%dma_wait3A_165 : memref<128xi32, #tpu.memory_space<hbm>>) dst(%arg4 : memref<128xi32, #tpu.memory_space<vmem>>)
      %dma_start3A_166 = arith.constant 0 : i32
      %dma_start3A_167 = tpu.memref_slice %arg14[%dma_start3A_166] : memref<10240xf32, #tpu.memory_space<vmem_shared>> -> memref<10240xf32, #tpu.memory_space<vmem_shared>>
      tpu.enqueue_indirect_dma source(%arg12 : memref<128xf32, #tpu.memory_space<vmem>>) target(%dma_start3A_167 : memref<10240xf32, #tpu.memory_space<vmem_shared>>) offsets(%arg4 : memref<128xi32, #tpu.memory_space<vmem>>) semaphore(%arg23 : memref<!tpu.dma_semaphore, #tpu.memory_space<semaphore_mem>>) {add = true}
      %dma_wait3A_168 = tpu.memref_slice %arg2[%mul3A_18] : memref<327680xi32, #tpu.memory_space<hbm>> -> memref<128xi32, #tpu.memory_space<hbm>>
      %dma_wait3A_169 = tpu.memref_slice %arg2[%mul3A_18] : memref<327680xi32, #tpu.memory_space<hbm>> -> memref<128xi32, #tpu.memory_space<hbm>>
      tpu.wait_dma2 semaphore(%arg16 : memref<!tpu.dma_semaphore, #tpu.memory_space<semaphore_mem>>) src(%dma_wait3A_169 : memref<128xi32, #tpu.memory_space<hbm>>) dst(%arg5 : memref<128xi32, #tpu.memory_space<vmem>>)
      %dma_start3A_170 = arith.constant 0 : i32
      %dma_start3A_171 = tpu.memref_slice %arg14[%dma_start3A_170] : memref<10240xf32, #tpu.memory_space<vmem_shared>> -> memref<10240xf32, #tpu.memory_space<vmem_shared>>
      tpu.enqueue_indirect_dma source(%arg12 : memref<128xf32, #tpu.memory_space<vmem>>) target(%dma_start3A_171 : memref<10240xf32, #tpu.memory_space<vmem_shared>>) offsets(%arg5 : memref<128xi32, #tpu.memory_space<vmem>>) semaphore(%arg24 : memref<!tpu.dma_semaphore, #tpu.memory_space<semaphore_mem>>) {add = true}
      %dma_wait3A_172 = tpu.memref_slice %arg2[%mul3A_18] : memref<327680xi32, #tpu.memory_space<hbm>> -> memref<128xi32, #tpu.memory_space<hbm>>
      %dma_wait3A_173 = tpu.memref_slice %arg2[%mul3A_18] : memref<327680xi32, #tpu.memory_space<hbm>> -> memref<128xi32, #tpu.memory_space<hbm>>
      tpu.wait_dma2 semaphore(%arg17 : memref<!tpu.dma_semaphore, #tpu.memory_space<semaphore_mem>>) src(%dma_wait3A_173 : memref<128xi32, #tpu.memory_space<hbm>>) dst(%arg6 : memref<128xi32, #tpu.memory_space<vmem>>)
      %dma_start3A_174 = arith.constant 0 : i32
      %dma_start3A_175 = tpu.memref_slice %arg14[%dma_start3A_174] : memref<10240xf32, #tpu.memory_space<vmem_shared>> -> memref<10240xf32, #tpu.memory_space<vmem_shared>>
      tpu.enqueue_indirect_dma source(%arg12 : memref<128xf32, #tpu.memory_space<vmem>>) target(%dma_start3A_175 : memref<10240xf32, #tpu.memory_space<vmem_shared>>) offsets(%arg6 : memref<128xi32, #tpu.memory_space<vmem>>) semaphore(%arg25 : memref<!tpu.dma_semaphore, #tpu.memory_space<semaphore_mem>>) {add = true}
      %dma_wait3A_176 = tpu.memref_slice %arg2[%mul3A_18] : memref<327680xi32, #tpu.memory_space<hbm>> -> memref<128xi32, #tpu.memory_space<hbm>>
      %dma_wait3A_177 = tpu.memref_slice %arg2[%mul3A_18] : memref<327680xi32, #tpu.memory_space<hbm>> -> memref<128xi32, #tpu.memory_space<hbm>>
      tpu.wait_dma2 semaphore(%arg18 : memref<!tpu.dma_semaphore, #tpu.memory_space<semaphore_mem>>) src(%dma_wait3A_177 : memref<128xi32, #tpu.memory_space<hbm>>) dst(%arg7 : memref<128xi32, #tpu.memory_space<vmem>>)
      %dma_start3A_178 = arith.constant 0 : i32
      %dma_start3A_179 = tpu.memref_slice %arg14[%dma_start3A_178] : memref<10240xf32, #tpu.memory_space<vmem_shared>> -> memref<10240xf32, #tpu.memory_space<vmem_shared>>
      tpu.enqueue_indirect_dma source(%arg12 : memref<128xf32, #tpu.memory_space<vmem>>) target(%dma_start3A_179 : memref<10240xf32, #tpu.memory_space<vmem_shared>>) offsets(%arg7 : memref<128xi32, #tpu.memory_space<vmem>>) semaphore(%arg26 : memref<!tpu.dma_semaphore, #tpu.memory_space<semaphore_mem>>) {add = true}
      %dma_wait3A_180 = tpu.memref_slice %arg2[%mul3A_18] : memref<327680xi32, #tpu.memory_space<hbm>> -> memref<128xi32, #tpu.memory_space<hbm>>
      %dma_wait3A_181 = tpu.memref_slice %arg2[%mul3A_18] : memref<327680xi32, #tpu.memory_space<hbm>> -> memref<128xi32, #tpu.memory_space<hbm>>
      tpu.wait_dma2 semaphore(%arg19 : memref<!tpu.dma_semaphore, #tpu.memory_space<semaphore_mem>>) src(%dma_wait3A_181 : memref<128xi32, #tpu.memory_space<hbm>>) dst(%arg8 : memref<128xi32, #tpu.memory_space<vmem>>)
      %dma_start3A_182 = arith.constant 0 : i32
      %dma_start3A_183 = tpu.memref_slice %arg14[%dma_start3A_182] : memref<10240xf32, #tpu.memory_space<vmem_shared>> -> memref<10240xf32, #tpu.memory_space<vmem_shared>>
      tpu.enqueue_indirect_dma source(%arg12 : memref<128xf32, #tpu.memory_space<vmem>>) target(%dma_start3A_183 : memref<10240xf32, #tpu.memory_space<vmem_shared>>) offsets(%arg8 : memref<128xi32, #tpu.memory_space<vmem>>) semaphore(%arg27 : memref<!tpu.dma_semaphore, #tpu.memory_space<semaphore_mem>>) {add = true}
      %dma_wait3A_184 = tpu.memref_slice %arg2[%mul3A_18] : memref<327680xi32, #tpu.memory_space<hbm>> -> memref<128xi32, #tpu.memory_space<hbm>>
      %dma_wait3A_185 = tpu.memref_slice %arg2[%mul3A_18] : memref<327680xi32, #tpu.memory_space<hbm>> -> memref<128xi32, #tpu.memory_space<hbm>>
      tpu.wait_dma2 semaphore(%arg20 : memref<!tpu.dma_semaphore, #tpu.memory_space<semaphore_mem>>) src(%dma_wait3A_185 : memref<128xi32, #tpu.memory_space<hbm>>) dst(%arg9 : memref<128xi32, #tpu.memory_space<vmem>>)
      %dma_start3A_186 = arith.constant 0 : i32
      %dma_start3A_187 = tpu.memref_slice %arg14[%dma_start3A_186] : memref<10240xf32, #tpu.memory_space<vmem_shared>> -> memref<10240xf32, #tpu.memory_space<vmem_shared>>
      tpu.enqueue_indirect_dma source(%arg12 : memref<128xf32, #tpu.memory_space<vmem>>) target(%dma_start3A_187 : memref<10240xf32, #tpu.memory_space<vmem_shared>>) offsets(%arg9 : memref<128xi32, #tpu.memory_space<vmem>>) semaphore(%arg28 : memref<!tpu.dma_semaphore, #tpu.memory_space<semaphore_mem>>) {add = true}
      %dma_wait3A_188 = tpu.memref_slice %arg2[%mul3A_18] : memref<327680xi32, #tpu.memory_space<hbm>> -> memref<128xi32, #tpu.memory_space<hbm>>
      %dma_wait3A_189 = tpu.memref_slice %arg2[%mul3A_18] : memref<327680xi32, #tpu.memory_space<hbm>> -> memref<128xi32, #tpu.memory_space<hbm>>
      tpu.wait_dma2 semaphore(%arg21 : memref<!tpu.dma_semaphore, #tpu.memory_space<semaphore_mem>>) src(%dma_wait3A_189 : memref<128xi32, #tpu.memory_space<hbm>>) dst(%arg10 : memref<128xi32, #tpu.memory_space<vmem>>)
      %dma_start3A_190 = arith.constant 0 : i32
      %dma_start3A_191 = tpu.memref_slice %arg14[%dma_start3A_190] : memref<10240xf32, #tpu.memory_space<vmem_shared>> -> memref<10240xf32, #tpu.memory_space<vmem_shared>>
      tpu.enqueue_indirect_dma source(%arg12 : memref<128xf32, #tpu.memory_space<vmem>>) target(%dma_start3A_191 : memref<10240xf32, #tpu.memory_space<vmem_shared>>) offsets(%arg10 : memref<128xi32, #tpu.memory_space<vmem>>) semaphore(%arg29 : memref<!tpu.dma_semaphore, #tpu.memory_space<semaphore_mem>>) {add = true}
      %dma_wait3A_192 = tpu.memref_slice %arg2[%mul3A_18] : memref<327680xi32, #tpu.memory_space<hbm>> -> memref<128xi32, #tpu.memory_space<hbm>>
      %dma_wait3A_193 = tpu.memref_slice %arg2[%mul3A_18] : memref<327680xi32, #tpu.memory_space<hbm>> -> memref<128xi32, #tpu.memory_space<hbm>>
      tpu.wait_dma2 semaphore(%arg22 : memref<!tpu.dma_semaphore, #tpu.memory_space<semaphore_mem>>) src(%dma_wait3A_193 : memref<128xi32, #tpu.memory_space<hbm>>) dst(%arg11 : memref<128xi32, #tpu.memory_space<vmem>>)
      %dma_start3A_194 = arith.constant 0 : i32
      %dma_start3A_195 = tpu.memref_slice %arg14[%dma_start3A_194] : memref<10240xf32, #tpu.memory_space<vmem_shared>> -> memref<10240xf32, #tpu.memory_space<vmem_shared>>
      tpu.enqueue_indirect_dma source(%arg12 : memref<128xf32, #tpu.memory_space<vmem>>) target(%dma_start3A_195 : memref<10240xf32, #tpu.memory_space<vmem_shared>>) offsets(%arg11 : memref<128xi32, #tpu.memory_space<vmem>>) semaphore(%arg30 : memref<!tpu.dma_semaphore, #tpu.memory_space<semaphore_mem>>) {add = true}
    }
    %scan3A_24 = arith.constant 10 : i32
    %dma_wait3A = arith.constant 0 : i32
    %dma_wait3A_25 = tpu.memref_slice %arg14[%dma_wait3A] : memref<10240xf32, #tpu.memory_space<vmem_shared>> -> memref<10240xf32, #tpu.memory_space<vmem_shared>>
    tpu.wait_indirect_dma semaphore(%arg23 : memref<!tpu.dma_semaphore, #tpu.memory_space<semaphore_mem>>) src(%arg12 : memref<128xf32, #tpu.memory_space<vmem>>) dst(%dma_wait3A_25 : memref<10240xf32, #tpu.memory_space<vmem_shared>>)
    %dma_wait3A_26 = arith.constant 0 : i32
    %dma_wait3A_27 = tpu.memref_slice %arg14[%dma_wait3A_26] : memref<10240xf32, #tpu.memory_space<vmem_shared>> -> memref<10240xf32, #tpu.memory_space<vmem_shared>>
    tpu.wait_indirect_dma semaphore(%arg24 : memref<!tpu.dma_semaphore, #tpu.memory_space<semaphore_mem>>) src(%arg12 : memref<128xf32, #tpu.memory_space<vmem>>) dst(%dma_wait3A_27 : memref<10240xf32, #tpu.memory_space<vmem_shared>>)
    %dma_wait3A_28 = arith.constant 0 : i32
    %dma_wait3A_29 = tpu.memref_slice %arg14[%dma_wait3A_28] : memref<10240xf32, #tpu.memory_space<vmem_shared>> -> memref<10240xf32, #tpu.memory_space<vmem_shared>>
    tpu.wait_indirect_dma semaphore(%arg25 : memref<!tpu.dma_semaphore, #tpu.memory_space<semaphore_mem>>) src(%arg12 : memref<128xf32, #tpu.memory_space<vmem>>) dst(%dma_wait3A_29 : memref<10240xf32, #tpu.memory_space<vmem_shared>>)
    %dma_wait3A_30 = arith.constant 0 : i32
    %dma_wait3A_31 = tpu.memref_slice %arg14[%dma_wait3A_30] : memref<10240xf32, #tpu.memory_space<vmem_shared>> -> memref<10240xf32, #tpu.memory_space<vmem_shared>>
    tpu.wait_indirect_dma semaphore(%arg26 : memref<!tpu.dma_semaphore, #tpu.memory_space<semaphore_mem>>) src(%arg12 : memref<128xf32, #tpu.memory_space<vmem>>) dst(%dma_wait3A_31 : memref<10240xf32, #tpu.memory_space<vmem_shared>>)
    %dma_wait3A_32 = arith.constant 0 : i32
    %dma_wait3A_33 = tpu.memref_slice %arg14[%dma_wait3A_32] : memref<10240xf32, #tpu.memory_space<vmem_shared>> -> memref<10240xf32, #tpu.memory_space<vmem_shared>>
    tpu.wait_indirect_dma semaphore(%arg27 : memref<!tpu.dma_semaphore, #tpu.memory_space<semaphore_mem>>) src(%arg12 : memref<128xf32, #tpu.memory_space<vmem>>) dst(%dma_wait3A_33 : memref<10240xf32, #tpu.memory_space<vmem_shared>>)
    %dma_wait3A_34 = arith.constant 0 : i32
    %dma_wait3A_35 = tpu.memref_slice %arg14[%dma_wait3A_34] : memref<10240xf32, #tpu.memory_space<vmem_shared>> -> memref<10240xf32, #tpu.memory_space<vmem_shared>>
    tpu.wait_indirect_dma semaphore(%arg28 : memref<!tpu.dma_semaphore, #tpu.memory_space<semaphore_mem>>) src(%arg12 : memref<128xf32, #tpu.memory_space<vmem>>) dst(%dma_wait3A_35 : memref<10240xf32, #tpu.memory_space<vmem_shared>>)
    %dma_wait3A_36 = arith.constant 0 : i32
    %dma_wait3A_37 = tpu.memref_slice %arg14[%dma_wait3A_36] : memref<10240xf32, #tpu.memory_space<vmem_shared>> -> memref<10240xf32, #tpu.memory_space<vmem_shared>>
    tpu.wait_indirect_dma semaphore(%arg29 : memref<!tpu.dma_semaphore, #tpu.memory_space<semaphore_mem>>) src(%arg12 : memref<128xf32, #tpu.memory_space<vmem>>) dst(%dma_wait3A_37 : memref<10240xf32, #tpu.memory_space<vmem_shared>>)
    %dma_wait3A_38 = arith.constant 0 : i32
    %dma_wait3A_39 = tpu.memref_slice %arg14[%dma_wait3A_38] : memref<10240xf32, #tpu.memory_space<vmem_shared>> -> memref<10240xf32, #tpu.memory_space<vmem_shared>>
    tpu.wait_indirect_dma semaphore(%arg30 : memref<!tpu.dma_semaphore, #tpu.memory_space<semaphore_mem>>) src(%arg12 : memref<128xf32, #tpu.memory_space<vmem>>) dst(%dma_wait3A_39 : memref<10240xf32, #tpu.memory_space<vmem_shared>>)
    %barrier3A_40 = arith.constant 0 : index
    tpu.barrier barrier_id(%barrier3A_40)
    %mul3A_41 = arith.constant 640 : i32
    %mul3A_42 = arith.muli %arg1, %mul3A_41 : i32
    "tpu.region"() ({
      %run_scoped3A = tpu.sem_alloc : memref<!tpu.dma_semaphore, #tpu.memory_space<semaphore_mem>>
      %dma_start3A = tpu.memref_slice %arg14[%mul3A_42] : memref<10240xf32, #tpu.memory_space<vmem_shared>> -> memref<640xf32, #tpu.memory_space<vmem_shared>>
      %dma_start3A_48 = tpu.memref_slice %arg14[%mul3A_42] : memref<10240xf32, #tpu.memory_space<vmem_shared>> -> memref<640xf32, #tpu.memory_space<vmem_shared>>
      tpu.enqueue_dma source(%dma_start3A_48 : memref<640xf32, #tpu.memory_space<vmem_shared>>) target(%arg13 : memref<640xf32, #tpu.memory_space<vmem>>) target_semaphore(%run_scoped3A : memref<!tpu.dma_semaphore, #tpu.memory_space<semaphore_mem>>)
      %dma_wait3A_49 = tpu.memref_slice %arg14[%mul3A_42] : memref<10240xf32, #tpu.memory_space<vmem_shared>> -> memref<640xf32, #tpu.memory_space<vmem_shared>>
      %dma_wait3A_50 = tpu.memref_slice %arg14[%mul3A_42] : memref<10240xf32, #tpu.memory_space<vmem_shared>> -> memref<640xf32, #tpu.memory_space<vmem_shared>>
      tpu.wait_dma2 semaphore(%run_scoped3A : memref<!tpu.dma_semaphore, #tpu.memory_space<semaphore_mem>>) src(%dma_wait3A_50 : memref<640xf32, #tpu.memory_space<vmem_shared>>) dst(%arg13 : memref<640xf32, #tpu.memory_space<vmem>>)
      tpu.yield
    }) : () -> ()
    %mul3A_43 = arith.constant 10240 : i32
    %mul3A_44 = arith.muli %arg0, %mul3A_43 : i32
    %mul3A_45 = arith.constant 640 : i32
    %mul3A_46 = arith.muli %arg1, %mul3A_45 : i32
    %add3A_47 = arith.addi %mul3A_44, %mul3A_46 : i32
    "tpu.region"() ({
      %run_scoped3A = tpu.sem_alloc : memref<!tpu.dma_semaphore, #tpu.memory_space<semaphore_mem>>
      %dma_start3A = tpu.memref_slice %arg3[%add3A_47] : memref<20480xf32, #tpu.memory_space<hbm>> -> memref<640xf32, #tpu.memory_space<hbm>>
      %dma_start3A_48 = tpu.memref_slice %arg3[%add3A_47] : memref<20480xf32, #tpu.memory_space<hbm>> -> memref<640xf32, #tpu.memory_space<hbm>>
      tpu.enqueue_dma source(%arg13 : memref<640xf32, #tpu.memory_space<vmem>>) target(%dma_start3A_48 : memref<640xf32, #tpu.memory_space<hbm>>) target_semaphore(%run_scoped3A : memref<!tpu.dma_semaphore, #tpu.memory_space<semaphore_mem>>)
      %dma_wait3A_49 = tpu.memref_slice %arg3[%add3A_47] : memref<20480xf32, #tpu.memory_space<hbm>> -> memref<640xf32, #tpu.memory_space<hbm>>
      %dma_wait3A_50 = tpu.memref_slice %arg3[%add3A_47] : memref<20480xf32, #tpu.memory_space<hbm>> -> memref<640xf32, #tpu.memory_space<hbm>>
      tpu.wait_dma2 semaphore(%run_scoped3A : memref<!tpu.dma_semaphore, #tpu.memory_space<semaphore_mem>>) src(%arg13 : memref<640xf32, #tpu.memory_space<vmem>>) dst(%dma_wait3A_50 : memref<640xf32, #tpu.memory_space<hbm>>)
      tpu.yield
    }) : () -> ()
    return
  }
}

#map = affine_map<(d0, d1) -> (0, 0)>
#map1 = affine_map<(d0, d1) -> (0)>
module attributes {stable_mosaic.version = 14 : i64} {
  func.func @k(%arg0: i32, %arg1: i32, %arg2: memref<10000x128xf32, #tpu.memory_space<hbm>>, %arg3: memref<327680xi32, #tpu.memory_space<hbm>>, %arg4: memref<327680xi32, #tpu.memory_space<hbm>>, %arg5: memref<128x128xf32, #tpu.memory_space<hbm>>, %arg6: memref<20480x128xf32, #tpu.memory_space<hbm>>, %arg7: memref<128xi32, #tpu.memory_space<vmem>>, %arg8: memref<128xi32, #tpu.memory_space<vmem>>, %arg9: memref<128xi32, #tpu.memory_space<vmem>>, %arg10: memref<128xi32, #tpu.memory_space<vmem>>, %arg11: memref<128xi32, #tpu.memory_space<vmem>>, %arg12: memref<128xi32, #tpu.memory_space<vmem>>, %arg13: memref<128xi32, #tpu.memory_space<vmem>>, %arg14: memref<128xi32, #tpu.memory_space<vmem>>, %arg15: memref<128x128xf32, #tpu.memory_space<vmem>>, %arg16: memref<128x128xf32, #tpu.memory_space<vmem>>, %arg17: memref<10240x128xf32, #tpu.memory_space<vmem_shared>>, %arg18: memref<!tpu.dma_semaphore, #tpu.memory_space<semaphore_mem>>, %arg19: memref<!tpu.dma_semaphore, #tpu.memory_space<semaphore_mem>>, %arg20: memref<!tpu.dma_semaphore, #tpu.memory_space<semaphore_mem>>, %arg21: memref<!tpu.dma_semaphore, #tpu.memory_space<semaphore_mem>>, %arg22: memref<!tpu.dma_semaphore, #tpu.memory_space<semaphore_mem>>, %arg23: memref<!tpu.dma_semaphore, #tpu.memory_space<semaphore_mem>>, %arg24: memref<!tpu.dma_semaphore, #tpu.memory_space<semaphore_mem>>, %arg25: memref<!tpu.dma_semaphore, #tpu.memory_space<semaphore_mem>>, %arg26: memref<!tpu.dma_semaphore, #tpu.memory_space<semaphore_mem>>, %arg27: memref<!tpu.dma_semaphore, #tpu.memory_space<semaphore_mem>>, %arg28: memref<!tpu.dma_semaphore, #tpu.memory_space<semaphore_mem>>, %arg29: memref<!tpu.dma_semaphore, #tpu.memory_space<semaphore_mem>>) attributes {dimension_semantics = [#tpu.dimension_semantics<core_parallel>, #tpu.dimension_semantics<subcore_parallel>], iteration_bounds = array<i64: 2, 16>, scalar_prefetch = 0 : i64, scratch_operands = 23 : i64, tpu.core_type = #tpu.core_type<sc_vector_subcore>, window_params = [{transform_indices = #map}, {transform_indices = #map1}, {transform_indices = #map1}, {transform_indices = #map}, {transform_indices = #map}]} {
    %mul3A = arith.constant 2 : i32
    %mul3A_0 = arith.muli %arg1, %mul3A : i32
    %add3A = arith.addi %mul3A_0, %arg0 : i32
    "tpu.region"() ({
      %run_scoped3A = tpu.sem_alloc : memref<!tpu.dma_semaphore, #tpu.memory_space<semaphore_mem>>
      tpu.enqueue_dma source(%arg5 : memref<128x128xf32, #tpu.memory_space<hbm>>) target(%arg15 : memref<128x128xf32, #tpu.memory_space<vmem>>) target_semaphore(%run_scoped3A : memref<!tpu.dma_semaphore, #tpu.memory_space<semaphore_mem>>)
      tpu.wait_dma2 semaphore(%run_scoped3A : memref<!tpu.dma_semaphore, #tpu.memory_space<semaphore_mem>>) src(%arg5 : memref<128x128xf32, #tpu.memory_space<hbm>>) dst(%arg15 : memref<128x128xf32, #tpu.memory_space<vmem>>)
      tpu.yield
    }) : () -> ()
    %mul3A_1 = arith.constant 640 : i32
    %mul3A_2 = arith.muli %arg1, %mul3A_1 : i32
    %add3A_3 = arith.constant 0 : i32
    %add3A_4 = arith.addi %mul3A_2, %add3A_3 : i32
    "tpu.region"() ({
      %run_scoped3A = tpu.sem_alloc : memref<!tpu.dma_semaphore, #tpu.memory_space<semaphore_mem>>
      %dma_start3A_101 = arith.constant 0 : i32
      %dma_start3A_102 = tpu.memref_slice %arg17[%add3A_4, %dma_start3A_101] : memref<10240x128xf32, #tpu.memory_space<vmem_shared>> -> memref<128x128xf32, #tpu.memory_space<vmem_shared>>
      %dma_start3A_103 = arith.constant 0 : i32
      %dma_start3A_104 = tpu.memref_slice %arg17[%add3A_4, %dma_start3A_103] : memref<10240x128xf32, #tpu.memory_space<vmem_shared>> -> memref<128x128xf32, #tpu.memory_space<vmem_shared>>
      tpu.enqueue_dma source(%arg15 : memref<128x128xf32, #tpu.memory_space<vmem>>) target(%dma_start3A_104 : memref<128x128xf32, #tpu.memory_space<vmem_shared>>) target_semaphore(%run_scoped3A : memref<!tpu.dma_semaphore, #tpu.memory_space<semaphore_mem>>)
      %dma_wait3A_105 = arith.constant 0 : i32
      %dma_wait3A_106 = tpu.memref_slice %arg17[%add3A_4, %dma_wait3A_105] : memref<10240x128xf32, #tpu.memory_space<vmem_shared>> -> memref<128x128xf32, #tpu.memory_space<vmem_shared>>
      %dma_wait3A_107 = arith.constant 0 : i32
      %dma_wait3A_108 = tpu.memref_slice %arg17[%add3A_4, %dma_wait3A_107] : memref<10240x128xf32, #tpu.memory_space<vmem_shared>> -> memref<128x128xf32, #tpu.memory_space<vmem_shared>>
      tpu.wait_dma2 semaphore(%run_scoped3A : memref<!tpu.dma_semaphore, #tpu.memory_space<semaphore_mem>>) src(%arg15 : memref<128x128xf32, #tpu.memory_space<vmem>>) dst(%dma_wait3A_108 : memref<128x128xf32, #tpu.memory_space<vmem_shared>>)
      tpu.yield
    }) : () -> ()
    %mul3A_5 = arith.constant 640 : i32
    %mul3A_6 = arith.muli %arg1, %mul3A_5 : i32
    %add3A_7 = arith.constant 128 : i32
    %add3A_8 = arith.addi %mul3A_6, %add3A_7 : i32
    "tpu.region"() ({
      %run_scoped3A = tpu.sem_alloc : memref<!tpu.dma_semaphore, #tpu.memory_space<semaphore_mem>>
      %dma_start3A_101 = arith.constant 0 : i32
      %dma_start3A_102 = tpu.memref_slice %arg17[%add3A_8, %dma_start3A_101] : memref<10240x128xf32, #tpu.memory_space<vmem_shared>> -> memref<128x128xf32, #tpu.memory_space<vmem_shared>>
      %dma_start3A_103 = arith.constant 0 : i32
      %dma_start3A_104 = tpu.memref_slice %arg17[%add3A_8, %dma_start3A_103] : memref<10240x128xf32, #tpu.memory_space<vmem_shared>> -> memref<128x128xf32, #tpu.memory_space<vmem_shared>>
      tpu.enqueue_dma source(%arg15 : memref<128x128xf32, #tpu.memory_space<vmem>>) target(%dma_start3A_104 : memref<128x128xf32, #tpu.memory_space<vmem_shared>>) target_semaphore(%run_scoped3A : memref<!tpu.dma_semaphore, #tpu.memory_space<semaphore_mem>>)
      %dma_wait3A_105 = arith.constant 0 : i32
      %dma_wait3A_106 = tpu.memref_slice %arg17[%add3A_8, %dma_wait3A_105] : memref<10240x128xf32, #tpu.memory_space<vmem_shared>> -> memref<128x128xf32, #tpu.memory_space<vmem_shared>>
      %dma_wait3A_107 = arith.constant 0 : i32
      %dma_wait3A_108 = tpu.memref_slice %arg17[%add3A_8, %dma_wait3A_107] : memref<10240x128xf32, #tpu.memory_space<vmem_shared>> -> memref<128x128xf32, #tpu.memory_space<vmem_shared>>
      tpu.wait_dma2 semaphore(%run_scoped3A : memref<!tpu.dma_semaphore, #tpu.memory_space<semaphore_mem>>) src(%arg15 : memref<128x128xf32, #tpu.memory_space<vmem>>) dst(%dma_wait3A_108 : memref<128x128xf32, #tpu.memory_space<vmem_shared>>)
      tpu.yield
    }) : () -> ()
    %mul3A_9 = arith.constant 640 : i32
    %mul3A_10 = arith.muli %arg1, %mul3A_9 : i32
    %add3A_11 = arith.constant 256 : i32
    %add3A_12 = arith.addi %mul3A_10, %add3A_11 : i32
    "tpu.region"() ({
      %run_scoped3A = tpu.sem_alloc : memref<!tpu.dma_semaphore, #tpu.memory_space<semaphore_mem>>
      %dma_start3A_101 = arith.constant 0 : i32
      %dma_start3A_102 = tpu.memref_slice %arg17[%add3A_12, %dma_start3A_101] : memref<10240x128xf32, #tpu.memory_space<vmem_shared>> -> memref<128x128xf32, #tpu.memory_space<vmem_shared>>
      %dma_start3A_103 = arith.constant 0 : i32
      %dma_start3A_104 = tpu.memref_slice %arg17[%add3A_12, %dma_start3A_103] : memref<10240x128xf32, #tpu.memory_space<vmem_shared>> -> memref<128x128xf32, #tpu.memory_space<vmem_shared>>
      tpu.enqueue_dma source(%arg15 : memref<128x128xf32, #tpu.memory_space<vmem>>) target(%dma_start3A_104 : memref<128x128xf32, #tpu.memory_space<vmem_shared>>) target_semaphore(%run_scoped3A : memref<!tpu.dma_semaphore, #tpu.memory_space<semaphore_mem>>)
      %dma_wait3A_105 = arith.constant 0 : i32
      %dma_wait3A_106 = tpu.memref_slice %arg17[%add3A_12, %dma_wait3A_105] : memref<10240x128xf32, #tpu.memory_space<vmem_shared>> -> memref<128x128xf32, #tpu.memory_space<vmem_shared>>
      %dma_wait3A_107 = arith.constant 0 : i32
      %dma_wait3A_108 = tpu.memref_slice %arg17[%add3A_12, %dma_wait3A_107] : memref<10240x128xf32, #tpu.memory_space<vmem_shared>> -> memref<128x128xf32, #tpu.memory_space<vmem_shared>>
      tpu.wait_dma2 semaphore(%run_scoped3A : memref<!tpu.dma_semaphore, #tpu.memory_space<semaphore_mem>>) src(%arg15 : memref<128x128xf32, #tpu.memory_space<vmem>>) dst(%dma_wait3A_108 : memref<128x128xf32, #tpu.memory_space<vmem_shared>>)
      tpu.yield
    }) : () -> ()
    %mul3A_13 = arith.constant 640 : i32
    %mul3A_14 = arith.muli %arg1, %mul3A_13 : i32
    %add3A_15 = arith.constant 384 : i32
    %add3A_16 = arith.addi %mul3A_14, %add3A_15 : i32
    "tpu.region"() ({
      %run_scoped3A = tpu.sem_alloc : memref<!tpu.dma_semaphore, #tpu.memory_space<semaphore_mem>>
      %dma_start3A_101 = arith.constant 0 : i32
      %dma_start3A_102 = tpu.memref_slice %arg17[%add3A_16, %dma_start3A_101] : memref<10240x128xf32, #tpu.memory_space<vmem_shared>> -> memref<128x128xf32, #tpu.memory_space<vmem_shared>>
      %dma_start3A_103 = arith.constant 0 : i32
      %dma_start3A_104 = tpu.memref_slice %arg17[%add3A_16, %dma_start3A_103] : memref<10240x128xf32, #tpu.memory_space<vmem_shared>> -> memref<128x128xf32, #tpu.memory_space<vmem_shared>>
      tpu.enqueue_dma source(%arg15 : memref<128x128xf32, #tpu.memory_space<vmem>>) target(%dma_start3A_104 : memref<128x128xf32, #tpu.memory_space<vmem_shared>>) target_semaphore(%run_scoped3A : memref<!tpu.dma_semaphore, #tpu.memory_space<semaphore_mem>>)
      %dma_wait3A_105 = arith.constant 0 : i32
      %dma_wait3A_106 = tpu.memref_slice %arg17[%add3A_16, %dma_wait3A_105] : memref<10240x128xf32, #tpu.memory_space<vmem_shared>> -> memref<128x128xf32, #tpu.memory_space<vmem_shared>>
      %dma_wait3A_107 = arith.constant 0 : i32
      %dma_wait3A_108 = tpu.memref_slice %arg17[%add3A_16, %dma_wait3A_107] : memref<10240x128xf32, #tpu.memory_space<vmem_shared>> -> memref<128x128xf32, #tpu.memory_space<vmem_shared>>
      tpu.wait_dma2 semaphore(%run_scoped3A : memref<!tpu.dma_semaphore, #tpu.memory_space<semaphore_mem>>) src(%arg15 : memref<128x128xf32, #tpu.memory_space<vmem>>) dst(%dma_wait3A_108 : memref<128x128xf32, #tpu.memory_space<vmem_shared>>)
      tpu.yield
    }) : () -> ()
    %mul3A_17 = arith.constant 640 : i32
    %mul3A_18 = arith.muli %arg1, %mul3A_17 : i32
    %add3A_19 = arith.constant 512 : i32
    %add3A_20 = arith.addi %mul3A_18, %add3A_19 : i32
    "tpu.region"() ({
      %run_scoped3A = tpu.sem_alloc : memref<!tpu.dma_semaphore, #tpu.memory_space<semaphore_mem>>
      %dma_start3A_101 = arith.constant 0 : i32
      %dma_start3A_102 = tpu.memref_slice %arg17[%add3A_20, %dma_start3A_101] : memref<10240x128xf32, #tpu.memory_space<vmem_shared>> -> memref<128x128xf32, #tpu.memory_space<vmem_shared>>
      %dma_start3A_103 = arith.constant 0 : i32
      %dma_start3A_104 = tpu.memref_slice %arg17[%add3A_20, %dma_start3A_103] : memref<10240x128xf32, #tpu.memory_space<vmem_shared>> -> memref<128x128xf32, #tpu.memory_space<vmem_shared>>
      tpu.enqueue_dma source(%arg15 : memref<128x128xf32, #tpu.memory_space<vmem>>) target(%dma_start3A_104 : memref<128x128xf32, #tpu.memory_space<vmem_shared>>) target_semaphore(%run_scoped3A : memref<!tpu.dma_semaphore, #tpu.memory_space<semaphore_mem>>)
      %dma_wait3A_105 = arith.constant 0 : i32
      %dma_wait3A_106 = tpu.memref_slice %arg17[%add3A_20, %dma_wait3A_105] : memref<10240x128xf32, #tpu.memory_space<vmem_shared>> -> memref<128x128xf32, #tpu.memory_space<vmem_shared>>
      %dma_wait3A_107 = arith.constant 0 : i32
      %dma_wait3A_108 = tpu.memref_slice %arg17[%add3A_20, %dma_wait3A_107] : memref<10240x128xf32, #tpu.memory_space<vmem_shared>> -> memref<128x128xf32, #tpu.memory_space<vmem_shared>>
      tpu.wait_dma2 semaphore(%run_scoped3A : memref<!tpu.dma_semaphore, #tpu.memory_space<semaphore_mem>>) src(%arg15 : memref<128x128xf32, #tpu.memory_space<vmem>>) dst(%dma_wait3A_108 : memref<128x128xf32, #tpu.memory_space<vmem_shared>>)
      tpu.yield
    }) : () -> ()
    %barrier3A = arith.constant 0 : index
    tpu.barrier barrier_id(%barrier3A)
    %mul3A_21 = arith.constant 10240 : i32
    %mul3A_22 = arith.muli %add3A, %mul3A_21 : i32
    %add3A_23 = arith.constant 0 : i32
    %add3A_24 = arith.addi %mul3A_22, %add3A_23 : i32
    %multiple_of3A = tpu.assume_multiple %add3A_24, 128 : i32
    %dma_start3A = tpu.memref_slice %arg3[%multiple_of3A] : memref<327680xi32, #tpu.memory_space<hbm>> -> memref<128xi32, #tpu.memory_space<hbm>>
    %dma_start3A_25 = tpu.memref_slice %arg3[%multiple_of3A] : memref<327680xi32, #tpu.memory_space<hbm>> -> memref<128xi32, #tpu.memory_space<hbm>>
    tpu.enqueue_dma source(%dma_start3A_25 : memref<128xi32, #tpu.memory_space<hbm>>) target(%arg7 : memref<128xi32, #tpu.memory_space<vmem>>) target_semaphore(%arg18 : memref<!tpu.dma_semaphore, #tpu.memory_space<semaphore_mem>>)
    %dma_start3A_26 = tpu.memref_slice %arg4[%multiple_of3A] : memref<327680xi32, #tpu.memory_space<hbm>> -> memref<128xi32, #tpu.memory_space<hbm>>
    %dma_start3A_27 = tpu.memref_slice %arg4[%multiple_of3A] : memref<327680xi32, #tpu.memory_space<hbm>> -> memref<128xi32, #tpu.memory_space<hbm>>
    tpu.enqueue_dma source(%dma_start3A_27 : memref<128xi32, #tpu.memory_space<hbm>>) target(%arg11 : memref<128xi32, #tpu.memory_space<vmem>>) target_semaphore(%arg22 : memref<!tpu.dma_semaphore, #tpu.memory_space<semaphore_mem>>)
    %add3A_28 = arith.constant 128 : i32
    %add3A_29 = arith.addi %mul3A_22, %add3A_28 : i32
    %multiple_of3A_30 = tpu.assume_multiple %add3A_29, 128 : i32
    %dma_start3A_31 = tpu.memref_slice %arg3[%multiple_of3A_30] : memref<327680xi32, #tpu.memory_space<hbm>> -> memref<128xi32, #tpu.memory_space<hbm>>
    %dma_start3A_32 = tpu.memref_slice %arg3[%multiple_of3A_30] : memref<327680xi32, #tpu.memory_space<hbm>> -> memref<128xi32, #tpu.memory_space<hbm>>
    tpu.enqueue_dma source(%dma_start3A_32 : memref<128xi32, #tpu.memory_space<hbm>>) target(%arg8 : memref<128xi32, #tpu.memory_space<vmem>>) target_semaphore(%arg19 : memref<!tpu.dma_semaphore, #tpu.memory_space<semaphore_mem>>)
    %dma_start3A_33 = tpu.memref_slice %arg4[%multiple_of3A_30] : memref<327680xi32, #tpu.memory_space<hbm>> -> memref<128xi32, #tpu.memory_space<hbm>>
    %dma_start3A_34 = tpu.memref_slice %arg4[%multiple_of3A_30] : memref<327680xi32, #tpu.memory_space<hbm>> -> memref<128xi32, #tpu.memory_space<hbm>>
    tpu.enqueue_dma source(%dma_start3A_34 : memref<128xi32, #tpu.memory_space<hbm>>) target(%arg12 : memref<128xi32, #tpu.memory_space<vmem>>) target_semaphore(%arg23 : memref<!tpu.dma_semaphore, #tpu.memory_space<semaphore_mem>>)
    %scan3A = arith.constant 0 : i32
    %scan3A_35 = arith.constant 0 : i32
    %scan3A_36 = arith.constant 20 : i32
    %scan3A_37 = arith.addi %scan3A_35, %scan3A_36 : i32
    %scan3A_38 = arith.constant 1 : i32
    scf.for %scan3A_101 = %scan3A_35 to %scan3A_37 step %scan3A_38  : i32 {
      %mul3A_102 = arith.constant 4 : i32
      %mul3A_103 = arith.muli %mul3A_102, %scan3A_101 : i32
      %gt3A = arith.constant 0 : i32
      %gt3A_104 = arith.cmpi sgt, %scan3A_101, %gt3A : i32
      %convert_element_type3A = arith.extui %gt3A_104 : i1 to i32
      %cond3A = arith.constant 0 : i32
      %cond3A_105 = arith.cmpi ne, %convert_element_type3A, %cond3A : i32
      scf.if %cond3A_105 {
        %dma_wait3A_218 = arith.constant 0 : i32
        %dma_wait3A_219 = arith.constant 0 : i32
        %dma_wait3A_220 = tpu.memref_slice %arg17[%dma_wait3A_218, %dma_wait3A_219] : memref<10240x128xf32, #tpu.memory_space<vmem_shared>> -> memref<10240x128xf32, #tpu.memory_space<vmem_shared>>
        tpu.wait_indirect_dma semaphore(%arg28 : memref<!tpu.dma_semaphore, #tpu.memory_space<semaphore_mem>>) src(%arg15 : memref<128x128xf32, #tpu.memory_space<vmem>>) dst(%dma_wait3A_220 : memref<10240x128xf32, #tpu.memory_space<vmem_shared>>)
      } else {
      }
      %add3A_106 = arith.constant 0 : i32
      %add3A_107 = arith.addi %mul3A_103, %add3A_106 : i32
      %add3A_108 = arith.constant 2 : i32
      %add3A_109 = arith.addi %add3A_107, %add3A_108 : i32
      %mul3A_110 = arith.constant 128 : i32
      %mul3A_111 = arith.muli %add3A_109, %mul3A_110 : i32
      %add3A_112 = arith.addi %mul3A_22, %mul3A_111 : i32
      %multiple_of3A_113 = tpu.assume_multiple %add3A_112, 128 : i32
      %dma_start3A_114 = tpu.memref_slice %arg3[%multiple_of3A_113] : memref<327680xi32, #tpu.memory_space<hbm>> -> memref<128xi32, #tpu.memory_space<hbm>>
      %dma_start3A_115 = tpu.memref_slice %arg3[%multiple_of3A_113] : memref<327680xi32, #tpu.memory_space<hbm>> -> memref<128xi32, #tpu.memory_space<hbm>>
      tpu.enqueue_dma source(%dma_start3A_115 : memref<128xi32, #tpu.memory_space<hbm>>) target(%arg9 : memref<128xi32, #tpu.memory_space<vmem>>) target_semaphore(%arg20 : memref<!tpu.dma_semaphore, #tpu.memory_space<semaphore_mem>>)
      %dma_start3A_116 = tpu.memref_slice %arg4[%multiple_of3A_113] : memref<327680xi32, #tpu.memory_space<hbm>> -> memref<128xi32, #tpu.memory_space<hbm>>
      %dma_start3A_117 = tpu.memref_slice %arg4[%multiple_of3A_113] : memref<327680xi32, #tpu.memory_space<hbm>> -> memref<128xi32, #tpu.memory_space<hbm>>
      tpu.enqueue_dma source(%dma_start3A_117 : memref<128xi32, #tpu.memory_space<hbm>>) target(%arg13 : memref<128xi32, #tpu.memory_space<vmem>>) target_semaphore(%arg24 : memref<!tpu.dma_semaphore, #tpu.memory_space<semaphore_mem>>)
      %dma_wait3A_118 = tpu.memref_slice %arg3[%mul3A_22] : memref<327680xi32, #tpu.memory_space<hbm>> -> memref<128xi32, #tpu.memory_space<hbm>>
      %dma_wait3A_119 = tpu.memref_slice %arg3[%mul3A_22] : memref<327680xi32, #tpu.memory_space<hbm>> -> memref<128xi32, #tpu.memory_space<hbm>>
      tpu.wait_dma2 semaphore(%arg18 : memref<!tpu.dma_semaphore, #tpu.memory_space<semaphore_mem>>) src(%dma_wait3A_119 : memref<128xi32, #tpu.memory_space<hbm>>) dst(%arg7 : memref<128xi32, #tpu.memory_space<vmem>>)
      %dma_start3A_120 = arith.constant 0 : i32
      %dma_start3A_121 = arith.constant 0 : i32
      %dma_start3A_122 = tpu.memref_slice %arg2[%dma_start3A_120, %dma_start3A_121] : memref<10000x128xf32, #tpu.memory_space<hbm>> -> memref<10000x128xf32, #tpu.memory_space<hbm>>
      tpu.enqueue_indirect_dma source(%dma_start3A_122 : memref<10000x128xf32, #tpu.memory_space<hbm>>) target(%arg15 : memref<128x128xf32, #tpu.memory_space<vmem>>) offsets(%arg7 : memref<128xi32, #tpu.memory_space<vmem>>) semaphore(%arg26 : memref<!tpu.dma_semaphore, #tpu.memory_space<semaphore_mem>>)
      %gt3A_123 = arith.constant 0 : i32
      %gt3A_124 = arith.cmpi sgt, %scan3A_101, %gt3A_123 : i32
      %convert_element_type3A_125 = arith.extui %gt3A_124 : i1 to i32
      %cond3A_126 = arith.constant 0 : i32
      %cond3A_127 = arith.cmpi ne, %convert_element_type3A_125, %cond3A_126 : i32
      scf.if %cond3A_127 {
        %dma_wait3A_218 = arith.constant 0 : i32
        %dma_wait3A_219 = arith.constant 0 : i32
        %dma_wait3A_220 = tpu.memref_slice %arg17[%dma_wait3A_218, %dma_wait3A_219] : memref<10240x128xf32, #tpu.memory_space<vmem_shared>> -> memref<10240x128xf32, #tpu.memory_space<vmem_shared>>
        tpu.wait_indirect_dma semaphore(%arg29 : memref<!tpu.dma_semaphore, #tpu.memory_space<semaphore_mem>>) src(%arg16 : memref<128x128xf32, #tpu.memory_space<vmem>>) dst(%dma_wait3A_220 : memref<10240x128xf32, #tpu.memory_space<vmem_shared>>)
      } else {
      }
      %add3A_128 = arith.constant 1 : i32
      %add3A_129 = arith.addi %mul3A_103, %add3A_128 : i32
      %add3A_130 = arith.constant 2 : i32
      %add3A_131 = arith.addi %add3A_129, %add3A_130 : i32
      %mul3A_132 = arith.constant 128 : i32
      %mul3A_133 = arith.muli %add3A_131, %mul3A_132 : i32
      %add3A_134 = arith.addi %mul3A_22, %mul3A_133 : i32
      %multiple_of3A_135 = tpu.assume_multiple %add3A_134, 128 : i32
      %dma_start3A_136 = tpu.memref_slice %arg3[%multiple_of3A_135] : memref<327680xi32, #tpu.memory_space<hbm>> -> memref<128xi32, #tpu.memory_space<hbm>>
      %dma_start3A_137 = tpu.memref_slice %arg3[%multiple_of3A_135] : memref<327680xi32, #tpu.memory_space<hbm>> -> memref<128xi32, #tpu.memory_space<hbm>>
      tpu.enqueue_dma source(%dma_start3A_137 : memref<128xi32, #tpu.memory_space<hbm>>) target(%arg10 : memref<128xi32, #tpu.memory_space<vmem>>) target_semaphore(%arg21 : memref<!tpu.dma_semaphore, #tpu.memory_space<semaphore_mem>>)
      %dma_start3A_138 = tpu.memref_slice %arg4[%multiple_of3A_135] : memref<327680xi32, #tpu.memory_space<hbm>> -> memref<128xi32, #tpu.memory_space<hbm>>
      %dma_start3A_139 = tpu.memref_slice %arg4[%multiple_of3A_135] : memref<327680xi32, #tpu.memory_space<hbm>> -> memref<128xi32, #tpu.memory_space<hbm>>
      tpu.enqueue_dma source(%dma_start3A_139 : memref<128xi32, #tpu.memory_space<hbm>>) target(%arg14 : memref<128xi32, #tpu.memory_space<vmem>>) target_semaphore(%arg25 : memref<!tpu.dma_semaphore, #tpu.memory_space<semaphore_mem>>)
      %dma_wait3A_140 = tpu.memref_slice %arg3[%mul3A_22] : memref<327680xi32, #tpu.memory_space<hbm>> -> memref<128xi32, #tpu.memory_space<hbm>>
      %dma_wait3A_141 = tpu.memref_slice %arg3[%mul3A_22] : memref<327680xi32, #tpu.memory_space<hbm>> -> memref<128xi32, #tpu.memory_space<hbm>>
      tpu.wait_dma2 semaphore(%arg19 : memref<!tpu.dma_semaphore, #tpu.memory_space<semaphore_mem>>) src(%dma_wait3A_141 : memref<128xi32, #tpu.memory_space<hbm>>) dst(%arg8 : memref<128xi32, #tpu.memory_space<vmem>>)
      %dma_start3A_142 = arith.constant 0 : i32
      %dma_start3A_143 = arith.constant 0 : i32
      %dma_start3A_144 = tpu.memref_slice %arg2[%dma_start3A_142, %dma_start3A_143] : memref<10000x128xf32, #tpu.memory_space<hbm>> -> memref<10000x128xf32, #tpu.memory_space<hbm>>
      tpu.enqueue_indirect_dma source(%dma_start3A_144 : memref<10000x128xf32, #tpu.memory_space<hbm>>) target(%arg16 : memref<128x128xf32, #tpu.memory_space<vmem>>) offsets(%arg8 : memref<128xi32, #tpu.memory_space<vmem>>) semaphore(%arg27 : memref<!tpu.dma_semaphore, #tpu.memory_space<semaphore_mem>>)
      %dma_wait3A_145 = arith.constant 0 : i32
      %dma_wait3A_146 = arith.constant 0 : i32
      %dma_wait3A_147 = tpu.memref_slice %arg2[%dma_wait3A_145, %dma_wait3A_146] : memref<10000x128xf32, #tpu.memory_space<hbm>> -> memref<10000x128xf32, #tpu.memory_space<hbm>>
      tpu.wait_indirect_dma semaphore(%arg26 : memref<!tpu.dma_semaphore, #tpu.memory_space<semaphore_mem>>) src(%dma_wait3A_147 : memref<10000x128xf32, #tpu.memory_space<hbm>>) dst(%arg15 : memref<128x128xf32, #tpu.memory_space<vmem>>)
      %dma_wait3A_148 = tpu.memref_slice %arg4[%mul3A_22] : memref<327680xi32, #tpu.memory_space<hbm>> -> memref<128xi32, #tpu.memory_space<hbm>>
      %dma_wait3A_149 = tpu.memref_slice %arg4[%mul3A_22] : memref<327680xi32, #tpu.memory_space<hbm>> -> memref<128xi32, #tpu.memory_space<hbm>>
      tpu.wait_dma2 semaphore(%arg22 : memref<!tpu.dma_semaphore, #tpu.memory_space<semaphore_mem>>) src(%dma_wait3A_149 : memref<128xi32, #tpu.memory_space<hbm>>) dst(%arg11 : memref<128xi32, #tpu.memory_space<vmem>>)
      %dma_start3A_150 = arith.constant 0 : i32
      %dma_start3A_151 = arith.constant 0 : i32
      %dma_start3A_152 = tpu.memref_slice %arg17[%dma_start3A_150, %dma_start3A_151] : memref<10240x128xf32, #tpu.memory_space<vmem_shared>> -> memref<10240x128xf32, #tpu.memory_space<vmem_shared>>
      tpu.enqueue_indirect_dma source(%arg15 : memref<128x128xf32, #tpu.memory_space<vmem>>) target(%dma_start3A_152 : memref<10240x128xf32, #tpu.memory_space<vmem_shared>>) offsets(%arg11 : memref<128xi32, #tpu.memory_space<vmem>>) semaphore(%arg28 : memref<!tpu.dma_semaphore, #tpu.memory_space<semaphore_mem>>) {add = true}
      %dma_wait3A_153 = arith.constant 0 : i32
      %dma_wait3A_154 = arith.constant 0 : i32
      %dma_wait3A_155 = tpu.memref_slice %arg17[%dma_wait3A_153, %dma_wait3A_154] : memref<10240x128xf32, #tpu.memory_space<vmem_shared>> -> memref<10240x128xf32, #tpu.memory_space<vmem_shared>>
      tpu.wait_indirect_dma semaphore(%arg28 : memref<!tpu.dma_semaphore, #tpu.memory_space<semaphore_mem>>) src(%arg15 : memref<128x128xf32, #tpu.memory_space<vmem>>) dst(%dma_wait3A_155 : memref<10240x128xf32, #tpu.memory_space<vmem_shared>>)
      %add3A_156 = arith.constant 2 : i32
      %add3A_157 = arith.addi %mul3A_103, %add3A_156 : i32
      %add3A_158 = arith.constant 2 : i32
      %add3A_159 = arith.addi %add3A_157, %add3A_158 : i32
      %mul3A_160 = arith.constant 128 : i32
      %mul3A_161 = arith.muli %add3A_159, %mul3A_160 : i32
      %add3A_162 = arith.addi %mul3A_22, %mul3A_161 : i32
      %multiple_of3A_163 = tpu.assume_multiple %add3A_162, 128 : i32
      %lt3A = arith.constant 19 : i32
      %lt3A_164 = arith.cmpi slt, %scan3A_101, %lt3A : i32
      %convert_element_type3A_165 = arith.extui %lt3A_164 : i1 to i32
      %cond3A_166 = arith.constant 0 : i32
      %cond3A_167 = arith.cmpi ne, %convert_element_type3A_165, %cond3A_166 : i32
      scf.if %cond3A_167 {
        %dma_start3A_218 = tpu.memref_slice %arg3[%multiple_of3A_163] : memref<327680xi32, #tpu.memory_space<hbm>> -> memref<128xi32, #tpu.memory_space<hbm>>
        %dma_start3A_219 = tpu.memref_slice %arg3[%multiple_of3A_163] : memref<327680xi32, #tpu.memory_space<hbm>> -> memref<128xi32, #tpu.memory_space<hbm>>
        tpu.enqueue_dma source(%dma_start3A_219 : memref<128xi32, #tpu.memory_space<hbm>>) target(%arg7 : memref<128xi32, #tpu.memory_space<vmem>>) target_semaphore(%arg18 : memref<!tpu.dma_semaphore, #tpu.memory_space<semaphore_mem>>)
        %dma_start3A_220 = tpu.memref_slice %arg4[%multiple_of3A_163] : memref<327680xi32, #tpu.memory_space<hbm>> -> memref<128xi32, #tpu.memory_space<hbm>>
        %dma_start3A_221 = tpu.memref_slice %arg4[%multiple_of3A_163] : memref<327680xi32, #tpu.memory_space<hbm>> -> memref<128xi32, #tpu.memory_space<hbm>>
        tpu.enqueue_dma source(%dma_start3A_221 : memref<128xi32, #tpu.memory_space<hbm>>) target(%arg11 : memref<128xi32, #tpu.memory_space<vmem>>) target_semaphore(%arg22 : memref<!tpu.dma_semaphore, #tpu.memory_space<semaphore_mem>>)
      } else {
      }
      %dma_wait3A_168 = tpu.memref_slice %arg3[%mul3A_22] : memref<327680xi32, #tpu.memory_space<hbm>> -> memref<128xi32, #tpu.memory_space<hbm>>
      %dma_wait3A_169 = tpu.memref_slice %arg3[%mul3A_22] : memref<327680xi32, #tpu.memory_space<hbm>> -> memref<128xi32, #tpu.memory_space<hbm>>
      tpu.wait_dma2 semaphore(%arg20 : memref<!tpu.dma_semaphore, #tpu.memory_space<semaphore_mem>>) src(%dma_wait3A_169 : memref<128xi32, #tpu.memory_space<hbm>>) dst(%arg9 : memref<128xi32, #tpu.memory_space<vmem>>)
      %dma_start3A_170 = arith.constant 0 : i32
      %dma_start3A_171 = arith.constant 0 : i32
      %dma_start3A_172 = tpu.memref_slice %arg2[%dma_start3A_170, %dma_start3A_171] : memref<10000x128xf32, #tpu.memory_space<hbm>> -> memref<10000x128xf32, #tpu.memory_space<hbm>>
      tpu.enqueue_indirect_dma source(%dma_start3A_172 : memref<10000x128xf32, #tpu.memory_space<hbm>>) target(%arg15 : memref<128x128xf32, #tpu.memory_space<vmem>>) offsets(%arg9 : memref<128xi32, #tpu.memory_space<vmem>>) semaphore(%arg26 : memref<!tpu.dma_semaphore, #tpu.memory_space<semaphore_mem>>)
      %dma_wait3A_173 = arith.constant 0 : i32
      %dma_wait3A_174 = arith.constant 0 : i32
      %dma_wait3A_175 = tpu.memref_slice %arg2[%dma_wait3A_173, %dma_wait3A_174] : memref<10000x128xf32, #tpu.memory_space<hbm>> -> memref<10000x128xf32, #tpu.memory_space<hbm>>
      tpu.wait_indirect_dma semaphore(%arg27 : memref<!tpu.dma_semaphore, #tpu.memory_space<semaphore_mem>>) src(%dma_wait3A_175 : memref<10000x128xf32, #tpu.memory_space<hbm>>) dst(%arg16 : memref<128x128xf32, #tpu.memory_space<vmem>>)
      %dma_wait3A_176 = tpu.memref_slice %arg4[%mul3A_22] : memref<327680xi32, #tpu.memory_space<hbm>> -> memref<128xi32, #tpu.memory_space<hbm>>
      %dma_wait3A_177 = tpu.memref_slice %arg4[%mul3A_22] : memref<327680xi32, #tpu.memory_space<hbm>> -> memref<128xi32, #tpu.memory_space<hbm>>
      tpu.wait_dma2 semaphore(%arg23 : memref<!tpu.dma_semaphore, #tpu.memory_space<semaphore_mem>>) src(%dma_wait3A_177 : memref<128xi32, #tpu.memory_space<hbm>>) dst(%arg12 : memref<128xi32, #tpu.memory_space<vmem>>)
      %dma_start3A_178 = arith.constant 0 : i32
      %dma_start3A_179 = arith.constant 0 : i32
      %dma_start3A_180 = tpu.memref_slice %arg17[%dma_start3A_178, %dma_start3A_179] : memref<10240x128xf32, #tpu.memory_space<vmem_shared>> -> memref<10240x128xf32, #tpu.memory_space<vmem_shared>>
      tpu.enqueue_indirect_dma source(%arg16 : memref<128x128xf32, #tpu.memory_space<vmem>>) target(%dma_start3A_180 : memref<10240x128xf32, #tpu.memory_space<vmem_shared>>) offsets(%arg12 : memref<128xi32, #tpu.memory_space<vmem>>) semaphore(%arg29 : memref<!tpu.dma_semaphore, #tpu.memory_space<semaphore_mem>>) {add = true}
      %dma_wait3A_181 = arith.constant 0 : i32
      %dma_wait3A_182 = arith.constant 0 : i32
      %dma_wait3A_183 = tpu.memref_slice %arg17[%dma_wait3A_181, %dma_wait3A_182] : memref<10240x128xf32, #tpu.memory_space<vmem_shared>> -> memref<10240x128xf32, #tpu.memory_space<vmem_shared>>
      tpu.wait_indirect_dma semaphore(%arg29 : memref<!tpu.dma_semaphore, #tpu.memory_space<semaphore_mem>>) src(%arg16 : memref<128x128xf32, #tpu.memory_space<vmem>>) dst(%dma_wait3A_183 : memref<10240x128xf32, #tpu.memory_space<vmem_shared>>)
      %add3A_184 = arith.constant 3 : i32
      %add3A_185 = arith.addi %mul3A_103, %add3A_184 : i32
      %add3A_186 = arith.constant 2 : i32
      %add3A_187 = arith.addi %add3A_185, %add3A_186 : i32
      %mul3A_188 = arith.constant 128 : i32
      %mul3A_189 = arith.muli %add3A_187, %mul3A_188 : i32
      %add3A_190 = arith.addi %mul3A_22, %mul3A_189 : i32
      %multiple_of3A_191 = tpu.assume_multiple %add3A_190, 128 : i32
      %lt3A_192 = arith.constant 19 : i32
      %lt3A_193 = arith.cmpi slt, %scan3A_101, %lt3A_192 : i32
      %convert_element_type3A_194 = arith.extui %lt3A_193 : i1 to i32
      %cond3A_195 = arith.constant 0 : i32
      %cond3A_196 = arith.cmpi ne, %convert_element_type3A_194, %cond3A_195 : i32
      scf.if %cond3A_196 {
        %dma_start3A_218 = tpu.memref_slice %arg3[%multiple_of3A_191] : memref<327680xi32, #tpu.memory_space<hbm>> -> memref<128xi32, #tpu.memory_space<hbm>>
        %dma_start3A_219 = tpu.memref_slice %arg3[%multiple_of3A_191] : memref<327680xi32, #tpu.memory_space<hbm>> -> memref<128xi32, #tpu.memory_space<hbm>>
        tpu.enqueue_dma source(%dma_start3A_219 : memref<128xi32, #tpu.memory_space<hbm>>) target(%arg8 : memref<128xi32, #tpu.memory_space<vmem>>) target_semaphore(%arg19 : memref<!tpu.dma_semaphore, #tpu.memory_space<semaphore_mem>>)
        %dma_start3A_220 = tpu.memref_slice %arg4[%multiple_of3A_191] : memref<327680xi32, #tpu.memory_space<hbm>> -> memref<128xi32, #tpu.memory_space<hbm>>
        %dma_start3A_221 = tpu.memref_slice %arg4[%multiple_of3A_191] : memref<327680xi32, #tpu.memory_space<hbm>> -> memref<128xi32, #tpu.memory_space<hbm>>
        tpu.enqueue_dma source(%dma_start3A_221 : memref<128xi32, #tpu.memory_space<hbm>>) target(%arg12 : memref<128xi32, #tpu.memory_space<vmem>>) target_semaphore(%arg23 : memref<!tpu.dma_semaphore, #tpu.memory_space<semaphore_mem>>)
      } else {
      }
      %dma_wait3A_197 = tpu.memref_slice %arg3[%mul3A_22] : memref<327680xi32, #tpu.memory_space<hbm>> -> memref<128xi32, #tpu.memory_space<hbm>>
      %dma_wait3A_198 = tpu.memref_slice %arg3[%mul3A_22] : memref<327680xi32, #tpu.memory_space<hbm>> -> memref<128xi32, #tpu.memory_space<hbm>>
      tpu.wait_dma2 semaphore(%arg21 : memref<!tpu.dma_semaphore, #tpu.memory_space<semaphore_mem>>) src(%dma_wait3A_198 : memref<128xi32, #tpu.memory_space<hbm>>) dst(%arg10 : memref<128xi32, #tpu.memory_space<vmem>>)
      %dma_start3A_199 = arith.constant 0 : i32
      %dma_start3A_200 = arith.constant 0 : i32
      %dma_start3A_201 = tpu.memref_slice %arg2[%dma_start3A_199, %dma_start3A_200] : memref<10000x128xf32, #tpu.memory_space<hbm>> -> memref<10000x128xf32, #tpu.memory_space<hbm>>
      tpu.enqueue_indirect_dma source(%dma_start3A_201 : memref<10000x128xf32, #tpu.memory_space<hbm>>) target(%arg16 : memref<128x128xf32, #tpu.memory_space<vmem>>) offsets(%arg10 : memref<128xi32, #tpu.memory_space<vmem>>) semaphore(%arg27 : memref<!tpu.dma_semaphore, #tpu.memory_space<semaphore_mem>>)
      %dma_wait3A_202 = arith.constant 0 : i32
      %dma_wait3A_203 = arith.constant 0 : i32
      %dma_wait3A_204 = tpu.memref_slice %arg2[%dma_wait3A_202, %dma_wait3A_203] : memref<10000x128xf32, #tpu.memory_space<hbm>> -> memref<10000x128xf32, #tpu.memory_space<hbm>>
      tpu.wait_indirect_dma semaphore(%arg26 : memref<!tpu.dma_semaphore, #tpu.memory_space<semaphore_mem>>) src(%dma_wait3A_204 : memref<10000x128xf32, #tpu.memory_space<hbm>>) dst(%arg15 : memref<128x128xf32, #tpu.memory_space<vmem>>)
      %dma_wait3A_205 = tpu.memref_slice %arg4[%mul3A_22] : memref<327680xi32, #tpu.memory_space<hbm>> -> memref<128xi32, #tpu.memory_space<hbm>>
      %dma_wait3A_206 = tpu.memref_slice %arg4[%mul3A_22] : memref<327680xi32, #tpu.memory_space<hbm>> -> memref<128xi32, #tpu.memory_space<hbm>>
      tpu.wait_dma2 semaphore(%arg24 : memref<!tpu.dma_semaphore, #tpu.memory_space<semaphore_mem>>) src(%dma_wait3A_206 : memref<128xi32, #tpu.memory_space<hbm>>) dst(%arg13 : memref<128xi32, #tpu.memory_space<vmem>>)
      %dma_start3A_207 = arith.constant 0 : i32
      %dma_start3A_208 = arith.constant 0 : i32
      %dma_start3A_209 = tpu.memref_slice %arg17[%dma_start3A_207, %dma_start3A_208] : memref<10240x128xf32, #tpu.memory_space<vmem_shared>> -> memref<10240x128xf32, #tpu.memory_space<vmem_shared>>
      tpu.enqueue_indirect_dma source(%arg15 : memref<128x128xf32, #tpu.memory_space<vmem>>) target(%dma_start3A_209 : memref<10240x128xf32, #tpu.memory_space<vmem_shared>>) offsets(%arg13 : memref<128xi32, #tpu.memory_space<vmem>>) semaphore(%arg28 : memref<!tpu.dma_semaphore, #tpu.memory_space<semaphore_mem>>) {add = true}
      %dma_wait3A_210 = arith.constant 0 : i32
      %dma_wait3A_211 = arith.constant 0 : i32
      %dma_wait3A_212 = tpu.memref_slice %arg2[%dma_wait3A_210, %dma_wait3A_211] : memref<10000x128xf32, #tpu.memory_space<hbm>> -> memref<10000x128xf32, #tpu.memory_space<hbm>>
      tpu.wait_indirect_dma semaphore(%arg27 : memref<!tpu.dma_semaphore, #tpu.memory_space<semaphore_mem>>) src(%dma_wait3A_212 : memref<10000x128xf32, #tpu.memory_space<hbm>>) dst(%arg16 : memref<128x128xf32, #tpu.memory_space<vmem>>)
      %dma_wait3A_213 = tpu.memref_slice %arg4[%mul3A_22] : memref<327680xi32, #tpu.memory_space<hbm>> -> memref<128xi32, #tpu.memory_space<hbm>>
      %dma_wait3A_214 = tpu.memref_slice %arg4[%mul3A_22] : memref<327680xi32, #tpu.memory_space<hbm>> -> memref<128xi32, #tpu.memory_space<hbm>>
      tpu.wait_dma2 semaphore(%arg25 : memref<!tpu.dma_semaphore, #tpu.memory_space<semaphore_mem>>) src(%dma_wait3A_214 : memref<128xi32, #tpu.memory_space<hbm>>) dst(%arg14 : memref<128xi32, #tpu.memory_space<vmem>>)
      %dma_start3A_215 = arith.constant 0 : i32
      %dma_start3A_216 = arith.constant 0 : i32
      %dma_start3A_217 = tpu.memref_slice %arg17[%dma_start3A_215, %dma_start3A_216] : memref<10240x128xf32, #tpu.memory_space<vmem_shared>> -> memref<10240x128xf32, #tpu.memory_space<vmem_shared>>
      tpu.enqueue_indirect_dma source(%arg16 : memref<128x128xf32, #tpu.memory_space<vmem>>) target(%dma_start3A_217 : memref<10240x128xf32, #tpu.memory_space<vmem_shared>>) offsets(%arg14 : memref<128xi32, #tpu.memory_space<vmem>>) semaphore(%arg29 : memref<!tpu.dma_semaphore, #tpu.memory_space<semaphore_mem>>) {add = true}
    }
    %scan3A_39 = arith.constant 20 : i32
    %dma_wait3A = arith.constant 0 : i32
    %dma_wait3A_40 = arith.constant 0 : i32
    %dma_wait3A_41 = tpu.memref_slice %arg17[%dma_wait3A, %dma_wait3A_40] : memref<10240x128xf32, #tpu.memory_space<vmem_shared>> -> memref<10240x128xf32, #tpu.memory_space<vmem_shared>>
    tpu.wait_indirect_dma semaphore(%arg28 : memref<!tpu.dma_semaphore, #tpu.memory_space<semaphore_mem>>) src(%arg15 : memref<128x128xf32, #tpu.memory_space<vmem>>) dst(%dma_wait3A_41 : memref<10240x128xf32, #tpu.memory_space<vmem_shared>>)
    %dma_wait3A_42 = arith.constant 0 : i32
    %dma_wait3A_43 = arith.constant 0 : i32
    %dma_wait3A_44 = tpu.memref_slice %arg17[%dma_wait3A_42, %dma_wait3A_43] : memref<10240x128xf32, #tpu.memory_space<vmem_shared>> -> memref<10240x128xf32, #tpu.memory_space<vmem_shared>>
    tpu.wait_indirect_dma semaphore(%arg29 : memref<!tpu.dma_semaphore, #tpu.memory_space<semaphore_mem>>) src(%arg16 : memref<128x128xf32, #tpu.memory_space<vmem>>) dst(%dma_wait3A_44 : memref<10240x128xf32, #tpu.memory_space<vmem_shared>>)
    %barrier3A_45 = arith.constant 0 : index
    tpu.barrier barrier_id(%barrier3A_45)
    %mul3A_46 = arith.constant 640 : i32
    %mul3A_47 = arith.muli %arg1, %mul3A_46 : i32
    %add3A_48 = arith.constant 0 : i32
    %add3A_49 = arith.addi %mul3A_47, %add3A_48 : i32
    "tpu.region"() ({
      %run_scoped3A = tpu.sem_alloc : memref<!tpu.dma_semaphore, #tpu.memory_space<semaphore_mem>>
      %dma_start3A_101 = arith.constant 0 : i32
      %dma_start3A_102 = tpu.memref_slice %arg17[%add3A_49, %dma_start3A_101] : memref<10240x128xf32, #tpu.memory_space<vmem_shared>> -> memref<128x128xf32, #tpu.memory_space<vmem_shared>>
      %dma_start3A_103 = arith.constant 0 : i32
      %dma_start3A_104 = tpu.memref_slice %arg17[%add3A_49, %dma_start3A_103] : memref<10240x128xf32, #tpu.memory_space<vmem_shared>> -> memref<128x128xf32, #tpu.memory_space<vmem_shared>>
      tpu.enqueue_dma source(%dma_start3A_104 : memref<128x128xf32, #tpu.memory_space<vmem_shared>>) target(%arg15 : memref<128x128xf32, #tpu.memory_space<vmem>>) target_semaphore(%run_scoped3A : memref<!tpu.dma_semaphore, #tpu.memory_space<semaphore_mem>>)
      %dma_wait3A_105 = arith.constant 0 : i32
      %dma_wait3A_106 = tpu.memref_slice %arg17[%add3A_49, %dma_wait3A_105] : memref<10240x128xf32, #tpu.memory_space<vmem_shared>> -> memref<128x128xf32, #tpu.memory_space<vmem_shared>>
      %dma_wait3A_107 = arith.constant 0 : i32
      %dma_wait3A_108 = tpu.memref_slice %arg17[%add3A_49, %dma_wait3A_107] : memref<10240x128xf32, #tpu.memory_space<vmem_shared>> -> memref<128x128xf32, #tpu.memory_space<vmem_shared>>
      tpu.wait_dma2 semaphore(%run_scoped3A : memref<!tpu.dma_semaphore, #tpu.memory_space<semaphore_mem>>) src(%dma_wait3A_108 : memref<128x128xf32, #tpu.memory_space<vmem_shared>>) dst(%arg15 : memref<128x128xf32, #tpu.memory_space<vmem>>)
      tpu.yield
    }) : () -> ()
    %mul3A_50 = arith.constant 10240 : i32
    %mul3A_51 = arith.muli %arg0, %mul3A_50 : i32
    %mul3A_52 = arith.constant 640 : i32
    %mul3A_53 = arith.muli %arg1, %mul3A_52 : i32
    %add3A_54 = arith.addi %mul3A_51, %mul3A_53 : i32
    %add3A_55 = arith.constant 0 : i32
    %add3A_56 = arith.addi %add3A_54, %add3A_55 : i32
    "tpu.region"() ({
      %run_scoped3A = tpu.sem_alloc : memref<!tpu.dma_semaphore, #tpu.memory_space<semaphore_mem>>
      %dma_start3A_101 = arith.constant 0 : i32
      %dma_start3A_102 = tpu.memref_slice %arg6[%add3A_56, %dma_start3A_101] : memref<20480x128xf32, #tpu.memory_space<hbm>> -> memref<128x128xf32, #tpu.memory_space<hbm>>
      %dma_start3A_103 = arith.constant 0 : i32
      %dma_start3A_104 = tpu.memref_slice %arg6[%add3A_56, %dma_start3A_103] : memref<20480x128xf32, #tpu.memory_space<hbm>> -> memref<128x128xf32, #tpu.memory_space<hbm>>
      tpu.enqueue_dma source(%arg15 : memref<128x128xf32, #tpu.memory_space<vmem>>) target(%dma_start3A_104 : memref<128x128xf32, #tpu.memory_space<hbm>>) target_semaphore(%run_scoped3A : memref<!tpu.dma_semaphore, #tpu.memory_space<semaphore_mem>>)
      %dma_wait3A_105 = arith.constant 0 : i32
      %dma_wait3A_106 = tpu.memref_slice %arg6[%add3A_56, %dma_wait3A_105] : memref<20480x128xf32, #tpu.memory_space<hbm>> -> memref<128x128xf32, #tpu.memory_space<hbm>>
      %dma_wait3A_107 = arith.constant 0 : i32
      %dma_wait3A_108 = tpu.memref_slice %arg6[%add3A_56, %dma_wait3A_107] : memref<20480x128xf32, #tpu.memory_space<hbm>> -> memref<128x128xf32, #tpu.memory_space<hbm>>
      tpu.wait_dma2 semaphore(%run_scoped3A : memref<!tpu.dma_semaphore, #tpu.memory_space<semaphore_mem>>) src(%arg15 : memref<128x128xf32, #tpu.memory_space<vmem>>) dst(%dma_wait3A_108 : memref<128x128xf32, #tpu.memory_space<hbm>>)
      tpu.yield
    }) : () -> ()
    %mul3A_57 = arith.constant 640 : i32
    %mul3A_58 = arith.muli %arg1, %mul3A_57 : i32
    %add3A_59 = arith.constant 128 : i32
    %add3A_60 = arith.addi %mul3A_58, %add3A_59 : i32
    "tpu.region"() ({
      %run_scoped3A = tpu.sem_alloc : memref<!tpu.dma_semaphore, #tpu.memory_space<semaphore_mem>>
      %dma_start3A_101 = arith.constant 0 : i32
      %dma_start3A_102 = tpu.memref_slice %arg17[%add3A_60, %dma_start3A_101] : memref<10240x128xf32, #tpu.memory_space<vmem_shared>> -> memref<128x128xf32, #tpu.memory_space<vmem_shared>>
      %dma_start3A_103 = arith.constant 0 : i32
      %dma_start3A_104 = tpu.memref_slice %arg17[%add3A_60, %dma_start3A_103] : memref<10240x128xf32, #tpu.memory_space<vmem_shared>> -> memref<128x128xf32, #tpu.memory_space<vmem_shared>>
      tpu.enqueue_dma source(%dma_start3A_104 : memref<128x128xf32, #tpu.memory_space<vmem_shared>>) target(%arg15 : memref<128x128xf32, #tpu.memory_space<vmem>>) target_semaphore(%run_scoped3A : memref<!tpu.dma_semaphore, #tpu.memory_space<semaphore_mem>>)
      %dma_wait3A_105 = arith.constant 0 : i32
      %dma_wait3A_106 = tpu.memref_slice %arg17[%add3A_60, %dma_wait3A_105] : memref<10240x128xf32, #tpu.memory_space<vmem_shared>> -> memref<128x128xf32, #tpu.memory_space<vmem_shared>>
      %dma_wait3A_107 = arith.constant 0 : i32
      %dma_wait3A_108 = tpu.memref_slice %arg17[%add3A_60, %dma_wait3A_107] : memref<10240x128xf32, #tpu.memory_space<vmem_shared>> -> memref<128x128xf32, #tpu.memory_space<vmem_shared>>
      tpu.wait_dma2 semaphore(%run_scoped3A : memref<!tpu.dma_semaphore, #tpu.memory_space<semaphore_mem>>) src(%dma_wait3A_108 : memref<128x128xf32, #tpu.memory_space<vmem_shared>>) dst(%arg15 : memref<128x128xf32, #tpu.memory_space<vmem>>)
      tpu.yield
    }) : () -> ()
    %mul3A_61 = arith.constant 10240 : i32
    %mul3A_62 = arith.muli %arg0, %mul3A_61 : i32
    %mul3A_63 = arith.constant 640 : i32
    %mul3A_64 = arith.muli %arg1, %mul3A_63 : i32
    %add3A_65 = arith.addi %mul3A_62, %mul3A_64 : i32
    %add3A_66 = arith.constant 128 : i32
    %add3A_67 = arith.addi %add3A_65, %add3A_66 : i32
    "tpu.region"() ({
      %run_scoped3A = tpu.sem_alloc : memref<!tpu.dma_semaphore, #tpu.memory_space<semaphore_mem>>
      %dma_start3A_101 = arith.constant 0 : i32
      %dma_start3A_102 = tpu.memref_slice %arg6[%add3A_67, %dma_start3A_101] : memref<20480x128xf32, #tpu.memory_space<hbm>> -> memref<128x128xf32, #tpu.memory_space<hbm>>
      %dma_start3A_103 = arith.constant 0 : i32
      %dma_start3A_104 = tpu.memref_slice %arg6[%add3A_67, %dma_start3A_103] : memref<20480x128xf32, #tpu.memory_space<hbm>> -> memref<128x128xf32, #tpu.memory_space<hbm>>
      tpu.enqueue_dma source(%arg15 : memref<128x128xf32, #tpu.memory_space<vmem>>) target(%dma_start3A_104 : memref<128x128xf32, #tpu.memory_space<hbm>>) target_semaphore(%run_scoped3A : memref<!tpu.dma_semaphore, #tpu.memory_space<semaphore_mem>>)
      %dma_wait3A_105 = arith.constant 0 : i32
      %dma_wait3A_106 = tpu.memref_slice %arg6[%add3A_67, %dma_wait3A_105] : memref<20480x128xf32, #tpu.memory_space<hbm>> -> memref<128x128xf32, #tpu.memory_space<hbm>>
      %dma_wait3A_107 = arith.constant 0 : i32
      %dma_wait3A_108 = tpu.memref_slice %arg6[%add3A_67, %dma_wait3A_107] : memref<20480x128xf32, #tpu.memory_space<hbm>> -> memref<128x128xf32, #tpu.memory_space<hbm>>
      tpu.wait_dma2 semaphore(%run_scoped3A : memref<!tpu.dma_semaphore, #tpu.memory_space<semaphore_mem>>) src(%arg15 : memref<128x128xf32, #tpu.memory_space<vmem>>) dst(%dma_wait3A_108 : memref<128x128xf32, #tpu.memory_space<hbm>>)
      tpu.yield
    }) : () -> ()
    %mul3A_68 = arith.constant 640 : i32
    %mul3A_69 = arith.muli %arg1, %mul3A_68 : i32
    %add3A_70 = arith.constant 256 : i32
    %add3A_71 = arith.addi %mul3A_69, %add3A_70 : i32
    "tpu.region"() ({
      %run_scoped3A = tpu.sem_alloc : memref<!tpu.dma_semaphore, #tpu.memory_space<semaphore_mem>>
      %dma_start3A_101 = arith.constant 0 : i32
      %dma_start3A_102 = tpu.memref_slice %arg17[%add3A_71, %dma_start3A_101] : memref<10240x128xf32, #tpu.memory_space<vmem_shared>> -> memref<128x128xf32, #tpu.memory_space<vmem_shared>>
      %dma_start3A_103 = arith.constant 0 : i32
      %dma_start3A_104 = tpu.memref_slice %arg17[%add3A_71, %dma_start3A_103] : memref<10240x128xf32, #tpu.memory_space<vmem_shared>> -> memref<128x128xf32, #tpu.memory_space<vmem_shared>>
      tpu.enqueue_dma source(%dma_start3A_104 : memref<128x128xf32, #tpu.memory_space<vmem_shared>>) target(%arg15 : memref<128x128xf32, #tpu.memory_space<vmem>>) target_semaphore(%run_scoped3A : memref<!tpu.dma_semaphore, #tpu.memory_space<semaphore_mem>>)
      %dma_wait3A_105 = arith.constant 0 : i32
      %dma_wait3A_106 = tpu.memref_slice %arg17[%add3A_71, %dma_wait3A_105] : memref<10240x128xf32, #tpu.memory_space<vmem_shared>> -> memref<128x128xf32, #tpu.memory_space<vmem_shared>>
      %dma_wait3A_107 = arith.constant 0 : i32
      %dma_wait3A_108 = tpu.memref_slice %arg17[%add3A_71, %dma_wait3A_107] : memref<10240x128xf32, #tpu.memory_space<vmem_shared>> -> memref<128x128xf32, #tpu.memory_space<vmem_shared>>
      tpu.wait_dma2 semaphore(%run_scoped3A : memref<!tpu.dma_semaphore, #tpu.memory_space<semaphore_mem>>) src(%dma_wait3A_108 : memref<128x128xf32, #tpu.memory_space<vmem_shared>>) dst(%arg15 : memref<128x128xf32, #tpu.memory_space<vmem>>)
      tpu.yield
    }) : () -> ()
    %mul3A_72 = arith.constant 10240 : i32
    %mul3A_73 = arith.muli %arg0, %mul3A_72 : i32
    %mul3A_74 = arith.constant 640 : i32
    %mul3A_75 = arith.muli %arg1, %mul3A_74 : i32
    %add3A_76 = arith.addi %mul3A_73, %mul3A_75 : i32
    %add3A_77 = arith.constant 256 : i32
    %add3A_78 = arith.addi %add3A_76, %add3A_77 : i32
    "tpu.region"() ({
      %run_scoped3A = tpu.sem_alloc : memref<!tpu.dma_semaphore, #tpu.memory_space<semaphore_mem>>
      %dma_start3A_101 = arith.constant 0 : i32
      %dma_start3A_102 = tpu.memref_slice %arg6[%add3A_78, %dma_start3A_101] : memref<20480x128xf32, #tpu.memory_space<hbm>> -> memref<128x128xf32, #tpu.memory_space<hbm>>
      %dma_start3A_103 = arith.constant 0 : i32
      %dma_start3A_104 = tpu.memref_slice %arg6[%add3A_78, %dma_start3A_103] : memref<20480x128xf32, #tpu.memory_space<hbm>> -> memref<128x128xf32, #tpu.memory_space<hbm>>
      tpu.enqueue_dma source(%arg15 : memref<128x128xf32, #tpu.memory_space<vmem>>) target(%dma_start3A_104 : memref<128x128xf32, #tpu.memory_space<hbm>>) target_semaphore(%run_scoped3A : memref<!tpu.dma_semaphore, #tpu.memory_space<semaphore_mem>>)
      %dma_wait3A_105 = arith.constant 0 : i32
      %dma_wait3A_106 = tpu.memref_slice %arg6[%add3A_78, %dma_wait3A_105] : memref<20480x128xf32, #tpu.memory_space<hbm>> -> memref<128x128xf32, #tpu.memory_space<hbm>>
      %dma_wait3A_107 = arith.constant 0 : i32
      %dma_wait3A_108 = tpu.memref_slice %arg6[%add3A_78, %dma_wait3A_107] : memref<20480x128xf32, #tpu.memory_space<hbm>> -> memref<128x128xf32, #tpu.memory_space<hbm>>
      tpu.wait_dma2 semaphore(%run_scoped3A : memref<!tpu.dma_semaphore, #tpu.memory_space<semaphore_mem>>) src(%arg15 : memref<128x128xf32, #tpu.memory_space<vmem>>) dst(%dma_wait3A_108 : memref<128x128xf32, #tpu.memory_space<hbm>>)
      tpu.yield
    }) : () -> ()
    %mul3A_79 = arith.constant 640 : i32
    %mul3A_80 = arith.muli %arg1, %mul3A_79 : i32
    %add3A_81 = arith.constant 384 : i32
    %add3A_82 = arith.addi %mul3A_80, %add3A_81 : i32
    "tpu.region"() ({
      %run_scoped3A = tpu.sem_alloc : memref<!tpu.dma_semaphore, #tpu.memory_space<semaphore_mem>>
      %dma_start3A_101 = arith.constant 0 : i32
      %dma_start3A_102 = tpu.memref_slice %arg17[%add3A_82, %dma_start3A_101] : memref<10240x128xf32, #tpu.memory_space<vmem_shared>> -> memref<128x128xf32, #tpu.memory_space<vmem_shared>>
      %dma_start3A_103 = arith.constant 0 : i32
      %dma_start3A_104 = tpu.memref_slice %arg17[%add3A_82, %dma_start3A_103] : memref<10240x128xf32, #tpu.memory_space<vmem_shared>> -> memref<128x128xf32, #tpu.memory_space<vmem_shared>>
      tpu.enqueue_dma source(%dma_start3A_104 : memref<128x128xf32, #tpu.memory_space<vmem_shared>>) target(%arg15 : memref<128x128xf32, #tpu.memory_space<vmem>>) target_semaphore(%run_scoped3A : memref<!tpu.dma_semaphore, #tpu.memory_space<semaphore_mem>>)
      %dma_wait3A_105 = arith.constant 0 : i32
      %dma_wait3A_106 = tpu.memref_slice %arg17[%add3A_82, %dma_wait3A_105] : memref<10240x128xf32, #tpu.memory_space<vmem_shared>> -> memref<128x128xf32, #tpu.memory_space<vmem_shared>>
      %dma_wait3A_107 = arith.constant 0 : i32
      %dma_wait3A_108 = tpu.memref_slice %arg17[%add3A_82, %dma_wait3A_107] : memref<10240x128xf32, #tpu.memory_space<vmem_shared>> -> memref<128x128xf32, #tpu.memory_space<vmem_shared>>
      tpu.wait_dma2 semaphore(%run_scoped3A : memref<!tpu.dma_semaphore, #tpu.memory_space<semaphore_mem>>) src(%dma_wait3A_108 : memref<128x128xf32, #tpu.memory_space<vmem_shared>>) dst(%arg15 : memref<128x128xf32, #tpu.memory_space<vmem>>)
      tpu.yield
    }) : () -> ()
    %mul3A_83 = arith.constant 10240 : i32
    %mul3A_84 = arith.muli %arg0, %mul3A_83 : i32
    %mul3A_85 = arith.constant 640 : i32
    %mul3A_86 = arith.muli %arg1, %mul3A_85 : i32
    %add3A_87 = arith.addi %mul3A_84, %mul3A_86 : i32
    %add3A_88 = arith.constant 384 : i32
    %add3A_89 = arith.addi %add3A_87, %add3A_88 : i32
    "tpu.region"() ({
      %run_scoped3A = tpu.sem_alloc : memref<!tpu.dma_semaphore, #tpu.memory_space<semaphore_mem>>
      %dma_start3A_101 = arith.constant 0 : i32
      %dma_start3A_102 = tpu.memref_slice %arg6[%add3A_89, %dma_start3A_101] : memref<20480x128xf32, #tpu.memory_space<hbm>> -> memref<128x128xf32, #tpu.memory_space<hbm>>
      %dma_start3A_103 = arith.constant 0 : i32
      %dma_start3A_104 = tpu.memref_slice %arg6[%add3A_89, %dma_start3A_103] : memref<20480x128xf32, #tpu.memory_space<hbm>> -> memref<128x128xf32, #tpu.memory_space<hbm>>
      tpu.enqueue_dma source(%arg15 : memref<128x128xf32, #tpu.memory_space<vmem>>) target(%dma_start3A_104 : memref<128x128xf32, #tpu.memory_space<hbm>>) target_semaphore(%run_scoped3A : memref<!tpu.dma_semaphore, #tpu.memory_space<semaphore_mem>>)
      %dma_wait3A_105 = arith.constant 0 : i32
      %dma_wait3A_106 = tpu.memref_slice %arg6[%add3A_89, %dma_wait3A_105] : memref<20480x128xf32, #tpu.memory_space<hbm>> -> memref<128x128xf32, #tpu.memory_space<hbm>>
      %dma_wait3A_107 = arith.constant 0 : i32
      %dma_wait3A_108 = tpu.memref_slice %arg6[%add3A_89, %dma_wait3A_107] : memref<20480x128xf32, #tpu.memory_space<hbm>> -> memref<128x128xf32, #tpu.memory_space<hbm>>
      tpu.wait_dma2 semaphore(%run_scoped3A : memref<!tpu.dma_semaphore, #tpu.memory_space<semaphore_mem>>) src(%arg15 : memref<128x128xf32, #tpu.memory_space<vmem>>) dst(%dma_wait3A_108 : memref<128x128xf32, #tpu.memory_space<hbm>>)
      tpu.yield
    }) : () -> ()
    %mul3A_90 = arith.constant 640 : i32
    %mul3A_91 = arith.muli %arg1, %mul3A_90 : i32
    %add3A_92 = arith.constant 512 : i32
    %add3A_93 = arith.addi %mul3A_91, %add3A_92 : i32
    "tpu.region"() ({
      %run_scoped3A = tpu.sem_alloc : memref<!tpu.dma_semaphore, #tpu.memory_space<semaphore_mem>>
      %dma_start3A_101 = arith.constant 0 : i32
      %dma_start3A_102 = tpu.memref_slice %arg17[%add3A_93, %dma_start3A_101] : memref<10240x128xf32, #tpu.memory_space<vmem_shared>> -> memref<128x128xf32, #tpu.memory_space<vmem_shared>>
      %dma_start3A_103 = arith.constant 0 : i32
      %dma_start3A_104 = tpu.memref_slice %arg17[%add3A_93, %dma_start3A_103] : memref<10240x128xf32, #tpu.memory_space<vmem_shared>> -> memref<128x128xf32, #tpu.memory_space<vmem_shared>>
      tpu.enqueue_dma source(%dma_start3A_104 : memref<128x128xf32, #tpu.memory_space<vmem_shared>>) target(%arg15 : memref<128x128xf32, #tpu.memory_space<vmem>>) target_semaphore(%run_scoped3A : memref<!tpu.dma_semaphore, #tpu.memory_space<semaphore_mem>>)
      %dma_wait3A_105 = arith.constant 0 : i32
      %dma_wait3A_106 = tpu.memref_slice %arg17[%add3A_93, %dma_wait3A_105] : memref<10240x128xf32, #tpu.memory_space<vmem_shared>> -> memref<128x128xf32, #tpu.memory_space<vmem_shared>>
      %dma_wait3A_107 = arith.constant 0 : i32
      %dma_wait3A_108 = tpu.memref_slice %arg17[%add3A_93, %dma_wait3A_107] : memref<10240x128xf32, #tpu.memory_space<vmem_shared>> -> memref<128x128xf32, #tpu.memory_space<vmem_shared>>
      tpu.wait_dma2 semaphore(%run_scoped3A : memref<!tpu.dma_semaphore, #tpu.memory_space<semaphore_mem>>) src(%dma_wait3A_108 : memref<128x128xf32, #tpu.memory_space<vmem_shared>>) dst(%arg15 : memref<128x128xf32, #tpu.memory_space<vmem>>)
      tpu.yield
    }) : () -> ()
    %mul3A_94 = arith.constant 10240 : i32
    %mul3A_95 = arith.muli %arg0, %mul3A_94 : i32
    %mul3A_96 = arith.constant 640 : i32
    %mul3A_97 = arith.muli %arg1, %mul3A_96 : i32
    %add3A_98 = arith.addi %mul3A_95, %mul3A_97 : i32
    %add3A_99 = arith.constant 512 : i32
    %add3A_100 = arith.addi %add3A_98, %add3A_99 : i32
    "tpu.region"() ({
      %run_scoped3A = tpu.sem_alloc : memref<!tpu.dma_semaphore, #tpu.memory_space<semaphore_mem>>
      %dma_start3A_101 = arith.constant 0 : i32
      %dma_start3A_102 = tpu.memref_slice %arg6[%add3A_100, %dma_start3A_101] : memref<20480x128xf32, #tpu.memory_space<hbm>> -> memref<128x128xf32, #tpu.memory_space<hbm>>
      %dma_start3A_103 = arith.constant 0 : i32
      %dma_start3A_104 = tpu.memref_slice %arg6[%add3A_100, %dma_start3A_103] : memref<20480x128xf32, #tpu.memory_space<hbm>> -> memref<128x128xf32, #tpu.memory_space<hbm>>
      tpu.enqueue_dma source(%arg15 : memref<128x128xf32, #tpu.memory_space<vmem>>) target(%dma_start3A_104 : memref<128x128xf32, #tpu.memory_space<hbm>>) target_semaphore(%run_scoped3A : memref<!tpu.dma_semaphore, #tpu.memory_space<semaphore_mem>>)
      %dma_wait3A_105 = arith.constant 0 : i32
      %dma_wait3A_106 = tpu.memref_slice %arg6[%add3A_100, %dma_wait3A_105] : memref<20480x128xf32, #tpu.memory_space<hbm>> -> memref<128x128xf32, #tpu.memory_space<hbm>>
      %dma_wait3A_107 = arith.constant 0 : i32
      %dma_wait3A_108 = tpu.memref_slice %arg6[%add3A_100, %dma_wait3A_107] : memref<20480x128xf32, #tpu.memory_space<hbm>> -> memref<128x128xf32, #tpu.memory_space<hbm>>
      tpu.wait_dma2 semaphore(%run_scoped3A : memref<!tpu.dma_semaphore, #tpu.memory_space<semaphore_mem>>) src(%arg15 : memref<128x128xf32, #tpu.memory_space<vmem>>) dst(%dma_wait3A_108 : memref<128x128xf32, #tpu.memory_space<hbm>>)
      tpu.yield
    }) : () -> ()
    return
  }
}

#map = affine_map<(d0, d1) -> (0, 0)>
#map1 = affine_map<(d0, d1) -> (0)>
module attributes {stable_mosaic.version = 14 : i64} {
  func.func @k(%arg0: i32, %arg1: i32, %arg2: memref<10000x128xf32, #tpu.memory_space<hbm>>, %arg3: memref<10000x128xf32, #tpu.memory_space<hbm>>, %arg4: memref<327680xi32, #tpu.memory_space<hbm>>, %arg5: memref<327680xi32, #tpu.memory_space<hbm>>, %arg6: memref<10240xf32, #tpu.memory_space<hbm>>, %arg7: memref<128x128xf32, #tpu.memory_space<hbm>>, %arg8: memref<20480x128xf32, #tpu.memory_space<hbm>>, %arg9: memref<10240xf32, #tpu.memory_space<hbm>>, %arg10: memref<128xi32, #tpu.memory_space<vmem>>, %arg11: memref<128xi32, #tpu.memory_space<vmem>>, %arg12: memref<128xi32, #tpu.memory_space<vmem>>, %arg13: memref<128xi32, #tpu.memory_space<vmem>>, %arg14: memref<128xi32, #tpu.memory_space<vmem>>, %arg15: memref<128xi32, #tpu.memory_space<vmem>>, %arg16: memref<128xi32, #tpu.memory_space<vmem>>, %arg17: memref<128xi32, #tpu.memory_space<vmem>>, %arg18: memref<128x128xf32, #tpu.memory_space<vmem>>, %arg19: memref<128x128xf32, #tpu.memory_space<vmem>>, %arg20: memref<128xf32, #tpu.memory_space<vmem>>, %arg21: memref<128xf32, #tpu.memory_space<vmem>>, %arg22: memref<10048xf32, #tpu.memory_space<vmem>>, %arg23: memref<10240x128xf32, #tpu.memory_space<vmem_shared>>, %arg24: memref<10240xf32, #tpu.memory_space<vmem_shared>>, %arg25: memref<!tpu.dma_semaphore, #tpu.memory_space<semaphore_mem>>, %arg26: memref<!tpu.dma_semaphore, #tpu.memory_space<semaphore_mem>>, %arg27: memref<!tpu.dma_semaphore, #tpu.memory_space<semaphore_mem>>, %arg28: memref<!tpu.dma_semaphore, #tpu.memory_space<semaphore_mem>>, %arg29: memref<!tpu.dma_semaphore, #tpu.memory_space<semaphore_mem>>, %arg30: memref<!tpu.dma_semaphore, #tpu.memory_space<semaphore_mem>>, %arg31: memref<!tpu.dma_semaphore, #tpu.memory_space<semaphore_mem>>, %arg32: memref<!tpu.dma_semaphore, #tpu.memory_space<semaphore_mem>>, %arg33: memref<!tpu.dma_semaphore, #tpu.memory_space<semaphore_mem>>, %arg34: memref<!tpu.dma_semaphore, #tpu.memory_space<semaphore_mem>>, %arg35: memref<!tpu.dma_semaphore, #tpu.memory_space<semaphore_mem>>, %arg36: memref<!tpu.dma_semaphore, #tpu.memory_space<semaphore_mem>>, %arg37: memref<!tpu.dma_semaphore, #tpu.memory_space<semaphore_mem>>, %arg38: memref<!tpu.dma_semaphore, #tpu.memory_space<semaphore_mem>>) attributes {dimension_semantics = [#tpu.dimension_semantics<core_parallel>, #tpu.dimension_semantics<subcore_parallel>], iteration_bounds = array<i64: 2, 16>, scalar_prefetch = 0 : i64, scratch_operands = 29 : i64, tpu.core_type = #tpu.core_type<sc_vector_subcore>, window_params = [{transform_indices = #map}, {transform_indices = #map}, {transform_indices = #map1}, {transform_indices = #map1}, {transform_indices = #map1}, {transform_indices = #map}, {transform_indices = #map}, {transform_indices = #map1}]} {
    "tpu.region"() ({
      %run_scoped3A = tpu.sem_alloc : memref<!tpu.dma_semaphore, #tpu.memory_space<semaphore_mem>>
      tpu.enqueue_dma source(%arg7 : memref<128x128xf32, #tpu.memory_space<hbm>>) target(%arg18 : memref<128x128xf32, #tpu.memory_space<vmem>>) target_semaphore(%run_scoped3A : memref<!tpu.dma_semaphore, #tpu.memory_space<semaphore_mem>>)
      tpu.wait_dma2 semaphore(%run_scoped3A : memref<!tpu.dma_semaphore, #tpu.memory_space<semaphore_mem>>) src(%arg7 : memref<128x128xf32, #tpu.memory_space<hbm>>) dst(%arg18 : memref<128x128xf32, #tpu.memory_space<vmem>>)
      tpu.yield
    }) : () -> ()
    %mul3A = arith.constant 640 : i32
    %mul3A_0 = arith.muli %arg1, %mul3A : i32
    %add3A = arith.constant 0 : i32
    %add3A_1 = arith.addi %mul3A_0, %add3A : i32
    "tpu.region"() ({
      %run_scoped3A = tpu.sem_alloc : memref<!tpu.dma_semaphore, #tpu.memory_space<semaphore_mem>>
      %dma_start3A = arith.constant 0 : i32
      %dma_start3A_94 = tpu.memref_slice %arg23[%add3A_1, %dma_start3A] : memref<10240x128xf32, #tpu.memory_space<vmem_shared>> -> memref<128x128xf32, #tpu.memory_space<vmem_shared>>
      %dma_start3A_95 = arith.constant 0 : i32
      %dma_start3A_96 = tpu.memref_slice %arg23[%add3A_1, %dma_start3A_95] : memref<10240x128xf32, #tpu.memory_space<vmem_shared>> -> memref<128x128xf32, #tpu.memory_space<vmem_shared>>
      tpu.enqueue_dma source(%arg18 : memref<128x128xf32, #tpu.memory_space<vmem>>) target(%dma_start3A_96 : memref<128x128xf32, #tpu.memory_space<vmem_shared>>) target_semaphore(%run_scoped3A : memref<!tpu.dma_semaphore, #tpu.memory_space<semaphore_mem>>)
      %dma_wait3A = arith.constant 0 : i32
      %dma_wait3A_97 = tpu.memref_slice %arg23[%add3A_1, %dma_wait3A] : memref<10240x128xf32, #tpu.memory_space<vmem_shared>> -> memref<128x128xf32, #tpu.memory_space<vmem_shared>>
      %dma_wait3A_98 = arith.constant 0 : i32
      %dma_wait3A_99 = tpu.memref_slice %arg23[%add3A_1, %dma_wait3A_98] : memref<10240x128xf32, #tpu.memory_space<vmem_shared>> -> memref<128x128xf32, #tpu.memory_space<vmem_shared>>
      tpu.wait_dma2 semaphore(%run_scoped3A : memref<!tpu.dma_semaphore, #tpu.memory_space<semaphore_mem>>) src(%arg18 : memref<128x128xf32, #tpu.memory_space<vmem>>) dst(%dma_wait3A_99 : memref<128x128xf32, #tpu.memory_space<vmem_shared>>)
      tpu.yield
    }) : () -> ()
    %mul3A_2 = arith.constant 640 : i32
    %mul3A_3 = arith.muli %arg1, %mul3A_2 : i32
    %add3A_4 = arith.constant 128 : i32
    %add3A_5 = arith.addi %mul3A_3, %add3A_4 : i32
    "tpu.region"() ({
      %run_scoped3A = tpu.sem_alloc : memref<!tpu.dma_semaphore, #tpu.memory_space<semaphore_mem>>
      %dma_start3A = arith.constant 0 : i32
      %dma_start3A_94 = tpu.memref_slice %arg23[%add3A_5, %dma_start3A] : memref<10240x128xf32, #tpu.memory_space<vmem_shared>> -> memref<128x128xf32, #tpu.memory_space<vmem_shared>>
      %dma_start3A_95 = arith.constant 0 : i32
      %dma_start3A_96 = tpu.memref_slice %arg23[%add3A_5, %dma_start3A_95] : memref<10240x128xf32, #tpu.memory_space<vmem_shared>> -> memref<128x128xf32, #tpu.memory_space<vmem_shared>>
      tpu.enqueue_dma source(%arg18 : memref<128x128xf32, #tpu.memory_space<vmem>>) target(%dma_start3A_96 : memref<128x128xf32, #tpu.memory_space<vmem_shared>>) target_semaphore(%run_scoped3A : memref<!tpu.dma_semaphore, #tpu.memory_space<semaphore_mem>>)
      %dma_wait3A = arith.constant 0 : i32
      %dma_wait3A_97 = tpu.memref_slice %arg23[%add3A_5, %dma_wait3A] : memref<10240x128xf32, #tpu.memory_space<vmem_shared>> -> memref<128x128xf32, #tpu.memory_space<vmem_shared>>
      %dma_wait3A_98 = arith.constant 0 : i32
      %dma_wait3A_99 = tpu.memref_slice %arg23[%add3A_5, %dma_wait3A_98] : memref<10240x128xf32, #tpu.memory_space<vmem_shared>> -> memref<128x128xf32, #tpu.memory_space<vmem_shared>>
      tpu.wait_dma2 semaphore(%run_scoped3A : memref<!tpu.dma_semaphore, #tpu.memory_space<semaphore_mem>>) src(%arg18 : memref<128x128xf32, #tpu.memory_space<vmem>>) dst(%dma_wait3A_99 : memref<128x128xf32, #tpu.memory_space<vmem_shared>>)
      tpu.yield
    }) : () -> ()
    %mul3A_6 = arith.constant 640 : i32
    %mul3A_7 = arith.muli %arg1, %mul3A_6 : i32
    %add3A_8 = arith.constant 256 : i32
    %add3A_9 = arith.addi %mul3A_7, %add3A_8 : i32
    "tpu.region"() ({
      %run_scoped3A = tpu.sem_alloc : memref<!tpu.dma_semaphore, #tpu.memory_space<semaphore_mem>>
      %dma_start3A = arith.constant 0 : i32
      %dma_start3A_94 = tpu.memref_slice %arg23[%add3A_9, %dma_start3A] : memref<10240x128xf32, #tpu.memory_space<vmem_shared>> -> memref<128x128xf32, #tpu.memory_space<vmem_shared>>
      %dma_start3A_95 = arith.constant 0 : i32
      %dma_start3A_96 = tpu.memref_slice %arg23[%add3A_9, %dma_start3A_95] : memref<10240x128xf32, #tpu.memory_space<vmem_shared>> -> memref<128x128xf32, #tpu.memory_space<vmem_shared>>
      tpu.enqueue_dma source(%arg18 : memref<128x128xf32, #tpu.memory_space<vmem>>) target(%dma_start3A_96 : memref<128x128xf32, #tpu.memory_space<vmem_shared>>) target_semaphore(%run_scoped3A : memref<!tpu.dma_semaphore, #tpu.memory_space<semaphore_mem>>)
      %dma_wait3A = arith.constant 0 : i32
      %dma_wait3A_97 = tpu.memref_slice %arg23[%add3A_9, %dma_wait3A] : memref<10240x128xf32, #tpu.memory_space<vmem_shared>> -> memref<128x128xf32, #tpu.memory_space<vmem_shared>>
      %dma_wait3A_98 = arith.constant 0 : i32
      %dma_wait3A_99 = tpu.memref_slice %arg23[%add3A_9, %dma_wait3A_98] : memref<10240x128xf32, #tpu.memory_space<vmem_shared>> -> memref<128x128xf32, #tpu.memory_space<vmem_shared>>
      tpu.wait_dma2 semaphore(%run_scoped3A : memref<!tpu.dma_semaphore, #tpu.memory_space<semaphore_mem>>) src(%arg18 : memref<128x128xf32, #tpu.memory_space<vmem>>) dst(%dma_wait3A_99 : memref<128x128xf32, #tpu.memory_space<vmem_shared>>)
      tpu.yield
    }) : () -> ()
    %mul3A_10 = arith.constant 640 : i32
    %mul3A_11 = arith.muli %arg1, %mul3A_10 : i32
    %add3A_12 = arith.constant 384 : i32
    %add3A_13 = arith.addi %mul3A_11, %add3A_12 : i32
    "tpu.region"() ({
      %run_scoped3A = tpu.sem_alloc : memref<!tpu.dma_semaphore, #tpu.memory_space<semaphore_mem>>
      %dma_start3A = arith.constant 0 : i32
      %dma_start3A_94 = tpu.memref_slice %arg23[%add3A_13, %dma_start3A] : memref<10240x128xf32, #tpu.memory_space<vmem_shared>> -> memref<128x128xf32, #tpu.memory_space<vmem_shared>>
      %dma_start3A_95 = arith.constant 0 : i32
      %dma_start3A_96 = tpu.memref_slice %arg23[%add3A_13, %dma_start3A_95] : memref<10240x128xf32, #tpu.memory_space<vmem_shared>> -> memref<128x128xf32, #tpu.memory_space<vmem_shared>>
      tpu.enqueue_dma source(%arg18 : memref<128x128xf32, #tpu.memory_space<vmem>>) target(%dma_start3A_96 : memref<128x128xf32, #tpu.memory_space<vmem_shared>>) target_semaphore(%run_scoped3A : memref<!tpu.dma_semaphore, #tpu.memory_space<semaphore_mem>>)
      %dma_wait3A = arith.constant 0 : i32
      %dma_wait3A_97 = tpu.memref_slice %arg23[%add3A_13, %dma_wait3A] : memref<10240x128xf32, #tpu.memory_space<vmem_shared>> -> memref<128x128xf32, #tpu.memory_space<vmem_shared>>
      %dma_wait3A_98 = arith.constant 0 : i32
      %dma_wait3A_99 = tpu.memref_slice %arg23[%add3A_13, %dma_wait3A_98] : memref<10240x128xf32, #tpu.memory_space<vmem_shared>> -> memref<128x128xf32, #tpu.memory_space<vmem_shared>>
      tpu.wait_dma2 semaphore(%run_scoped3A : memref<!tpu.dma_semaphore, #tpu.memory_space<semaphore_mem>>) src(%arg18 : memref<128x128xf32, #tpu.memory_space<vmem>>) dst(%dma_wait3A_99 : memref<128x128xf32, #tpu.memory_space<vmem_shared>>)
      tpu.yield
    }) : () -> ()
    %mul3A_14 = arith.constant 640 : i32
    %mul3A_15 = arith.muli %arg1, %mul3A_14 : i32
    %add3A_16 = arith.constant 512 : i32
    %add3A_17 = arith.addi %mul3A_15, %add3A_16 : i32
    "tpu.region"() ({
      %run_scoped3A = tpu.sem_alloc : memref<!tpu.dma_semaphore, #tpu.memory_space<semaphore_mem>>
      %dma_start3A = arith.constant 0 : i32
      %dma_start3A_94 = tpu.memref_slice %arg23[%add3A_17, %dma_start3A] : memref<10240x128xf32, #tpu.memory_space<vmem_shared>> -> memref<128x128xf32, #tpu.memory_space<vmem_shared>>
      %dma_start3A_95 = arith.constant 0 : i32
      %dma_start3A_96 = tpu.memref_slice %arg23[%add3A_17, %dma_start3A_95] : memref<10240x128xf32, #tpu.memory_space<vmem_shared>> -> memref<128x128xf32, #tpu.memory_space<vmem_shared>>
      tpu.enqueue_dma source(%arg18 : memref<128x128xf32, #tpu.memory_space<vmem>>) target(%dma_start3A_96 : memref<128x128xf32, #tpu.memory_space<vmem_shared>>) target_semaphore(%run_scoped3A : memref<!tpu.dma_semaphore, #tpu.memory_space<semaphore_mem>>)
      %dma_wait3A = arith.constant 0 : i32
      %dma_wait3A_97 = tpu.memref_slice %arg23[%add3A_17, %dma_wait3A] : memref<10240x128xf32, #tpu.memory_space<vmem_shared>> -> memref<128x128xf32, #tpu.memory_space<vmem_shared>>
      %dma_wait3A_98 = arith.constant 0 : i32
      %dma_wait3A_99 = tpu.memref_slice %arg23[%add3A_17, %dma_wait3A_98] : memref<10240x128xf32, #tpu.memory_space<vmem_shared>> -> memref<128x128xf32, #tpu.memory_space<vmem_shared>>
      tpu.wait_dma2 semaphore(%run_scoped3A : memref<!tpu.dma_semaphore, #tpu.memory_space<semaphore_mem>>) src(%arg18 : memref<128x128xf32, #tpu.memory_space<vmem>>) dst(%dma_wait3A_99 : memref<128x128xf32, #tpu.memory_space<vmem_shared>>)
      tpu.yield
    }) : () -> ()
    %broadcast_in_dim3A = arith.constant 0.000000e+00 : f32
    %broadcast_in_dim3A_18 = vector.broadcast %broadcast_in_dim3A : f32 to vector<16xf32>
    %eq3A = arith.constant 0 : i32
    %eq3A_19 = arith.cmpi eq, %arg0, %eq3A : i32
    %convert_element_type3A = arith.extui %eq3A_19 : i1 to i32
    %cond3A = arith.constant 0 : i32
    %cond3A_20 = arith.cmpi ne, %convert_element_type3A, %cond3A : i32
    scf.if %cond3A_20 {
      %scan3A = arith.constant 0 : i32
      %scan3A_94 = arith.constant 0 : i32
      %scan3A_95 = arith.constant 40 : i32
      %scan3A_96 = arith.addi %scan3A_94, %scan3A_95 : i32
      %scan3A_97 = arith.constant 1 : i32
      scf.for %scan3A_101 = %scan3A_94 to %scan3A_96 step %scan3A_97  : i32 {
        %mul3A_102 = arith.constant 16 : i32
        %mul3A_103 = arith.muli %mul3A_102, %scan3A_101 : i32
        %swap3A = arith.index_cast %mul3A_103 : i32 to index
        %swap3A_104 = tpu.vector_load %arg22[%swap3A] {strides = array<i32>} : memref<10048xf32, #tpu.memory_space<vmem>>, vector<16xf32>,
        tpu.vector_store %arg22[%swap3A], %broadcast_in_dim3A_18 {strides = array<i32>} : memref<10048xf32, #tpu.memory_space<vmem>>, vector<16xf32>,
      }
      %scan3A_98 = arith.constant 40 : i32
      %mul3A_99 = arith.constant 640 : i32
      %mul3A_100 = arith.muli %arg1, %mul3A_99 : i32
      "tpu.region"() ({
        %run_scoped3A = tpu.sem_alloc : memref<!tpu.dma_semaphore, #tpu.memory_space<semaphore_mem>>
        %dma_start3A = arith.constant 0 : i32
        %dma_start3A_101 = tpu.memref_slice %arg22[%dma_start3A] : memref<10048xf32, #tpu.memory_space<vmem>> -> memref<640xf32, #tpu.memory_space<vmem>>
        %dma_start3A_102 = tpu.memref_slice %arg24[%mul3A_100] : memref<10240xf32, #tpu.memory_space<vmem_shared>> -> memref<640xf32, #tpu.memory_space<vmem_shared>>
        %dma_start3A_103 = tpu.memref_slice %arg24[%mul3A_100] : memref<10240xf32, #tpu.memory_space<vmem_shared>> -> memref<640xf32, #tpu.memory_space<vmem_shared>>
        %dma_start3A_104 = arith.constant 0 : i32
        %dma_start3A_105 = tpu.memref_slice %arg22[%dma_start3A_104] : memref<10048xf32, #tpu.memory_space<vmem>> -> memref<640xf32, #tpu.memory_space<vmem>>
        tpu.enqueue_dma source(%dma_start3A_105 : memref<640xf32, #tpu.memory_space<vmem>>) target(%dma_start3A_103 : memref<640xf32, #tpu.memory_space<vmem_shared>>) target_semaphore(%run_scoped3A : memref<!tpu.dma_semaphore, #tpu.memory_space<semaphore_mem>>)
        %dma_wait3A = arith.constant 0 : i32
        %dma_wait3A_106 = tpu.memref_slice %arg22[%dma_wait3A] : memref<10048xf32, #tpu.memory_space<vmem>> -> memref<640xf32, #tpu.memory_space<vmem>>
        %dma_wait3A_107 = tpu.memref_slice %arg24[%mul3A_100] : memref<10240xf32, #tpu.memory_space<vmem_shared>> -> memref<640xf32, #tpu.memory_space<vmem_shared>>
        %dma_wait3A_108 = tpu.memref_slice %arg24[%mul3A_100] : memref<10240xf32, #tpu.memory_space<vmem_shared>> -> memref<640xf32, #tpu.memory_space<vmem_shared>>
        %dma_wait3A_109 = arith.constant 0 : i32
        %dma_wait3A_110 = tpu.memref_slice %arg22[%dma_wait3A_109] : memref<10048xf32, #tpu.memory_space<vmem>> -> memref<640xf32, #tpu.memory_space<vmem>>
        tpu.wait_dma2 semaphore(%run_scoped3A : memref<!tpu.dma_semaphore, #tpu.memory_space<semaphore_mem>>) src(%dma_wait3A_110 : memref<640xf32, #tpu.memory_space<vmem>>) dst(%dma_wait3A_108 : memref<640xf32, #tpu.memory_space<vmem_shared>>)
        tpu.yield
      }) : () -> ()
    } else {
    }
    "tpu.region"() ({
      %run_scoped3A = tpu.sem_alloc : memref<!tpu.dma_semaphore, #tpu.memory_space<semaphore_mem>>
      %dma_start3A = arith.constant 0 : i32
      %dma_start3A_94 = tpu.memref_slice %arg6[%dma_start3A] : memref<10240xf32, #tpu.memory_space<hbm>> -> memref<10048xf32, #tpu.memory_space<hbm>>
      %dma_start3A_95 = arith.constant 0 : i32
      %dma_start3A_96 = tpu.memref_slice %arg6[%dma_start3A_95] : memref<10240xf32, #tpu.memory_space<hbm>> -> memref<10048xf32, #tpu.memory_space<hbm>>
      tpu.enqueue_dma source(%dma_start3A_96 : memref<10048xf32, #tpu.memory_space<hbm>>) target(%arg22 : memref<10048xf32, #tpu.memory_space<vmem>>) target_semaphore(%run_scoped3A : memref<!tpu.dma_semaphore, #tpu.memory_space<semaphore_mem>>)
      %dma_wait3A = arith.constant 0 : i32
      %dma_wait3A_97 = tpu.memref_slice %arg6[%dma_wait3A] : memref<10240xf32, #tpu.memory_space<hbm>> -> memref<10048xf32, #tpu.memory_space<hbm>>
      %dma_wait3A_98 = arith.constant 0 : i32
      %dma_wait3A_99 = tpu.memref_slice %arg6[%dma_wait3A_98] : memref<10240xf32, #tpu.memory_space<hbm>> -> memref<10048xf32, #tpu.memory_space<hbm>>
      tpu.wait_dma2 semaphore(%run_scoped3A : memref<!tpu.dma_semaphore, #tpu.memory_space<semaphore_mem>>) src(%dma_wait3A_99 : memref<10048xf32, #tpu.memory_space<hbm>>) dst(%arg22 : memref<10048xf32, #tpu.memory_space<vmem>>)
      tpu.yield
    }) : () -> ()
    %barrier3A = arith.constant 0 : index
    tpu.barrier barrier_id(%barrier3A)
    %mul3A_21 = arith.constant 20480 : i32
    %mul3A_22 = arith.muli %arg1, %mul3A_21 : i32
    %eq3A_23 = arith.constant 0 : i32
    %eq3A_24 = arith.cmpi eq, %arg0, %eq3A_23 : i32
    %convert_element_type3A_25 = arith.extui %eq3A_24 : i1 to i32
    %cond3A_26 = arith.constant 0 : i32
    %cond3A_27 = arith.cmpi ne, %convert_element_type3A_25, %cond3A_26 : i32
    scf.if %cond3A_27 {
      %add3A_94 = arith.constant 0 : i32
      %add3A_95 = arith.addi %mul3A_22, %add3A_94 : i32
      %multiple_of3A = tpu.assume_multiple %add3A_95, 128 : i32
      %dma_start3A = tpu.memref_slice %arg4[%multiple_of3A] : memref<327680xi32, #tpu.memory_space<hbm>> -> memref<128xi32, #tpu.memory_space<hbm>>
      %dma_start3A_96 = tpu.memref_slice %arg4[%multiple_of3A] : memref<327680xi32, #tpu.memory_space<hbm>> -> memref<128xi32, #tpu.memory_space<hbm>>
      tpu.enqueue_dma source(%dma_start3A_96 : memref<128xi32, #tpu.memory_space<hbm>>) target(%arg10 : memref<128xi32, #tpu.memory_space<vmem>>) target_semaphore(%arg25 : memref<!tpu.dma_semaphore, #tpu.memory_space<semaphore_mem>>)
      %dma_start3A_97 = tpu.memref_slice %arg5[%multiple_of3A] : memref<327680xi32, #tpu.memory_space<hbm>> -> memref<128xi32, #tpu.memory_space<hbm>>
      %dma_start3A_98 = tpu.memref_slice %arg5[%multiple_of3A] : memref<327680xi32, #tpu.memory_space<hbm>> -> memref<128xi32, #tpu.memory_space<hbm>>
      tpu.enqueue_dma source(%dma_start3A_98 : memref<128xi32, #tpu.memory_space<hbm>>) target(%arg14 : memref<128xi32, #tpu.memory_space<vmem>>) target_semaphore(%arg29 : memref<!tpu.dma_semaphore, #tpu.memory_space<semaphore_mem>>)
      %add3A_99 = arith.constant 128 : i32
      %add3A_100 = arith.addi %mul3A_22, %add3A_99 : i32
      %multiple_of3A_101 = tpu.assume_multiple %add3A_100, 128 : i32
      %dma_start3A_102 = tpu.memref_slice %arg4[%multiple_of3A_101] : memref<327680xi32, #tpu.memory_space<hbm>> -> memref<128xi32, #tpu.memory_space<hbm>>
      %dma_start3A_103 = tpu.memref_slice %arg4[%multiple_of3A_101] : memref<327680xi32, #tpu.memory_space<hbm>> -> memref<128xi32, #tpu.memory_space<hbm>>
      tpu.enqueue_dma source(%dma_start3A_103 : memref<128xi32, #tpu.memory_space<hbm>>) target(%arg11 : memref<128xi32, #tpu.memory_space<vmem>>) target_semaphore(%arg26 : memref<!tpu.dma_semaphore, #tpu.memory_space<semaphore_mem>>)
      %dma_start3A_104 = tpu.memref_slice %arg5[%multiple_of3A_101] : memref<327680xi32, #tpu.memory_space<hbm>> -> memref<128xi32, #tpu.memory_space<hbm>>
      %dma_start3A_105 = tpu.memref_slice %arg5[%multiple_of3A_101] : memref<327680xi32, #tpu.memory_space<hbm>> -> memref<128xi32, #tpu.memory_space<hbm>>
      tpu.enqueue_dma source(%dma_start3A_105 : memref<128xi32, #tpu.memory_space<hbm>>) target(%arg15 : memref<128xi32, #tpu.memory_space<vmem>>) target_semaphore(%arg30 : memref<!tpu.dma_semaphore, #tpu.memory_space<semaphore_mem>>)
      %scan3A = arith.constant 0 : i32
      %scan3A_106 = arith.constant 0 : i32
      %scan3A_107 = arith.constant 40 : i32
      %scan3A_108 = arith.addi %scan3A_106, %scan3A_107 : i32
      %scan3A_109 = arith.constant 1 : i32
      scf.for %scan3A_120 = %scan3A_106 to %scan3A_108 step %scan3A_109  : i32 {
        %mul3A_121 = arith.constant 4 : i32
        %mul3A_122 = arith.muli %mul3A_121, %scan3A_120 : i32
        %gt3A = arith.constant 0 : i32
        %gt3A_123 = arith.cmpi sgt, %scan3A_120, %gt3A : i32
        %convert_element_type3A_124 = arith.extui %gt3A_123 : i1 to i32
        %cond3A_125 = arith.constant 0 : i32
        %cond3A_126 = arith.cmpi ne, %convert_element_type3A_124, %cond3A_125 : i32
        scf.if %cond3A_126 {
          %dma_wait3A_418 = arith.constant 0 : i32
          %dma_wait3A_419 = arith.constant 0 : i32
          %dma_wait3A_420 = tpu.memref_slice %arg23[%dma_wait3A_418, %dma_wait3A_419] : memref<10240x128xf32, #tpu.memory_space<vmem_shared>> -> memref<10240x128xf32, #tpu.memory_space<vmem_shared>>
          tpu.wait_indirect_dma semaphore(%arg35 : memref<!tpu.dma_semaphore, #tpu.memory_space<semaphore_mem>>) src(%arg18 : memref<128x128xf32, #tpu.memory_space<vmem>>) dst(%dma_wait3A_420 : memref<10240x128xf32, #tpu.memory_space<vmem_shared>>)
        } else {
        }
        %gt3A_127 = arith.constant 0 : i32
        %gt3A_128 = arith.cmpi sgt, %scan3A_120, %gt3A_127 : i32
        %convert_element_type3A_129 = arith.extui %gt3A_128 : i1 to i32
        %cond3A_130 = arith.constant 0 : i32
        %cond3A_131 = arith.cmpi ne, %convert_element_type3A_129, %cond3A_130 : i32
        scf.if %cond3A_131 {
          %dma_wait3A_418 = arith.constant 0 : i32
          %dma_wait3A_419 = tpu.memref_slice %arg24[%dma_wait3A_418] : memref<10240xf32, #tpu.memory_space<vmem_shared>> -> memref<10240xf32, #tpu.memory_space<vmem_shared>>
          tpu.wait_indirect_dma semaphore(%arg37 : memref<!tpu.dma_semaphore, #tpu.memory_space<semaphore_mem>>) src(%arg20 : memref<128xf32, #tpu.memory_space<vmem>>) dst(%dma_wait3A_419 : memref<10240xf32, #tpu.memory_space<vmem_shared>>)
        } else {
        }
        %add3A_132 = arith.constant 0 : i32
        %add3A_133 = arith.addi %mul3A_122, %add3A_132 : i32
        %add3A_134 = arith.constant 2 : i32
        %add3A_135 = arith.addi %add3A_133, %add3A_134 : i32
        %mul3A_136 = arith.constant 128 : i32
        %mul3A_137 = arith.muli %add3A_135, %mul3A_136 : i32
        %add3A_138 = arith.addi %mul3A_22, %mul3A_137 : i32
        %multiple_of3A_139 = tpu.assume_multiple %add3A_138, 128 : i32
        %dma_start3A_140 = tpu.memref_slice %arg4[%multiple_of3A_139] : memref<327680xi32, #tpu.memory_space<hbm>> -> memref<128xi32, #tpu.memory_space<hbm>>
        %dma_start3A_141 = tpu.memref_slice %arg4[%multiple_of3A_139] : memref<327680xi32, #tpu.memory_space<hbm>> -> memref<128xi32, #tpu.memory_space<hbm>>
        tpu.enqueue_dma source(%dma_start3A_141 : memref<128xi32, #tpu.memory_space<hbm>>) target(%arg12 : memref<128xi32, #tpu.memory_space<vmem>>) target_semaphore(%arg27 : memref<!tpu.dma_semaphore, #tpu.memory_space<semaphore_mem>>)
        %dma_start3A_142 = tpu.memref_slice %arg5[%multiple_of3A_139] : memref<327680xi32, #tpu.memory_space<hbm>> -> memref<128xi32, #tpu.memory_space<hbm>>
        %dma_start3A_143 = tpu.memref_slice %arg5[%multiple_of3A_139] : memref<327680xi32, #tpu.memory_space<hbm>> -> memref<128xi32, #tpu.memory_space<hbm>>
        tpu.enqueue_dma source(%dma_start3A_143 : memref<128xi32, #tpu.memory_space<hbm>>) target(%arg16 : memref<128xi32, #tpu.memory_space<vmem>>) target_semaphore(%arg31 : memref<!tpu.dma_semaphore, #tpu.memory_space<semaphore_mem>>)
        %dma_wait3A_144 = tpu.memref_slice %arg4[%mul3A_22] : memref<327680xi32, #tpu.memory_space<hbm>> -> memref<128xi32, #tpu.memory_space<hbm>>
        %dma_wait3A_145 = tpu.memref_slice %arg4[%mul3A_22] : memref<327680xi32, #tpu.memory_space<hbm>> -> memref<128xi32, #tpu.memory_space<hbm>>
        tpu.wait_dma2 semaphore(%arg25 : memref<!tpu.dma_semaphore, #tpu.memory_space<semaphore_mem>>) src(%dma_wait3A_145 : memref<128xi32, #tpu.memory_space<hbm>>) dst(%arg10 : memref<128xi32, #tpu.memory_space<vmem>>)
        %dma_start3A_146 = arith.constant 0 : i32
        %dma_start3A_147 = arith.constant 0 : i32
        %dma_start3A_148 = tpu.memref_slice %arg2[%dma_start3A_146, %dma_start3A_147] : memref<10000x128xf32, #tpu.memory_space<hbm>> -> memref<10000x128xf32, #tpu.memory_space<hbm>>
        tpu.enqueue_indirect_dma source(%dma_start3A_148 : memref<10000x128xf32, #tpu.memory_space<hbm>>) target(%arg18 : memref<128x128xf32, #tpu.memory_space<vmem>>) offsets(%arg10 : memref<128xi32, #tpu.memory_space<vmem>>) semaphore(%arg33 : memref<!tpu.dma_semaphore, #tpu.memory_space<semaphore_mem>>)
        %gt3A_149 = arith.constant 0 : i32
        %gt3A_150 = arith.cmpi sgt, %scan3A_120, %gt3A_149 : i32
        %convert_element_type3A_151 = arith.extui %gt3A_150 : i1 to i32
        %cond3A_152 = arith.constant 0 : i32
        %cond3A_153 = arith.cmpi ne, %convert_element_type3A_151, %cond3A_152 : i32
        scf.if %cond3A_153 {
          %dma_wait3A_418 = arith.constant 0 : i32
          %dma_wait3A_419 = arith.constant 0 : i32
          %dma_wait3A_420 = tpu.memref_slice %arg23[%dma_wait3A_418, %dma_wait3A_419] : memref<10240x128xf32, #tpu.memory_space<vmem_shared>> -> memref<10240x128xf32, #tpu.memory_space<vmem_shared>>
          tpu.wait_indirect_dma semaphore(%arg36 : memref<!tpu.dma_semaphore, #tpu.memory_space<semaphore_mem>>) src(%arg19 : memref<128x128xf32, #tpu.memory_space<vmem>>) dst(%dma_wait3A_420 : memref<10240x128xf32, #tpu.memory_space<vmem_shared>>)
        } else {
        }
        %gt3A_154 = arith.constant 0 : i32
        %gt3A_155 = arith.cmpi sgt, %scan3A_120, %gt3A_154 : i32
        %convert_element_type3A_156 = arith.extui %gt3A_155 : i1 to i32
        %cond3A_157 = arith.constant 0 : i32
        %cond3A_158 = arith.cmpi ne, %convert_element_type3A_156, %cond3A_157 : i32
        scf.if %cond3A_158 {
          %dma_wait3A_418 = arith.constant 0 : i32
          %dma_wait3A_419 = tpu.memref_slice %arg24[%dma_wait3A_418] : memref<10240xf32, #tpu.memory_space<vmem_shared>> -> memref<10240xf32, #tpu.memory_space<vmem_shared>>
          tpu.wait_indirect_dma semaphore(%arg38 : memref<!tpu.dma_semaphore, #tpu.memory_space<semaphore_mem>>) src(%arg21 : memref<128xf32, #tpu.memory_space<vmem>>) dst(%dma_wait3A_419 : memref<10240xf32, #tpu.memory_space<vmem_shared>>)
        } else {
        }
        %add3A_159 = arith.constant 1 : i32
        %add3A_160 = arith.addi %mul3A_122, %add3A_159 : i32
        %add3A_161 = arith.constant 2 : i32
        %add3A_162 = arith.addi %add3A_160, %add3A_161 : i32
        %mul3A_163 = arith.constant 128 : i32
        %mul3A_164 = arith.muli %add3A_162, %mul3A_163 : i32
        %add3A_165 = arith.addi %mul3A_22, %mul3A_164 : i32
        %multiple_of3A_166 = tpu.assume_multiple %add3A_165, 128 : i32
        %dma_start3A_167 = tpu.memref_slice %arg4[%multiple_of3A_166] : memref<327680xi32, #tpu.memory_space<hbm>> -> memref<128xi32, #tpu.memory_space<hbm>>
        %dma_start3A_168 = tpu.memref_slice %arg4[%multiple_of3A_166] : memref<327680xi32, #tpu.memory_space<hbm>> -> memref<128xi32, #tpu.memory_space<hbm>>
        tpu.enqueue_dma source(%dma_start3A_168 : memref<128xi32, #tpu.memory_space<hbm>>) target(%arg13 : memref<128xi32, #tpu.memory_space<vmem>>) target_semaphore(%arg28 : memref<!tpu.dma_semaphore, #tpu.memory_space<semaphore_mem>>)
        %dma_start3A_169 = tpu.memref_slice %arg5[%multiple_of3A_166] : memref<327680xi32, #tpu.memory_space<hbm>> -> memref<128xi32, #tpu.memory_space<hbm>>
        %dma_start3A_170 = tpu.memref_slice %arg5[%multiple_of3A_166] : memref<327680xi32, #tpu.memory_space<hbm>> -> memref<128xi32, #tpu.memory_space<hbm>>
        tpu.enqueue_dma source(%dma_start3A_170 : memref<128xi32, #tpu.memory_space<hbm>>) target(%arg17 : memref<128xi32, #tpu.memory_space<vmem>>) target_semaphore(%arg32 : memref<!tpu.dma_semaphore, #tpu.memory_space<semaphore_mem>>)
        %dma_wait3A_171 = tpu.memref_slice %arg4[%mul3A_22] : memref<327680xi32, #tpu.memory_space<hbm>> -> memref<128xi32, #tpu.memory_space<hbm>>
        %dma_wait3A_172 = tpu.memref_slice %arg4[%mul3A_22] : memref<327680xi32, #tpu.memory_space<hbm>> -> memref<128xi32, #tpu.memory_space<hbm>>
        tpu.wait_dma2 semaphore(%arg26 : memref<!tpu.dma_semaphore, #tpu.memory_space<semaphore_mem>>) src(%dma_wait3A_172 : memref<128xi32, #tpu.memory_space<hbm>>) dst(%arg11 : memref<128xi32, #tpu.memory_space<vmem>>)
        %dma_start3A_173 = arith.constant 0 : i32
        %dma_start3A_174 = arith.constant 0 : i32
        %dma_start3A_175 = tpu.memref_slice %arg2[%dma_start3A_173, %dma_start3A_174] : memref<10000x128xf32, #tpu.memory_space<hbm>> -> memref<10000x128xf32, #tpu.memory_space<hbm>>
        tpu.enqueue_indirect_dma source(%dma_start3A_175 : memref<10000x128xf32, #tpu.memory_space<hbm>>) target(%arg19 : memref<128x128xf32, #tpu.memory_space<vmem>>) offsets(%arg11 : memref<128xi32, #tpu.memory_space<vmem>>) semaphore(%arg34 : memref<!tpu.dma_semaphore, #tpu.memory_space<semaphore_mem>>)
        %dma_wait3A_176 = arith.constant 0 : i32
        %dma_wait3A_177 = arith.constant 0 : i32
        %dma_wait3A_178 = tpu.memref_slice %arg2[%dma_wait3A_176, %dma_wait3A_177] : memref<10000x128xf32, #tpu.memory_space<hbm>> -> memref<10000x128xf32, #tpu.memory_space<hbm>>
        tpu.wait_indirect_dma semaphore(%arg33 : memref<!tpu.dma_semaphore, #tpu.memory_space<semaphore_mem>>) src(%dma_wait3A_178 : memref<10000x128xf32, #tpu.memory_space<hbm>>) dst(%arg18 : memref<128x128xf32, #tpu.memory_space<vmem>>)
        %dma_wait3A_179 = tpu.memref_slice %arg5[%mul3A_22] : memref<327680xi32, #tpu.memory_space<hbm>> -> memref<128xi32, #tpu.memory_space<hbm>>
        %dma_wait3A_180 = tpu.memref_slice %arg5[%mul3A_22] : memref<327680xi32, #tpu.memory_space<hbm>> -> memref<128xi32, #tpu.memory_space<hbm>>
        tpu.wait_dma2 semaphore(%arg29 : memref<!tpu.dma_semaphore, #tpu.memory_space<semaphore_mem>>) src(%dma_wait3A_180 : memref<128xi32, #tpu.memory_space<hbm>>) dst(%arg14 : memref<128xi32, #tpu.memory_space<vmem>>)
        %get3A = arith.constant 0 : index
        %get3A_181 = tpu.vector_load %arg14[%get3A] {strides = array<i32>} : memref<128xi32, #tpu.memory_space<vmem>>, vector<16xi32>,
        %gather3A = tpu.vector_load_idx %arg22[%get3A_181] : memref<10048xf32, #tpu.memory_space<vmem>>[vector<16xi32>], vector<16xf32>,
        %swap3A = arith.constant 0 : index
        %swap3A_182 = tpu.vector_load %arg20[%swap3A] {strides = array<i32>} : memref<128xf32, #tpu.memory_space<vmem>>, vector<16xf32>,
        tpu.vector_store %arg20[%swap3A], %gather3A {strides = array<i32>} : memref<128xf32, #tpu.memory_space<vmem>>, vector<16xf32>,
        %get3A_183 = arith.constant 16 : index
        %get3A_184 = tpu.vector_load %arg14[%get3A_183] {strides = array<i32>} : memref<128xi32, #tpu.memory_space<vmem>>, vector<16xi32>,
        %gather3A_185 = tpu.vector_load_idx %arg22[%get3A_184] : memref<10048xf32, #tpu.memory_space<vmem>>[vector<16xi32>], vector<16xf32>,
        %swap3A_186 = arith.constant 16 : index
        %swap3A_187 = tpu.vector_load %arg20[%swap3A_186] {strides = array<i32>} : memref<128xf32, #tpu.memory_space<vmem>>, vector<16xf32>,
        tpu.vector_store %arg20[%swap3A_186], %gather3A_185 {strides = array<i32>} : memref<128xf32, #tpu.memory_space<vmem>>, vector<16xf32>,
        %get3A_188 = arith.constant 32 : index
        %get3A_189 = tpu.vector_load %arg14[%get3A_188] {strides = array<i32>} : memref<128xi32, #tpu.memory_space<vmem>>, vector<16xi32>,
        %gather3A_190 = tpu.vector_load_idx %arg22[%get3A_189] : memref<10048xf32, #tpu.memory_space<vmem>>[vector<16xi32>], vector<16xf32>,
        %swap3A_191 = arith.constant 32 : index
        %swap3A_192 = tpu.vector_load %arg20[%swap3A_191] {strides = array<i32>} : memref<128xf32, #tpu.memory_space<vmem>>, vector<16xf32>,
        tpu.vector_store %arg20[%swap3A_191], %gather3A_190 {strides = array<i32>} : memref<128xf32, #tpu.memory_space<vmem>>, vector<16xf32>,
        %get3A_193 = arith.constant 48 : index
        %get3A_194 = tpu.vector_load %arg14[%get3A_193] {strides = array<i32>} : memref<128xi32, #tpu.memory_space<vmem>>, vector<16xi32>,
        %gather3A_195 = tpu.vector_load_idx %arg22[%get3A_194] : memref<10048xf32, #tpu.memory_space<vmem>>[vector<16xi32>], vector<16xf32>,
        %swap3A_196 = arith.constant 48 : index
        %swap3A_197 = tpu.vector_load %arg20[%swap3A_196] {strides = array<i32>} : memref<128xf32, #tpu.memory_space<vmem>>, vector<16xf32>,
        tpu.vector_store %arg20[%swap3A_196], %gather3A_195 {strides = array<i32>} : memref<128xf32, #tpu.memory_space<vmem>>, vector<16xf32>,
        %get3A_198 = arith.constant 64 : index
        %get3A_199 = tpu.vector_load %arg14[%get3A_198] {strides = array<i32>} : memref<128xi32, #tpu.memory_space<vmem>>, vector<16xi32>,
        %gather3A_200 = tpu.vector_load_idx %arg22[%get3A_199] : memref<10048xf32, #tpu.memory_space<vmem>>[vector<16xi32>], vector<16xf32>,
        %swap3A_201 = arith.constant 64 : index
        %swap3A_202 = tpu.vector_load %arg20[%swap3A_201] {strides = array<i32>} : memref<128xf32, #tpu.memory_space<vmem>>, vector<16xf32>,
        tpu.vector_store %arg20[%swap3A_201], %gather3A_200 {strides = array<i32>} : memref<128xf32, #tpu.memory_space<vmem>>, vector<16xf32>,
        %get3A_203 = arith.constant 80 : index
        %get3A_204 = tpu.vector_load %arg14[%get3A_203] {strides = array<i32>} : memref<128xi32, #tpu.memory_space<vmem>>, vector<16xi32>,
        %gather3A_205 = tpu.vector_load_idx %arg22[%get3A_204] : memref<10048xf32, #tpu.memory_space<vmem>>[vector<16xi32>], vector<16xf32>,
        %swap3A_206 = arith.constant 80 : index
        %swap3A_207 = tpu.vector_load %arg20[%swap3A_206] {strides = array<i32>} : memref<128xf32, #tpu.memory_space<vmem>>, vector<16xf32>,
        tpu.vector_store %arg20[%swap3A_206], %gather3A_205 {strides = array<i32>} : memref<128xf32, #tpu.memory_space<vmem>>, vector<16xf32>,
        %get3A_208 = arith.constant 96 : index
        %get3A_209 = tpu.vector_load %arg14[%get3A_208] {strides = array<i32>} : memref<128xi32, #tpu.memory_space<vmem>>, vector<16xi32>,
        %gather3A_210 = tpu.vector_load_idx %arg22[%get3A_209] : memref<10048xf32, #tpu.memory_space<vmem>>[vector<16xi32>], vector<16xf32>,
        %swap3A_211 = arith.constant 96 : index
        %swap3A_212 = tpu.vector_load %arg20[%swap3A_211] {strides = array<i32>} : memref<128xf32, #tpu.memory_space<vmem>>, vector<16xf32>,
        tpu.vector_store %arg20[%swap3A_211], %gather3A_210 {strides = array<i32>} : memref<128xf32, #tpu.memory_space<vmem>>, vector<16xf32>,
        %get3A_213 = arith.constant 112 : index
        %get3A_214 = tpu.vector_load %arg14[%get3A_213] {strides = array<i32>} : memref<128xi32, #tpu.memory_space<vmem>>, vector<16xi32>,
        %gather3A_215 = tpu.vector_load_idx %arg22[%get3A_214] : memref<10048xf32, #tpu.memory_space<vmem>>[vector<16xi32>], vector<16xf32>,
        %swap3A_216 = arith.constant 112 : index
        %swap3A_217 = tpu.vector_load %arg20[%swap3A_216] {strides = array<i32>} : memref<128xf32, #tpu.memory_space<vmem>>, vector<16xf32>,
        tpu.vector_store %arg20[%swap3A_216], %gather3A_215 {strides = array<i32>} : memref<128xf32, #tpu.memory_space<vmem>>, vector<16xf32>,
        %dma_start3A_218 = arith.constant 0 : i32
        %dma_start3A_219 = tpu.memref_slice %arg24[%dma_start3A_218] : memref<10240xf32, #tpu.memory_space<vmem_shared>> -> memref<10240xf32, #tpu.memory_space<vmem_shared>>
        tpu.enqueue_indirect_dma source(%arg20 : memref<128xf32, #tpu.memory_space<vmem>>) target(%dma_start3A_219 : memref<10240xf32, #tpu.memory_space<vmem_shared>>) offsets(%arg10 : memref<128xi32, #tpu.memory_space<vmem>>) semaphore(%arg37 : memref<!tpu.dma_semaphore, #tpu.memory_space<semaphore_mem>>) {add = true}
        %dma_start3A_220 = arith.constant 0 : i32
        %dma_start3A_221 = arith.constant 0 : i32
        %dma_start3A_222 = tpu.memref_slice %arg23[%dma_start3A_220, %dma_start3A_221] : memref<10240x128xf32, #tpu.memory_space<vmem_shared>> -> memref<10240x128xf32, #tpu.memory_space<vmem_shared>>
        tpu.enqueue_indirect_dma source(%arg18 : memref<128x128xf32, #tpu.memory_space<vmem>>) target(%dma_start3A_222 : memref<10240x128xf32, #tpu.memory_space<vmem_shared>>) offsets(%arg14 : memref<128xi32, #tpu.memory_space<vmem>>) semaphore(%arg35 : memref<!tpu.dma_semaphore, #tpu.memory_space<semaphore_mem>>) {add = true}
        %dma_wait3A_223 = arith.constant 0 : i32
        %dma_wait3A_224 = arith.constant 0 : i32
        %dma_wait3A_225 = tpu.memref_slice %arg23[%dma_wait3A_223, %dma_wait3A_224] : memref<10240x128xf32, #tpu.memory_space<vmem_shared>> -> memref<10240x128xf32, #tpu.memory_space<vmem_shared>>
        tpu.wait_indirect_dma semaphore(%arg35 : memref<!tpu.dma_semaphore, #tpu.memory_space<semaphore_mem>>) src(%arg18 : memref<128x128xf32, #tpu.memory_space<vmem>>) dst(%dma_wait3A_225 : memref<10240x128xf32, #tpu.memory_space<vmem_shared>>)
        %dma_wait3A_226 = arith.constant 0 : i32
        %dma_wait3A_227 = tpu.memref_slice %arg24[%dma_wait3A_226] : memref<10240xf32, #tpu.memory_space<vmem_shared>> -> memref<10240xf32, #tpu.memory_space<vmem_shared>>
        tpu.wait_indirect_dma semaphore(%arg37 : memref<!tpu.dma_semaphore, #tpu.memory_space<semaphore_mem>>) src(%arg20 : memref<128xf32, #tpu.memory_space<vmem>>) dst(%dma_wait3A_227 : memref<10240xf32, #tpu.memory_space<vmem_shared>>)
        %add3A_228 = arith.constant 2 : i32
        %add3A_229 = arith.addi %mul3A_122, %add3A_228 : i32
        %add3A_230 = arith.constant 2 : i32
        %add3A_231 = arith.addi %add3A_229, %add3A_230 : i32
        %mul3A_232 = arith.constant 128 : i32
        %mul3A_233 = arith.muli %add3A_231, %mul3A_232 : i32
        %add3A_234 = arith.addi %mul3A_22, %mul3A_233 : i32
        %multiple_of3A_235 = tpu.assume_multiple %add3A_234, 128 : i32
        %lt3A = arith.constant 39 : i32
        %lt3A_236 = arith.cmpi slt, %scan3A_120, %lt3A : i32
        %convert_element_type3A_237 = arith.extui %lt3A_236 : i1 to i32
        %cond3A_238 = arith.constant 0 : i32
        %cond3A_239 = arith.cmpi ne, %convert_element_type3A_237, %cond3A_238 : i32
        scf.if %cond3A_239 {
          %dma_start3A_418 = tpu.memref_slice %arg4[%multiple_of3A_235] : memref<327680xi32, #tpu.memory_space<hbm>> -> memref<128xi32, #tpu.memory_space<hbm>>
          %dma_start3A_419 = tpu.memref_slice %arg4[%multiple_of3A_235] : memref<327680xi32, #tpu.memory_space<hbm>> -> memref<128xi32, #tpu.memory_space<hbm>>
          tpu.enqueue_dma source(%dma_start3A_419 : memref<128xi32, #tpu.memory_space<hbm>>) target(%arg10 : memref<128xi32, #tpu.memory_space<vmem>>) target_semaphore(%arg25 : memref<!tpu.dma_semaphore, #tpu.memory_space<semaphore_mem>>)
          %dma_start3A_420 = tpu.memref_slice %arg5[%multiple_of3A_235] : memref<327680xi32, #tpu.memory_space<hbm>> -> memref<128xi32, #tpu.memory_space<hbm>>
          %dma_start3A_421 = tpu.memref_slice %arg5[%multiple_of3A_235] : memref<327680xi32, #tpu.memory_space<hbm>> -> memref<128xi32, #tpu.memory_space<hbm>>
          tpu.enqueue_dma source(%dma_start3A_421 : memref<128xi32, #tpu.memory_space<hbm>>) target(%arg14 : memref<128xi32, #tpu.memory_space<vmem>>) target_semaphore(%arg29 : memref<!tpu.dma_semaphore, #tpu.memory_space<semaphore_mem>>)
        } else {
        }
        %dma_wait3A_240 = tpu.memref_slice %arg4[%mul3A_22] : memref<327680xi32, #tpu.memory_space<hbm>> -> memref<128xi32, #tpu.memory_space<hbm>>
        %dma_wait3A_241 = tpu.memref_slice %arg4[%mul3A_22] : memref<327680xi32, #tpu.memory_space<hbm>> -> memref<128xi32, #tpu.memory_space<hbm>>
        tpu.wait_dma2 semaphore(%arg27 : memref<!tpu.dma_semaphore, #tpu.memory_space<semaphore_mem>>) src(%dma_wait3A_241 : memref<128xi32, #tpu.memory_space<hbm>>) dst(%arg12 : memref<128xi32, #tpu.memory_space<vmem>>)
        %dma_start3A_242 = arith.constant 0 : i32
        %dma_start3A_243 = arith.constant 0 : i32
        %dma_start3A_244 = tpu.memref_slice %arg2[%dma_start3A_242, %dma_start3A_243] : memref<10000x128xf32, #tpu.memory_space<hbm>> -> memref<10000x128xf32, #tpu.memory_space<hbm>>
        tpu.enqueue_indirect_dma source(%dma_start3A_244 : memref<10000x128xf32, #tpu.memory_space<hbm>>) target(%arg18 : memref<128x128xf32, #tpu.memory_space<vmem>>) offsets(%arg12 : memref<128xi32, #tpu.memory_space<vmem>>) semaphore(%arg33 : memref<!tpu.dma_semaphore, #tpu.memory_space<semaphore_mem>>)
        %dma_wait3A_245 = arith.constant 0 : i32
        %dma_wait3A_246 = arith.constant 0 : i32
        %dma_wait3A_247 = tpu.memref_slice %arg2[%dma_wait3A_245, %dma_wait3A_246] : memref<10000x128xf32, #tpu.memory_space<hbm>> -> memref<10000x128xf32, #tpu.memory_space<hbm>>
        tpu.wait_indirect_dma semaphore(%arg34 : memref<!tpu.dma_semaphore, #tpu.memory_space<semaphore_mem>>) src(%dma_wait3A_247 : memref<10000x128xf32, #tpu.memory_space<hbm>>) dst(%arg19 : memref<128x128xf32, #tpu.memory_space<vmem>>)
        %dma_wait3A_248 = tpu.memref_slice %arg5[%mul3A_22] : memref<327680xi32, #tpu.memory_space<hbm>> -> memref<128xi32, #tpu.memory_space<hbm>>
        %dma_wait3A_249 = tpu.memref_slice %arg5[%mul3A_22] : memref<327680xi32, #tpu.memory_space<hbm>> -> memref<128xi32, #tpu.memory_space<hbm>>
        tpu.wait_dma2 semaphore(%arg30 : memref<!tpu.dma_semaphore, #tpu.memory_space<semaphore_mem>>) src(%dma_wait3A_249 : memref<128xi32, #tpu.memory_space<hbm>>) dst(%arg15 : memref<128xi32, #tpu.memory_space<vmem>>)
        %get3A_250 = arith.constant 0 : index
        %get3A_251 = tpu.vector_load %arg15[%get3A_250] {strides = array<i32>} : memref<128xi32, #tpu.memory_space<vmem>>, vector<16xi32>,
        %gather3A_252 = tpu.vector_load_idx %arg22[%get3A_251] : memref<10048xf32, #tpu.memory_space<vmem>>[vector<16xi32>], vector<16xf32>,
        %swap3A_253 = arith.constant 0 : index
        %swap3A_254 = tpu.vector_load %arg21[%swap3A_253] {strides = array<i32>} : memref<128xf32, #tpu.memory_space<vmem>>, vector<16xf32>,
        tpu.vector_store %arg21[%swap3A_253], %gather3A_252 {strides = array<i32>} : memref<128xf32, #tpu.memory_space<vmem>>, vector<16xf32>,
        %get3A_255 = arith.constant 16 : index
        %get3A_256 = tpu.vector_load %arg15[%get3A_255] {strides = array<i32>} : memref<128xi32, #tpu.memory_space<vmem>>, vector<16xi32>,
        %gather3A_257 = tpu.vector_load_idx %arg22[%get3A_256] : memref<10048xf32, #tpu.memory_space<vmem>>[vector<16xi32>], vector<16xf32>,
        %swap3A_258 = arith.constant 16 : index
        %swap3A_259 = tpu.vector_load %arg21[%swap3A_258] {strides = array<i32>} : memref<128xf32, #tpu.memory_space<vmem>>, vector<16xf32>,
        tpu.vector_store %arg21[%swap3A_258], %gather3A_257 {strides = array<i32>} : memref<128xf32, #tpu.memory_space<vmem>>, vector<16xf32>,
        %get3A_260 = arith.constant 32 : index
        %get3A_261 = tpu.vector_load %arg15[%get3A_260] {strides = array<i32>} : memref<128xi32, #tpu.memory_space<vmem>>, vector<16xi32>,
        %gather3A_262 = tpu.vector_load_idx %arg22[%get3A_261] : memref<10048xf32, #tpu.memory_space<vmem>>[vector<16xi32>], vector<16xf32>,
        %swap3A_263 = arith.constant 32 : index
        %swap3A_264 = tpu.vector_load %arg21[%swap3A_263] {strides = array<i32>} : memref<128xf32, #tpu.memory_space<vmem>>, vector<16xf32>,
        tpu.vector_store %arg21[%swap3A_263], %gather3A_262 {strides = array<i32>} : memref<128xf32, #tpu.memory_space<vmem>>, vector<16xf32>,
        %get3A_265 = arith.constant 48 : index
        %get3A_266 = tpu.vector_load %arg15[%get3A_265] {strides = array<i32>} : memref<128xi32, #tpu.memory_space<vmem>>, vector<16xi32>,
        %gather3A_267 = tpu.vector_load_idx %arg22[%get3A_266] : memref<10048xf32, #tpu.memory_space<vmem>>[vector<16xi32>], vector<16xf32>,
        %swap3A_268 = arith.constant 48 : index
        %swap3A_269 = tpu.vector_load %arg21[%swap3A_268] {strides = array<i32>} : memref<128xf32, #tpu.memory_space<vmem>>, vector<16xf32>,
        tpu.vector_store %arg21[%swap3A_268], %gather3A_267 {strides = array<i32>} : memref<128xf32, #tpu.memory_space<vmem>>, vector<16xf32>,
        %get3A_270 = arith.constant 64 : index
        %get3A_271 = tpu.vector_load %arg15[%get3A_270] {strides = array<i32>} : memref<128xi32, #tpu.memory_space<vmem>>, vector<16xi32>,
        %gather3A_272 = tpu.vector_load_idx %arg22[%get3A_271] : memref<10048xf32, #tpu.memory_space<vmem>>[vector<16xi32>], vector<16xf32>,
        %swap3A_273 = arith.constant 64 : index
        %swap3A_274 = tpu.vector_load %arg21[%swap3A_273] {strides = array<i32>} : memref<128xf32, #tpu.memory_space<vmem>>, vector<16xf32>,
        tpu.vector_store %arg21[%swap3A_273], %gather3A_272 {strides = array<i32>} : memref<128xf32, #tpu.memory_space<vmem>>, vector<16xf32>,
        %get3A_275 = arith.constant 80 : index
        %get3A_276 = tpu.vector_load %arg15[%get3A_275] {strides = array<i32>} : memref<128xi32, #tpu.memory_space<vmem>>, vector<16xi32>,
        %gather3A_277 = tpu.vector_load_idx %arg22[%get3A_276] : memref<10048xf32, #tpu.memory_space<vmem>>[vector<16xi32>], vector<16xf32>,
        %swap3A_278 = arith.constant 80 : index
        %swap3A_279 = tpu.vector_load %arg21[%swap3A_278] {strides = array<i32>} : memref<128xf32, #tpu.memory_space<vmem>>, vector<16xf32>,
        tpu.vector_store %arg21[%swap3A_278], %gather3A_277 {strides = array<i32>} : memref<128xf32, #tpu.memory_space<vmem>>, vector<16xf32>,
        %get3A_280 = arith.constant 96 : index
        %get3A_281 = tpu.vector_load %arg15[%get3A_280] {strides = array<i32>} : memref<128xi32, #tpu.memory_space<vmem>>, vector<16xi32>,
        %gather3A_282 = tpu.vector_load_idx %arg22[%get3A_281] : memref<10048xf32, #tpu.memory_space<vmem>>[vector<16xi32>], vector<16xf32>,
        %swap3A_283 = arith.constant 96 : index
        %swap3A_284 = tpu.vector_load %arg21[%swap3A_283] {strides = array<i32>} : memref<128xf32, #tpu.memory_space<vmem>>, vector<16xf32>,
        tpu.vector_store %arg21[%swap3A_283], %gather3A_282 {strides = array<i32>} : memref<128xf32, #tpu.memory_space<vmem>>, vector<16xf32>,
        %get3A_285 = arith.constant 112 : index
        %get3A_286 = tpu.vector_load %arg15[%get3A_285] {strides = array<i32>} : memref<128xi32, #tpu.memory_space<vmem>>, vector<16xi32>,
        %gather3A_287 = tpu.vector_load_idx %arg22[%get3A_286] : memref<10048xf32, #tpu.memory_space<vmem>>[vector<16xi32>], vector<16xf32>,
        %swap3A_288 = arith.constant 112 : index
        %swap3A_289 = tpu.vector_load %arg21[%swap3A_288] {strides = array<i32>} : memref<128xf32, #tpu.memory_space<vmem>>, vector<16xf32>,
        tpu.vector_store %arg21[%swap3A_288], %gather3A_287 {strides = array<i32>} : memref<128xf32, #tpu.memory_space<vmem>>, vector<16xf32>,
        %dma_start3A_290 = arith.constant 0 : i32
        %dma_start3A_291 = tpu.memref_slice %arg24[%dma_start3A_290] : memref<10240xf32, #tpu.memory_space<vmem_shared>> -> memref<10240xf32, #tpu.memory_space<vmem_shared>>
        tpu.enqueue_indirect_dma source(%arg21 : memref<128xf32, #tpu.memory_space<vmem>>) target(%dma_start3A_291 : memref<10240xf32, #tpu.memory_space<vmem_shared>>) offsets(%arg11 : memref<128xi32, #tpu.memory_space<vmem>>) semaphore(%arg38 : memref<!tpu.dma_semaphore, #tpu.memory_space<semaphore_mem>>) {add = true}
        %dma_start3A_292 = arith.constant 0 : i32
        %dma_start3A_293 = arith.constant 0 : i32
        %dma_start3A_294 = tpu.memref_slice %arg23[%dma_start3A_292, %dma_start3A_293] : memref<10240x128xf32, #tpu.memory_space<vmem_shared>> -> memref<10240x128xf32, #tpu.memory_space<vmem_shared>>
        tpu.enqueue_indirect_dma source(%arg19 : memref<128x128xf32, #tpu.memory_space<vmem>>) target(%dma_start3A_294 : memref<10240x128xf32, #tpu.memory_space<vmem_shared>>) offsets(%arg15 : memref<128xi32, #tpu.memory_space<vmem>>) semaphore(%arg36 : memref<!tpu.dma_semaphore, #tpu.memory_space<semaphore_mem>>) {add = true}
        %dma_wait3A_295 = arith.constant 0 : i32
        %dma_wait3A_296 = arith.constant 0 : i32
        %dma_wait3A_297 = tpu.memref_slice %arg23[%dma_wait3A_295, %dma_wait3A_296] : memref<10240x128xf32, #tpu.memory_space<vmem_shared>> -> memref<10240x128xf32, #tpu.memory_space<vmem_shared>>
        tpu.wait_indirect_dma semaphore(%arg36 : memref<!tpu.dma_semaphore, #tpu.memory_space<semaphore_mem>>) src(%arg19 : memref<128x128xf32, #tpu.memory_space<vmem>>) dst(%dma_wait3A_297 : memref<10240x128xf32, #tpu.memory_space<vmem_shared>>)
        %dma_wait3A_298 = arith.constant 0 : i32
        %dma_wait3A_299 = tpu.memref_slice %arg24[%dma_wait3A_298] : memref<10240xf32, #tpu.memory_space<vmem_shared>> -> memref<10240xf32, #tpu.memory_space<vmem_shared>>
        tpu.wait_indirect_dma semaphore(%arg38 : memref<!tpu.dma_semaphore, #tpu.memory_space<semaphore_mem>>) src(%arg21 : memref<128xf32, #tpu.memory_space<vmem>>) dst(%dma_wait3A_299 : memref<10240xf32, #tpu.memory_space<vmem_shared>>)
        %add3A_300 = arith.constant 3 : i32
        %add3A_301 = arith.addi %mul3A_122, %add3A_300 : i32
        %add3A_302 = arith.constant 2 : i32
        %add3A_303 = arith.addi %add3A_301, %add3A_302 : i32
        %mul3A_304 = arith.constant 128 : i32
        %mul3A_305 = arith.muli %add3A_303, %mul3A_304 : i32
        %add3A_306 = arith.addi %mul3A_22, %mul3A_305 : i32
        %multiple_of3A_307 = tpu.assume_multiple %add3A_306, 128 : i32
        %lt3A_308 = arith.constant 39 : i32
        %lt3A_309 = arith.cmpi slt, %scan3A_120, %lt3A_308 : i32
        %convert_element_type3A_310 = arith.extui %lt3A_309 : i1 to i32
        %cond3A_311 = arith.constant 0 : i32
        %cond3A_312 = arith.cmpi ne, %convert_element_type3A_310, %cond3A_311 : i32
        scf.if %cond3A_312 {
          %dma_start3A_418 = tpu.memref_slice %arg4[%multiple_of3A_307] : memref<327680xi32, #tpu.memory_space<hbm>> -> memref<128xi32, #tpu.memory_space<hbm>>
          %dma_start3A_419 = tpu.memref_slice %arg4[%multiple_of3A_307] : memref<327680xi32, #tpu.memory_space<hbm>> -> memref<128xi32, #tpu.memory_space<hbm>>
          tpu.enqueue_dma source(%dma_start3A_419 : memref<128xi32, #tpu.memory_space<hbm>>) target(%arg11 : memref<128xi32, #tpu.memory_space<vmem>>) target_semaphore(%arg26 : memref<!tpu.dma_semaphore, #tpu.memory_space<semaphore_mem>>)
          %dma_start3A_420 = tpu.memref_slice %arg5[%multiple_of3A_307] : memref<327680xi32, #tpu.memory_space<hbm>> -> memref<128xi32, #tpu.memory_space<hbm>>
          %dma_start3A_421 = tpu.memref_slice %arg5[%multiple_of3A_307] : memref<327680xi32, #tpu.memory_space<hbm>> -> memref<128xi32, #tpu.memory_space<hbm>>
          tpu.enqueue_dma source(%dma_start3A_421 : memref<128xi32, #tpu.memory_space<hbm>>) target(%arg15 : memref<128xi32, #tpu.memory_space<vmem>>) target_semaphore(%arg30 : memref<!tpu.dma_semaphore, #tpu.memory_space<semaphore_mem>>)
        } else {
        }
        %dma_wait3A_313 = tpu.memref_slice %arg4[%mul3A_22] : memref<327680xi32, #tpu.memory_space<hbm>> -> memref<128xi32, #tpu.memory_space<hbm>>
        %dma_wait3A_314 = tpu.memref_slice %arg4[%mul3A_22] : memref<327680xi32, #tpu.memory_space<hbm>> -> memref<128xi32, #tpu.memory_space<hbm>>
        tpu.wait_dma2 semaphore(%arg28 : memref<!tpu.dma_semaphore, #tpu.memory_space<semaphore_mem>>) src(%dma_wait3A_314 : memref<128xi32, #tpu.memory_space<hbm>>) dst(%arg13 : memref<128xi32, #tpu.memory_space<vmem>>)
        %dma_start3A_315 = arith.constant 0 : i32
        %dma_start3A_316 = arith.constant 0 : i32
        %dma_start3A_317 = tpu.memref_slice %arg2[%dma_start3A_315, %dma_start3A_316] : memref<10000x128xf32, #tpu.memory_space<hbm>> -> memref<10000x128xf32, #tpu.memory_space<hbm>>
        tpu.enqueue_indirect_dma source(%dma_start3A_317 : memref<10000x128xf32, #tpu.memory_space<hbm>>) target(%arg19 : memref<128x128xf32, #tpu.memory_space<vmem>>) offsets(%arg13 : memref<128xi32, #tpu.memory_space<vmem>>) semaphore(%arg34 : memref<!tpu.dma_semaphore, #tpu.memory_space<semaphore_mem>>)
        %dma_wait3A_318 = arith.constant 0 : i32
        %dma_wait3A_319 = arith.constant 0 : i32
        %dma_wait3A_320 = tpu.memref_slice %arg2[%dma_wait3A_318, %dma_wait3A_319] : memref<10000x128xf32, #tpu.memory_space<hbm>> -> memref<10000x128xf32, #tpu.memory_space<hbm>>
        tpu.wait_indirect_dma semaphore(%arg33 : memref<!tpu.dma_semaphore, #tpu.memory_space<semaphore_mem>>) src(%dma_wait3A_320 : memref<10000x128xf32, #tpu.memory_space<hbm>>) dst(%arg18 : memref<128x128xf32, #tpu.memory_space<vmem>>)
        %dma_wait3A_321 = tpu.memref_slice %arg5[%mul3A_22] : memref<327680xi32, #tpu.memory_space<hbm>> -> memref<128xi32, #tpu.memory_space<hbm>>
        %dma_wait3A_322 = tpu.memref_slice %arg5[%mul3A_22] : memref<327680xi32, #tpu.memory_space<hbm>> -> memref<128xi32, #tpu.memory_space<hbm>>
        tpu.wait_dma2 semaphore(%arg31 : memref<!tpu.dma_semaphore, #tpu.memory_space<semaphore_mem>>) src(%dma_wait3A_322 : memref<128xi32, #tpu.memory_space<hbm>>) dst(%arg16 : memref<128xi32, #tpu.memory_space<vmem>>)
        %get3A_323 = arith.constant 0 : index
        %get3A_324 = tpu.vector_load %arg16[%get3A_323] {strides = array<i32>} : memref<128xi32, #tpu.memory_space<vmem>>, vector<16xi32>,
        %gather3A_325 = tpu.vector_load_idx %arg22[%get3A_324] : memref<10048xf32, #tpu.memory_space<vmem>>[vector<16xi32>], vector<16xf32>,
        %swap3A_326 = arith.constant 0 : index
        %swap3A_327 = tpu.vector_load %arg20[%swap3A_326] {strides = array<i32>} : memref<128xf32, #tpu.memory_space<vmem>>, vector<16xf32>,
        tpu.vector_store %arg20[%swap3A_326], %gather3A_325 {strides = array<i32>} : memref<128xf32, #tpu.memory_space<vmem>>, vector<16xf32>,
        %get3A_328 = arith.constant 16 : index
        %get3A_329 = tpu.vector_load %arg16[%get3A_328] {strides = array<i32>} : memref<128xi32, #tpu.memory_space<vmem>>, vector<16xi32>,
        %gather3A_330 = tpu.vector_load_idx %arg22[%get3A_329] : memref<10048xf32, #tpu.memory_space<vmem>>[vector<16xi32>], vector<16xf32>,
        %swap3A_331 = arith.constant 16 : index
        %swap3A_332 = tpu.vector_load %arg20[%swap3A_331] {strides = array<i32>} : memref<128xf32, #tpu.memory_space<vmem>>, vector<16xf32>,
        tpu.vector_store %arg20[%swap3A_331], %gather3A_330 {strides = array<i32>} : memref<128xf32, #tpu.memory_space<vmem>>, vector<16xf32>,
        %get3A_333 = arith.constant 32 : index
        %get3A_334 = tpu.vector_load %arg16[%get3A_333] {strides = array<i32>} : memref<128xi32, #tpu.memory_space<vmem>>, vector<16xi32>,
        %gather3A_335 = tpu.vector_load_idx %arg22[%get3A_334] : memref<10048xf32, #tpu.memory_space<vmem>>[vector<16xi32>], vector<16xf32>,
        %swap3A_336 = arith.constant 32 : index
        %swap3A_337 = tpu.vector_load %arg20[%swap3A_336] {strides = array<i32>} : memref<128xf32, #tpu.memory_space<vmem>>, vector<16xf32>,
        tpu.vector_store %arg20[%swap3A_336], %gather3A_335 {strides = array<i32>} : memref<128xf32, #tpu.memory_space<vmem>>, vector<16xf32>,
        %get3A_338 = arith.constant 48 : index
        %get3A_339 = tpu.vector_load %arg16[%get3A_338] {strides = array<i32>} : memref<128xi32, #tpu.memory_space<vmem>>, vector<16xi32>,
        %gather3A_340 = tpu.vector_load_idx %arg22[%get3A_339] : memref<10048xf32, #tpu.memory_space<vmem>>[vector<16xi32>], vector<16xf32>,
        %swap3A_341 = arith.constant 48 : index
        %swap3A_342 = tpu.vector_load %arg20[%swap3A_341] {strides = array<i32>} : memref<128xf32, #tpu.memory_space<vmem>>, vector<16xf32>,
        tpu.vector_store %arg20[%swap3A_341], %gather3A_340 {strides = array<i32>} : memref<128xf32, #tpu.memory_space<vmem>>, vector<16xf32>,
        %get3A_343 = arith.constant 64 : index
        %get3A_344 = tpu.vector_load %arg16[%get3A_343] {strides = array<i32>} : memref<128xi32, #tpu.memory_space<vmem>>, vector<16xi32>,
        %gather3A_345 = tpu.vector_load_idx %arg22[%get3A_344] : memref<10048xf32, #tpu.memory_space<vmem>>[vector<16xi32>], vector<16xf32>,
        %swap3A_346 = arith.constant 64 : index
        %swap3A_347 = tpu.vector_load %arg20[%swap3A_346] {strides = array<i32>} : memref<128xf32, #tpu.memory_space<vmem>>, vector<16xf32>,
        tpu.vector_store %arg20[%swap3A_346], %gather3A_345 {strides = array<i32>} : memref<128xf32, #tpu.memory_space<vmem>>, vector<16xf32>,
        %get3A_348 = arith.constant 80 : index
        %get3A_349 = tpu.vector_load %arg16[%get3A_348] {strides = array<i32>} : memref<128xi32, #tpu.memory_space<vmem>>, vector<16xi32>,
        %gather3A_350 = tpu.vector_load_idx %arg22[%get3A_349] : memref<10048xf32, #tpu.memory_space<vmem>>[vector<16xi32>], vector<16xf32>,
        %swap3A_351 = arith.constant 80 : index
        %swap3A_352 = tpu.vector_load %arg20[%swap3A_351] {strides = array<i32>} : memref<128xf32, #tpu.memory_space<vmem>>, vector<16xf32>,
        tpu.vector_store %arg20[%swap3A_351], %gather3A_350 {strides = array<i32>} : memref<128xf32, #tpu.memory_space<vmem>>, vector<16xf32>,
        %get3A_353 = arith.constant 96 : index
        %get3A_354 = tpu.vector_load %arg16[%get3A_353] {strides = array<i32>} : memref<128xi32, #tpu.memory_space<vmem>>, vector<16xi32>,
        %gather3A_355 = tpu.vector_load_idx %arg22[%get3A_354] : memref<10048xf32, #tpu.memory_space<vmem>>[vector<16xi32>], vector<16xf32>,
        %swap3A_356 = arith.constant 96 : index
        %swap3A_357 = tpu.vector_load %arg20[%swap3A_356] {strides = array<i32>} : memref<128xf32, #tpu.memory_space<vmem>>, vector<16xf32>,
        tpu.vector_store %arg20[%swap3A_356], %gather3A_355 {strides = array<i32>} : memref<128xf32, #tpu.memory_space<vmem>>, vector<16xf32>,
        %get3A_358 = arith.constant 112 : index
        %get3A_359 = tpu.vector_load %arg16[%get3A_358] {strides = array<i32>} : memref<128xi32, #tpu.memory_space<vmem>>, vector<16xi32>,
        %gather3A_360 = tpu.vector_load_idx %arg22[%get3A_359] : memref<10048xf32, #tpu.memory_space<vmem>>[vector<16xi32>], vector<16xf32>,
        %swap3A_361 = arith.constant 112 : index
        %swap3A_362 = tpu.vector_load %arg20[%swap3A_361] {strides = array<i32>} : memref<128xf32, #tpu.memory_space<vmem>>, vector<16xf32>,
        tpu.vector_store %arg20[%swap3A_361], %gather3A_360 {strides = array<i32>} : memref<128xf32, #tpu.memory_space<vmem>>, vector<16xf32>,
        %dma_start3A_363 = arith.constant 0 : i32
        %dma_start3A_364 = tpu.memref_slice %arg24[%dma_start3A_363] : memref<10240xf32, #tpu.memory_space<vmem_shared>> -> memref<10240xf32, #tpu.memory_space<vmem_shared>>
        tpu.enqueue_indirect_dma source(%arg20 : memref<128xf32, #tpu.memory_space<vmem>>) target(%dma_start3A_364 : memref<10240xf32, #tpu.memory_space<vmem_shared>>) offsets(%arg12 : memref<128xi32, #tpu.memory_space<vmem>>) semaphore(%arg37 : memref<!tpu.dma_semaphore, #tpu.memory_space<semaphore_mem>>) {add = true}
        %dma_start3A_365 = arith.constant 0 : i32
        %dma_start3A_366 = arith.constant 0 : i32
        %dma_start3A_367 = tpu.memref_slice %arg23[%dma_start3A_365, %dma_start3A_366] : memref<10240x128xf32, #tpu.memory_space<vmem_shared>> -> memref<10240x128xf32, #tpu.memory_space<vmem_shared>>
        tpu.enqueue_indirect_dma source(%arg18 : memref<128x128xf32, #tpu.memory_space<vmem>>) target(%dma_start3A_367 : memref<10240x128xf32, #tpu.memory_space<vmem_shared>>) offsets(%arg16 : memref<128xi32, #tpu.memory_space<vmem>>) semaphore(%arg35 : memref<!tpu.dma_semaphore, #tpu.memory_space<semaphore_mem>>) {add = true}
        %dma_wait3A_368 = arith.constant 0 : i32
        %dma_wait3A_369 = arith.constant 0 : i32
        %dma_wait3A_370 = tpu.memref_slice %arg2[%dma_wait3A_368, %dma_wait3A_369] : memref<10000x128xf32, #tpu.memory_space<hbm>> -> memref<10000x128xf32, #tpu.memory_space<hbm>>
        tpu.wait_indirect_dma semaphore(%arg34 : memref<!tpu.dma_semaphore, #tpu.memory_space<semaphore_mem>>) src(%dma_wait3A_370 : memref<10000x128xf32, #tpu.memory_space<hbm>>) dst(%arg19 : memref<128x128xf32, #tpu.memory_space<vmem>>)
        %dma_wait3A_371 = tpu.memref_slice %arg5[%mul3A_22] : memref<327680xi32, #tpu.memory_space<hbm>> -> memref<128xi32, #tpu.memory_space<hbm>>
        %dma_wait3A_372 = tpu.memref_slice %arg5[%mul3A_22] : memref<327680xi32, #tpu.memory_space<hbm>> -> memref<128xi32, #tpu.memory_space<hbm>>
        tpu.wait_dma2 semaphore(%arg32 : memref<!tpu.dma_semaphore, #tpu.memory_space<semaphore_mem>>) src(%dma_wait3A_372 : memref<128xi32, #tpu.memory_space<hbm>>) dst(%arg17 : memref<128xi32, #tpu.memory_space<vmem>>)
        %get3A_373 = arith.constant 0 : index
        %get3A_374 = tpu.vector_load %arg17[%get3A_373] {strides = array<i32>} : memref<128xi32, #tpu.memory_space<vmem>>, vector<16xi32>,
        %gather3A_375 = tpu.vector_load_idx %arg22[%get3A_374] : memref<10048xf32, #tpu.memory_space<vmem>>[vector<16xi32>], vector<16xf32>,
        %swap3A_376 = arith.constant 0 : index
        %swap3A_377 = tpu.vector_load %arg21[%swap3A_376] {strides = array<i32>} : memref<128xf32, #tpu.memory_space<vmem>>, vector<16xf32>,
        tpu.vector_store %arg21[%swap3A_376], %gather3A_375 {strides = array<i32>} : memref<128xf32, #tpu.memory_space<vmem>>, vector<16xf32>,
        %get3A_378 = arith.constant 16 : index
        %get3A_379 = tpu.vector_load %arg17[%get3A_378] {strides = array<i32>} : memref<128xi32, #tpu.memory_space<vmem>>, vector<16xi32>,
        %gather3A_380 = tpu.vector_load_idx %arg22[%get3A_379] : memref<10048xf32, #tpu.memory_space<vmem>>[vector<16xi32>], vector<16xf32>,
        %swap3A_381 = arith.constant 16 : index
        %swap3A_382 = tpu.vector_load %arg21[%swap3A_381] {strides = array<i32>} : memref<128xf32, #tpu.memory_space<vmem>>, vector<16xf32>,
        tpu.vector_store %arg21[%swap3A_381], %gather3A_380 {strides = array<i32>} : memref<128xf32, #tpu.memory_space<vmem>>, vector<16xf32>,
        %get3A_383 = arith.constant 32 : index
        %get3A_384 = tpu.vector_load %arg17[%get3A_383] {strides = array<i32>} : memref<128xi32, #tpu.memory_space<vmem>>, vector<16xi32>,
        %gather3A_385 = tpu.vector_load_idx %arg22[%get3A_384] : memref<10048xf32, #tpu.memory_space<vmem>>[vector<16xi32>], vector<16xf32>,
        %swap3A_386 = arith.constant 32 : index
        %swap3A_387 = tpu.vector_load %arg21[%swap3A_386] {strides = array<i32>} : memref<128xf32, #tpu.memory_space<vmem>>, vector<16xf32>,
        tpu.vector_store %arg21[%swap3A_386], %gather3A_385 {strides = array<i32>} : memref<128xf32, #tpu.memory_space<vmem>>, vector<16xf32>,
        %get3A_388 = arith.constant 48 : index
        %get3A_389 = tpu.vector_load %arg17[%get3A_388] {strides = array<i32>} : memref<128xi32, #tpu.memory_space<vmem>>, vector<16xi32>,
        %gather3A_390 = tpu.vector_load_idx %arg22[%get3A_389] : memref<10048xf32, #tpu.memory_space<vmem>>[vector<16xi32>], vector<16xf32>,
        %swap3A_391 = arith.constant 48 : index
        %swap3A_392 = tpu.vector_load %arg21[%swap3A_391] {strides = array<i32>} : memref<128xf32, #tpu.memory_space<vmem>>, vector<16xf32>,
        tpu.vector_store %arg21[%swap3A_391], %gather3A_390 {strides = array<i32>} : memref<128xf32, #tpu.memory_space<vmem>>, vector<16xf32>,
        %get3A_393 = arith.constant 64 : index
        %get3A_394 = tpu.vector_load %arg17[%get3A_393] {strides = array<i32>} : memref<128xi32, #tpu.memory_space<vmem>>, vector<16xi32>,
        %gather3A_395 = tpu.vector_load_idx %arg22[%get3A_394] : memref<10048xf32, #tpu.memory_space<vmem>>[vector<16xi32>], vector<16xf32>,
        %swap3A_396 = arith.constant 64 : index
        %swap3A_397 = tpu.vector_load %arg21[%swap3A_396] {strides = array<i32>} : memref<128xf32, #tpu.memory_space<vmem>>, vector<16xf32>,
        tpu.vector_store %arg21[%swap3A_396], %gather3A_395 {strides = array<i32>} : memref<128xf32, #tpu.memory_space<vmem>>, vector<16xf32>,
        %get3A_398 = arith.constant 80 : index
        %get3A_399 = tpu.vector_load %arg17[%get3A_398] {strides = array<i32>} : memref<128xi32, #tpu.memory_space<vmem>>, vector<16xi32>,
        %gather3A_400 = tpu.vector_load_idx %arg22[%get3A_399] : memref<10048xf32, #tpu.memory_space<vmem>>[vector<16xi32>], vector<16xf32>,
        %swap3A_401 = arith.constant 80 : index
        %swap3A_402 = tpu.vector_load %arg21[%swap3A_401] {strides = array<i32>} : memref<128xf32, #tpu.memory_space<vmem>>, vector<16xf32>,
        tpu.vector_store %arg21[%swap3A_401], %gather3A_400 {strides = array<i32>} : memref<128xf32, #tpu.memory_space<vmem>>, vector<16xf32>,
        %get3A_403 = arith.constant 96 : index
        %get3A_404 = tpu.vector_load %arg17[%get3A_403] {strides = array<i32>} : memref<128xi32, #tpu.memory_space<vmem>>, vector<16xi32>,
        %gather3A_405 = tpu.vector_load_idx %arg22[%get3A_404] : memref<10048xf32, #tpu.memory_space<vmem>>[vector<16xi32>], vector<16xf32>,
        %swap3A_406 = arith.constant 96 : index
        %swap3A_407 = tpu.vector_load %arg21[%swap3A_406] {strides = array<i32>} : memref<128xf32, #tpu.memory_space<vmem>>, vector<16xf32>,
        tpu.vector_store %arg21[%swap3A_406], %gather3A_405 {strides = array<i32>} : memref<128xf32, #tpu.memory_space<vmem>>, vector<16xf32>,
        %get3A_408 = arith.constant 112 : index
        %get3A_409 = tpu.vector_load %arg17[%get3A_408] {strides = array<i32>} : memref<128xi32, #tpu.memory_space<vmem>>, vector<16xi32>,
        %gather3A_410 = tpu.vector_load_idx %arg22[%get3A_409] : memref<10048xf32, #tpu.memory_space<vmem>>[vector<16xi32>], vector<16xf32>,
        %swap3A_411 = arith.constant 112 : index
        %swap3A_412 = tpu.vector_load %arg21[%swap3A_411] {strides = array<i32>} : memref<128xf32, #tpu.memory_space<vmem>>, vector<16xf32>,
        tpu.vector_store %arg21[%swap3A_411], %gather3A_410 {strides = array<i32>} : memref<128xf32, #tpu.memory_space<vmem>>, vector<16xf32>,
        %dma_start3A_413 = arith.constant 0 : i32
        %dma_start3A_414 = tpu.memref_slice %arg24[%dma_start3A_413] : memref<10240xf32, #tpu.memory_space<vmem_shared>> -> memref<10240xf32, #tpu.memory_space<vmem_shared>>
        tpu.enqueue_indirect_dma source(%arg21 : memref<128xf32, #tpu.memory_space<vmem>>) target(%dma_start3A_414 : memref<10240xf32, #tpu.memory_space<vmem_shared>>) offsets(%arg13 : memref<128xi32, #tpu.memory_space<vmem>>) semaphore(%arg38 : memref<!tpu.dma_semaphore, #tpu.memory_space<semaphore_mem>>) {add = true}
        %dma_start3A_415 = arith.constant 0 : i32
        %dma_start3A_416 = arith.constant 0 : i32
        %dma_start3A_417 = tpu.memref_slice %arg23[%dma_start3A_415, %dma_start3A_416] : memref<10240x128xf32, #tpu.memory_space<vmem_shared>> -> memref<10240x128xf32, #tpu.memory_space<vmem_shared>>
        tpu.enqueue_indirect_dma source(%arg19 : memref<128x128xf32, #tpu.memory_space<vmem>>) target(%dma_start3A_417 : memref<10240x128xf32, #tpu.memory_space<vmem_shared>>) offsets(%arg17 : memref<128xi32, #tpu.memory_space<vmem>>) semaphore(%arg36 : memref<!tpu.dma_semaphore, #tpu.memory_space<semaphore_mem>>) {add = true}
      }
      %scan3A_110 = arith.constant 40 : i32
      %dma_wait3A = arith.constant 0 : i32
      %dma_wait3A_111 = arith.constant 0 : i32
      %dma_wait3A_112 = tpu.memref_slice %arg23[%dma_wait3A, %dma_wait3A_111] : memref<10240x128xf32, #tpu.memory_space<vmem_shared>> -> memref<10240x128xf32, #tpu.memory_space<vmem_shared>>
      tpu.wait_indirect_dma semaphore(%arg35 : memref<!tpu.dma_semaphore, #tpu.memory_space<semaphore_mem>>) src(%arg18 : memref<128x128xf32, #tpu.memory_space<vmem>>) dst(%dma_wait3A_112 : memref<10240x128xf32, #tpu.memory_space<vmem_shared>>)
      %dma_wait3A_113 = arith.constant 0 : i32
      %dma_wait3A_114 = arith.constant 0 : i32
      %dma_wait3A_115 = tpu.memref_slice %arg23[%dma_wait3A_113, %dma_wait3A_114] : memref<10240x128xf32, #tpu.memory_space<vmem_shared>> -> memref<10240x128xf32, #tpu.memory_space<vmem_shared>>
      tpu.wait_indirect_dma semaphore(%arg36 : memref<!tpu.dma_semaphore, #tpu.memory_space<semaphore_mem>>) src(%arg19 : memref<128x128xf32, #tpu.memory_space<vmem>>) dst(%dma_wait3A_115 : memref<10240x128xf32, #tpu.memory_space<vmem_shared>>)
      %dma_wait3A_116 = arith.constant 0 : i32
      %dma_wait3A_117 = tpu.memref_slice %arg24[%dma_wait3A_116] : memref<10240xf32, #tpu.memory_space<vmem_shared>> -> memref<10240xf32, #tpu.memory_space<vmem_shared>>
      tpu.wait_indirect_dma semaphore(%arg37 : memref<!tpu.dma_semaphore, #tpu.memory_space<semaphore_mem>>) src(%arg20 : memref<128xf32, #tpu.memory_space<vmem>>) dst(%dma_wait3A_117 : memref<10240xf32, #tpu.memory_space<vmem_shared>>)
      %dma_wait3A_118 = arith.constant 0 : i32
      %dma_wait3A_119 = tpu.memref_slice %arg24[%dma_wait3A_118] : memref<10240xf32, #tpu.memory_space<vmem_shared>> -> memref<10240xf32, #tpu.memory_space<vmem_shared>>
      tpu.wait_indirect_dma semaphore(%arg38 : memref<!tpu.dma_semaphore, #tpu.memory_space<semaphore_mem>>) src(%arg21 : memref<128xf32, #tpu.memory_space<vmem>>) dst(%dma_wait3A_119 : memref<10240xf32, #tpu.memory_space<vmem_shared>>)
    } else {
    }
    %eq3A_28 = arith.constant 1 : i32
    %eq3A_29 = arith.cmpi eq, %arg0, %eq3A_28 : i32
    %convert_element_type3A_30 = arith.extui %eq3A_29 : i1 to i32
    %cond3A_31 = arith.constant 0 : i32
    %cond3A_32 = arith.cmpi ne, %convert_element_type3A_30, %cond3A_31 : i32
    scf.if %cond3A_32 {
      %add3A_94 = arith.constant 0 : i32
      %add3A_95 = arith.addi %mul3A_22, %add3A_94 : i32
      %multiple_of3A = tpu.assume_multiple %add3A_95, 128 : i32
      %dma_start3A = tpu.memref_slice %arg4[%multiple_of3A] : memref<327680xi32, #tpu.memory_space<hbm>> -> memref<128xi32, #tpu.memory_space<hbm>>
      %dma_start3A_96 = tpu.memref_slice %arg4[%multiple_of3A] : memref<327680xi32, #tpu.memory_space<hbm>> -> memref<128xi32, #tpu.memory_space<hbm>>
      tpu.enqueue_dma source(%dma_start3A_96 : memref<128xi32, #tpu.memory_space<hbm>>) target(%arg10 : memref<128xi32, #tpu.memory_space<vmem>>) target_semaphore(%arg25 : memref<!tpu.dma_semaphore, #tpu.memory_space<semaphore_mem>>)
      %dma_start3A_97 = tpu.memref_slice %arg5[%multiple_of3A] : memref<327680xi32, #tpu.memory_space<hbm>> -> memref<128xi32, #tpu.memory_space<hbm>>
      %dma_start3A_98 = tpu.memref_slice %arg5[%multiple_of3A] : memref<327680xi32, #tpu.memory_space<hbm>> -> memref<128xi32, #tpu.memory_space<hbm>>
      tpu.enqueue_dma source(%dma_start3A_98 : memref<128xi32, #tpu.memory_space<hbm>>) target(%arg14 : memref<128xi32, #tpu.memory_space<vmem>>) target_semaphore(%arg29 : memref<!tpu.dma_semaphore, #tpu.memory_space<semaphore_mem>>)
      %add3A_99 = arith.constant 128 : i32
      %add3A_100 = arith.addi %mul3A_22, %add3A_99 : i32
      %multiple_of3A_101 = tpu.assume_multiple %add3A_100, 128 : i32
      %dma_start3A_102 = tpu.memref_slice %arg4[%multiple_of3A_101] : memref<327680xi32, #tpu.memory_space<hbm>> -> memref<128xi32, #tpu.memory_space<hbm>>
      %dma_start3A_103 = tpu.memref_slice %arg4[%multiple_of3A_101] : memref<327680xi32, #tpu.memory_space<hbm>> -> memref<128xi32, #tpu.memory_space<hbm>>
      tpu.enqueue_dma source(%dma_start3A_103 : memref<128xi32, #tpu.memory_space<hbm>>) target(%arg11 : memref<128xi32, #tpu.memory_space<vmem>>) target_semaphore(%arg26 : memref<!tpu.dma_semaphore, #tpu.memory_space<semaphore_mem>>)
      %dma_start3A_104 = tpu.memref_slice %arg5[%multiple_of3A_101] : memref<327680xi32, #tpu.memory_space<hbm>> -> memref<128xi32, #tpu.memory_space<hbm>>
      %dma_start3A_105 = tpu.memref_slice %arg5[%multiple_of3A_101] : memref<327680xi32, #tpu.memory_space<hbm>> -> memref<128xi32, #tpu.memory_space<hbm>>
      tpu.enqueue_dma source(%dma_start3A_105 : memref<128xi32, #tpu.memory_space<hbm>>) target(%arg15 : memref<128xi32, #tpu.memory_space<vmem>>) target_semaphore(%arg30 : memref<!tpu.dma_semaphore, #tpu.memory_space<semaphore_mem>>)
      %scan3A = arith.constant 0 : i32
      %scan3A_106 = arith.constant 0 : i32
      %scan3A_107 = arith.constant 40 : i32
      %scan3A_108 = arith.addi %scan3A_106, %scan3A_107 : i32
      %scan3A_109 = arith.constant 1 : i32
      scf.for %scan3A_116 = %scan3A_106 to %scan3A_108 step %scan3A_109  : i32 {
        %mul3A_117 = arith.constant 4 : i32
        %mul3A_118 = arith.muli %mul3A_117, %scan3A_116 : i32
        %gt3A = arith.constant 0 : i32
        %gt3A_119 = arith.cmpi sgt, %scan3A_116, %gt3A : i32
        %convert_element_type3A_120 = arith.extui %gt3A_119 : i1 to i32
        %cond3A_121 = arith.constant 0 : i32
        %cond3A_122 = arith.cmpi ne, %convert_element_type3A_120, %cond3A_121 : i32
        scf.if %cond3A_122 {
          %dma_wait3A_235 = arith.constant 0 : i32
          %dma_wait3A_236 = arith.constant 0 : i32
          %dma_wait3A_237 = tpu.memref_slice %arg23[%dma_wait3A_235, %dma_wait3A_236] : memref<10240x128xf32, #tpu.memory_space<vmem_shared>> -> memref<10240x128xf32, #tpu.memory_space<vmem_shared>>
          tpu.wait_indirect_dma semaphore(%arg35 : memref<!tpu.dma_semaphore, #tpu.memory_space<semaphore_mem>>) src(%arg18 : memref<128x128xf32, #tpu.memory_space<vmem>>) dst(%dma_wait3A_237 : memref<10240x128xf32, #tpu.memory_space<vmem_shared>>)
        } else {
        }
        %add3A_123 = arith.constant 0 : i32
        %add3A_124 = arith.addi %mul3A_118, %add3A_123 : i32
        %add3A_125 = arith.constant 2 : i32
        %add3A_126 = arith.addi %add3A_124, %add3A_125 : i32
        %mul3A_127 = arith.constant 128 : i32
        %mul3A_128 = arith.muli %add3A_126, %mul3A_127 : i32
        %add3A_129 = arith.addi %mul3A_22, %mul3A_128 : i32
        %multiple_of3A_130 = tpu.assume_multiple %add3A_129, 128 : i32
        %dma_start3A_131 = tpu.memref_slice %arg4[%multiple_of3A_130] : memref<327680xi32, #tpu.memory_space<hbm>> -> memref<128xi32, #tpu.memory_space<hbm>>
        %dma_start3A_132 = tpu.memref_slice %arg4[%multiple_of3A_130] : memref<327680xi32, #tpu.memory_space<hbm>> -> memref<128xi32, #tpu.memory_space<hbm>>
        tpu.enqueue_dma source(%dma_start3A_132 : memref<128xi32, #tpu.memory_space<hbm>>) target(%arg12 : memref<128xi32, #tpu.memory_space<vmem>>) target_semaphore(%arg27 : memref<!tpu.dma_semaphore, #tpu.memory_space<semaphore_mem>>)
        %dma_start3A_133 = tpu.memref_slice %arg5[%multiple_of3A_130] : memref<327680xi32, #tpu.memory_space<hbm>> -> memref<128xi32, #tpu.memory_space<hbm>>
        %dma_start3A_134 = tpu.memref_slice %arg5[%multiple_of3A_130] : memref<327680xi32, #tpu.memory_space<hbm>> -> memref<128xi32, #tpu.memory_space<hbm>>
        tpu.enqueue_dma source(%dma_start3A_134 : memref<128xi32, #tpu.memory_space<hbm>>) target(%arg16 : memref<128xi32, #tpu.memory_space<vmem>>) target_semaphore(%arg31 : memref<!tpu.dma_semaphore, #tpu.memory_space<semaphore_mem>>)
        %dma_wait3A_135 = tpu.memref_slice %arg4[%mul3A_22] : memref<327680xi32, #tpu.memory_space<hbm>> -> memref<128xi32, #tpu.memory_space<hbm>>
        %dma_wait3A_136 = tpu.memref_slice %arg4[%mul3A_22] : memref<327680xi32, #tpu.memory_space<hbm>> -> memref<128xi32, #tpu.memory_space<hbm>>
        tpu.wait_dma2 semaphore(%arg25 : memref<!tpu.dma_semaphore, #tpu.memory_space<semaphore_mem>>) src(%dma_wait3A_136 : memref<128xi32, #tpu.memory_space<hbm>>) dst(%arg10 : memref<128xi32, #tpu.memory_space<vmem>>)
        %dma_start3A_137 = arith.constant 0 : i32
        %dma_start3A_138 = arith.constant 0 : i32
        %dma_start3A_139 = tpu.memref_slice %arg3[%dma_start3A_137, %dma_start3A_138] : memref<10000x128xf32, #tpu.memory_space<hbm>> -> memref<10000x128xf32, #tpu.memory_space<hbm>>
        tpu.enqueue_indirect_dma source(%dma_start3A_139 : memref<10000x128xf32, #tpu.memory_space<hbm>>) target(%arg18 : memref<128x128xf32, #tpu.memory_space<vmem>>) offsets(%arg10 : memref<128xi32, #tpu.memory_space<vmem>>) semaphore(%arg33 : memref<!tpu.dma_semaphore, #tpu.memory_space<semaphore_mem>>)
        %gt3A_140 = arith.constant 0 : i32
        %gt3A_141 = arith.cmpi sgt, %scan3A_116, %gt3A_140 : i32
        %convert_element_type3A_142 = arith.extui %gt3A_141 : i1 to i32
        %cond3A_143 = arith.constant 0 : i32
        %cond3A_144 = arith.cmpi ne, %convert_element_type3A_142, %cond3A_143 : i32
        scf.if %cond3A_144 {
          %dma_wait3A_235 = arith.constant 0 : i32
          %dma_wait3A_236 = arith.constant 0 : i32
          %dma_wait3A_237 = tpu.memref_slice %arg23[%dma_wait3A_235, %dma_wait3A_236] : memref<10240x128xf32, #tpu.memory_space<vmem_shared>> -> memref<10240x128xf32, #tpu.memory_space<vmem_shared>>
          tpu.wait_indirect_dma semaphore(%arg36 : memref<!tpu.dma_semaphore, #tpu.memory_space<semaphore_mem>>) src(%arg19 : memref<128x128xf32, #tpu.memory_space<vmem>>) dst(%dma_wait3A_237 : memref<10240x128xf32, #tpu.memory_space<vmem_shared>>)
        } else {
        }
        %add3A_145 = arith.constant 1 : i32
        %add3A_146 = arith.addi %mul3A_118, %add3A_145 : i32
        %add3A_147 = arith.constant 2 : i32
        %add3A_148 = arith.addi %add3A_146, %add3A_147 : i32
        %mul3A_149 = arith.constant 128 : i32
        %mul3A_150 = arith.muli %add3A_148, %mul3A_149 : i32
        %add3A_151 = arith.addi %mul3A_22, %mul3A_150 : i32
        %multiple_of3A_152 = tpu.assume_multiple %add3A_151, 128 : i32
        %dma_start3A_153 = tpu.memref_slice %arg4[%multiple_of3A_152] : memref<327680xi32, #tpu.memory_space<hbm>> -> memref<128xi32, #tpu.memory_space<hbm>>
        %dma_start3A_154 = tpu.memref_slice %arg4[%multiple_of3A_152] : memref<327680xi32, #tpu.memory_space<hbm>> -> memref<128xi32, #tpu.memory_space<hbm>>
        tpu.enqueue_dma source(%dma_start3A_154 : memref<128xi32, #tpu.memory_space<hbm>>) target(%arg13 : memref<128xi32, #tpu.memory_space<vmem>>) target_semaphore(%arg28 : memref<!tpu.dma_semaphore, #tpu.memory_space<semaphore_mem>>)
        %dma_start3A_155 = tpu.memref_slice %arg5[%multiple_of3A_152] : memref<327680xi32, #tpu.memory_space<hbm>> -> memref<128xi32, #tpu.memory_space<hbm>>
        %dma_start3A_156 = tpu.memref_slice %arg5[%multiple_of3A_152] : memref<327680xi32, #tpu.memory_space<hbm>> -> memref<128xi32, #tpu.memory_space<hbm>>
        tpu.enqueue_dma source(%dma_start3A_156 : memref<128xi32, #tpu.memory_space<hbm>>) target(%arg17 : memref<128xi32, #tpu.memory_space<vmem>>) target_semaphore(%arg32 : memref<!tpu.dma_semaphore, #tpu.memory_space<semaphore_mem>>)
        %dma_wait3A_157 = tpu.memref_slice %arg4[%mul3A_22] : memref<327680xi32, #tpu.memory_space<hbm>> -> memref<128xi32, #tpu.memory_space<hbm>>
        %dma_wait3A_158 = tpu.memref_slice %arg4[%mul3A_22] : memref<327680xi32, #tpu.memory_space<hbm>> -> memref<128xi32, #tpu.memory_space<hbm>>
        tpu.wait_dma2 semaphore(%arg26 : memref<!tpu.dma_semaphore, #tpu.memory_space<semaphore_mem>>) src(%dma_wait3A_158 : memref<128xi32, #tpu.memory_space<hbm>>) dst(%arg11 : memref<128xi32, #tpu.memory_space<vmem>>)
        %dma_start3A_159 = arith.constant 0 : i32
        %dma_start3A_160 = arith.constant 0 : i32
        %dma_start3A_161 = tpu.memref_slice %arg3[%dma_start3A_159, %dma_start3A_160] : memref<10000x128xf32, #tpu.memory_space<hbm>> -> memref<10000x128xf32, #tpu.memory_space<hbm>>
        tpu.enqueue_indirect_dma source(%dma_start3A_161 : memref<10000x128xf32, #tpu.memory_space<hbm>>) target(%arg19 : memref<128x128xf32, #tpu.memory_space<vmem>>) offsets(%arg11 : memref<128xi32, #tpu.memory_space<vmem>>) semaphore(%arg34 : memref<!tpu.dma_semaphore, #tpu.memory_space<semaphore_mem>>)
        %dma_wait3A_162 = arith.constant 0 : i32
        %dma_wait3A_163 = arith.constant 0 : i32
        %dma_wait3A_164 = tpu.memref_slice %arg3[%dma_wait3A_162, %dma_wait3A_163] : memref<10000x128xf32, #tpu.memory_space<hbm>> -> memref<10000x128xf32, #tpu.memory_space<hbm>>
        tpu.wait_indirect_dma semaphore(%arg33 : memref<!tpu.dma_semaphore, #tpu.memory_space<semaphore_mem>>) src(%dma_wait3A_164 : memref<10000x128xf32, #tpu.memory_space<hbm>>) dst(%arg18 : memref<128x128xf32, #tpu.memory_space<vmem>>)
        %dma_wait3A_165 = tpu.memref_slice %arg5[%mul3A_22] : memref<327680xi32, #tpu.memory_space<hbm>> -> memref<128xi32, #tpu.memory_space<hbm>>
        %dma_wait3A_166 = tpu.memref_slice %arg5[%mul3A_22] : memref<327680xi32, #tpu.memory_space<hbm>> -> memref<128xi32, #tpu.memory_space<hbm>>
        tpu.wait_dma2 semaphore(%arg29 : memref<!tpu.dma_semaphore, #tpu.memory_space<semaphore_mem>>) src(%dma_wait3A_166 : memref<128xi32, #tpu.memory_space<hbm>>) dst(%arg14 : memref<128xi32, #tpu.memory_space<vmem>>)
        %dma_start3A_167 = arith.constant 0 : i32
        %dma_start3A_168 = arith.constant 0 : i32
        %dma_start3A_169 = tpu.memref_slice %arg23[%dma_start3A_167, %dma_start3A_168] : memref<10240x128xf32, #tpu.memory_space<vmem_shared>> -> memref<10240x128xf32, #tpu.memory_space<vmem_shared>>
        tpu.enqueue_indirect_dma source(%arg18 : memref<128x128xf32, #tpu.memory_space<vmem>>) target(%dma_start3A_169 : memref<10240x128xf32, #tpu.memory_space<vmem_shared>>) offsets(%arg14 : memref<128xi32, #tpu.memory_space<vmem>>) semaphore(%arg35 : memref<!tpu.dma_semaphore, #tpu.memory_space<semaphore_mem>>) {add = true}
        %dma_wait3A_170 = arith.constant 0 : i32
        %dma_wait3A_171 = arith.constant 0 : i32
        %dma_wait3A_172 = tpu.memref_slice %arg23[%dma_wait3A_170, %dma_wait3A_171] : memref<10240x128xf32, #tpu.memory_space<vmem_shared>> -> memref<10240x128xf32, #tpu.memory_space<vmem_shared>>
        tpu.wait_indirect_dma semaphore(%arg35 : memref<!tpu.dma_semaphore, #tpu.memory_space<semaphore_mem>>) src(%arg18 : memref<128x128xf32, #tpu.memory_space<vmem>>) dst(%dma_wait3A_172 : memref<10240x128xf32, #tpu.memory_space<vmem_shared>>)
        %add3A_173 = arith.constant 2 : i32
        %add3A_174 = arith.addi %mul3A_118, %add3A_173 : i32
        %add3A_175 = arith.constant 2 : i32
        %add3A_176 = arith.addi %add3A_174, %add3A_175 : i32
        %mul3A_177 = arith.constant 128 : i32
        %mul3A_178 = arith.muli %add3A_176, %mul3A_177 : i32
        %add3A_179 = arith.addi %mul3A_22, %mul3A_178 : i32
        %multiple_of3A_180 = tpu.assume_multiple %add3A_179, 128 : i32
        %lt3A = arith.constant 39 : i32
        %lt3A_181 = arith.cmpi slt, %scan3A_116, %lt3A : i32
        %convert_element_type3A_182 = arith.extui %lt3A_181 : i1 to i32
        %cond3A_183 = arith.constant 0 : i32
        %cond3A_184 = arith.cmpi ne, %convert_element_type3A_182, %cond3A_183 : i32
        scf.if %cond3A_184 {
          %dma_start3A_235 = tpu.memref_slice %arg4[%multiple_of3A_180] : memref<327680xi32, #tpu.memory_space<hbm>> -> memref<128xi32, #tpu.memory_space<hbm>>
          %dma_start3A_236 = tpu.memref_slice %arg4[%multiple_of3A_180] : memref<327680xi32, #tpu.memory_space<hbm>> -> memref<128xi32, #tpu.memory_space<hbm>>
          tpu.enqueue_dma source(%dma_start3A_236 : memref<128xi32, #tpu.memory_space<hbm>>) target(%arg10 : memref<128xi32, #tpu.memory_space<vmem>>) target_semaphore(%arg25 : memref<!tpu.dma_semaphore, #tpu.memory_space<semaphore_mem>>)
          %dma_start3A_237 = tpu.memref_slice %arg5[%multiple_of3A_180] : memref<327680xi32, #tpu.memory_space<hbm>> -> memref<128xi32, #tpu.memory_space<hbm>>
          %dma_start3A_238 = tpu.memref_slice %arg5[%multiple_of3A_180] : memref<327680xi32, #tpu.memory_space<hbm>> -> memref<128xi32, #tpu.memory_space<hbm>>
          tpu.enqueue_dma source(%dma_start3A_238 : memref<128xi32, #tpu.memory_space<hbm>>) target(%arg14 : memref<128xi32, #tpu.memory_space<vmem>>) target_semaphore(%arg29 : memref<!tpu.dma_semaphore, #tpu.memory_space<semaphore_mem>>)
        } else {
        }
        %dma_wait3A_185 = tpu.memref_slice %arg4[%mul3A_22] : memref<327680xi32, #tpu.memory_space<hbm>> -> memref<128xi32, #tpu.memory_space<hbm>>
        %dma_wait3A_186 = tpu.memref_slice %arg4[%mul3A_22] : memref<327680xi32, #tpu.memory_space<hbm>> -> memref<128xi32, #tpu.memory_space<hbm>>
        tpu.wait_dma2 semaphore(%arg27 : memref<!tpu.dma_semaphore, #tpu.memory_space<semaphore_mem>>) src(%dma_wait3A_186 : memref<128xi32, #tpu.memory_space<hbm>>) dst(%arg12 : memref<128xi32, #tpu.memory_space<vmem>>)
        %dma_start3A_187 = arith.constant 0 : i32
        %dma_start3A_188 = arith.constant 0 : i32
        %dma_start3A_189 = tpu.memref_slice %arg3[%dma_start3A_187, %dma_start3A_188] : memref<10000x128xf32, #tpu.memory_space<hbm>> -> memref<10000x128xf32, #tpu.memory_space<hbm>>
        tpu.enqueue_indirect_dma source(%dma_start3A_189 : memref<10000x128xf32, #tpu.memory_space<hbm>>) target(%arg18 : memref<128x128xf32, #tpu.memory_space<vmem>>) offsets(%arg12 : memref<128xi32, #tpu.memory_space<vmem>>) semaphore(%arg33 : memref<!tpu.dma_semaphore, #tpu.memory_space<semaphore_mem>>)
        %dma_wait3A_190 = arith.constant 0 : i32
        %dma_wait3A_191 = arith.constant 0 : i32
        %dma_wait3A_192 = tpu.memref_slice %arg3[%dma_wait3A_190, %dma_wait3A_191] : memref<10000x128xf32, #tpu.memory_space<hbm>> -> memref<10000x128xf32, #tpu.memory_space<hbm>>
        tpu.wait_indirect_dma semaphore(%arg34 : memref<!tpu.dma_semaphore, #tpu.memory_space<semaphore_mem>>) src(%dma_wait3A_192 : memref<10000x128xf32, #tpu.memory_space<hbm>>) dst(%arg19 : memref<128x128xf32, #tpu.memory_space<vmem>>)
        %dma_wait3A_193 = tpu.memref_slice %arg5[%mul3A_22] : memref<327680xi32, #tpu.memory_space<hbm>> -> memref<128xi32, #tpu.memory_space<hbm>>
        %dma_wait3A_194 = tpu.memref_slice %arg5[%mul3A_22] : memref<327680xi32, #tpu.memory_space<hbm>> -> memref<128xi32, #tpu.memory_space<hbm>>
        tpu.wait_dma2 semaphore(%arg30 : memref<!tpu.dma_semaphore, #tpu.memory_space<semaphore_mem>>) src(%dma_wait3A_194 : memref<128xi32, #tpu.memory_space<hbm>>) dst(%arg15 : memref<128xi32, #tpu.memory_space<vmem>>)
        %dma_start3A_195 = arith.constant 0 : i32
        %dma_start3A_196 = arith.constant 0 : i32
        %dma_start3A_197 = tpu.memref_slice %arg23[%dma_start3A_195, %dma_start3A_196] : memref<10240x128xf32, #tpu.memory_space<vmem_shared>> -> memref<10240x128xf32, #tpu.memory_space<vmem_shared>>
        tpu.enqueue_indirect_dma source(%arg19 : memref<128x128xf32, #tpu.memory_space<vmem>>) target(%dma_start3A_197 : memref<10240x128xf32, #tpu.memory_space<vmem_shared>>) offsets(%arg15 : memref<128xi32, #tpu.memory_space<vmem>>) semaphore(%arg36 : memref<!tpu.dma_semaphore, #tpu.memory_space<semaphore_mem>>) {add = true}
        %dma_wait3A_198 = arith.constant 0 : i32
        %dma_wait3A_199 = arith.constant 0 : i32
        %dma_wait3A_200 = tpu.memref_slice %arg23[%dma_wait3A_198, %dma_wait3A_199] : memref<10240x128xf32, #tpu.memory_space<vmem_shared>> -> memref<10240x128xf32, #tpu.memory_space<vmem_shared>>
        tpu.wait_indirect_dma semaphore(%arg36 : memref<!tpu.dma_semaphore, #tpu.memory_space<semaphore_mem>>) src(%arg19 : memref<128x128xf32, #tpu.memory_space<vmem>>) dst(%dma_wait3A_200 : memref<10240x128xf32, #tpu.memory_space<vmem_shared>>)
        %add3A_201 = arith.constant 3 : i32
        %add3A_202 = arith.addi %mul3A_118, %add3A_201 : i32
        %add3A_203 = arith.constant 2 : i32
        %add3A_204 = arith.addi %add3A_202, %add3A_203 : i32
        %mul3A_205 = arith.constant 128 : i32
        %mul3A_206 = arith.muli %add3A_204, %mul3A_205 : i32
        %add3A_207 = arith.addi %mul3A_22, %mul3A_206 : i32
        %multiple_of3A_208 = tpu.assume_multiple %add3A_207, 128 : i32
        %lt3A_209 = arith.constant 39 : i32
        %lt3A_210 = arith.cmpi slt, %scan3A_116, %lt3A_209 : i32
        %convert_element_type3A_211 = arith.extui %lt3A_210 : i1 to i32
        %cond3A_212 = arith.constant 0 : i32
        %cond3A_213 = arith.cmpi ne, %convert_element_type3A_211, %cond3A_212 : i32
        scf.if %cond3A_213 {
          %dma_start3A_235 = tpu.memref_slice %arg4[%multiple_of3A_208] : memref<327680xi32, #tpu.memory_space<hbm>> -> memref<128xi32, #tpu.memory_space<hbm>>
          %dma_start3A_236 = tpu.memref_slice %arg4[%multiple_of3A_208] : memref<327680xi32, #tpu.memory_space<hbm>> -> memref<128xi32, #tpu.memory_space<hbm>>
          tpu.enqueue_dma source(%dma_start3A_236 : memref<128xi32, #tpu.memory_space<hbm>>) target(%arg11 : memref<128xi32, #tpu.memory_space<vmem>>) target_semaphore(%arg26 : memref<!tpu.dma_semaphore, #tpu.memory_space<semaphore_mem>>)
          %dma_start3A_237 = tpu.memref_slice %arg5[%multiple_of3A_208] : memref<327680xi32, #tpu.memory_space<hbm>> -> memref<128xi32, #tpu.memory_space<hbm>>
          %dma_start3A_238 = tpu.memref_slice %arg5[%multiple_of3A_208] : memref<327680xi32, #tpu.memory_space<hbm>> -> memref<128xi32, #tpu.memory_space<hbm>>
          tpu.enqueue_dma source(%dma_start3A_238 : memref<128xi32, #tpu.memory_space<hbm>>) target(%arg15 : memref<128xi32, #tpu.memory_space<vmem>>) target_semaphore(%arg30 : memref<!tpu.dma_semaphore, #tpu.memory_space<semaphore_mem>>)
        } else {
        }
        %dma_wait3A_214 = tpu.memref_slice %arg4[%mul3A_22] : memref<327680xi32, #tpu.memory_space<hbm>> -> memref<128xi32, #tpu.memory_space<hbm>>
        %dma_wait3A_215 = tpu.memref_slice %arg4[%mul3A_22] : memref<327680xi32, #tpu.memory_space<hbm>> -> memref<128xi32, #tpu.memory_space<hbm>>
        tpu.wait_dma2 semaphore(%arg28 : memref<!tpu.dma_semaphore, #tpu.memory_space<semaphore_mem>>) src(%dma_wait3A_215 : memref<128xi32, #tpu.memory_space<hbm>>) dst(%arg13 : memref<128xi32, #tpu.memory_space<vmem>>)
        %dma_start3A_216 = arith.constant 0 : i32
        %dma_start3A_217 = arith.constant 0 : i32
        %dma_start3A_218 = tpu.memref_slice %arg3[%dma_start3A_216, %dma_start3A_217] : memref<10000x128xf32, #tpu.memory_space<hbm>> -> memref<10000x128xf32, #tpu.memory_space<hbm>>
        tpu.enqueue_indirect_dma source(%dma_start3A_218 : memref<10000x128xf32, #tpu.memory_space<hbm>>) target(%arg19 : memref<128x128xf32, #tpu.memory_space<vmem>>) offsets(%arg13 : memref<128xi32, #tpu.memory_space<vmem>>) semaphore(%arg34 : memref<!tpu.dma_semaphore, #tpu.memory_space<semaphore_mem>>)
        %dma_wait3A_219 = arith.constant 0 : i32
        %dma_wait3A_220 = arith.constant 0 : i32
        %dma_wait3A_221 = tpu.memref_slice %arg3[%dma_wait3A_219, %dma_wait3A_220] : memref<10000x128xf32, #tpu.memory_space<hbm>> -> memref<10000x128xf32, #tpu.memory_space<hbm>>
        tpu.wait_indirect_dma semaphore(%arg33 : memref<!tpu.dma_semaphore, #tpu.memory_space<semaphore_mem>>) src(%dma_wait3A_221 : memref<10000x128xf32, #tpu.memory_space<hbm>>) dst(%arg18 : memref<128x128xf32, #tpu.memory_space<vmem>>)
        %dma_wait3A_222 = tpu.memref_slice %arg5[%mul3A_22] : memref<327680xi32, #tpu.memory_space<hbm>> -> memref<128xi32, #tpu.memory_space<hbm>>
        %dma_wait3A_223 = tpu.memref_slice %arg5[%mul3A_22] : memref<327680xi32, #tpu.memory_space<hbm>> -> memref<128xi32, #tpu.memory_space<hbm>>
        tpu.wait_dma2 semaphore(%arg31 : memref<!tpu.dma_semaphore, #tpu.memory_space<semaphore_mem>>) src(%dma_wait3A_223 : memref<128xi32, #tpu.memory_space<hbm>>) dst(%arg16 : memref<128xi32, #tpu.memory_space<vmem>>)
        %dma_start3A_224 = arith.constant 0 : i32
        %dma_start3A_225 = arith.constant 0 : i32
        %dma_start3A_226 = tpu.memref_slice %arg23[%dma_start3A_224, %dma_start3A_225] : memref<10240x128xf32, #tpu.memory_space<vmem_shared>> -> memref<10240x128xf32, #tpu.memory_space<vmem_shared>>
        tpu.enqueue_indirect_dma source(%arg18 : memref<128x128xf32, #tpu.memory_space<vmem>>) target(%dma_start3A_226 : memref<10240x128xf32, #tpu.memory_space<vmem_shared>>) offsets(%arg16 : memref<128xi32, #tpu.memory_space<vmem>>) semaphore(%arg35 : memref<!tpu.dma_semaphore, #tpu.memory_space<semaphore_mem>>) {add = true}
        %dma_wait3A_227 = arith.constant 0 : i32
        %dma_wait3A_228 = arith.constant 0 : i32
        %dma_wait3A_229 = tpu.memref_slice %arg3[%dma_wait3A_227, %dma_wait3A_228] : memref<10000x128xf32, #tpu.memory_space<hbm>> -> memref<10000x128xf32, #tpu.memory_space<hbm>>
        tpu.wait_indirect_dma semaphore(%arg34 : memref<!tpu.dma_semaphore, #tpu.memory_space<semaphore_mem>>) src(%dma_wait3A_229 : memref<10000x128xf32, #tpu.memory_space<hbm>>) dst(%arg19 : memref<128x128xf32, #tpu.memory_space<vmem>>)
        %dma_wait3A_230 = tpu.memref_slice %arg5[%mul3A_22] : memref<327680xi32, #tpu.memory_space<hbm>> -> memref<128xi32, #tpu.memory_space<hbm>>
        %dma_wait3A_231 = tpu.memref_slice %arg5[%mul3A_22] : memref<327680xi32, #tpu.memory_space<hbm>> -> memref<128xi32, #tpu.memory_space<hbm>>
        tpu.wait_dma2 semaphore(%arg32 : memref<!tpu.dma_semaphore, #tpu.memory_space<semaphore_mem>>) src(%dma_wait3A_231 : memref<128xi32, #tpu.memory_space<hbm>>) dst(%arg17 : memref<128xi32, #tpu.memory_space<vmem>>)
        %dma_start3A_232 = arith.constant 0 : i32
        %dma_start3A_233 = arith.constant 0 : i32
        %dma_start3A_234 = tpu.memref_slice %arg23[%dma_start3A_232, %dma_start3A_233] : memref<10240x128xf32, #tpu.memory_space<vmem_shared>> -> memref<10240x128xf32, #tpu.memory_space<vmem_shared>>
        tpu.enqueue_indirect_dma source(%arg19 : memref<128x128xf32, #tpu.memory_space<vmem>>) target(%dma_start3A_234 : memref<10240x128xf32, #tpu.memory_space<vmem_shared>>) offsets(%arg17 : memref<128xi32, #tpu.memory_space<vmem>>) semaphore(%arg36 : memref<!tpu.dma_semaphore, #tpu.memory_space<semaphore_mem>>) {add = true}
      }
      %scan3A_110 = arith.constant 40 : i32
      %dma_wait3A = arith.constant 0 : i32
      %dma_wait3A_111 = arith.constant 0 : i32
      %dma_wait3A_112 = tpu.memref_slice %arg23[%dma_wait3A, %dma_wait3A_111] : memref<10240x128xf32, #tpu.memory_space<vmem_shared>> -> memref<10240x128xf32, #tpu.memory_space<vmem_shared>>
      tpu.wait_indirect_dma semaphore(%arg35 : memref<!tpu.dma_semaphore, #tpu.memory_space<semaphore_mem>>) src(%arg18 : memref<128x128xf32, #tpu.memory_space<vmem>>) dst(%dma_wait3A_112 : memref<10240x128xf32, #tpu.memory_space<vmem_shared>>)
      %dma_wait3A_113 = arith.constant 0 : i32
      %dma_wait3A_114 = arith.constant 0 : i32
      %dma_wait3A_115 = tpu.memref_slice %arg23[%dma_wait3A_113, %dma_wait3A_114] : memref<10240x128xf32, #tpu.memory_space<vmem_shared>> -> memref<10240x128xf32, #tpu.memory_space<vmem_shared>>
      tpu.wait_indirect_dma semaphore(%arg36 : memref<!tpu.dma_semaphore, #tpu.memory_space<semaphore_mem>>) src(%arg19 : memref<128x128xf32, #tpu.memory_space<vmem>>) dst(%dma_wait3A_115 : memref<10240x128xf32, #tpu.memory_space<vmem_shared>>)
    } else {
    }
    %barrier3A_33 = arith.constant 0 : index
    tpu.barrier barrier_id(%barrier3A_33)
    %mul3A_34 = arith.constant 640 : i32
    %mul3A_35 = arith.muli %arg1, %mul3A_34 : i32
    %add3A_36 = arith.constant 0 : i32
    %add3A_37 = arith.addi %mul3A_35, %add3A_36 : i32
    "tpu.region"() ({
      %run_scoped3A = tpu.sem_alloc : memref<!tpu.dma_semaphore, #tpu.memory_space<semaphore_mem>>
      %dma_start3A = arith.constant 0 : i32
      %dma_start3A_94 = tpu.memref_slice %arg23[%add3A_37, %dma_start3A] : memref<10240x128xf32, #tpu.memory_space<vmem_shared>> -> memref<128x128xf32, #tpu.memory_space<vmem_shared>>
      %dma_start3A_95 = arith.constant 0 : i32
      %dma_start3A_96 = tpu.memref_slice %arg23[%add3A_37, %dma_start3A_95] : memref<10240x128xf32, #tpu.memory_space<vmem_shared>> -> memref<128x128xf32, #tpu.memory_space<vmem_shared>>
      tpu.enqueue_dma source(%dma_start3A_96 : memref<128x128xf32, #tpu.memory_space<vmem_shared>>) target(%arg18 : memref<128x128xf32, #tpu.memory_space<vmem>>) target_semaphore(%run_scoped3A : memref<!tpu.dma_semaphore, #tpu.memory_space<semaphore_mem>>)
      %dma_wait3A = arith.constant 0 : i32
      %dma_wait3A_97 = tpu.memref_slice %arg23[%add3A_37, %dma_wait3A] : memref<10240x128xf32, #tpu.memory_space<vmem_shared>> -> memref<128x128xf32, #tpu.memory_space<vmem_shared>>
      %dma_wait3A_98 = arith.constant 0 : i32
      %dma_wait3A_99 = tpu.memref_slice %arg23[%add3A_37, %dma_wait3A_98] : memref<10240x128xf32, #tpu.memory_space<vmem_shared>> -> memref<128x128xf32, #tpu.memory_space<vmem_shared>>
      tpu.wait_dma2 semaphore(%run_scoped3A : memref<!tpu.dma_semaphore, #tpu.memory_space<semaphore_mem>>) src(%dma_wait3A_99 : memref<128x128xf32, #tpu.memory_space<vmem_shared>>) dst(%arg18 : memref<128x128xf32, #tpu.memory_space<vmem>>)
      tpu.yield
    }) : () -> ()
    %mul3A_38 = arith.constant 10240 : i32
    %mul3A_39 = arith.muli %arg0, %mul3A_38 : i32
    %mul3A_40 = arith.constant 640 : i32
    %mul3A_41 = arith.muli %arg1, %mul3A_40 : i32
    %add3A_42 = arith.addi %mul3A_39, %mul3A_41 : i32
    %add3A_43 = arith.constant 0 : i32
    %add3A_44 = arith.addi %add3A_42, %add3A_43 : i32
    "tpu.region"() ({
      %run_scoped3A = tpu.sem_alloc : memref<!tpu.dma_semaphore, #tpu.memory_space<semaphore_mem>>
      %dma_start3A = arith.constant 0 : i32
      %dma_start3A_94 = tpu.memref_slice %arg8[%add3A_44, %dma_start3A] : memref<20480x128xf32, #tpu.memory_space<hbm>> -> memref<128x128xf32, #tpu.memory_space<hbm>>
      %dma_start3A_95 = arith.constant 0 : i32
      %dma_start3A_96 = tpu.memref_slice %arg8[%add3A_44, %dma_start3A_95] : memref<20480x128xf32, #tpu.memory_space<hbm>> -> memref<128x128xf32, #tpu.memory_space<hbm>>
      tpu.enqueue_dma source(%arg18 : memref<128x128xf32, #tpu.memory_space<vmem>>) target(%dma_start3A_96 : memref<128x128xf32, #tpu.memory_space<hbm>>) target_semaphore(%run_scoped3A : memref<!tpu.dma_semaphore, #tpu.memory_space<semaphore_mem>>)
      %dma_wait3A = arith.constant 0 : i32
      %dma_wait3A_97 = tpu.memref_slice %arg8[%add3A_44, %dma_wait3A] : memref<20480x128xf32, #tpu.memory_space<hbm>> -> memref<128x128xf32, #tpu.memory_space<hbm>>
      %dma_wait3A_98 = arith.constant 0 : i32
      %dma_wait3A_99 = tpu.memref_slice %arg8[%add3A_44, %dma_wait3A_98] : memref<20480x128xf32, #tpu.memory_space<hbm>> -> memref<128x128xf32, #tpu.memory_space<hbm>>
      tpu.wait_dma2 semaphore(%run_scoped3A : memref<!tpu.dma_semaphore, #tpu.memory_space<semaphore_mem>>) src(%arg18 : memref<128x128xf32, #tpu.memory_space<vmem>>) dst(%dma_wait3A_99 : memref<128x128xf32, #tpu.memory_space<hbm>>)
      tpu.yield
    }) : () -> ()
    %mul3A_45 = arith.constant 640 : i32
    %mul3A_46 = arith.muli %arg1, %mul3A_45 : i32
    %add3A_47 = arith.constant 128 : i32
    %add3A_48 = arith.addi %mul3A_46, %add3A_47 : i32
    "tpu.region"() ({
      %run_scoped3A = tpu.sem_alloc : memref<!tpu.dma_semaphore, #tpu.memory_space<semaphore_mem>>
      %dma_start3A = arith.constant 0 : i32
      %dma_start3A_94 = tpu.memref_slice %arg23[%add3A_48, %dma_start3A] : memref<10240x128xf32, #tpu.memory_space<vmem_shared>> -> memref<128x128xf32, #tpu.memory_space<vmem_shared>>
      %dma_start3A_95 = arith.constant 0 : i32
      %dma_start3A_96 = tpu.memref_slice %arg23[%add3A_48, %dma_start3A_95] : memref<10240x128xf32, #tpu.memory_space<vmem_shared>> -> memref<128x128xf32, #tpu.memory_space<vmem_shared>>
      tpu.enqueue_dma source(%dma_start3A_96 : memref<128x128xf32, #tpu.memory_space<vmem_shared>>) target(%arg18 : memref<128x128xf32, #tpu.memory_space<vmem>>) target_semaphore(%run_scoped3A : memref<!tpu.dma_semaphore, #tpu.memory_space<semaphore_mem>>)
      %dma_wait3A = arith.constant 0 : i32
      %dma_wait3A_97 = tpu.memref_slice %arg23[%add3A_48, %dma_wait3A] : memref<10240x128xf32, #tpu.memory_space<vmem_shared>> -> memref<128x128xf32, #tpu.memory_space<vmem_shared>>
      %dma_wait3A_98 = arith.constant 0 : i32
      %dma_wait3A_99 = tpu.memref_slice %arg23[%add3A_48, %dma_wait3A_98] : memref<10240x128xf32, #tpu.memory_space<vmem_shared>> -> memref<128x128xf32, #tpu.memory_space<vmem_shared>>
      tpu.wait_dma2 semaphore(%run_scoped3A : memref<!tpu.dma_semaphore, #tpu.memory_space<semaphore_mem>>) src(%dma_wait3A_99 : memref<128x128xf32, #tpu.memory_space<vmem_shared>>) dst(%arg18 : memref<128x128xf32, #tpu.memory_space<vmem>>)
      tpu.yield
    }) : () -> ()
    %mul3A_49 = arith.constant 10240 : i32
    %mul3A_50 = arith.muli %arg0, %mul3A_49 : i32
    %mul3A_51 = arith.constant 640 : i32
    %mul3A_52 = arith.muli %arg1, %mul3A_51 : i32
    %add3A_53 = arith.addi %mul3A_50, %mul3A_52 : i32
    %add3A_54 = arith.constant 128 : i32
    %add3A_55 = arith.addi %add3A_53, %add3A_54 : i32
    "tpu.region"() ({
      %run_scoped3A = tpu.sem_alloc : memref<!tpu.dma_semaphore, #tpu.memory_space<semaphore_mem>>
      %dma_start3A = arith.constant 0 : i32
      %dma_start3A_94 = tpu.memref_slice %arg8[%add3A_55, %dma_start3A] : memref<20480x128xf32, #tpu.memory_space<hbm>> -> memref<128x128xf32, #tpu.memory_space<hbm>>
      %dma_start3A_95 = arith.constant 0 : i32
      %dma_start3A_96 = tpu.memref_slice %arg8[%add3A_55, %dma_start3A_95] : memref<20480x128xf32, #tpu.memory_space<hbm>> -> memref<128x128xf32, #tpu.memory_space<hbm>>
      tpu.enqueue_dma source(%arg18 : memref<128x128xf32, #tpu.memory_space<vmem>>) target(%dma_start3A_96 : memref<128x128xf32, #tpu.memory_space<hbm>>) target_semaphore(%run_scoped3A : memref<!tpu.dma_semaphore, #tpu.memory_space<semaphore_mem>>)
      %dma_wait3A = arith.constant 0 : i32
      %dma_wait3A_97 = tpu.memref_slice %arg8[%add3A_55, %dma_wait3A] : memref<20480x128xf32, #tpu.memory_space<hbm>> -> memref<128x128xf32, #tpu.memory_space<hbm>>
      %dma_wait3A_98 = arith.constant 0 : i32
      %dma_wait3A_99 = tpu.memref_slice %arg8[%add3A_55, %dma_wait3A_98] : memref<20480x128xf32, #tpu.memory_space<hbm>> -> memref<128x128xf32, #tpu.memory_space<hbm>>
      tpu.wait_dma2 semaphore(%run_scoped3A : memref<!tpu.dma_semaphore, #tpu.memory_space<semaphore_mem>>) src(%arg18 : memref<128x128xf32, #tpu.memory_space<vmem>>) dst(%dma_wait3A_99 : memref<128x128xf32, #tpu.memory_space<hbm>>)
      tpu.yield
    }) : () -> ()
    %mul3A_56 = arith.constant 640 : i32
    %mul3A_57 = arith.muli %arg1, %mul3A_56 : i32
    %add3A_58 = arith.constant 256 : i32
    %add3A_59 = arith.addi %mul3A_57, %add3A_58 : i32
    "tpu.region"() ({
      %run_scoped3A = tpu.sem_alloc : memref<!tpu.dma_semaphore, #tpu.memory_space<semaphore_mem>>
      %dma_start3A = arith.constant 0 : i32
      %dma_start3A_94 = tpu.memref_slice %arg23[%add3A_59, %dma_start3A] : memref<10240x128xf32, #tpu.memory_space<vmem_shared>> -> memref<128x128xf32, #tpu.memory_space<vmem_shared>>
      %dma_start3A_95 = arith.constant 0 : i32
      %dma_start3A_96 = tpu.memref_slice %arg23[%add3A_59, %dma_start3A_95] : memref<10240x128xf32, #tpu.memory_space<vmem_shared>> -> memref<128x128xf32, #tpu.memory_space<vmem_shared>>
      tpu.enqueue_dma source(%dma_start3A_96 : memref<128x128xf32, #tpu.memory_space<vmem_shared>>) target(%arg18 : memref<128x128xf32, #tpu.memory_space<vmem>>) target_semaphore(%run_scoped3A : memref<!tpu.dma_semaphore, #tpu.memory_space<semaphore_mem>>)
      %dma_wait3A = arith.constant 0 : i32
      %dma_wait3A_97 = tpu.memref_slice %arg23[%add3A_59, %dma_wait3A] : memref<10240x128xf32, #tpu.memory_space<vmem_shared>> -> memref<128x128xf32, #tpu.memory_space<vmem_shared>>
      %dma_wait3A_98 = arith.constant 0 : i32
      %dma_wait3A_99 = tpu.memref_slice %arg23[%add3A_59, %dma_wait3A_98] : memref<10240x128xf32, #tpu.memory_space<vmem_shared>> -> memref<128x128xf32, #tpu.memory_space<vmem_shared>>
      tpu.wait_dma2 semaphore(%run_scoped3A : memref<!tpu.dma_semaphore, #tpu.memory_space<semaphore_mem>>) src(%dma_wait3A_99 : memref<128x128xf32, #tpu.memory_space<vmem_shared>>) dst(%arg18 : memref<128x128xf32, #tpu.memory_space<vmem>>)
      tpu.yield
    }) : () -> ()
    %mul3A_60 = arith.constant 10240 : i32
    %mul3A_61 = arith.muli %arg0, %mul3A_60 : i32
    %mul3A_62 = arith.constant 640 : i32
    %mul3A_63 = arith.muli %arg1, %mul3A_62 : i32
    %add3A_64 = arith.addi %mul3A_61, %mul3A_63 : i32
    %add3A_65 = arith.constant 256 : i32
    %add3A_66 = arith.addi %add3A_64, %add3A_65 : i32
    "tpu.region"() ({
      %run_scoped3A = tpu.sem_alloc : memref<!tpu.dma_semaphore, #tpu.memory_space<semaphore_mem>>
      %dma_start3A = arith.constant 0 : i32
      %dma_start3A_94 = tpu.memref_slice %arg8[%add3A_66, %dma_start3A] : memref<20480x128xf32, #tpu.memory_space<hbm>> -> memref<128x128xf32, #tpu.memory_space<hbm>>
      %dma_start3A_95 = arith.constant 0 : i32
      %dma_start3A_96 = tpu.memref_slice %arg8[%add3A_66, %dma_start3A_95] : memref<20480x128xf32, #tpu.memory_space<hbm>> -> memref<128x128xf32, #tpu.memory_space<hbm>>
      tpu.enqueue_dma source(%arg18 : memref<128x128xf32, #tpu.memory_space<vmem>>) target(%dma_start3A_96 : memref<128x128xf32, #tpu.memory_space<hbm>>) target_semaphore(%run_scoped3A : memref<!tpu.dma_semaphore, #tpu.memory_space<semaphore_mem>>)
      %dma_wait3A = arith.constant 0 : i32
      %dma_wait3A_97 = tpu.memref_slice %arg8[%add3A_66, %dma_wait3A] : memref<20480x128xf32, #tpu.memory_space<hbm>> -> memref<128x128xf32, #tpu.memory_space<hbm>>
      %dma_wait3A_98 = arith.constant 0 : i32
      %dma_wait3A_99 = tpu.memref_slice %arg8[%add3A_66, %dma_wait3A_98] : memref<20480x128xf32, #tpu.memory_space<hbm>> -> memref<128x128xf32, #tpu.memory_space<hbm>>
      tpu.wait_dma2 semaphore(%run_scoped3A : memref<!tpu.dma_semaphore, #tpu.memory_space<semaphore_mem>>) src(%arg18 : memref<128x128xf32, #tpu.memory_space<vmem>>) dst(%dma_wait3A_99 : memref<128x128xf32, #tpu.memory_space<hbm>>)
      tpu.yield
    }) : () -> ()
    %mul3A_67 = arith.constant 640 : i32
    %mul3A_68 = arith.muli %arg1, %mul3A_67 : i32
    %add3A_69 = arith.constant 384 : i32
    %add3A_70 = arith.addi %mul3A_68, %add3A_69 : i32
    "tpu.region"() ({
      %run_scoped3A = tpu.sem_alloc : memref<!tpu.dma_semaphore, #tpu.memory_space<semaphore_mem>>
      %dma_start3A = arith.constant 0 : i32
      %dma_start3A_94 = tpu.memref_slice %arg23[%add3A_70, %dma_start3A] : memref<10240x128xf32, #tpu.memory_space<vmem_shared>> -> memref<128x128xf32, #tpu.memory_space<vmem_shared>>
      %dma_start3A_95 = arith.constant 0 : i32
      %dma_start3A_96 = tpu.memref_slice %arg23[%add3A_70, %dma_start3A_95] : memref<10240x128xf32, #tpu.memory_space<vmem_shared>> -> memref<128x128xf32, #tpu.memory_space<vmem_shared>>
      tpu.enqueue_dma source(%dma_start3A_96 : memref<128x128xf32, #tpu.memory_space<vmem_shared>>) target(%arg18 : memref<128x128xf32, #tpu.memory_space<vmem>>) target_semaphore(%run_scoped3A : memref<!tpu.dma_semaphore, #tpu.memory_space<semaphore_mem>>)
      %dma_wait3A = arith.constant 0 : i32
      %dma_wait3A_97 = tpu.memref_slice %arg23[%add3A_70, %dma_wait3A] : memref<10240x128xf32, #tpu.memory_space<vmem_shared>> -> memref<128x128xf32, #tpu.memory_space<vmem_shared>>
      %dma_wait3A_98 = arith.constant 0 : i32
      %dma_wait3A_99 = tpu.memref_slice %arg23[%add3A_70, %dma_wait3A_98] : memref<10240x128xf32, #tpu.memory_space<vmem_shared>> -> memref<128x128xf32, #tpu.memory_space<vmem_shared>>
      tpu.wait_dma2 semaphore(%run_scoped3A : memref<!tpu.dma_semaphore, #tpu.memory_space<semaphore_mem>>) src(%dma_wait3A_99 : memref<128x128xf32, #tpu.memory_space<vmem_shared>>) dst(%arg18 : memref<128x128xf32, #tpu.memory_space<vmem>>)
      tpu.yield
    }) : () -> ()
    %mul3A_71 = arith.constant 10240 : i32
    %mul3A_72 = arith.muli %arg0, %mul3A_71 : i32
    %mul3A_73 = arith.constant 640 : i32
    %mul3A_74 = arith.muli %arg1, %mul3A_73 : i32
    %add3A_75 = arith.addi %mul3A_72, %mul3A_74 : i32
    %add3A_76 = arith.constant 384 : i32
    %add3A_77 = arith.addi %add3A_75, %add3A_76 : i32
    "tpu.region"() ({
      %run_scoped3A = tpu.sem_alloc : memref<!tpu.dma_semaphore, #tpu.memory_space<semaphore_mem>>
      %dma_start3A = arith.constant 0 : i32
      %dma_start3A_94 = tpu.memref_slice %arg8[%add3A_77, %dma_start3A] : memref<20480x128xf32, #tpu.memory_space<hbm>> -> memref<128x128xf32, #tpu.memory_space<hbm>>
      %dma_start3A_95 = arith.constant 0 : i32
      %dma_start3A_96 = tpu.memref_slice %arg8[%add3A_77, %dma_start3A_95] : memref<20480x128xf32, #tpu.memory_space<hbm>> -> memref<128x128xf32, #tpu.memory_space<hbm>>
      tpu.enqueue_dma source(%arg18 : memref<128x128xf32, #tpu.memory_space<vmem>>) target(%dma_start3A_96 : memref<128x128xf32, #tpu.memory_space<hbm>>) target_semaphore(%run_scoped3A : memref<!tpu.dma_semaphore, #tpu.memory_space<semaphore_mem>>)
      %dma_wait3A = arith.constant 0 : i32
      %dma_wait3A_97 = tpu.memref_slice %arg8[%add3A_77, %dma_wait3A] : memref<20480x128xf32, #tpu.memory_space<hbm>> -> memref<128x128xf32, #tpu.memory_space<hbm>>
      %dma_wait3A_98 = arith.constant 0 : i32
      %dma_wait3A_99 = tpu.memref_slice %arg8[%add3A_77, %dma_wait3A_98] : memref<20480x128xf32, #tpu.memory_space<hbm>> -> memref<128x128xf32, #tpu.memory_space<hbm>>
      tpu.wait_dma2 semaphore(%run_scoped3A : memref<!tpu.dma_semaphore, #tpu.memory_space<semaphore_mem>>) src(%arg18 : memref<128x128xf32, #tpu.memory_space<vmem>>) dst(%dma_wait3A_99 : memref<128x128xf32, #tpu.memory_space<hbm>>)
      tpu.yield
    }) : () -> ()
    %mul3A_78 = arith.constant 640 : i32
    %mul3A_79 = arith.muli %arg1, %mul3A_78 : i32
    %add3A_80 = arith.constant 512 : i32
    %add3A_81 = arith.addi %mul3A_79, %add3A_80 : i32
    "tpu.region"() ({
      %run_scoped3A = tpu.sem_alloc : memref<!tpu.dma_semaphore, #tpu.memory_space<semaphore_mem>>
      %dma_start3A = arith.constant 0 : i32
      %dma_start3A_94 = tpu.memref_slice %arg23[%add3A_81, %dma_start3A] : memref<10240x128xf32, #tpu.memory_space<vmem_shared>> -> memref<128x128xf32, #tpu.memory_space<vmem_shared>>
      %dma_start3A_95 = arith.constant 0 : i32
      %dma_start3A_96 = tpu.memref_slice %arg23[%add3A_81, %dma_start3A_95] : memref<10240x128xf32, #tpu.memory_space<vmem_shared>> -> memref<128x128xf32, #tpu.memory_space<vmem_shared>>
      tpu.enqueue_dma source(%dma_start3A_96 : memref<128x128xf32, #tpu.memory_space<vmem_shared>>) target(%arg18 : memref<128x128xf32, #tpu.memory_space<vmem>>) target_semaphore(%run_scoped3A : memref<!tpu.dma_semaphore, #tpu.memory_space<semaphore_mem>>)
      %dma_wait3A = arith.constant 0 : i32
      %dma_wait3A_97 = tpu.memref_slice %arg23[%add3A_81, %dma_wait3A] : memref<10240x128xf32, #tpu.memory_space<vmem_shared>> -> memref<128x128xf32, #tpu.memory_space<vmem_shared>>
      %dma_wait3A_98 = arith.constant 0 : i32
      %dma_wait3A_99 = tpu.memref_slice %arg23[%add3A_81, %dma_wait3A_98] : memref<10240x128xf32, #tpu.memory_space<vmem_shared>> -> memref<128x128xf32, #tpu.memory_space<vmem_shared>>
      tpu.wait_dma2 semaphore(%run_scoped3A : memref<!tpu.dma_semaphore, #tpu.memory_space<semaphore_mem>>) src(%dma_wait3A_99 : memref<128x128xf32, #tpu.memory_space<vmem_shared>>) dst(%arg18 : memref<128x128xf32, #tpu.memory_space<vmem>>)
      tpu.yield
    }) : () -> ()
    %mul3A_82 = arith.constant 10240 : i32
    %mul3A_83 = arith.muli %arg0, %mul3A_82 : i32
    %mul3A_84 = arith.constant 640 : i32
    %mul3A_85 = arith.muli %arg1, %mul3A_84 : i32
    %add3A_86 = arith.addi %mul3A_83, %mul3A_85 : i32
    %add3A_87 = arith.constant 512 : i32
    %add3A_88 = arith.addi %add3A_86, %add3A_87 : i32
    "tpu.region"() ({
      %run_scoped3A = tpu.sem_alloc : memref<!tpu.dma_semaphore, #tpu.memory_space<semaphore_mem>>
      %dma_start3A = arith.constant 0 : i32
      %dma_start3A_94 = tpu.memref_slice %arg8[%add3A_88, %dma_start3A] : memref<20480x128xf32, #tpu.memory_space<hbm>> -> memref<128x128xf32, #tpu.memory_space<hbm>>
      %dma_start3A_95 = arith.constant 0 : i32
      %dma_start3A_96 = tpu.memref_slice %arg8[%add3A_88, %dma_start3A_95] : memref<20480x128xf32, #tpu.memory_space<hbm>> -> memref<128x128xf32, #tpu.memory_space<hbm>>
      tpu.enqueue_dma source(%arg18 : memref<128x128xf32, #tpu.memory_space<vmem>>) target(%dma_start3A_96 : memref<128x128xf32, #tpu.memory_space<hbm>>) target_semaphore(%run_scoped3A : memref<!tpu.dma_semaphore, #tpu.memory_space<semaphore_mem>>)
      %dma_wait3A = arith.constant 0 : i32
      %dma_wait3A_97 = tpu.memref_slice %arg8[%add3A_88, %dma_wait3A] : memref<20480x128xf32, #tpu.memory_space<hbm>> -> memref<128x128xf32, #tpu.memory_space<hbm>>
      %dma_wait3A_98 = arith.constant 0 : i32
      %dma_wait3A_99 = tpu.memref_slice %arg8[%add3A_88, %dma_wait3A_98] : memref<20480x128xf32, #tpu.memory_space<hbm>> -> memref<128x128xf32, #tpu.memory_space<hbm>>
      tpu.wait_dma2 semaphore(%run_scoped3A : memref<!tpu.dma_semaphore, #tpu.memory_space<semaphore_mem>>) src(%arg18 : memref<128x128xf32, #tpu.memory_space<vmem>>) dst(%dma_wait3A_99 : memref<128x128xf32, #tpu.memory_space<hbm>>)
      tpu.yield
    }) : () -> ()
    %eq3A_89 = arith.constant 0 : i32
    %eq3A_90 = arith.cmpi eq, %arg0, %eq3A_89 : i32
    %convert_element_type3A_91 = arith.extui %eq3A_90 : i1 to i32
    %cond3A_92 = arith.constant 0 : i32
    %cond3A_93 = arith.cmpi ne, %convert_element_type3A_91, %cond3A_92 : i32
    scf.if %cond3A_93 {
      %mul3A_94 = arith.constant 640 : i32
      %mul3A_95 = arith.muli %arg1, %mul3A_94 : i32
      "tpu.region"() ({
        %run_scoped3A = tpu.sem_alloc : memref<!tpu.dma_semaphore, #tpu.memory_space<semaphore_mem>>
        %dma_start3A = arith.constant 0 : i32
        %dma_start3A_98 = tpu.memref_slice %arg22[%dma_start3A] : memref<10048xf32, #tpu.memory_space<vmem>> -> memref<640xf32, #tpu.memory_space<vmem>>
        %dma_start3A_99 = tpu.memref_slice %arg24[%mul3A_95] : memref<10240xf32, #tpu.memory_space<vmem_shared>> -> memref<640xf32, #tpu.memory_space<vmem_shared>>
        %dma_start3A_100 = arith.constant 0 : i32
        %dma_start3A_101 = tpu.memref_slice %arg22[%dma_start3A_100] : memref<10048xf32, #tpu.memory_space<vmem>> -> memref<640xf32, #tpu.memory_space<vmem>>
        %dma_start3A_102 = tpu.memref_slice %arg24[%mul3A_95] : memref<10240xf32, #tpu.memory_space<vmem_shared>> -> memref<640xf32, #tpu.memory_space<vmem_shared>>
        tpu.enqueue_dma source(%dma_start3A_102 : memref<640xf32, #tpu.memory_space<vmem_shared>>) target(%dma_start3A_101 : memref<640xf32, #tpu.memory_space<vmem>>) target_semaphore(%run_scoped3A : memref<!tpu.dma_semaphore, #tpu.memory_space<semaphore_mem>>)
        %dma_wait3A = arith.constant 0 : i32
        %dma_wait3A_103 = tpu.memref_slice %arg22[%dma_wait3A] : memref<10048xf32, #tpu.memory_space<vmem>> -> memref<640xf32, #tpu.memory_space<vmem>>
        %dma_wait3A_104 = tpu.memref_slice %arg24[%mul3A_95] : memref<10240xf32, #tpu.memory_space<vmem_shared>> -> memref<640xf32, #tpu.memory_space<vmem_shared>>
        %dma_wait3A_105 = arith.constant 0 : i32
        %dma_wait3A_106 = tpu.memref_slice %arg22[%dma_wait3A_105] : memref<10048xf32, #tpu.memory_space<vmem>> -> memref<640xf32, #tpu.memory_space<vmem>>
        %dma_wait3A_107 = tpu.memref_slice %arg24[%mul3A_95] : memref<10240xf32, #tpu.memory_space<vmem_shared>> -> memref<640xf32, #tpu.memory_space<vmem_shared>>
        tpu.wait_dma2 semaphore(%run_scoped3A : memref<!tpu.dma_semaphore, #tpu.memory_space<semaphore_mem>>) src(%dma_wait3A_107 : memref<640xf32, #tpu.memory_space<vmem_shared>>) dst(%dma_wait3A_106 : memref<640xf32, #tpu.memory_space<vmem>>)
        tpu.yield
      }) : () -> ()
      %mul3A_96 = arith.constant 640 : i32
      %mul3A_97 = arith.muli %arg1, %mul3A_96 : i32
      "tpu.region"() ({
        %run_scoped3A = tpu.sem_alloc : memref<!tpu.dma_semaphore, #tpu.memory_space<semaphore_mem>>
        %dma_start3A = arith.constant 0 : i32
        %dma_start3A_98 = tpu.memref_slice %arg22[%dma_start3A] : memref<10048xf32, #tpu.memory_space<vmem>> -> memref<640xf32, #tpu.memory_space<vmem>>
        %dma_start3A_99 = tpu.memref_slice %arg9[%mul3A_97] : memref<10240xf32, #tpu.memory_space<hbm>> -> memref<640xf32, #tpu.memory_space<hbm>>
        %dma_start3A_100 = tpu.memref_slice %arg9[%mul3A_97] : memref<10240xf32, #tpu.memory_space<hbm>> -> memref<640xf32, #tpu.memory_space<hbm>>
        %dma_start3A_101 = arith.constant 0 : i32
        %dma_start3A_102 = tpu.memref_slice %arg22[%dma_start3A_101] : memref<10048xf32, #tpu.memory_space<vmem>> -> memref<640xf32, #tpu.memory_space<vmem>>
        tpu.enqueue_dma source(%dma_start3A_102 : memref<640xf32, #tpu.memory_space<vmem>>) target(%dma_start3A_100 : memref<640xf32, #tpu.memory_space<hbm>>) target_semaphore(%run_scoped3A : memref<!tpu.dma_semaphore, #tpu.memory_space<semaphore_mem>>)
        %dma_wait3A = arith.constant 0 : i32
        %dma_wait3A_103 = tpu.memref_slice %arg22[%dma_wait3A] : memref<10048xf32, #tpu.memory_space<vmem>> -> memref<640xf32, #tpu.memory_space<vmem>>
        %dma_wait3A_104 = tpu.memref_slice %arg9[%mul3A_97] : memref<10240xf32, #tpu.memory_space<hbm>> -> memref<640xf32, #tpu.memory_space<hbm>>
        %dma_wait3A_105 = tpu.memref_slice %arg9[%mul3A_97] : memref<10240xf32, #tpu.memory_space<hbm>> -> memref<640xf32, #tpu.memory_space<hbm>>
        %dma_wait3A_106 = arith.constant 0 : i32
        %dma_wait3A_107 = tpu.memref_slice %arg22[%dma_wait3A_106] : memref<10048xf32, #tpu.memory_space<vmem>> -> memref<640xf32, #tpu.memory_space<vmem>>
        tpu.wait_dma2 semaphore(%run_scoped3A : memref<!tpu.dma_semaphore, #tpu.memory_space<semaphore_mem>>) src(%dma_wait3A_107 : memref<640xf32, #tpu.memory_space<vmem>>) dst(%dma_wait3A_105 : memref<640xf32, #tpu.memory_space<hbm>>)
        tpu.yield
      }) : () -> ()
    } else {
    }
    return
  }
}

module attributes {stable_mosaic.version = 14 : i64} {
  func.func @_t1a_body(%arg0: memref<2x10240xf32, #tpu.memory_space<vmem>>, %arg1: memref<1x10240xf32, #tpu.memory_space<vmem>>) attributes {dimension_semantics = [], scalar_prefetch = 0 : i64, scratch_operands = 0 : i64, tpu.core_type = #tpu.core_type<tc>} {
    %get3A = arith.constant 0 : index
    %get3A_0 = arith.constant 0 : index
    %get3A_1 = vector.load %arg0[%get3A, %get3A_0] : memref<2x10240xf32, #tpu.memory_space<vmem>>, vector<1x10240xf32>
    %get3A_2 = arith.constant 1 : index
    %get3A_3 = arith.constant 0 : index
    %get3A_4 = vector.load %arg0[%get3A_2, %get3A_3] : memref<2x10240xf32, #tpu.memory_space<vmem>>, vector<1x10240xf32>
    %add3A = arith.addf %get3A_1, %get3A_4 : vector<1x10240xf32>
    %add3A_5 = arith.constant 1.000000e+00 : f32
    %add3A_6 = vector.broadcast %add3A_5 : f32 to vector<1x10240xf32>
    %add3A_7 = arith.addf %add3A, %add3A_6 : vector<1x10240xf32>
    %rsqrt3A = math.rsqrt %add3A_7 : vector<1x10240xf32>
    %iota3A = tpu.iota {dimensions = array<i32: 1>} : vector<1x10240xi32>
    %lt3A = arith.constant 10000 : i32
    %lt3A_8 = vector.broadcast %lt3A : i32 to vector<1x10240xi32>
    %lt3A_9 = arith.cmpi slt, %iota3A, %lt3A_8 : vector<1x10240xi32>
    %jit3A = arith.constant 0.000000e+00 : f32
    %broadcast_in_dim3A = vector.broadcast %jit3A : f32 to vector<1x10240xf32>
    %select_n3A = arith.select %lt3A_9, %rsqrt3A, %broadcast_in_dim3A : vector<1x10240xi1>, vector<1x10240xf32>
    %swap3A = arith.constant 0 : index
    %swap3A_10 = arith.constant 0 : index
    %swap3A_11 = vector.load %arg1[%swap3A, %swap3A_10] : memref<1x10240xf32, #tpu.memory_space<vmem>>, vector<1x10240xf32>
    tpu.vector_store %arg1[%swap3A, %swap3A_10], %select_n3A {strides = array<i32>} : memref<1x10240xf32, #tpu.memory_space<vmem>>, vector<1x10240xf32>,
    return
  }
}

module attributes {stable_mosaic.version = 14 : i64} {
  func.func @_t1b_body(%arg0: i32, %arg1: memref<400x1xf32, #tpu.memory_space<vmem>>, %arg2: memref<400x128xf32, #tpu.memory_space<vmem>>, %arg3: memref<400x128xf32, #tpu.memory_space<vmem>>) attributes {dimension_semantics = [#tpu.dimension_semantics<arbitrary>], iteration_bounds = array<i64: 25>, scalar_prefetch = 0 : i64, scratch_operands = 0 : i64, tpu.core_type = #tpu.core_type<tc>, window_params = [{transform_indices = @transform_0, window_bounds = array<i64: 400, 1>}, {transform_indices = @transform_1, window_bounds = array<i64: 400, 128>}, {transform_indices = @transform_2, window_bounds = array<i64: 400, 128>}]} {
    %get3A = arith.constant 0 : index
    %get3A_0 = arith.constant 0 : index
    %get3A_1 = vector.load %arg1[%get3A, %get3A_0] : memref<400x1xf32, #tpu.memory_space<vmem>>, vector<400x1xf32>
    %get3A_2 = arith.constant 0 : index
    %get3A_3 = arith.constant 0 : index
    %get3A_4 = vector.load %arg2[%get3A_2, %get3A_3] : memref<400x128xf32, #tpu.memory_space<vmem>>, vector<400x128xf32>
    %mul3A = vector.broadcast %get3A_1 : vector<400x1xf32> to vector<400x128xf32>
    %mul3A_5 = arith.mulf %mul3A, %get3A_4 : vector<400x128xf32>
    %swap3A = arith.constant 0 : index
    %swap3A_6 = arith.constant 0 : index
    %swap3A_7 = vector.load %arg3[%swap3A, %swap3A_6] : memref<400x128xf32, #tpu.memory_space<vmem>>, vector<400x128xf32>
    tpu.vector_store %arg3[%swap3A, %swap3A_6], %mul3A_5 {strides = array<i32>} : memref<400x128xf32, #tpu.memory_space<vmem>>, vector<400x128xf32>,
    return
  }
  func.func @transform_0(%arg0: i32) -> (i32, i32) {
    %c0_i32 = arith.constant 0 : i32
    %c0_i32_0 = arith.constant 0 : i32
    return %arg0, %c0_i32 : i32, i32
  }
  func.func @transform_1(%arg0: i32) -> (i32, i32) {
    %c0_i32 = arith.constant 0 : i32
    %c0_i32_0 = arith.constant 0 : i32
    return %arg0, %c0_i32 : i32, i32
  }
  func.func @transform_2(%arg0: i32) -> (i32, i32) {
    %c0_i32 = arith.constant 0 : i32
    %c0_i32_0 = arith.constant 0 : i32
    return %arg0, %c0_i32 : i32, i32
  }
}

module attributes {stable_mosaic.version = 14 : i64} {
  func.func @_t23_body(%arg0: i32, %arg1: memref<2x400x128xf32, #tpu.memory_space<vmem>>, %arg2: memref<400x128xf32, #tpu.memory_space<vmem>>, %arg3: memref<400x1xf32, #tpu.memory_space<vmem>>, %arg4: memref<128x256xf32, #tpu.memory_space<vmem>>, %arg5: memref<1x256xf32, #tpu.memory_space<vmem>>, %arg6: memref<1x256xf32, #tpu.memory_space<vmem>>, %arg7: memref<1x256xf32, #tpu.memory_space<vmem>>, %arg8: memref<400x128xf32, #tpu.memory_space<vmem>>, %arg9: memref<400x128xf32, #tpu.memory_space<vmem>>, %arg10: memref<10000x256xf32, #tpu.memory_space<vmem>>, %arg11: memref<2x256xf32, #tpu.memory_space<vmem>>) attributes {dimension_semantics = [#tpu.dimension_semantics<arbitrary>], iteration_bounds = array<i64: 50>, scalar_prefetch = 0 : i64, scratch_operands = 2 : i64, tpu.core_type = #tpu.core_type<tc>, window_params = [{transform_indices = @transform_0, window_bounds = array<i64: 2, 400, 128>}, {transform_indices = @transform_1, window_bounds = array<i64: 400, 128>}, {transform_indices = @transform_2, window_bounds = array<i64: 400, 1>}, {pipeline_mode = #tpu.pipeline_mode<synchronous>, transform_indices = @transform_3, window_bounds = array<i64: 128, 256>}, {pipeline_mode = #tpu.pipeline_mode<synchronous>, transform_indices = @transform_4, window_bounds = array<i64: 1, 256>}, {pipeline_mode = #tpu.pipeline_mode<synchronous>, transform_indices = @transform_5, window_bounds = array<i64: 1, 256>}, {pipeline_mode = #tpu.pipeline_mode<synchronous>, transform_indices = @transform_6, window_bounds = array<i64: 1, 256>}, {transform_indices = @transform_7, window_bounds = array<i64: 400, 128>}, {transform_indices = @transform_8, window_bounds = array<i64: 400, 128>}]} {
    %lt3A = arith.constant 25 : i32
    %lt3A_0 = arith.cmpi slt, %arg0, %lt3A : i32
    %convert_element_type3A = arith.extui %lt3A_0 : i1 to i32
    %cond3A = arith.constant 0 : i32
    %cond3A_1 = arith.cmpi ne, %convert_element_type3A, %cond3A : i32
    scf.if %cond3A_1 {
      %get3A = arith.constant 0 : index
      %get3A_6 = arith.constant 0 : index
      %get3A_7 = vector.load %arg3[%get3A, %get3A_6] : memref<400x1xf32, #tpu.memory_space<vmem>>, vector<400x1xf32>
      %get3A_8 = arith.constant 0 : index
      %get3A_9 = arith.constant 0 : index
      %get3A_10 = arith.constant 0 : index
      %get3A_11 = vector.load %arg1[%get3A_8, %get3A_9, %get3A_10] : memref<2x400x128xf32, #tpu.memory_space<vmem>>, vector<1x400x128xf32>
      %get3A_12 = vector.shape_cast %get3A_11 : vector<1x400x128xf32> to vector<400x128xf32>
      %get3A_13 = arith.constant 1 : index
      %get3A_14 = arith.constant 0 : index
      %get3A_15 = arith.constant 0 : index
      %get3A_16 = vector.load %arg1[%get3A_13, %get3A_14, %get3A_15] : memref<2x400x128xf32, #tpu.memory_space<vmem>>, vector<1x400x128xf32>
      %get3A_17 = vector.shape_cast %get3A_16 : vector<1x400x128xf32> to vector<400x128xf32>
      %add3A = arith.addf %get3A_12, %get3A_17 : vector<400x128xf32>
      %get3A_18 = arith.constant 0 : index
      %get3A_19 = arith.constant 0 : index
      %get3A_20 = vector.load %arg2[%get3A_18, %get3A_19] : memref<400x128xf32, #tpu.memory_space<vmem>>, vector<400x128xf32>
      %add3A_21 = arith.addf %add3A, %get3A_20 : vector<400x128xf32>
      %mul3A = vector.broadcast %get3A_7 : vector<400x1xf32> to vector<400x128xf32>
      %mul3A_22 = arith.mulf %mul3A, %add3A_21 : vector<400x128xf32>
      %get3A_23 = arith.constant 0 : index
      %get3A_24 = arith.constant 0 : index
      %get3A_25 = vector.load %arg4[%get3A_23, %get3A_24] : memref<128x256xf32, #tpu.memory_space<vmem>>, vector<128x256xf32>
      %dot_general3A = arith.constant dense<0.000000e+00> : vector<400x256xf32>
      %dot_general3A_26 = tpu.matmul %mul3A_22, %get3A_25, %dot_general3A {dimension_numbers = #tpu.dot_dimension_numbers<[1], [0], [0], [1], [0, 0, 1, 1], [], []>, transpose_lhs_hint = false} : vector<400x128xf32>, vector<128x256xf32>, vector<400x256xf32> -> vector<400x256xf32>
      %get3A_27 = arith.constant 0 : index
      %get3A_28 = arith.constant 0 : index
      %get3A_29 = vector.load %arg5[%get3A_27, %get3A_28] : memref<1x256xf32, #tpu.memory_space<vmem>>, vector<1x256xf32>
      %add3A_30 = vector.broadcast %get3A_29 : vector<1x256xf32> to vector<400x256xf32>
      %add3A_31 = arith.addf %dot_general3A_26, %add3A_30 : vector<400x256xf32>
      %mul3A_32 = arith.constant 400 : i32
      %mul3A_33 = arith.muli %arg0, %mul3A_32 : i32
      %swap3A = arith.index_cast %mul3A_33 : i32 to index
      %swap3A_34 = arith.constant 0 : index
      %swap3A_35 = vector.load %arg10[%swap3A, %swap3A_34] : memref<10000x256xf32, #tpu.memory_space<vmem>>, vector<400x256xf32>
      tpu.vector_store %arg10[%swap3A, %swap3A_34], %add3A_31 {strides = array<i32>} : memref<10000x256xf32, #tpu.memory_space<vmem>>, vector<400x256xf32>,
      %eq3A = arith.constant 0 : i32
      %eq3A_36 = arith.cmpi eq, %arg0, %eq3A : i32
      %convert_element_type3A_37 = arith.extui %eq3A_36 : i1 to i32
      %cond3A_38 = arith.constant 0 : i32
      %cond3A_39 = arith.cmpi ne, %convert_element_type3A_37, %cond3A_38 : i32
      scf.if %cond3A_39 {
        %broadcast_in_dim3A_59 = arith.constant 0.000000e+00 : f32
        %broadcast_in_dim3A_60 = vector.broadcast %broadcast_in_dim3A_59 : f32 to vector<2x256xf32>
        %swap3A_61 = arith.constant 0 : index
        %swap3A_62 = arith.constant 0 : index
        %swap3A_63 = vector.load %arg11[%swap3A_61, %swap3A_62] : memref<2x256xf32, #tpu.memory_space<vmem>>, vector<2x256xf32>
        tpu.vector_store %arg11[%swap3A_61, %swap3A_62], %broadcast_in_dim3A_60 {strides = array<i32>} : memref<2x256xf32, #tpu.memory_space<vmem>>, vector<2x256xf32>,
      } else {
      }
      %get3A_40 = arith.constant 0 : index
      %get3A_41 = arith.constant 0 : index
      %get3A_42 = vector.load %arg11[%get3A_40, %get3A_41] : memref<2x256xf32, #tpu.memory_space<vmem>>, vector<1x256xf32>
      %reduce_sum3A = arith.constant dense<0.000000e+00> : vector<256xf32>
      %reduce_sum3A_43 = vector.multi_reduction <add>, %add3A_31, %reduce_sum3A [0] : vector<400x256xf32> to vector<256xf32>
      %broadcast_in_dim3A = vector.shape_cast %reduce_sum3A_43 : vector<256xf32> to vector<1x256xf32>
      %add3A_44 = arith.addf %get3A_42, %broadcast_in_dim3A : vector<1x256xf32>
      %swap3A_45 = arith.constant 0 : index
      %swap3A_46 = arith.constant 0 : index
      %swap3A_47 = vector.load %arg11[%swap3A_45, %swap3A_46] : memref<2x256xf32, #tpu.memory_space<vmem>>, vector<1x256xf32>
      tpu.vector_store %arg11[%swap3A_45, %swap3A_46], %add3A_44 {strides = array<i32>} : memref<2x256xf32, #tpu.memory_space<vmem>>, vector<1x256xf32>,
      %get3A_48 = arith.constant 1 : index
      %get3A_49 = arith.constant 0 : index
      %get3A_50 = vector.load %arg11[%get3A_48, %get3A_49] : memref<2x256xf32, #tpu.memory_space<vmem>>, vector<1x256xf32>
      %mul3A_51 = arith.mulf %add3A_31, %add3A_31 : vector<400x256xf32>
      %reduce_sum3A_52 = arith.constant dense<0.000000e+00> : vector<256xf32>
      %reduce_sum3A_53 = vector.multi_reduction <add>, %mul3A_51, %reduce_sum3A_52 [0] : vector<400x256xf32> to vector<256xf32>
      %broadcast_in_dim3A_54 = vector.shape_cast %reduce_sum3A_53 : vector<256xf32> to vector<1x256xf32>
      %add3A_55 = arith.addf %get3A_50, %broadcast_in_dim3A_54 : vector<1x256xf32>
      %swap3A_56 = arith.constant 1 : index
      %swap3A_57 = arith.constant 0 : index
      %swap3A_58 = vector.load %arg11[%swap3A_56, %swap3A_57] : memref<2x256xf32, #tpu.memory_space<vmem>>, vector<1x256xf32>
      tpu.vector_store %arg11[%swap3A_56, %swap3A_57], %add3A_55 {strides = array<i32>} : memref<2x256xf32, #tpu.memory_space<vmem>>, vector<1x256xf32>,
    } else {
    }
    %ge3A = arith.constant 25 : i32
    %ge3A_2 = arith.cmpi sge, %arg0, %ge3A : i32
    %convert_element_type3A_3 = arith.extui %ge3A_2 : i1 to i32
    %cond3A_4 = arith.constant 0 : i32
    %cond3A_5 = arith.cmpi ne, %convert_element_type3A_3, %cond3A_4 : i32
    scf.if %cond3A_5 {
      %sub3A = arith.constant 25 : i32
      %sub3A_6 = arith.subi %arg0, %sub3A : i32
      %get3A = arith.constant 0 : index
      %get3A_7 = arith.constant 0 : index
      %get3A_8 = vector.load %arg11[%get3A, %get3A_7] : memref<2x256xf32, #tpu.memory_space<vmem>>, vector<1x256xf32>
      %mul3A = arith.constant 9.99999974E-5 : f32
      %mul3A_9 = vector.broadcast %mul3A : f32 to vector<1x256xf32>
      %mul3A_10 = arith.mulf %get3A_8, %mul3A_9 : vector<1x256xf32>
      %get3A_11 = arith.constant 1 : index
      %get3A_12 = arith.constant 0 : index
      %get3A_13 = vector.load %arg11[%get3A_11, %get3A_12] : memref<2x256xf32, #tpu.memory_space<vmem>>, vector<1x256xf32>
      %mul3A_14 = arith.constant 9.99999974E-5 : f32
      %mul3A_15 = vector.broadcast %mul3A_14 : f32 to vector<1x256xf32>
      %mul3A_16 = arith.mulf %get3A_13, %mul3A_15 : vector<1x256xf32>
      %mul3A_17 = arith.mulf %mul3A_10, %mul3A_10 : vector<1x256xf32>
      %sub3A_18 = arith.subf %mul3A_16, %mul3A_17 : vector<1x256xf32>
      %mul3A_19 = arith.constant 400 : i32
      %mul3A_20 = arith.muli %sub3A_6, %mul3A_19 : i32
      %get3A_21 = arith.index_cast %mul3A_20 : i32 to index
      %get3A_22 = arith.constant 0 : index
      %get3A_23 = vector.load %arg10[%get3A_21, %get3A_22] : memref<10000x256xf32, #tpu.memory_space<vmem>>, vector<400x256xf32>
      %sub3A_24 = vector.broadcast %mul3A_10 : vector<1x256xf32> to vector<400x256xf32>
      %sub3A_25 = arith.subf %get3A_23, %sub3A_24 : vector<400x256xf32>
      %add3A = arith.constant 9.99999974E-6 : f32
      %add3A_26 = vector.broadcast %add3A : f32 to vector<1x256xf32>
      %add3A_27 = arith.addf %sub3A_18, %add3A_26 : vector<1x256xf32>
      %rsqrt3A = math.rsqrt %add3A_27 : vector<1x256xf32>
      %mul3A_28 = vector.broadcast %rsqrt3A : vector<1x256xf32> to vector<400x256xf32>
      %mul3A_29 = arith.mulf %sub3A_25, %mul3A_28 : vector<400x256xf32>
      %get3A_30 = arith.constant 0 : index
      %get3A_31 = arith.constant 0 : index
      %get3A_32 = vector.load %arg6[%get3A_30, %get3A_31] : memref<1x256xf32, #tpu.memory_space<vmem>>, vector<1x256xf32>
      %mul3A_33 = vector.broadcast %get3A_32 : vector<1x256xf32> to vector<400x256xf32>
      %mul3A_34 = arith.mulf %mul3A_29, %mul3A_33 : vector<400x256xf32>
      %get3A_35 = arith.constant 0 : index
      %get3A_36 = arith.constant 0 : index
      %get3A_37 = vector.load %arg7[%get3A_35, %get3A_36] : memref<1x256xf32, #tpu.memory_space<vmem>>, vector<1x256xf32>
      %add3A_38 = vector.broadcast %get3A_37 : vector<1x256xf32> to vector<400x256xf32>
      %add3A_39 = arith.addf %mul3A_34, %add3A_38 : vector<400x256xf32>
      %max3A = arith.constant 0.000000e+00 : f32
      %max3A_40 = vector.broadcast %max3A : f32 to vector<400x256xf32>
      %max3A_41 = arith.maximumf %add3A_39, %max3A_40 : vector<400x256xf32>
      %get3A_42 = arith.constant 0 : index
      %get3A_43 = arith.constant 0 : index
      %get3A_44 = vector.load %arg3[%get3A_42, %get3A_43] : memref<400x1xf32, #tpu.memory_space<vmem>>, vector<400x1xf32>
      %mul3A_45 = vector.broadcast %get3A_44 : vector<400x1xf32> to vector<400x256xf32>
      %mul3A_46 = arith.mulf %max3A_41, %mul3A_45 : vector<400x256xf32>
      %slice3A = vector.extract_strided_slice %mul3A_46 {offsets = [0, 0], sizes = [400, 128], strides = [1, 1]} : vector<400x256xf32> to vector<400x128xf32>
      %swap3A = arith.constant 0 : index
      %swap3A_47 = arith.constant 0 : index
      %swap3A_48 = vector.load %arg8[%swap3A, %swap3A_47] : memref<400x128xf32, #tpu.memory_space<vmem>>, vector<400x128xf32>
      tpu.vector_store %arg8[%swap3A, %swap3A_47], %slice3A {strides = array<i32>} : memref<400x128xf32, #tpu.memory_space<vmem>>, vector<400x128xf32>,
      %slice3A_49 = vector.extract_strided_slice %mul3A_46 {offsets = [0, 128], sizes = [400, 128], strides = [1, 1]} : vector<400x256xf32> to vector<400x128xf32>
      %swap3A_50 = arith.constant 0 : index
      %swap3A_51 = arith.constant 0 : index
      %swap3A_52 = vector.load %arg9[%swap3A_50, %swap3A_51] : memref<400x128xf32, #tpu.memory_space<vmem>>, vector<400x128xf32>
      tpu.vector_store %arg9[%swap3A_50, %swap3A_51], %slice3A_49 {strides = array<i32>} : memref<400x128xf32, #tpu.memory_space<vmem>>, vector<400x128xf32>,
    } else {
    }
    return
  }
  func.func @transform_0(%arg0: i32) -> (i32, i32, i32) {
    %lt3A = arith.constant 25 : i32
    %lt3A_0 = arith.cmpi slt, %arg0, %lt3A : i32
    %sub3A = arith.constant 25 : i32
    %sub3A_1 = arith.subi %arg0, %sub3A : i32
    %select_n3A = arith.select %lt3A_0, %arg0, %sub3A_1 : i32
    %c0_i32 = arith.constant 0 : i32
    %c0_i32_2 = arith.constant 0 : i32
    %c0_i32_3 = arith.constant 0 : i32
    return %c0_i32, %select_n3A, %c0_i32_2 : i32, i32, i32
  }
  func.func @transform_1(%arg0: i32) -> (i32, i32) {
    %lt3A = arith.constant 25 : i32
    %lt3A_0 = arith.cmpi slt, %arg0, %lt3A : i32
    %sub3A = arith.constant 25 : i32
    %sub3A_1 = arith.subi %arg0, %sub3A : i32
    %select_n3A = arith.select %lt3A_0, %arg0, %sub3A_1 : i32
    %c0_i32 = arith.constant 0 : i32
    %c0_i32_2 = arith.constant 0 : i32
    return %select_n3A, %c0_i32 : i32, i32
  }
  func.func @transform_2(%arg0: i32) -> (i32, i32) {
    %lt3A = arith.constant 25 : i32
    %lt3A_0 = arith.cmpi slt, %arg0, %lt3A : i32
    %sub3A = arith.constant 25 : i32
    %sub3A_1 = arith.subi %arg0, %sub3A : i32
    %select_n3A = arith.select %lt3A_0, %arg0, %sub3A_1 : i32
    %c0_i32 = arith.constant 0 : i32
    %c0_i32_2 = arith.constant 0 : i32
    return %select_n3A, %c0_i32 : i32, i32
  }
  func.func @transform_3(%arg0: i32) -> (i32, i32) {
    %c0_i32 = arith.constant 0 : i32
    %c0_i32_0 = arith.constant 0 : i32
    %c0_i32_1 = arith.constant 0 : i32
    return %c0_i32, %c0_i32_0 : i32, i32
  }
  func.func @transform_4(%arg0: i32) -> (i32, i32) {
    %c0_i32 = arith.constant 0 : i32
    %c0_i32_0 = arith.constant 0 : i32
    %c0_i32_1 = arith.constant 0 : i32
    return %c0_i32, %c0_i32_0 : i32, i32
  }
  func.func @transform_5(%arg0: i32) -> (i32, i32) {
    %c0_i32 = arith.constant 0 : i32
    %c0_i32_0 = arith.constant 0 : i32
    %c0_i32_1 = arith.constant 0 : i32
    return %c0_i32, %c0_i32_0 : i32, i32
  }
  func.func @transform_6(%arg0: i32) -> (i32, i32) {
    %c0_i32 = arith.constant 0 : i32
    %c0_i32_0 = arith.constant 0 : i32
    %c0_i32_1 = arith.constant 0 : i32
    return %c0_i32, %c0_i32_0 : i32, i32
  }
  func.func @transform_7(%arg0: i32) -> (i32, i32) {
    %sub3A = arith.constant 25 : i32
    %sub3A_0 = arith.subi %arg0, %sub3A : i32
    %max3A = arith.constant 0 : i32
    %max3A_1 = arith.maxsi %sub3A_0, %max3A : i32
    %c0_i32 = arith.constant 0 : i32
    %c0_i32_2 = arith.constant 0 : i32
    return %max3A_1, %c0_i32 : i32, i32
  }
  func.func @transform_8(%arg0: i32) -> (i32, i32) {
    %sub3A = arith.constant 25 : i32
    %sub3A_0 = arith.subi %arg0, %sub3A : i32
    %max3A = arith.constant 0 : i32
    %max3A_1 = arith.maxsi %sub3A_0, %max3A : i32
    %c0_i32 = arith.constant 0 : i32
    %c0_i32_2 = arith.constant 0 : i32
    return %max3A_1, %c0_i32 : i32, i32
  }
}

module attributes {stable_mosaic.version = 14 : i64} {
  func.func @_t45_body(%arg0: i32, %arg1: memref<2x400x128xf32, #tpu.memory_space<vmem>>, %arg2: memref<400x128xf32, #tpu.memory_space<vmem>>, %arg3: memref<400x128xf32, #tpu.memory_space<vmem>>, %arg4: memref<400x1xf32, #tpu.memory_space<vmem>>, %arg5: memref<256x256xf32, #tpu.memory_space<vmem>>, %arg6: memref<1x256xf32, #tpu.memory_space<vmem>>, %arg7: memref<1x256xf32, #tpu.memory_space<vmem>>, %arg8: memref<1x256xf32, #tpu.memory_space<vmem>>, %arg9: memref<400x1xf32, #tpu.memory_space<vmem>>, %arg10: memref<256x128xf32, #tpu.memory_space<vmem>>, %arg11: memref<1x128xf32, #tpu.memory_space<vmem>>, %arg12: memref<1x128xf32, #tpu.memory_space<vmem>>, %arg13: memref<10000x256xf32, #tpu.memory_space<vmem>>, %arg14: memref<2x256xf32, #tpu.memory_space<vmem>>, %arg15: memref<1x256xf32, #tpu.memory_space<vmem>>) attributes {dimension_semantics = [#tpu.dimension_semantics<arbitrary>], iteration_bounds = array<i64: 50>, scalar_prefetch = 0 : i64, scratch_operands = 3 : i64, tpu.core_type = #tpu.core_type<tc>, window_params = [{transform_indices = @transform_0, window_bounds = array<i64: 2, 400, 128>}, {transform_indices = @transform_1, window_bounds = array<i64: 400, 128>}, {transform_indices = @transform_2, window_bounds = array<i64: 400, 128>}, {transform_indices = @transform_3, window_bounds = array<i64: 400, 1>}, {pipeline_mode = #tpu.pipeline_mode<synchronous>, transform_indices = @transform_4, window_bounds = array<i64: 256, 256>}, {pipeline_mode = #tpu.pipeline_mode<synchronous>, transform_indices = @transform_5, window_bounds = array<i64: 1, 256>}, {pipeline_mode = #tpu.pipeline_mode<synchronous>, transform_indices = @transform_6, window_bounds = array<i64: 1, 256>}, {pipeline_mode = #tpu.pipeline_mode<synchronous>, transform_indices = @transform_7, window_bounds = array<i64: 1, 256>}, {transform_indices = @transform_8, window_bounds = array<i64: 400, 1>}, {pipeline_mode = #tpu.pipeline_mode<synchronous>, transform_indices = @transform_9, window_bounds = array<i64: 256, 128>}, {pipeline_mode = #tpu.pipeline_mode<synchronous>, transform_indices = @transform_10, window_bounds = array<i64: 1, 128>}, {pipeline_mode = #tpu.pipeline_mode<synchronous>, transform_indices = @transform_11, window_bounds = array<i64: 1, 128>}]} {
    %get3A = arith.constant 0 : index
    %get3A_0 = arith.constant 0 : index
    %get3A_1 = vector.load %arg4[%get3A, %get3A_0] : memref<400x1xf32, #tpu.memory_space<vmem>>, vector<400x1xf32>
    %lt3A = arith.constant 25 : i32
    %lt3A_2 = arith.cmpi slt, %arg0, %lt3A : i32
    %convert_element_type3A = arith.extui %lt3A_2 : i1 to i32
    %cond3A = arith.constant 0 : i32
    %cond3A_3 = arith.cmpi ne, %convert_element_type3A, %cond3A : i32
    scf.if %cond3A_3 {
      %get3A_8 = arith.constant 0 : index
      %get3A_9 = arith.constant 0 : index
      %get3A_10 = arith.constant 0 : index
      %get3A_11 = vector.load %arg1[%get3A_8, %get3A_9, %get3A_10] : memref<2x400x128xf32, #tpu.memory_space<vmem>>, vector<1x400x128xf32>
      %get3A_12 = vector.shape_cast %get3A_11 : vector<1x400x128xf32> to vector<400x128xf32>
      %get3A_13 = arith.constant 0 : index
      %get3A_14 = arith.constant 0 : index
      %get3A_15 = vector.load %arg2[%get3A_13, %get3A_14] : memref<400x128xf32, #tpu.memory_space<vmem>>, vector<400x128xf32>
      %add3A = arith.addf %get3A_12, %get3A_15 : vector<400x128xf32>
      %mul3A = vector.broadcast %get3A_1 : vector<400x1xf32> to vector<400x128xf32>
      %mul3A_16 = arith.mulf %mul3A, %add3A : vector<400x128xf32>
      %get3A_17 = arith.constant 1 : index
      %get3A_18 = arith.constant 0 : index
      %get3A_19 = arith.constant 0 : index
      %get3A_20 = vector.load %arg1[%get3A_17, %get3A_18, %get3A_19] : memref<2x400x128xf32, #tpu.memory_space<vmem>>, vector<1x400x128xf32>
      %get3A_21 = vector.shape_cast %get3A_20 : vector<1x400x128xf32> to vector<400x128xf32>
      %get3A_22 = arith.constant 0 : index
      %get3A_23 = arith.constant 0 : index
      %get3A_24 = vector.load %arg3[%get3A_22, %get3A_23] : memref<400x128xf32, #tpu.memory_space<vmem>>, vector<400x128xf32>
      %add3A_25 = arith.addf %get3A_21, %get3A_24 : vector<400x128xf32>
      %mul3A_26 = vector.broadcast %get3A_1 : vector<400x1xf32> to vector<400x128xf32>
      %mul3A_27 = arith.mulf %mul3A_26, %add3A_25 : vector<400x128xf32>
      %concatenate3A = tpu.concatenate %mul3A_16, %mul3A_27 in 1 : vector<400x128xf32>, vector<400x128xf32> -> vector<400x256xf32>
      %get3A_28 = arith.constant 0 : index
      %get3A_29 = arith.constant 0 : index
      %get3A_30 = vector.load %arg5[%get3A_28, %get3A_29] : memref<256x256xf32, #tpu.memory_space<vmem>>, vector<256x256xf32>
      %dot_general3A = arith.constant dense<0.000000e+00> : vector<400x256xf32>
      %dot_general3A_31 = tpu.matmul %concatenate3A, %get3A_30, %dot_general3A {dimension_numbers = #tpu.dot_dimension_numbers<[1], [0], [0], [1], [0, 0, 1, 1], [], []>, transpose_lhs_hint = false} : vector<400x256xf32>, vector<256x256xf32>, vector<400x256xf32> -> vector<400x256xf32>
      %get3A_32 = arith.constant 0 : index
      %get3A_33 = arith.constant 0 : index
      %get3A_34 = vector.load %arg6[%get3A_32, %get3A_33] : memref<1x256xf32, #tpu.memory_space<vmem>>, vector<1x256xf32>
      %add3A_35 = vector.broadcast %get3A_34 : vector<1x256xf32> to vector<400x256xf32>
      %add3A_36 = arith.addf %dot_general3A_31, %add3A_35 : vector<400x256xf32>
      %mul3A_37 = arith.constant 400 : i32
      %mul3A_38 = arith.muli %arg0, %mul3A_37 : i32
      %swap3A = arith.index_cast %mul3A_38 : i32 to index
      %swap3A_39 = arith.constant 0 : index
      %swap3A_40 = vector.load %arg13[%swap3A, %swap3A_39] : memref<10000x256xf32, #tpu.memory_space<vmem>>, vector<400x256xf32>
      tpu.vector_store %arg13[%swap3A, %swap3A_39], %add3A_36 {strides = array<i32>} : memref<10000x256xf32, #tpu.memory_space<vmem>>, vector<400x256xf32>,
      %eq3A = arith.constant 0 : i32
      %eq3A_41 = arith.cmpi eq, %arg0, %eq3A : i32
      %convert_element_type3A_42 = arith.extui %eq3A_41 : i1 to i32
      %cond3A_43 = arith.constant 0 : i32
      %cond3A_44 = arith.cmpi ne, %convert_element_type3A_42, %cond3A_43 : i32
      scf.if %cond3A_44 {
        %broadcast_in_dim3A_64 = arith.constant 0.000000e+00 : f32
        %broadcast_in_dim3A_65 = vector.broadcast %broadcast_in_dim3A_64 : f32 to vector<2x256xf32>
        %swap3A_66 = arith.constant 0 : index
        %swap3A_67 = arith.constant 0 : index
        %swap3A_68 = vector.load %arg14[%swap3A_66, %swap3A_67] : memref<2x256xf32, #tpu.memory_space<vmem>>, vector<2x256xf32>
        tpu.vector_store %arg14[%swap3A_66, %swap3A_67], %broadcast_in_dim3A_65 {strides = array<i32>} : memref<2x256xf32, #tpu.memory_space<vmem>>, vector<2x256xf32>,
      } else {
      }
      %get3A_45 = arith.constant 0 : index
      %get3A_46 = arith.constant 0 : index
      %get3A_47 = vector.load %arg14[%get3A_45, %get3A_46] : memref<2x256xf32, #tpu.memory_space<vmem>>, vector<1x256xf32>
      %reduce_sum3A = arith.constant dense<0.000000e+00> : vector<256xf32>
      %reduce_sum3A_48 = vector.multi_reduction <add>, %add3A_36, %reduce_sum3A [0] : vector<400x256xf32> to vector<256xf32>
      %broadcast_in_dim3A = vector.shape_cast %reduce_sum3A_48 : vector<256xf32> to vector<1x256xf32>
      %add3A_49 = arith.addf %get3A_47, %broadcast_in_dim3A : vector<1x256xf32>
      %swap3A_50 = arith.constant 0 : index
      %swap3A_51 = arith.constant 0 : index
      %swap3A_52 = vector.load %arg14[%swap3A_50, %swap3A_51] : memref<2x256xf32, #tpu.memory_space<vmem>>, vector<1x256xf32>
      tpu.vector_store %arg14[%swap3A_50, %swap3A_51], %add3A_49 {strides = array<i32>} : memref<2x256xf32, #tpu.memory_space<vmem>>, vector<1x256xf32>,
      %get3A_53 = arith.constant 1 : index
      %get3A_54 = arith.constant 0 : index
      %get3A_55 = vector.load %arg14[%get3A_53, %get3A_54] : memref<2x256xf32, #tpu.memory_space<vmem>>, vector<1x256xf32>
      %mul3A_56 = arith.mulf %add3A_36, %add3A_36 : vector<400x256xf32>
      %reduce_sum3A_57 = arith.constant dense<0.000000e+00> : vector<256xf32>
      %reduce_sum3A_58 = vector.multi_reduction <add>, %mul3A_56, %reduce_sum3A_57 [0] : vector<400x256xf32> to vector<256xf32>
      %broadcast_in_dim3A_59 = vector.shape_cast %reduce_sum3A_58 : vector<256xf32> to vector<1x256xf32>
      %add3A_60 = arith.addf %get3A_55, %broadcast_in_dim3A_59 : vector<1x256xf32>
      %swap3A_61 = arith.constant 1 : index
      %swap3A_62 = arith.constant 0 : index
      %swap3A_63 = vector.load %arg14[%swap3A_61, %swap3A_62] : memref<2x256xf32, #tpu.memory_space<vmem>>, vector<1x256xf32>
      tpu.vector_store %arg14[%swap3A_61, %swap3A_62], %add3A_60 {strides = array<i32>} : memref<2x256xf32, #tpu.memory_space<vmem>>, vector<1x256xf32>,
    } else {
    }
    %ge3A = arith.constant 25 : i32
    %ge3A_4 = arith.cmpi sge, %arg0, %ge3A : i32
    %convert_element_type3A_5 = arith.extui %ge3A_4 : i1 to i32
    %cond3A_6 = arith.constant 0 : i32
    %cond3A_7 = arith.cmpi ne, %convert_element_type3A_5, %cond3A_6 : i32
    scf.if %cond3A_7 {
      %sub3A = arith.constant 25 : i32
      %sub3A_8 = arith.subi %arg0, %sub3A : i32
      %get3A_9 = arith.constant 0 : index
      %get3A_10 = arith.constant 0 : index
      %get3A_11 = vector.load %arg14[%get3A_9, %get3A_10] : memref<2x256xf32, #tpu.memory_space<vmem>>, vector<1x256xf32>
      %mul3A = arith.constant 9.99999974E-5 : f32
      %mul3A_12 = vector.broadcast %mul3A : f32 to vector<1x256xf32>
      %mul3A_13 = arith.mulf %get3A_11, %mul3A_12 : vector<1x256xf32>
      %get3A_14 = arith.constant 1 : index
      %get3A_15 = arith.constant 0 : index
      %get3A_16 = vector.load %arg14[%get3A_14, %get3A_15] : memref<2x256xf32, #tpu.memory_space<vmem>>, vector<1x256xf32>
      %mul3A_17 = arith.constant 9.99999974E-5 : f32
      %mul3A_18 = vector.broadcast %mul3A_17 : f32 to vector<1x256xf32>
      %mul3A_19 = arith.mulf %get3A_16, %mul3A_18 : vector<1x256xf32>
      %mul3A_20 = arith.mulf %mul3A_13, %mul3A_13 : vector<1x256xf32>
      %sub3A_21 = arith.subf %mul3A_19, %mul3A_20 : vector<1x256xf32>
      %mul3A_22 = arith.constant 400 : i32
      %mul3A_23 = arith.muli %sub3A_8, %mul3A_22 : i32
      %get3A_24 = arith.index_cast %mul3A_23 : i32 to index
      %get3A_25 = arith.constant 0 : index
      %get3A_26 = vector.load %arg13[%get3A_24, %get3A_25] : memref<10000x256xf32, #tpu.memory_space<vmem>>, vector<400x256xf32>
      %sub3A_27 = vector.broadcast %mul3A_13 : vector<1x256xf32> to vector<400x256xf32>
      %sub3A_28 = arith.subf %get3A_26, %sub3A_27 : vector<400x256xf32>
      %add3A = arith.constant 9.99999974E-6 : f32
      %add3A_29 = vector.broadcast %add3A : f32 to vector<1x256xf32>
      %add3A_30 = arith.addf %sub3A_21, %add3A_29 : vector<1x256xf32>
      %rsqrt3A = math.rsqrt %add3A_30 : vector<1x256xf32>
      %mul3A_31 = vector.broadcast %rsqrt3A : vector<1x256xf32> to vector<400x256xf32>
      %mul3A_32 = arith.mulf %sub3A_28, %mul3A_31 : vector<400x256xf32>
      %get3A_33 = arith.constant 0 : index
      %get3A_34 = arith.constant 0 : index
      %get3A_35 = vector.load %arg7[%get3A_33, %get3A_34] : memref<1x256xf32, #tpu.memory_space<vmem>>, vector<1x256xf32>
      %mul3A_36 = vector.broadcast %get3A_35 : vector<1x256xf32> to vector<400x256xf32>
      %mul3A_37 = arith.mulf %mul3A_32, %mul3A_36 : vector<400x256xf32>
      %get3A_38 = arith.constant 0 : index
      %get3A_39 = arith.constant 0 : index
      %get3A_40 = vector.load %arg8[%get3A_38, %get3A_39] : memref<1x256xf32, #tpu.memory_space<vmem>>, vector<1x256xf32>
      %add3A_41 = vector.broadcast %get3A_40 : vector<1x256xf32> to vector<400x256xf32>
      %add3A_42 = arith.addf %mul3A_37, %add3A_41 : vector<400x256xf32>
      %max3A = arith.constant 0.000000e+00 : f32
      %max3A_43 = vector.broadcast %max3A : f32 to vector<400x256xf32>
      %max3A_44 = arith.maximumf %add3A_42, %max3A_43 : vector<400x256xf32>
      %get3A_45 = arith.constant 0 : index
      %get3A_46 = arith.constant 0 : index
      %get3A_47 = vector.load %arg9[%get3A_45, %get3A_46] : memref<400x1xf32, #tpu.memory_space<vmem>>, vector<400x1xf32>
      %add3A_48 = arith.addf %get3A_47, %get3A_1 : vector<400x1xf32>
      %mul3A_49 = arith.mulf %get3A_1, %add3A_48 : vector<400x1xf32>
      %eq3A = arith.constant 25 : i32
      %eq3A_50 = arith.cmpi eq, %arg0, %eq3A : i32
      %convert_element_type3A_51 = arith.extui %eq3A_50 : i1 to i32
      %cond3A_52 = arith.constant 0 : i32
      %cond3A_53 = arith.cmpi ne, %convert_element_type3A_51, %cond3A_52 : i32
      scf.if %cond3A_53 {
        %broadcast_in_dim3A_80 = arith.constant 0.000000e+00 : f32
        %broadcast_in_dim3A_81 = vector.broadcast %broadcast_in_dim3A_80 : f32 to vector<1x256xf32>
        %swap3A_82 = arith.constant 0 : index
        %swap3A_83 = arith.constant 0 : index
        %swap3A_84 = vector.load %arg15[%swap3A_82, %swap3A_83] : memref<1x256xf32, #tpu.memory_space<vmem>>, vector<1x256xf32>
        tpu.vector_store %arg15[%swap3A_82, %swap3A_83], %broadcast_in_dim3A_81 {strides = array<i32>} : memref<1x256xf32, #tpu.memory_space<vmem>>, vector<1x256xf32>,
      } else {
      }
      %get3A_54 = arith.constant 0 : index
      %get3A_55 = arith.constant 0 : index
      %get3A_56 = vector.load %arg15[%get3A_54, %get3A_55] : memref<1x256xf32, #tpu.memory_space<vmem>>, vector<1x256xf32>
      %mul3A_57 = vector.broadcast %mul3A_49 : vector<400x1xf32> to vector<400x256xf32>
      %mul3A_58 = arith.mulf %mul3A_57, %max3A_44 : vector<400x256xf32>
      %reduce_sum3A = arith.constant dense<0.000000e+00> : vector<256xf32>
      %reduce_sum3A_59 = vector.multi_reduction <add>, %mul3A_58, %reduce_sum3A [0] : vector<400x256xf32> to vector<256xf32>
      %broadcast_in_dim3A = vector.shape_cast %reduce_sum3A_59 : vector<256xf32> to vector<1x256xf32>
      %add3A_60 = arith.addf %get3A_56, %broadcast_in_dim3A : vector<1x256xf32>
      %swap3A = arith.constant 0 : index
      %swap3A_61 = arith.constant 0 : index
      %swap3A_62 = vector.load %arg15[%swap3A, %swap3A_61] : memref<1x256xf32, #tpu.memory_space<vmem>>, vector<1x256xf32>
      tpu.vector_store %arg15[%swap3A, %swap3A_61], %add3A_60 {strides = array<i32>} : memref<1x256xf32, #tpu.memory_space<vmem>>, vector<1x256xf32>,
      %get3A_63 = arith.constant 0 : index
      %get3A_64 = arith.constant 0 : index
      %get3A_65 = vector.load %arg15[%get3A_63, %get3A_64] : memref<1x256xf32, #tpu.memory_space<vmem>>, vector<1x256xf32>
      %mul3A_66 = arith.constant 9.99999974E-5 : f32
      %mul3A_67 = vector.broadcast %mul3A_66 : f32 to vector<1x256xf32>
      %mul3A_68 = arith.mulf %get3A_65, %mul3A_67 : vector<1x256xf32>
      %get3A_69 = arith.constant 0 : index
      %get3A_70 = arith.constant 0 : index
      %get3A_71 = vector.load %arg10[%get3A_69, %get3A_70] : memref<256x128xf32, #tpu.memory_space<vmem>>, vector<256x128xf32>
      %dot_general3A = arith.constant dense<0.000000e+00> : vector<1x128xf32>
      %dot_general3A_72 = tpu.matmul %mul3A_68, %get3A_71, %dot_general3A {dimension_numbers = #tpu.dot_dimension_numbers<[1], [0], [0], [1], [0, 0, 1, 1], [], []>, transpose_lhs_hint = false} : vector<1x256xf32>, vector<256x128xf32>, vector<1x128xf32> -> vector<1x128xf32>
      %get3A_73 = arith.constant 0 : index
      %get3A_74 = arith.constant 0 : index
      %get3A_75 = vector.load %arg11[%get3A_73, %get3A_74] : memref<1x128xf32, #tpu.memory_space<vmem>>, vector<1x128xf32>
      %add3A_76 = arith.addf %dot_general3A_72, %get3A_75 : vector<1x128xf32>
      %swap3A_77 = arith.constant 0 : index
      %swap3A_78 = arith.constant 0 : index
      %swap3A_79 = vector.load %arg12[%swap3A_77, %swap3A_78] : memref<1x128xf32, #tpu.memory_space<vmem>>, vector<1x128xf32>
      tpu.vector_store %arg12[%swap3A_77, %swap3A_78], %add3A_76 {strides = array<i32>} : memref<1x128xf32, #tpu.memory_space<vmem>>, vector<1x128xf32>,
    } else {
    }
    return
  }
  func.func @transform_0(%arg0: i32) -> (i32, i32, i32) {
    %lt3A = arith.constant 25 : i32
    %lt3A_0 = arith.cmpi slt, %arg0, %lt3A : i32
    %sub3A = arith.constant 25 : i32
    %sub3A_1 = arith.subi %arg0, %sub3A : i32
    %select_n3A = arith.select %lt3A_0, %arg0, %sub3A_1 : i32
    %c0_i32 = arith.constant 0 : i32
    %c0_i32_2 = arith.constant 0 : i32
    %c0_i32_3 = arith.constant 0 : i32
    return %c0_i32, %select_n3A, %c0_i32_2 : i32, i32, i32
  }
  func.func @transform_1(%arg0: i32) -> (i32, i32) {
    %lt3A = arith.constant 25 : i32
    %lt3A_0 = arith.cmpi slt, %arg0, %lt3A : i32
    %sub3A = arith.constant 25 : i32
    %sub3A_1 = arith.subi %arg0, %sub3A : i32
    %select_n3A = arith.select %lt3A_0, %arg0, %sub3A_1 : i32
    %c0_i32 = arith.constant 0 : i32
    %c0_i32_2 = arith.constant 0 : i32
    return %select_n3A, %c0_i32 : i32, i32
  }
  func.func @transform_2(%arg0: i32) -> (i32, i32) {
    %lt3A = arith.constant 25 : i32
    %lt3A_0 = arith.cmpi slt, %arg0, %lt3A : i32
    %sub3A = arith.constant 25 : i32
    %sub3A_1 = arith.subi %arg0, %sub3A : i32
    %select_n3A = arith.select %lt3A_0, %arg0, %sub3A_1 : i32
    %c0_i32 = arith.constant 0 : i32
    %c0_i32_2 = arith.constant 0 : i32
    return %select_n3A, %c0_i32 : i32, i32
  }
  func.func @transform_3(%arg0: i32) -> (i32, i32) {
    %lt3A = arith.constant 25 : i32
    %lt3A_0 = arith.cmpi slt, %arg0, %lt3A : i32
    %sub3A = arith.constant 25 : i32
    %sub3A_1 = arith.subi %arg0, %sub3A : i32
    %select_n3A = arith.select %lt3A_0, %arg0, %sub3A_1 : i32
    %c0_i32 = arith.constant 0 : i32
    %c0_i32_2 = arith.constant 0 : i32
    return %select_n3A, %c0_i32 : i32, i32
  }
  func.func @transform_4(%arg0: i32) -> (i32, i32) {
    %c0_i32 = arith.constant 0 : i32
    %c0_i32_0 = arith.constant 0 : i32
    %c0_i32_1 = arith.constant 0 : i32
    return %c0_i32, %c0_i32_0 : i32, i32
  }
  func.func @transform_5(%arg0: i32) -> (i32, i32) {
    %c0_i32 = arith.constant 0 : i32
    %c0_i32_0 = arith.constant 0 : i32
    %c0_i32_1 = arith.constant 0 : i32
    return %c0_i32, %c0_i32_0 : i32, i32
  }
  func.func @transform_6(%arg0: i32) -> (i32, i32) {
    %c0_i32 = arith.constant 0 : i32
    %c0_i32_0 = arith.constant 0 : i32
    %c0_i32_1 = arith.constant 0 : i32
    return %c0_i32, %c0_i32_0 : i32, i32
  }
  func.func @transform_7(%arg0: i32) -> (i32, i32) {
    %c0_i32 = arith.constant 0 : i32
    %c0_i32_0 = arith.constant 0 : i32
    %c0_i32_1 = arith.constant 0 : i32
    return %c0_i32, %c0_i32_0 : i32, i32
  }
  func.func @transform_8(%arg0: i32) -> (i32, i32) {
    %lt3A = arith.constant 25 : i32
    %lt3A_0 = arith.cmpi slt, %arg0, %lt3A : i32
    %sub3A = arith.constant 25 : i32
    %sub3A_1 = arith.subi %arg0, %sub3A : i32
    %select_n3A = arith.select %lt3A_0, %arg0, %sub3A_1 : i32
    %c0_i32 = arith.constant 0 : i32
    %c0_i32_2 = arith.constant 0 : i32
    return %select_n3A, %c0_i32 : i32, i32
  }
  func.func @transform_9(%arg0: i32) -> (i32, i32) {
    %c0_i32 = arith.constant 0 : i32
    %c0_i32_0 = arith.constant 0 : i32
    %c0_i32_1 = arith.constant 0 : i32
    return %c0_i32, %c0_i32_0 : i32, i32
  }
  func.func @transform_10(%arg0: i32) -> (i32, i32) {
    %c0_i32 = arith.constant 0 : i32
    %c0_i32_0 = arith.constant 0 : i32
    %c0_i32_1 = arith.constant 0 : i32
    return %c0_i32, %c0_i32_0 : i32, i32
  }
  func.func @transform_11(%arg0: i32) -> (i32, i32) {
    %c0_i32 = arith.constant 0 : i32
    %c0_i32_0 = arith.constant 0 : i32
    %c0_i32_1 = arith.constant 0 : i32
    return %c0_i32, %c0_i32_0 : i32, i32
  }
}

</mosaic_0001>

<sc_bundles>
// kernel: kernel.12.cloned.1.call-start
scs
__scs_entry_jumppad:
0x0: {  	(pc) =	sbr.rel $0x88, $3  }
0x1: {  	(tag) =	ssettag $0x0;
	lr =	simm.s32 $0x1  }
0x2: {  	[smem:$0x3F95] =	sst lr;
	_ =	strace $0xD0000000  }
0x3: {  	_ = 	snop  }
0x4: {  	_ = 	snop  }
0x5: {  	_ = 	snop  }
0x6: {  	_ = 	snop  }
0x7: {  	_ = 	snop  }
__scs_overlays_trampoline_lowered:
0x8: {  	[smem:$0x3FA4] =	sst s0  }
0x9: {  	[smem:$0x3FA5] =	sst s1  }
0xa: {  	[smem:$0x3FA6] =	sst s2  }
0xb: {  	[smem:$0x3FA7] =	sst s3  }
0xc: {  	[smem:$0x3FA8] =	sst s4  }
0xd: {  	[smem:$0x3FA9] =	sst s5  }
0xe: {  	[smem:$0x3FAA] =	sst s6  }
0xf: {  	[smem:$0x3FAB] =	sst s7  }
0x10: {  	[smem:$0x3FAC] =	sst s8  }
0x11: {  	[smem:$0x3FAD] =	sst s9;
	s0 =	simm.s32 @!p0 $0x0  }
0x12: {  	s1 =	sld [smem:$0x3F93];
	s0 =	simm.s32 @p0 $0x1  }
0x13: {  	[smem:$0x3FAE] =	sst s0;
	s0 =	simm.s32 @!p1 $0x0  }
0x14: {  	s2 =	sld [smem:$0x3F92];
	s0 =	simm.s32 @p1 $0x1  }
0x15: {  	[smem:$0x3FAF] =	sst s0;
	s0 =	simm.s32 @!p2 $0x0  }
0x16: {  	s3 =	sld [smem:$0x3FDB];
	s0 =	simm.s32 @p2 $0x1  }
0x17: {  	s4 =	simm.s32 $0x1BF5;
	[smem:$0x3FB1] =	sst s0  }
0x18: {  	s0 =	sld [smem:$0x3F94];
	_ =	swait.ge [sflag:s4], $0x0  }
0x19: {  	s7 =	sld [smem:$0x3F95]  }
0x1a: {  	s8 =	sadd.s32 $0xFFFFE003, lr  }
0x1b: {  	s9 =	sadd.s32 $0xFFFFFEF7, lr;
	s5 =	simm.s32 $0xFFFFFFFF;
	p2 =	slt.u32 s8, $0xFFFFF086  }
0x1c: {  	p1 =	slt.u32 s9, $0xF7A;
	s5 =	simm.s32 @!p2 $0x0  }
0x1d: {  	s5 =	simm.s32 @p1 $0x1;
	p0 =	seq.s32 s7, s2  }
0x1e: {  	s7 =	smul.u32 @!p0 $0xF7A, s2;
	p2 =	seq.s32 @!p0 s5, $0x0  }
0x1f: {  	s9 =	smul.u32 $0xF7A, s1;
	s8 =	simm.s32 @!p0 $0x1BF5;
	p2 =	por !p2, p0  }
0x20: {  	[sflag:s8] =	ssyncset.s32 @!p0 $0xFFFFF086;
	s6 =	sadd.s32 @!p0 s3, s7;
	s7 =	simm.s32 @!p0 $0x108  }
0x21: {  	s3 =	sadd.s32 s3, s9;
	s6 =	sadd.s32 @!p0 $0x88, s6;
	s7 =	simm.s32 @p2 $0x1082  }
0x22: {  	[simem:s7], [sflag:s8] =	dma.local @!p0 [hbm:s6], $0xF7A  }
0x23: {  	s9 =	sor.u32 $0xD0000000, s2;
	s6 =	simm.s32 $0x108;
	_ =	swait.ge @!p0 [sflag:s8], $0x0  }
0x24: {  	s3 =	sadd.s32 $0x88, s3;
	s6 =	simm.s32 @!p1 $0x1082;
	[sflag:s4] =	ssyncset.s32 $0xFFFFF086  }
0x25: {  	[simem:s6], [sflag:s4] =	dma.local [hbm:s3], $0xF7A  }
0x26: {  	[smem:$0x3F95] =	sst s1;
	(tag) =	ssettag s2;
	_ =	strace s9  }
0x27: {  	s1 =	sld [smem:$0x3FA5]  }
0x28: {  	s2 =	sld [smem:$0x3FA6]  }
0x29: {  	s4 =	sld [smem:$0x3FA8]  }
0x2a: {  	p0 =	seq.s32 s5, $0x0;
	s5 =	sld [smem:$0x3FA9]  }
0x2b: {  	s6 =	sld [smem:$0x3FAA]  }
0x2c: {  	s7 =	sld [smem:$0x3FAB]  }
0x2d: {  	s3 =	simm.s32 $0x108;
	s8 =	sld [smem:$0x3FAC]  }
0x2e: {  	s3 =	simm.s32 @!p0 $0x1082;
	s9 =	sld [smem:$0x3FAD]  }
0x2f: {  	lr =	sadd.s32 s0, s3;
	s0 =	sld [smem:$0x3FA4]  }
0x30: {  	s3 =	sld [smem:$0x3FA7]  }
0x31: {  	[smem:$0x3FB0] =	sst s10  }
0x32: {  	s10 =	sld [smem:$0x3FAE];
	_ =	sdelay $0x3  }
0x33: {  	p0 =	seq.s32 s10, $0x1;
	s10 =	sld [smem:$0x3FB0];
	_ =	sdelay $0x3  }
0x34: {  	[smem:$0x3FB0] =	sst s10  }
0x35: {  	s10 =	sld [smem:$0x3FAF];
	_ =	sdelay $0x3  }
0x36: {  	p1 =	seq.s32 s10, $0x1;
	s10 =	sld [smem:$0x3FB0];
	_ =	sdelay $0x3  }
0x37: {  	[smem:$0x3FB0] =	sst s10  }
0x38: {  	s10 =	sld [smem:$0x3FB1]  }
0x39: {  	_ = 	snop;
	(pc) =	sbr.ind lr, $3  }
0x3a: {  	_ = 	snop  }
0x3b: {  	_ = 	snop  }
0x3c: {  	p2 =	seq.s32 s10, $0x1;
	s10 =	sld [smem:$0x3FB0]  }
0x3d: {  	_ =	shalt  }
0x3e: {  	_ =	shalt  }
0x3f: {  	_ =	shalt  }
0x40: {  	_ =	shalt  }
0x41: {  	_ =	shalt  }
0x42: {  	_ =	shalt  }
0x43: {  	_ =	shalt  }
0x44: {  	_ =	shalt  }
0x45: {  	_ =	shalt  }
0x46: {  	_ =	shalt  }
0x47: {  	_ =	shalt  }
0x48: {  	_ =	shalt  }
0x49: {  	_ =	shalt  }
0x4a: {  	_ =	shalt  }
0x4b: {  	_ =	shalt  }
0x4c: {  	_ =	shalt  }
0x4d: {  	_ =	shalt  }
0x4e: {  	_ =	shalt  }
0x4f: {  	_ =	shalt  }
0x50: {  	_ =	shalt  }
0x51: {  	_ =	shalt  }
0x52: {  	_ =	shalt  }
0x53: {  	_ =	shalt  }
0x54: {  	_ =	shalt  }
0x55: {  	_ =	shalt  }
0x56: {  	_ =	shalt  }
0x57: {  	_ =	shalt  }
0x58: {  	_ =	shalt  }
0x59: {  	_ =	shalt  }
0x5a: {  	_ =	shalt  }
0x5b: {  	_ =	shalt  }
0x5c: {  	_ =	shalt  }
0x5d: {  	_ =	shalt  }
0x5e: {  	_ =	shalt  }
0x5f: {  	_ =	shalt  }
0x60: {  	_ =	shalt  }
0x61: {  	_ =	shalt  }
0x62: {  	_ =	shalt  }
0x63: {  	_ =	shalt  }
0x64: {  	_ =	shalt  }
0x65: {  	_ =	shalt  }
0x66: {  	_ =	shalt  }
0x67: {  	_ =	shalt  }
0x68: {  	_ =	shalt  }
0x69: {  	_ =	shalt  }
0x6a: {  	_ =	shalt  }
0x6b: {  	_ =	shalt  }
0x6c: {  	_ =	shalt  }
0x6d: {  	_ =	shalt  }
0x6e: {  	_ =	shalt  }
0x6f: {  	_ =	shalt  }
0x70: {  	_ =	shalt  }
0x71: {  	_ =	shalt  }
0x72: {  	_ =	shalt  }
0x73: {  	_ =	shalt  }
0x74: {  	_ =	shalt  }
0x75: {  	_ =	shalt  }
0x76: {  	_ =	shalt  }
0x77: {  	_ =	shalt  }
0x78: {  	_ =	shalt  }
0x79: {  	_ =	shalt  }
0x7a: {  	_ =	shalt  }
0x7b: {  	_ =	shalt  }
0x7c: {  	_ =	shalt  }
0x7d: {  	_ =	shalt  }
0x7e: {  	_ =	shalt  }
0x7f: {  	_ =	shalt  }
0x80: {  	_ =	shalt  }
0x81: {  	_ =	shalt  }
0x82: {  	_ =	shalt  }
0x83: {  	_ =	shalt  }
0x84: {  	_ =	shalt  }
0x85: {  	_ =	shalt  }
0x86: {  	_ =	shalt  }
0x87: {  	_ =	shalt  }
.Lfunc_end0:
.L_simem_size_0:
called_computation.1_lowered:
.L_overlay_start_0:
0x88: {  	s2 =	sld [smem:$0x3FD9]  }
0x89: {  	s3 =	sld [smem:$0x3FFE];
	_ =	sdelay $0x1  }
0x8a: {  	s1 =	srdreg.scid  }
0x8b: {  	s0 =	sand.u32 $0x1, s1  }
0x8c: {  	s16 =	sshll.u32 s0, $0xA;
	s2 =	sadd.s32 s3, s2  }
0x8d: {  	s2 =	sadd.s32 s2, s16  }
0x8e: {  	[smem:$0x3FBC] =	sst s2  }
0x8f: {  	_ = 	snop  }
0x90: {  	(tm) =	ssettm $0x1  }
0x91: {  	s17 =	sld [smem:$0x3FFB];
	_ =	sdelay $0x3  }
0x92: {  	_ =	strace s17  }
0x93: {  	s2 =	sld [smem:$0x3FFC];
	_ =	sdelay $0x3  }
0x94: {  	_ =	strace s2  }
0x95: {  	s2 =	sld [smem:$0x3FFD];
	_ =	sdelay $0x3  }
0x96: {  	_ =	strace s2  }
0x97: {  	_ =	strace $0x8FFFFFFF  }
0x98: {  	s18 =	sld [smem:$0x3FDB];
	_ =	sdelay $0x1  }
0x99: {  	s19 =	simm.s32 $_scs_section_size  }
0x9a: {  	s4 =	simm.s32 $_size__tile_overlayer_lowered;
	s5 =	simm.s32 $_tile_overlayer_lowered  }
0x9b: {  	s22 =	simm.s32 $0x1BFF;
	s21 =	sshll.u32 s5, $0x1;
	s2 =	sadd.s32 s19, s18  }
0x9c: {  	s6 =	simm.s32 $0x0;
	s20 =	sshll.u32 s4, $0x1;
	s4 =	sadd.s32 s21, s2  }
0x9d: {  	[timem:s6], [sflag:s22] =	dma.local [hbm:s4], s20  }
0x9e: {  	_ =	swait.ge [sflag:s22], s20  }
0x9f: {  	s3 =	ssub.s32 $0x0, s20;
	[sflag:s22] =	ssyncset.done $0x0  }
0xa0: {  	[sflag:s22] =	ssyncadd.s32 s3;
	_ =	sdelay $0x1  }
0xa1: {  	s23 =	simm.s32 $0x1B8B  }
0xa2: {  	_ =	swait.ge [sflag:s23], $0x1  }
0xa3: {  	[sflag:s23] =	ssyncset.done $0x0  }
0xa4: {  	s25 =	simm.s32 $0x1B8E;
	s24 =	sld [smem:$0x3FFE];
	[sflag:s23] =	ssyncadd.s32 $0xFFFFFFFF  }
0xa5: {  	s26 =	simm.s32 $execute0_lowered;
	[smem:$0x3FD2] =	sst s25  }
0xa6: {  	s4 =	sshll.u32 s26, $0x1;
	_ =	strace $0x80000049;
	[dreg:$0x1] =	wrdreg $0xFFFFFFFF  }
0xa7: {  	s28 =	simm.s32 $_size_execute0_lowered;
	s2 =	sadd.s32 s2, s4;
	[dreg:$0x0] =	wrdreg $0x0  }
0xa8: {  	s4 =	sshll.u32 s28, $0x1;
	[dreg:$0x2] =	wrdreg s2  }
0xa9: {  	[dreg:$0x3] =	wrdreg s4  }
0xaa: {  	[dreg:$0x4] =	wrdreg $0xC0  }
0xab: {  	_ =	task [dreg:s6], $0x5FFFF  }
0xac: {  	[dreg:$0x1] =	wrdreg $0xFFFFFFFF  }
0xad: {  	[dreg:$0x0] =	wrdreg $0x60  }
0xae: {  	[dreg:$0x2] =	wrdreg s24  }
0xaf: {  	[dreg:$0x3] =	wrdreg $0x84000  }
0xb0: {  	[dreg:$0x4] =	wrdreg $0x9  }
0xb1: {  	_ =	task.clear_ibuf [dreg:s6], $0x5FFFF;
	_ =	strace $0x90000049  }
0xb2: {  	s29 =	simm.s32 $0x9;
	_ =	strace $0x8000004B  }
0xb3: {  	_ =	swait.ge [sflag:s29], $0x1  }
0xb4: {  	[sflag:s29] =	ssyncadd.s32 $0xFFFFFFFF  }
0xb5: {  	_ =	strace $0x9000004B  }
0xb6: {  	_ =	sfence  }
0xb7: {  	s30 =	sld [smem:$0x0];
	_ =	sdelay $0x2  }
0xb8: {  	s31 =	sshll.u32 s1, $0xD;
	s1 =	sshrl.u32 s1, $0x2  }
0xb9: {  	s3 =	sand.u32 $0x4000, s31;
	s1 =	sadd.s32 s1, s30  }
0xba: {  	s0 =	sor.u32 s3, s0;
	s1 =	sshll.u32 s1, $0x11  }
0xbb: {  	s0 =	sor.u32 s1, s0  }
0xbc: {  	s0 =	sadd.s32 $0x8F2B, s0  }
0xbd: {  	[sflag:s0] =	ssyncadd.remote.s32 $0x1  }
0xbe: {  	_ =	sfence.sel $0xFFFF  }
0xbf: {  	[dreg:$0x0] =	wrdreg $0xFFFFFFFF;
	(pc) =	sbr.abs _section_cstart, $3  }
0xc0: {  	[dreg:$0x1] =	wrdreg $0xFFFFFFFF  }
0xc1: {  	_ =	task.clear_ibuf [dreg:s6], $0x2FFFF;
	_ =	strace $0x9FFFFFFF  }
0xc2: {  	(tm) =	ssettm $0x7FFFFFFF  }
0xc3: {  	_ =	shalt  }
tec
execute0_lowered:
.L_overlay_start_1:
0x0: {  	(tag) =	ssettag $0x1  }
0x1: {  	s0 =	rddreg [dreg:$0x0]  }
0x2: {  	s2 =	rddreg [dreg:$0x1]  }
0x3: {  	s1 =	srdreg.scid;
	s12 =	stileid.u32;
	s3 =	simm.s32 $0x0  }
0x4: {  	s28 =	simm.s32 $0x300;
	s29 =	simm.s32 $0x1;
	s30 =	simm.s32 $0x180  }
0x5: {  	s31 =	simm.s32 $0x380;
	s1 =	sand.u32 $0x1, s1;
	s5 =	smul.u32 $0x280, s12  }
0x6: {  	[smem:$0x7FF] =	sst s3;
	s4 =	sadd.s32 $0x18E00, s0;
	s6 =	smul.u32 $0x50000, s12  }
0x7: {  	s8 =	sadd.s32 $0xE800, s0;
	s9 =	sadd.s32 $0x4800, s0;
	s18 =	smul.u32 $0x5000, s12  }
0x8: {  	s10 =	sadd.s32 $0x40000, s0;
	s15 =	sshll.u32 s12, $0x1;
	s7 =	smul.u32 $0x2800, s1  }
0x9: {  	_ =	strace $0x8000004A;
	[dreg:$0xb] =	wrdreg s10;
	s16 =	ssub.s32 $0x2, s1  }
0xa: {  	s1 =	sor.u32 s1, s15;
	s17 =	sshrl.u32 s6, $0x2;
	s11 =	sshrl.u32 s16, $0x1  }
0xb: {  	s1 =	smul.u32 $0x2800, s1;
	s5 =	sadd.s32 s5, s7;
	s20 =	sadd.s32 s17, s2  }
0xc: {  	s7 =	sadd.s32 s7, s18;
	s5 =	sshll.u32 s5, $0x4;
	s10 =	sadd.s32 $0x4000, s20  }
0xd: {  	s22 =	sadd.s32 $0x8000, s20;
	s6 =	sadd.s32 $0xC000, s20;
	[dreg:$0xc] =	wrdreg s20  }
0xe: {  	s1 =	sshrl.u32 s1, $0x3;
	s13 =	sadd.s32 $0x10000, s20;
	[dreg:$0xd] =	wrdreg s10  }
0xf: {  	s23 =	sor.u32 $0x280, s7;
	s19 =	sadd.s32 s8, s1;
	[dreg:$0xe] =	wrdreg s22  }
0x10: {  	s21 =	sadd.s32 s9, s1;
	s1 =	sor.u32 $0x10, s1;
	[dreg:$0x11] =	wrdreg s19  }
0x11: {  	s14 =	sor.u32 $0x200, s7;
	[dreg:$0x12] =	wrdreg s21;
	s24 =	sadd.s32 s8, s1  }
0x12: {  	s0 =	sadd.s32 s5, s0;
	s1 =	sadd.s32 s9, s1;
	[dreg:$0x13] =	wrdreg s24  }
0x13: {  	s25 =	sshrl.u32 s23, $0x3;
	s26 =	sadd.s32 $0x40800, s0;
	[dreg:$0x14] =	wrdreg s1  }
0x14: {  	s5 =	ssub.s32 s16, s11;
	s12 =	sadd.s32 s25, s9;
	[dreg:$0x15] =	wrdreg s26  }
0x15: {  	s15 =	sshrl.u32 s14, $0x3;
	s16 =	sadd.s32 $0x41000, s0;
	[dreg:$0x3] =	wrdreg s12  }
0x16: {  	s14 =	simm.s32 $0xA;
	s18 =	sadd.s32 $0x41800, s0;
	[dreg:$0x16] =	wrdreg s16  }
0x17: {  	s17 =	sadd.s32 s15, s9;
	s19 =	sor.u32 $0x180, s7;
	[dreg:$0x17] =	wrdreg s18  }
0x18: {  	s21 =	sadd.s32 $0x42000, s0;
	s11 =	sadd.s32 s15, s8;
	[dreg:$0x5] =	wrdreg s17  }
0x19: {  	s7 =	sor.u32 $0x100, s7;
	s0 =	sadd.s32 $0x42800, s0;
	[dreg:$0x18] =	wrdreg s21  }
0x1a: {  	s15 =	simm.s32 $0x6;
	s1 =	sadd.s32 s25, s8;
	[dreg:$0x6] =	wrdreg s11  }
0x1b: {  	s7 =	sshrl.u32 s7, $0x3;
	[dreg:$0x19] =	wrdreg s0;
	s25 =	smax.u32 s5, $0x1  }
0x1c: {  	s21 =	simm.s32 $0x400;
	s0 =	simm.s32 $0x2;
	s5 =	simm.s32 $0x9  }
0x1d: {  	s11 =	simm.s32 $0x5;
	s12 =	simm.s32 $0xB;
	s16 =	simm.s32 $0xC  }
0x1e: {  	s17 =	simm.s32 $0x4;
	s18 =	simm.s32 $0x7;
	[dreg:$0x4] =	wrdreg s1  }
0x1f: {  	s1 =	sshrl.u32 s19, $0x3;
	s24 =	sadd.s32 s7, s9;
	[dreg:$0x1a] =	wrdreg s25  }
0x20: {  	s26 =	sadd.s32 s7, s8;
	s7 =	smov.u32 s6;
	[dreg:$0x9] =	wrdreg s24  }
0x21: {  	s25 =	simm.s32 $0x280;
	s6 =	simm.s32 $0x0;
	[dreg:$0xa] =	wrdreg s26  }
0x22: {  	s19 =	simm.s32 $0x8;
	s23 =	sadd.s32 s1, s9;
	[dreg:$0x1b] =	wrdreg s6  }
0x23: {  	s1 =	sadd.s32 s1, s8;
	s8 =	smov.u32 s13;
	[dreg:$0xf] =	wrdreg s7  }
0x24: {  	s9 =	simm.s32 $0xD;
	s24 =	simm.s32 $0x80;
	[dreg:$0x7] =	wrdreg s23  }
0x25: {  	s26 =	simm.s32 $0x100;
	s13 =	simm.s32 $0x3;
	[dreg:$0x8] =	wrdreg s1  }
0x26: {  	s23 =	simm.s32 $0x200;
	s1 =	simm.s32 $0x4400;
	[dreg:$0x10] =	wrdreg s8  }
.LBB2_1:
0x27: {  	s6 =	rddreg [dreg:$0xb]  }
0x28: {  	[tilespmem:s21], [sflag:$0xD] =	stream.linear.gather [hbm4b:s6+s3], $0x4000, $0x38;
	[tilespmem:$0x1C400] =	vst v63  }
0x29: {  	_ =	swait.ge [sflag:s9], $0x4000  }
0x2a: {  	[sflag:s9] =	ssyncset.done $0x0  }
0x2b: {  	[sflag:s9] =	ssyncadd.s32 $0xFFFFC000  }
0x2c: {  	[spmem:s20] =	stream.linear.scatter [tilespmem:s21], [sflag:$0xD], $0x4000, $0x38;
	[tilespmem:$0x1C400] =	vst v63  }
0x2d: {  	_ =	swait.ge [sflag:s9], $0x4000  }
0x2e: {  	[sflag:s9] =	ssyncset.done $0x0  }
0x2f: {  	[sflag:s9] =	ssyncadd.s32 $0xFFFFC000  }
0x30: {  	[spmem:s10] =	stream.linear.scatter [tilespmem:s21], [sflag:$0xD], $0x4000, $0x38;
	[tilespmem:$0x1C400] =	vst v63  }
0x31: {  	_ =	swait.ge [sflag:s9], $0x4000  }
0x32: {  	[sflag:s9] =	ssyncset.done $0x0  }
0x33: {  	[sflag:s9] =	ssyncadd.s32 $0xFFFFC000  }
0x34: {  	[spmem:s22] =	stream.linear.scatter [tilespmem:s21], [sflag:$0xD], $0x4000, $0x38;
	[tilespmem:$0x1C400] =	vst v63  }
0x35: {  	_ =	swait.ge [sflag:s9], $0x4000  }
0x36: {  	[sflag:s9] =	ssyncset.done $0x0  }
0x37: {  	[sflag:s9] =	ssyncadd.s32 $0xFFFFC000  }
0x38: {  	[spmem:s7] =	stream.linear.scatter [tilespmem:s21], [sflag:$0xD], $0x4000, $0x38;
	[tilespmem:$0x1C400] =	vst v63  }
0x39: {  	_ =	swait.ge [sflag:s9], $0x4000  }
0x3a: {  	[sflag:s9] =	ssyncset.done $0x0  }
0x3b: {  	[sflag:s9] =	ssyncadd.s32 $0xFFFFC000  }
0x3c: {  	[spmem:s8] =	stream.linear.scatter [tilespmem:s21], [sflag:$0xD], $0x4000, $0x38;
	[tilespmem:$0x1C400] =	vst v63  }
0x3d: {  	_ =	swait.ge [sflag:s9], $0x4000  }
0x3e: {  	[sflag:s9] =	ssyncset.done $0x0  }
0x3f: {  	[sflag:s9] =	ssyncadd.s32 $0xFFFFC000  }
0x40: {  	[bflag:$0x0] =	sbarrier.arrive $0xFFFF  }
0x41: {  	s7 =	rddreg [dreg:$0x11]  }
0x42: {  	[tilespmem:s3], [sflag:$0x1] =	stream.linear.gather [hbm4b:s7+s3], $0x80, $0x38;
	[tilespmem:$0x1C400] =	vst v63  }
0x43: {  	s8 =	rddreg [dreg:$0x12]  }
0x44: {  	[tilespmem:s23], [sflag:$0x5] =	stream.linear.gather [hbm4b:s8+s3], $0x80, $0x38;
	[tilespmem:$0x1C400] =	vst v63  }
0x45: {  	p0 =	por $0x1, $0x1;
	s9 =	rddreg [dreg:$0x13]  }
0x46: {  	[tilespmem:s24], [sflag:$0x2] =	stream.linear.gather [hbm4b:s9+s3], $0x80, $0x38;
	[tilespmem:$0x1C400] =	vst v63  }
0x47: {  	s10 =	rddreg [dreg:$0x14];
	s7 =	simm.s32 @!p0 $0xB  }
0x48: {  	[tilespmem:s25], [sflag:$0x6] =	stream.linear.gather [hbm4b:s10+s3], $0x80, $0x38;
	[tilespmem:$0x1C400] =	vst v63  }
0x49: {  	_ =	swait.ge @!p0 [sflag:s7], $0x4000  }
0x4a: {  	s20 =	rddreg [dreg:$0xa];
	[sflag:s7] =	ssyncset.done @!p0 $0x0  }
0x4b: {  	s22 =	rddreg [dreg:$0x9];
	[sflag:s7] =	ssyncadd.s32 @!p0 $0xFFFFC000;
	s6 =	sadd.s32 $0x0, s20  }
0x4c: {  	[tilespmem:s26], [sflag:$0x3] =	stream.linear.gather [hbm4b:s6+s3], $0x80, $0x38;
	[tilespmem:$0x1C400] =	vst v63  }
0x4d: {  	s8 =	sadd.s32 $0x0, s22  }
0x4e: {  	[tilespmem:s28], [sflag:$0x7] =	stream.linear.gather [hbm4b:s8+s3], $0x80, $0x38;
	[tilespmem:$0x1C400] =	vst v63  }
0x4f: {  	_ =	swait.ge [sflag:s29], $0x80  }
0x50: {  	[sflag:s29] =	ssyncset.done $0x0  }
0x51: {  	s7 =	simm.s32 @!p0 $0xC;
	[sflag:s29] =	ssyncadd.s32 $0xFFFFFF80  }
0x52: {  	[tilespmem:s21], [sflag:$0x9] =	stream.indirect.gather [hbm4b:s4+s24], $0x80, s3, s24, $0xb8;
	[tilespmem:$0x1C400] =	vst v63  }
0x53: {  	_ =	swait.ge @!p0 [sflag:s7], $0x4000  }
0x54: {  	s9 =	rddreg [dreg:$0x8];
	[sflag:s7] =	ssyncset.done @!p0 $0x0  }
0x55: {  	s10 =	rddreg [dreg:$0x7];
	[sflag:s7] =	ssyncadd.s32 @!p0 $0xFFFFC000;
	s20 =	sadd.s32 $0x0, s9  }
0x56: {  	[tilespmem:s30], [sflag:$0x4] =	stream.linear.gather [hbm4b:s20+s3], $0x80, $0x38;
	[tilespmem:$0x1C400] =	vst v63  }
0x57: {  	s22 =	sadd.s32 $0x0, s10  }
0x58: {  	[tilespmem:s31], [sflag:$0x8] =	stream.linear.gather [hbm4b:s22+s3], $0x80, $0x38;
	[tilespmem:$0x1C400] =	vst v63  }
0x59: {  	_ =	swait.ge [sflag:s0], $0x80  }
0x5a: {  	[sflag:s0] =	ssyncset.done $0x0  }
0x5b: {  	[sflag:s0] =	ssyncadd.s32 $0xFFFFFF80  }
0x5c: {  	[tilespmem:s1], [sflag:$0xA] =	stream.indirect.gather [hbm4b:s4+s24], $0x80, s24, s24, $0xb8;
	[tilespmem:$0x1C400] =	vst v63  }
0x5d: {  	_ =	swait.ge [sflag:s5], $0x4000  }
0x5e: {  	[sflag:s5] =	ssyncset.done $0x0  }
0x5f: {  	[sflag:s5] =	ssyncadd.s32 $0xFFFFC000  }
0x60: {  	_ =	swait.ge [sflag:s11], $0x80  }
0x61: {  	[sflag:s11] =	ssyncset.done $0x0  }
0x62: {  	[sflag:s11] =	ssyncadd.s32 $0xFFFFFF80  }
0x63: {  	[spmem:s2] =	stream.indirect.scatter.add.f32 [tilespmem:s21], [sflag:$0xB], $0x80, s23, s24, $0xb8;
	[tilespmem:$0x1C400] =	vst v63  }
0x64: {  	p0 =	por $0x0, $0x0;
	_ =	swait.ge [sflag:s12], $0x4000  }
0x65: {  	s9 =	simm.s32 @!p0 $0x0;
	s7 =	rddreg [dreg:$0x6];
	[sflag:s12] =	ssyncset.done $0x0  }
0x66: {  	s8 =	rddreg [dreg:$0x5];
	[sflag:s12] =	ssyncadd.s32 $0xFFFFC000;
	s7 =	sadd.s32 @!p0 $0x0, s7  }
0x67: {  	[tilespmem:s9], [sflag:$0x1] =	stream.linear.gather @!p0 [hbm4b:s7+s9], $0x80, $0x38;
	[tilespmem:$0x1C400] =	vst v63  }
0x68: {  	s7 =	sadd.s32 @!p0 $0x0, s8;
	s8 =	simm.s32 @!p0 $0x200  }
0x69: {  	[tilespmem:s8], [sflag:$0x5] =	stream.linear.gather @!p0 [hbm4b:s7+s9], $0x80, $0x38;
	[tilespmem:$0x1C400] =	vst v63  }
0x6a: {  	_ =	swait.ge [sflag:s13], $0x80  }
0x6b: {  	[sflag:s13] =	ssyncset.done $0x0  }
0x6c: {  	[sflag:s13] =	ssyncadd.s32 $0xFFFFFF80  }
0x6d: {  	[tilespmem:s21], [sflag:$0x9] =	stream.indirect.gather [hbm4b:s4+s24], $0x80, s26, s24, $0xb8;
	[tilespmem:$0x1C400] =	vst v63  }
0x6e: {  	_ =	swait.ge [sflag:s14], $0x4000  }
0x6f: {  	[sflag:s14] =	ssyncset.done $0x0  }
0x70: {  	[sflag:s14] =	ssyncadd.s32 $0xFFFFC000  }
0x71: {  	_ =	swait.ge [sflag:s15], $0x80  }
0x72: {  	[sflag:s15] =	ssyncset.done $0x0  }
0x73: {  	[sflag:s15] =	ssyncadd.s32 $0xFFFFFF80  }
0x74: {  	[spmem:s2] =	stream.indirect.scatter.add.f32 [tilespmem:s1], [sflag:$0xC], $0x80, s25, s24, $0xb8;
	[tilespmem:$0x1C400] =	vst v63  }
0x75: {  	_ =	swait.ge [sflag:s16], $0x4000  }
0x76: {  	s10 =	simm.s32 @!p0 $0x80;
	s7 =	rddreg [dreg:$0x4];
	[sflag:s16] =	ssyncset.done $0x0  }
0x77: {  	s8 =	rddreg [dreg:$0x3];
	[sflag:s16] =	ssyncadd.s32 $0xFFFFC000;
	s7 =	sadd.s32 @!p0 $0x0, s7  }
0x78: {  	[tilespmem:s10], [sflag:$0x2] =	stream.linear.gather @!p0 [hbm4b:s7+s9], $0x80, $0x38;
	[tilespmem:$0x1C400] =	vst v63  }
0x79: {  	s7 =	sadd.s32 @!p0 $0x0, s8;
	s8 =	simm.s32 @!p0 $0x280  }
0x7a: {  	[tilespmem:s8], [sflag:$0x6] =	stream.linear.gather @!p0 [hbm4b:s7+s9], $0x80, $0x38;
	[tilespmem:$0x1C400] =	vst v63  }
0x7b: {  	_ =	swait.ge [sflag:s17], $0x80  }
0x7c: {  	[sflag:s17] =	ssyncset.done $0x0  }
0x7d: {  	[sflag:s17] =	ssyncadd.s32 $0xFFFFFF80  }
0x7e: {  	[tilespmem:s1], [sflag:$0xA] =	stream.indirect.gather [hbm4b:s4+s24], $0x80, s30, s24, $0xb8;
	[tilespmem:$0x1C400] =	vst v63  }
0x7f: {  	_ =	swait.ge [sflag:s5], $0x4000  }
0x80: {  	[sflag:s5] =	ssyncset.done $0x0  }
0x81: {  	[sflag:s5] =	ssyncadd.s32 $0xFFFFC000  }
0x82: {  	_ =	swait.ge [sflag:s18], $0x80  }
0x83: {  	[sflag:s18] =	ssyncset.done $0x0  }
0x84: {  	[sflag:s18] =	ssyncadd.s32 $0xFFFFFF80  }
0x85: {  	[spmem:s2] =	stream.indirect.scatter.add.f32 [tilespmem:s21], [sflag:$0xB], $0x80, s28, s24, $0xb8;
	[tilespmem:$0x1C400] =	vst v63  }
0x86: {  	_ =	swait.ge [sflag:s14], $0x4000  }
0x87: {  	[sflag:s14] =	ssyncset.done $0x0  }
0x88: {  	[sflag:s14] =	ssyncadd.s32 $0xFFFFC000  }
0x89: {  	p1 =	por $0x0, $0x0;
	_ =	swait.ge [sflag:s19], $0x80  }
0x8a: {  	s7 =	simm.s32 $0x40;
	s8 =	simm.s32 $0x80;
	[sflag:s19] =	ssyncset.done $0x0  }
.LBB2_2:
0x8b: {  	s10 =	simm.s32 @!p1 $0xB;
	[sflag:s19] =	ssyncadd.s32 $0xFFFFFF80  }
0x8c: {  	[spmem:s2] =	stream.indirect.scatter.add.f32 [tilespmem:s1], [sflag:$0xC], $0x80, s31, s24, $0xb8;
	[tilespmem:$0x1C400] =	vst v63  }
0x8d: {  	_ =	swait.ge @!p1 [sflag:s10], $0x4000  }
0x8e: {  	[sflag:s10] =	ssyncset.done @!p1 $0x0;
	s6 =	rddreg [dreg:$0xa]  }
0x8f: {  	s22 =	rddreg [dreg:$0x9];
	[sflag:s10] =	ssyncadd.s32 @!p1 $0xFFFFC000;
	s6 =	sadd.s32 s7, s6  }
0x90: {  	[tilespmem:s26], [sflag:$0x3] =	stream.linear.gather [hbm4b:s6+s3], $0x80, $0x38;
	[tilespmem:$0x1C400] =	vst v63  }
0x91: {  	s20 =	sadd.s32 s7, s22  }
0x92: {  	[tilespmem:s28], [sflag:$0x7] =	stream.linear.gather [hbm4b:s20+s3], $0x80, $0x38;
	[tilespmem:$0x1C400] =	vst v63  }
0x93: {  	_ =	swait.ge [sflag:s29], $0x80  }
0x94: {  	[sflag:s29] =	ssyncset.done $0x0  }
0x95: {  	s6 =	simm.s32 @!p1 $0xC;
	[sflag:s29] =	ssyncadd.s32 $0xFFFFFF80  }
0x96: {  	[tilespmem:s21], [sflag:$0x9] =	stream.indirect.gather [hbm4b:s4+s24], $0x80, s3, s24, $0xb8;
	[tilespmem:$0x1C400] =	vst v63  }
0x97: {  	_ =	swait.ge @!p1 [sflag:s6], $0x4000  }
0x98: {  	s22 =	rddreg [dreg:$0x8];
	[sflag:s6] =	ssyncset.done @!p1 $0x0  }
0x99: {  	s20 =	rddreg [dreg:$0x7];
	[sflag:s6] =	ssyncadd.s32 @!p1 $0xFFFFC000;
	s10 =	sadd.s32 s7, s22  }
0x9a: {  	[tilespmem:s30], [sflag:$0x4] =	stream.linear.gather [hbm4b:s10+s3], $0x80, $0x38;
	[tilespmem:$0x1C400] =	vst v63  }
0x9b: {  	s22 =	sadd.s32 s7, s20  }
0x9c: {  	[tilespmem:s31], [sflag:$0x8] =	stream.linear.gather [hbm4b:s22+s3], $0x80, $0x38;
	[tilespmem:$0x1C400] =	vst v63  }
0x9d: {  	_ =	swait.ge [sflag:s0], $0x80  }
0x9e: {  	[sflag:s0] =	ssyncset.done $0x0  }
0x9f: {  	[sflag:s0] =	ssyncadd.s32 $0xFFFFFF80  }
0xa0: {  	[tilespmem:s1], [sflag:$0xA] =	stream.indirect.gather [hbm4b:s4+s24], $0x80, s24, s24, $0xb8;
	[tilespmem:$0x1C400] =	vst v63  }
0xa1: {  	_ =	swait.ge [sflag:s5], $0x4000  }
0xa2: {  	[sflag:s5] =	ssyncset.done $0x0  }
0xa3: {  	[sflag:s5] =	ssyncadd.s32 $0xFFFFC000  }
0xa4: {  	_ =	swait.ge [sflag:s11], $0x80  }
0xa5: {  	[sflag:s11] =	ssyncset.done $0x0  }
0xa6: {  	[sflag:s11] =	ssyncadd.s32 $0xFFFFFF80  }
0xa7: {  	[spmem:s2] =	stream.indirect.scatter.add.f32 [tilespmem:s21], [sflag:$0xB], $0x80, s23, s24, $0xb8;
	[tilespmem:$0x1C400] =	vst v63  }
0xa8: {  	p1 =	seq.s32 s7, $0x4C0;
	_ =	swait.ge [sflag:s12], $0x4000  }
0xa9: {  	s20 =	simm.s32 @!p1 $0x0;
	s6 =	rddreg [dreg:$0x6];
	[sflag:s12] =	ssyncset.done $0x0  }
0xaa: {  	s10 =	rddreg [dreg:$0x5];
	[sflag:s12] =	ssyncadd.s32 $0xFFFFC000;
	s6 =	sadd.s32 @!p1 s7, s6  }
0xab: {  	[tilespmem:s20], [sflag:$0x1] =	stream.linear.gather @!p1 [hbm4b:s6+s20], $0x80, $0x38;
	[tilespmem:$0x1C400] =	vst v63  }
0xac: {  	s6 =	sadd.s32 @!p1 s7, s10;
	s10 =	simm.s32 @!p1 $0x200  }
0xad: {  	[tilespmem:s10], [sflag:$0x5] =	stream.linear.gather @!p1 [hbm4b:s6+s20], $0x80, $0x38;
	[tilespmem:$0x1C400] =	vst v63  }
0xae: {  	_ =	swait.ge [sflag:s13], $0x80  }
0xaf: {  	[sflag:s13] =	ssyncset.done $0x0  }
0xb0: {  	[sflag:s13] =	ssyncadd.s32 $0xFFFFFF80  }
0xb1: {  	[tilespmem:s21], [sflag:$0x9] =	stream.indirect.gather [hbm4b:s4+s24], $0x80, s26, s24, $0xb8;
	[tilespmem:$0x1C400] =	vst v63  }
0xb2: {  	_ =	swait.ge [sflag:s14], $0x4000  }
0xb3: {  	[sflag:s14] =	ssyncset.done $0x0  }
0xb4: {  	[sflag:s14] =	ssyncadd.s32 $0xFFFFC000  }
0xb5: {  	_ =	swait.ge [sflag:s15], $0x80  }
0xb6: {  	[sflag:s15] =	ssyncset.done $0x0  }
0xb7: {  	[sflag:s15] =	ssyncadd.s32 $0xFFFFFF80  }
0xb8: {  	[spmem:s2] =	stream.indirect.scatter.add.f32 [tilespmem:s1], [sflag:$0xC], $0x80, s25, s24, $0xb8;
	[tilespmem:$0x1C400] =	vst v63  }
0xb9: {  	_ =	swait.ge [sflag:s16], $0x4000  }
0xba: {  	s22 =	simm.s32 @!p1 $0x80;
	s6 =	rddreg [dreg:$0x4];
	[sflag:s16] =	ssyncset.done $0x0  }
0xbb: {  	s10 =	rddreg [dreg:$0x3];
	[sflag:s16] =	ssyncadd.s32 $0xFFFFC000;
	s6 =	sadd.s32 @!p1 s7, s6  }
0xbc: {  	[tilespmem:s22], [sflag:$0x2] =	stream.linear.gather @!p1 [hbm4b:s6+s20], $0x80, $0x38;
	[tilespmem:$0x1C400] =	vst v63  }
0xbd: {  	s6 =	sadd.s32 @!p1 s7, s10;
	s10 =	simm.s32 @!p1 $0x280  }
0xbe: {  	[tilespmem:s10], [sflag:$0x6] =	stream.linear.gather @!p1 [hbm4b:s6+s20], $0x80, $0x38;
	[tilespmem:$0x1C400] =	vst v63  }
0xbf: {  	_ =	swait.ge [sflag:s17], $0x80  }
0xc0: {  	[sflag:s17] =	ssyncset.done $0x0  }
0xc1: {  	[sflag:s17] =	ssyncadd.s32 $0xFFFFFF80  }
0xc2: {  	[tilespmem:s1], [sflag:$0xA] =	stream.indirect.gather [hbm4b:s4+s24], $0x80, s30, s24, $0xb8;
	[tilespmem:$0x1C400] =	vst v63  }
0xc3: {  	_ =	swait.ge [sflag:s5], $0x4000  }
0xc4: {  	[sflag:s5] =	ssyncset.done $0x0  }
0xc5: {  	[sflag:s5] =	ssyncadd.s32 $0xFFFFC000  }
0xc6: {  	_ =	swait.ge [sflag:s18], $0x80  }
0xc7: {  	s9 =	smov.u32 s8;
	s8 =	sadd.s32 $0x40, s8;
	[sflag:s18] =	ssyncset.done $0x0  }
0xc8: {  	p0 =	sne.s32 s8, $0x500;
	[sflag:s18] =	ssyncadd.s32 $0xFFFFFF80  }
0xc9: {  	[spmem:s2] =	stream.indirect.scatter.add.f32 [tilespmem:s21], [sflag:$0xB], $0x80, s28, s24, $0xb8;
	[tilespmem:$0x1C400] =	vst v63  }
.Ltmp0:
0xca: {  	_ =	swait.ge [sflag:s14], $0x4000;
	(pc) =	sbr.rel @p0 .LBB2_2-.Ltmp0, $4  }
0xcb: {  	[sflag:s14] =	ssyncset.done $0x0  }
0xcc: {  	[sflag:s14] =	ssyncadd.s32 $0xFFFFC000  }
0xcd: {  	s7 =	smov.u32 s9;
	_ =	swait.ge [sflag:s19], $0x80  }
0xce: {  	p1 =	seq.s32 s7, $0x0;
	[sflag:s19] =	ssyncset.done $0x0  }
0xcf: {  	s6 =	simm.s32 @!p1 $0xB;
	[sflag:s19] =	ssyncadd.s32 $0xFFFFFF80  }
0xd0: {  	[spmem:s2] =	stream.indirect.scatter.add.f32 [tilespmem:s1], [sflag:$0xC], $0x80, s31, s24, $0xb8;
	[tilespmem:$0x1C400] =	vst v63  }
0xd1: {  	_ =	swait.ge @!p1 [sflag:s6], $0x4000  }
0xd2: {  	s8 =	rddreg [dreg:$0xa];
	[sflag:s6] =	ssyncset.done @!p1 $0x0  }
0xd3: {  	s9 =	rddreg [dreg:$0x9];
	[sflag:s6] =	ssyncadd.s32 @!p1 $0xFFFFC000;
	s8 =	sadd.s32 s7, s8  }
0xd4: {  	[tilespmem:s26], [sflag:$0x3] =	stream.linear.gather [hbm4b:s8+s3], $0x80, $0x38;
	[tilespmem:$0x1C400] =	vst v63  }
0xd5: {  	s10 =	sadd.s32 s7, s9  }
0xd6: {  	[tilespmem:s28], [sflag:$0x7] =	stream.linear.gather [hbm4b:s10+s3], $0x80, $0x38;
	[tilespmem:$0x1C400] =	vst v63  }
0xd7: {  	_ =	swait.ge [sflag:s29], $0x80  }
0xd8: {  	[sflag:s29] =	ssyncset.done $0x0  }
0xd9: {  	s6 =	simm.s32 @!p1 $0xC;
	[sflag:s29] =	ssyncadd.s32 $0xFFFFFF80  }
0xda: {  	[tilespmem:s21], [sflag:$0x9] =	stream.indirect.gather [hbm4b:s4+s24], $0x80, s3, s24, $0xb8;
	[tilespmem:$0x1C400] =	vst v63  }
0xdb: {  	_ =	swait.ge @!p1 [sflag:s6], $0x4000  }
0xdc: {  	s20 =	rddreg [dreg:$0x8];
	[sflag:s6] =	ssyncset.done @!p1 $0x0  }
0xdd: {  	s22 =	rddreg [dreg:$0x7];
	[sflag:s6] =	ssyncadd.s32 @!p1 $0xFFFFC000;
	s8 =	sadd.s32 s7, s20  }
0xde: {  	[tilespmem:s30], [sflag:$0x4] =	stream.linear.gather [hbm4b:s8+s3], $0x80, $0x38;
	[tilespmem:$0x1C400] =	vst v63  }
0xdf: {  	s9 =	sadd.s32 s7, s22  }
0xe0: {  	[tilespmem:s31], [sflag:$0x8] =	stream.linear.gather [hbm4b:s9+s3], $0x80, $0x38;
	[tilespmem:$0x1C400] =	vst v63  }
0xe1: {  	_ =	swait.ge [sflag:s0], $0x80  }
0xe2: {  	[sflag:s0] =	ssyncset.done $0x0  }
0xe3: {  	[sflag:s0] =	ssyncadd.s32 $0xFFFFFF80  }
0xe4: {  	[tilespmem:s1], [sflag:$0xA] =	stream.indirect.gather [hbm4b:s4+s24], $0x80, s24, s24, $0xb8;
	[tilespmem:$0x1C400] =	vst v63  }
0xe5: {  	_ =	swait.ge [sflag:s5], $0x4000  }
0xe6: {  	[sflag:s5] =	ssyncset.done $0x0  }
0xe7: {  	[sflag:s5] =	ssyncadd.s32 $0xFFFFC000  }
0xe8: {  	_ =	swait.ge [sflag:s11], $0x80  }
0xe9: {  	[sflag:s11] =	ssyncset.done $0x0  }
0xea: {  	[sflag:s11] =	ssyncadd.s32 $0xFFFFFF80  }
0xeb: {  	[spmem:s2] =	stream.indirect.scatter.add.f32 [tilespmem:s21], [sflag:$0xB], $0x80, s23, s24, $0xb8;
	[tilespmem:$0x1C400] =	vst v63  }
0xec: {  	p0 =	seq.s32 s7, $0x4C0;
	_ =	swait.ge [sflag:s12], $0x4000  }
0xed: {  	s9 =	simm.s32 @!p0 $0x0;
	s6 =	rddreg [dreg:$0x6];
	[sflag:s12] =	ssyncset.done $0x0  }
0xee: {  	s8 =	rddreg [dreg:$0x5];
	[sflag:s12] =	ssyncadd.s32 $0xFFFFC000;
	s6 =	sadd.s32 @!p0 s7, s6  }
0xef: {  	[tilespmem:s9], [sflag:$0x1] =	stream.linear.gather @!p0 [hbm4b:s6+s9], $0x80, $0x38;
	[tilespmem:$0x1C400] =	vst v63  }
0xf0: {  	s6 =	sadd.s32 @!p0 s7, s8;
	s8 =	simm.s32 @!p0 $0x200  }
0xf1: {  	[tilespmem:s8], [sflag:$0x5] =	stream.linear.gather @!p0 [hbm4b:s6+s9], $0x80, $0x38;
	[tilespmem:$0x1C400] =	vst v63  }
0xf2: {  	_ =	swait.ge [sflag:s13], $0x80  }
0xf3: {  	[sflag:s13] =	ssyncset.done $0x0  }
0xf4: {  	[sflag:s13] =	ssyncadd.s32 $0xFFFFFF80  }
0xf5: {  	[tilespmem:s21], [sflag:$0x9] =	stream.indirect.gather [hbm4b:s4+s24], $0x80, s26, s24, $0xb8;
	[tilespmem:$0x1C400] =	vst v63  }
0xf6: {  	_ =	swait.ge [sflag:s14], $0x4000  }
0xf7: {  	[sflag:s14] =	ssyncset.done $0x0  }
0xf8: {  	[sflag:s14] =	ssyncadd.s32 $0xFFFFC000  }
0xf9: {  	_ =	swait.ge [sflag:s15], $0x80  }
0xfa: {  	[sflag:s15] =	ssyncset.done $0x0  }
0xfb: {  	[sflag:s15] =	ssyncadd.s32 $0xFFFFFF80  }
0xfc: {  	[spmem:s2] =	stream.indirect.scatter.add.f32 [tilespmem:s1], [sflag:$0xC], $0x80, s25, s24, $0xb8;
	[tilespmem:$0x1C400] =	vst v63  }
0xfd: {  	_ =	swait.ge [sflag:s16], $0x4000  }
0xfe: {  	s10 =	simm.s32 @!p0 $0x80;
	s6 =	rddreg [dreg:$0x4];
	[sflag:s16] =	ssyncset.done $0x0  }
0xff: {  	s8 =	rddreg [dreg:$0x3];
	[sflag:s16] =	ssyncadd.s32 $0xFFFFC000;
	s6 =	sadd.s32 @!p0 s7, s6  }
0x100: {  	[tilespmem:s10], [sflag:$0x2] =	stream.linear.gather @!p0 [hbm4b:s6+s9], $0x80, $0x38;
	[tilespmem:$0x1C400] =	vst v63  }
0x101: {  	s6 =	sadd.s32 @!p0 s7, s8;
	s7 =	simm.s32 @!p0 $0x280  }
0x102: {  	[tilespmem:s7], [sflag:$0x6] =	stream.linear.gather @!p0 [hbm4b:s6+s9], $0x80, $0x38;
	[tilespmem:$0x1C400] =	vst v63  }
0x103: {  	_ =	swait.ge [sflag:s17], $0x80  }
0x104: {  	[sflag:s17] =	ssyncset.done $0x0  }
0x105: {  	[sflag:s17] =	ssyncadd.s32 $0xFFFFFF80  }
0x106: {  	[tilespmem:s1], [sflag:$0xA] =	stream.indirect.gather [hbm4b:s4+s24], $0x80, s30, s24, $0xb8;
	[tilespmem:$0x1C400] =	vst v63  }
0x107: {  	_ =	swait.ge [sflag:s5], $0x4000  }
0x108: {  	[sflag:s5] =	ssyncset.done $0x0  }
0x109: {  	[sflag:s5] =	ssyncadd.s32 $0xFFFFC000  }
0x10a: {  	_ =	swait.ge [sflag:s18], $0x80  }
0x10b: {  	[sflag:s18] =	ssyncset.done $0x0  }
0x10c: {  	[sflag:s18] =	ssyncadd.s32 $0xFFFFFF80  }
0x10d: {  	[spmem:s2] =	stream.indirect.scatter.add.f32 [tilespmem:s21], [sflag:$0xB], $0x80, s28, s24, $0xb8;
	[tilespmem:$0x1C400] =	vst v63  }
0x10e: {  	_ =	swait.ge [sflag:s14], $0x4000  }
0x10f: {  	[sflag:s14] =	ssyncset.done $0x0  }
0x110: {  	[sflag:s14] =	ssyncadd.s32 $0xFFFFC000  }
0x111: {  	_ =	swait.ge [sflag:s19], $0x80  }
0x112: {  	[sflag:s19] =	ssyncset.done $0x0  }
0x113: {  	[sflag:s19] =	ssyncadd.s32 $0xFFFFFF80  }
0x114: {  	[spmem:s2] =	stream.indirect.scatter.add.f32 [tilespmem:s1], [sflag:$0xC], $0x80, s31, s24, $0xb8;
	[tilespmem:$0x1C400] =	vst v63  }
0x115: {  	_ =	swait.ge [sflag:s12], $0x4000  }
0x116: {  	[sflag:s12] =	ssyncset.done $0x0  }
0x117: {  	[sflag:s12] =	ssyncadd.s32 $0xFFFFC000  }
0x118: {  	_ =	swait.ge [sflag:s16], $0x4000  }
0x119: {  	[sflag:s16] =	ssyncset.done $0x0  }
0x11a: {  	[sflag:s16] =	ssyncadd.s32 $0xFFFFC000  }
0x11b: {  	[bflag:$0x0] =	sbarrier.arrive $0xFFFF  }
0x11c: {  	s9 =	simm.s32 $0xD;
	s10 =	rddreg [dreg:$0xc]  }
0x11d: {  	[tilespmem:s21], [sflag:$0xD] =	stream.linear.gather [spmem:s10], $0x4000, $0x38;
	[tilespmem:$0x1C400] =	vst v63  }
0x11e: {  	_ =	swait.ge [sflag:s9], $0x4000  }
0x11f: {  	[sflag:s9] =	ssyncset.done $0x0  }
0x120: {  	s20 =	rddreg [dreg:$0x15];
	[sflag:s9] =	ssyncadd.s32 $0xFFFFC000  }
0x121: {  	[hbm4b:s20+s3] =	stream.linear.scatter [tilespmem:s21], [sflag:$0xD], $0x4000, $0x38;
	[tilespmem:$0x1C400] =	vst v63  }
0x122: {  	_ =	swait.ge [sflag:s9], $0x4000  }
0x123: {  	[sflag:s9] =	ssyncset.done $0x0  }
0x124: {  	s10 =	rddreg [dreg:$0xd];
	[sflag:s9] =	ssyncadd.s32 $0xFFFFC000  }
0x125: {  	[tilespmem:s21], [sflag:$0xD] =	stream.linear.gather [spmem:s10], $0x4000, $0x38;
	[tilespmem:$0x1C400] =	vst v63  }
0x126: {  	_ =	swait.ge [sflag:s9], $0x4000  }
0x127: {  	[sflag:s9] =	ssyncset.done $0x0  }
0x128: {  	s22 =	rddreg [dreg:$0x16];
	[sflag:s9] =	ssyncadd.s32 $0xFFFFC000  }
0x129: {  	[hbm4b:s22+s3] =	stream.linear.scatter [tilespmem:s21], [sflag:$0xD], $0x4000, $0x38;
	[tilespmem:$0x1C400] =	vst v63  }
0x12a: {  	_ =	swait.ge [sflag:s9], $0x4000  }
0x12b: {  	[sflag:s9] =	ssyncset.done $0x0  }
0x12c: {  	s22 =	rddreg [dreg:$0xe];
	[sflag:s9] =	ssyncadd.s32 $0xFFFFC000  }
0x12d: {  	[tilespmem:s21], [sflag:$0xD] =	stream.linear.gather [spmem:s22], $0x4000, $0x38;
	[tilespmem:$0x1C400] =	vst v63  }
0x12e: {  	_ =	swait.ge [sflag:s9], $0x4000  }
0x12f: {  	[sflag:s9] =	ssyncset.done $0x0  }
0x130: {  	s7 =	rddreg [dreg:$0x17];
	[sflag:s9] =	ssyncadd.s32 $0xFFFFC000  }
0x131: {  	[hbm4b:s7+s3] =	stream.linear.scatter [tilespmem:s21], [sflag:$0xD], $0x4000, $0x38;
	[tilespmem:$0x1C400] =	vst v63  }
0x132: {  	_ =	swait.ge [sflag:s9], $0x4000  }
0x133: {  	[sflag:s9] =	ssyncset.done $0x0  }
0x134: {  	s7 =	rddreg [dreg:$0xf];
	[sflag:s9] =	ssyncadd.s32 $0xFFFFC000  }
0x135: {  	[tilespmem:s21], [sflag:$0xD] =	stream.linear.gather [spmem:s7], $0x4000, $0x38;
	[tilespmem:$0x1C400] =	vst v63  }
0x136: {  	_ =	swait.ge [sflag:s9], $0x4000  }
0x137: {  	[sflag:s9] =	ssyncset.done $0x0  }
0x138: {  	s8 =	rddreg [dreg:$0x18];
	[sflag:s9] =	ssyncadd.s32 $0xFFFFC000  }
0x139: {  	[hbm4b:s8+s3] =	stream.linear.scatter [tilespmem:s21], [sflag:$0xD], $0x4000, $0x38;
	[tilespmem:$0x1C400] =	vst v63  }
0x13a: {  	_ =	swait.ge [sflag:s9], $0x4000  }
0x13b: {  	[sflag:s9] =	ssyncset.done $0x0  }
0x13c: {  	s8 =	rddreg [dreg:$0x10];
	[sflag:s9] =	ssyncadd.s32 $0xFFFFC000  }
0x13d: {  	[tilespmem:s21], [sflag:$0xD] =	stream.linear.gather [spmem:s8], $0x4000, $0x38;
	[tilespmem:$0x1C400] =	vst v63  }
0x13e: {  	_ =	swait.ge [sflag:s9], $0x4000  }
0x13f: {  	[sflag:s9] =	ssyncset.done $0x0  }
0x140: {  	s20 =	rddreg [dreg:$0x19];
	[sflag:s9] =	ssyncadd.s32 $0xFFFFC000  }
0x141: {  	[hbm4b:s20+s3] =	stream.linear.scatter [tilespmem:s21], [sflag:$0xD], $0x4000, $0x38;
	[tilespmem:$0x1C400] =	vst v63  }
0x142: {  	_ =	swait.ge [sflag:s9], $0x4000  }
0x143: {  	s20 =	rddreg [dreg:$0x1b]  }
0x144: {  	s6 =	rddreg [dreg:$0x1a];
	s20 =	sadd.s32 $0x1, s20  }
0x145: {  	p0 =	sne.s32 s20, s6  }
.Ltmp1:
0x146: {  	_ = 	snop;
	(pc) =	sbr.rel @p0 .LBB2_1-.Ltmp1, $3  }
0x147: {  	_ =	sdelay $0x1  }
0x148: {  	[sflag:s9] =	ssyncset.done $0x0;
	[dreg:$0x1b] =	wrdreg s20  }
0x149: {  	[sflag:s9] =	ssyncadd.s32 $0xFFFFC000;
	s20 =	rddreg [dreg:$0xc]  }
0x14a: {  	_ =	sfence.sel $0x180000  }
0x14b: {  	[bflag:$0x0] =	sbarrier.arrive $0xFFFF  }
0x14c: {  	_ =	strace $0x9000004A  }
0x14d: {  	s0 =	stileid.u32;
	[bflag:$0x2] =	sbarrier.arrive $0xFFFF  }
0x14e: {  	p0 =	sne.s32 s0, $0x0;
	s0 =	rddreg [dreg:$0x2]  }
0x14f: {  	s0 =	sadd.s32 @!p0 $0x100000, s0  }
0x150: {  	[sflag:s0] =	ssyncadd.tile.s32 @!p0 $0x1;
	_ =	shalt  }
.Lfunc_end2:
_tile_overlayer_lowered:
.L_overlay_start_2:
0x151: {  	(tag) =	ssettag $0x2  }
0x152: {  	s0 =	rddreg [dreg:$0x0];
	s2 =	stileid.u32  }
0x153: {  	s1 =	rddreg [dreg:$0x1];
	p0 =	sne.s32 s2, $0x0  }
0x154: {  	s3 =	rddreg [dreg:$0x2];
	[bflag:$0x3] =	sbarrier.arrive $0xFFFF;
	s2 =	simm.s32 @!p0 $0x1C0D  }
0x155: {  	[timem:s3], [sflag:s2] =	dma.local @!p0 [hbm:s0], s1  }
0x156: {  	s0 =	simm.s32 @!p0 $0xD  }
0x157: {  	_ =	swait.ge @!p0 [sflag:s0], s1  }
0x158: {  	s1 =	ssub.s32 @!p0 $0x0, s1;
	[sflag:s0] =	ssyncset.done @!p0 $0x0  }
0x159: {  	[sflag:s0] =	ssyncadd.s32 @!p0 s1  }
0x15a: {  	[bflag:$0x3] =	sbarrier.arrive $0xFFFF  }
0x15b: {  	_ =	shalt  }

// kernel: kernel.15.cloned.1.call-start
scs
__scs_entry_jumppad:
0x0: {  	(pc) =	sbr.rel $0x88, $3  }
0x1: {  	(tag) =	ssettag $0x0;
	lr =	simm.s32 $0x1  }
0x2: {  	[smem:$0x3F95] =	sst lr;
	_ =	strace $0xD0000000  }
0x3: {  	_ = 	snop  }
0x4: {  	_ = 	snop  }
0x5: {  	_ = 	snop  }
0x6: {  	_ = 	snop  }
0x7: {  	_ = 	snop  }
__scs_overlays_trampoline_lowered:
0x8: {  	[smem:$0x3FA4] =	sst s0  }
0x9: {  	[smem:$0x3FA5] =	sst s1  }
0xa: {  	[smem:$0x3FA6] =	sst s2  }
0xb: {  	[smem:$0x3FA7] =	sst s3  }
0xc: {  	[smem:$0x3FA8] =	sst s4  }
0xd: {  	[smem:$0x3FA9] =	sst s5  }
0xe: {  	[smem:$0x3FAA] =	sst s6  }
0xf: {  	[smem:$0x3FAB] =	sst s7  }
0x10: {  	[smem:$0x3FAC] =	sst s8  }
0x11: {  	[smem:$0x3FAD] =	sst s9;
	s0 =	simm.s32 @!p0 $0x0  }
0x12: {  	s1 =	sld [smem:$0x3F93];
	s0 =	simm.s32 @p0 $0x1  }
0x13: {  	[smem:$0x3FAE] =	sst s0;
	s0 =	simm.s32 @!p1 $0x0  }
0x14: {  	s2 =	sld [smem:$0x3F92];
	s0 =	simm.s32 @p1 $0x1  }
0x15: {  	[smem:$0x3FAF] =	sst s0;
	s0 =	simm.s32 @!p2 $0x0  }
0x16: {  	s3 =	sld [smem:$0x3FDB];
	s0 =	simm.s32 @p2 $0x1  }
0x17: {  	s4 =	simm.s32 $0x1BF5;
	[smem:$0x3FB1] =	sst s0  }
0x18: {  	s0 =	sld [smem:$0x3F94];
	_ =	swait.ge [sflag:s4], $0x0  }
0x19: {  	s7 =	sld [smem:$0x3F95]  }
0x1a: {  	s8 =	sadd.s32 $0xFFFFE003, lr  }
0x1b: {  	s9 =	sadd.s32 $0xFFFFFEF7, lr;
	s5 =	simm.s32 $0xFFFFFFFF;
	p2 =	slt.u32 s8, $0xFFFFF086  }
0x1c: {  	p1 =	slt.u32 s9, $0xF7A;
	s5 =	simm.s32 @!p2 $0x0  }
0x1d: {  	s5 =	simm.s32 @p1 $0x1;
	p0 =	seq.s32 s7, s2  }
0x1e: {  	s7 =	smul.u32 @!p0 $0xF7A, s2;
	p2 =	seq.s32 @!p0 s5, $0x0  }
0x1f: {  	s9 =	smul.u32 $0xF7A, s1;
	s8 =	simm.s32 @!p0 $0x1BF5;
	p2 =	por !p2, p0  }
0x20: {  	[sflag:s8] =	ssyncset.s32 @!p0 $0xFFFFF086;
	s6 =	sadd.s32 @!p0 s3, s7;
	s7 =	simm.s32 @!p0 $0x108  }
0x21: {  	s3 =	sadd.s32 s3, s9;
	s6 =	sadd.s32 @!p0 $0x88, s6;
	s7 =	simm.s32 @p2 $0x1082  }
0x22: {  	[simem:s7], [sflag:s8] =	dma.local @!p0 [hbm:s6], $0xF7A  }
0x23: {  	s9 =	sor.u32 $0xD0000000, s2;
	s6 =	simm.s32 $0x108;
	_ =	swait.ge @!p0 [sflag:s8], $0x0  }
0x24: {  	s3 =	sadd.s32 $0x88, s3;
	s6 =	simm.s32 @!p1 $0x1082;
	[sflag:s4] =	ssyncset.s32 $0xFFFFF086  }
0x25: {  	[simem:s6], [sflag:s4] =	dma.local [hbm:s3], $0xF7A  }
0x26: {  	[smem:$0x3F95] =	sst s1;
	(tag) =	ssettag s2;
	_ =	strace s9  }
0x27: {  	s1 =	sld [smem:$0x3FA5]  }
0x28: {  	s2 =	sld [smem:$0x3FA6]  }
0x29: {  	s4 =	sld [smem:$0x3FA8]  }
0x2a: {  	p0 =	seq.s32 s5, $0x0;
	s5 =	sld [smem:$0x3FA9]  }
0x2b: {  	s6 =	sld [smem:$0x3FAA]  }
0x2c: {  	s7 =	sld [smem:$0x3FAB]  }
0x2d: {  	s3 =	simm.s32 $0x108;
	s8 =	sld [smem:$0x3FAC]  }
0x2e: {  	s3 =	simm.s32 @!p0 $0x1082;
	s9 =	sld [smem:$0x3FAD]  }
0x2f: {  	lr =	sadd.s32 s0, s3;
	s0 =	sld [smem:$0x3FA4]  }
0x30: {  	s3 =	sld [smem:$0x3FA7]  }
0x31: {  	[smem:$0x3FB0] =	sst s10  }
0x32: {  	s10 =	sld [smem:$0x3FAE];
	_ =	sdelay $0x3  }
0x33: {  	p0 =	seq.s32 s10, $0x1;
	s10 =	sld [smem:$0x3FB0];
	_ =	sdelay $0x3  }
0x34: {  	[smem:$0x3FB0] =	sst s10  }
0x35: {  	s10 =	sld [smem:$0x3FAF];
	_ =	sdelay $0x3  }
0x36: {  	p1 =	seq.s32 s10, $0x1;
	s10 =	sld [smem:$0x3FB0];
	_ =	sdelay $0x3  }
0x37: {  	[smem:$0x3FB0] =	sst s10  }
0x38: {  	s10 =	sld [smem:$0x3FB1]  }
0x39: {  	_ = 	snop;
	(pc) =	sbr.ind lr, $3  }
0x3a: {  	_ = 	snop  }
0x3b: {  	_ = 	snop  }
0x3c: {  	p2 =	seq.s32 s10, $0x1;
	s10 =	sld [smem:$0x3FB0]  }
0x3d: {  	_ =	shalt  }
0x3e: {  	_ =	shalt  }
0x3f: {  	_ =	shalt  }
0x40: {  	_ =	shalt  }
0x41: {  	_ =	shalt  }
0x42: {  	_ =	shalt  }
0x43: {  	_ =	shalt  }
0x44: {  	_ =	shalt  }
0x45: {  	_ =	shalt  }
0x46: {  	_ =	shalt  }
0x47: {  	_ =	shalt  }
0x48: {  	_ =	shalt  }
0x49: {  	_ =	shalt  }
0x4a: {  	_ =	shalt  }
0x4b: {  	_ =	shalt  }
0x4c: {  	_ =	shalt  }
0x4d: {  	_ =	shalt  }
0x4e: {  	_ =	shalt  }
0x4f: {  	_ =	shalt  }
0x50: {  	_ =	shalt  }
0x51: {  	_ =	shalt  }
0x52: {  	_ =	shalt  }
0x53: {  	_ =	shalt  }
0x54: {  	_ =	shalt  }
0x55: {  	_ =	shalt  }
0x56: {  	_ =	shalt  }
0x57: {  	_ =	shalt  }
0x58: {  	_ =	shalt  }
0x59: {  	_ =	shalt  }
0x5a: {  	_ =	shalt  }
0x5b: {  	_ =	shalt  }
0x5c: {  	_ =	shalt  }
0x5d: {  	_ =	shalt  }
0x5e: {  	_ =	shalt  }
0x5f: {  	_ =	shalt  }
0x60: {  	_ =	shalt  }
0x61: {  	_ =	shalt  }
0x62: {  	_ =	shalt  }
0x63: {  	_ =	shalt  }
0x64: {  	_ =	shalt  }
0x65: {  	_ =	shalt  }
0x66: {  	_ =	shalt  }
0x67: {  	_ =	shalt  }
0x68: {  	_ =	shalt  }
0x69: {  	_ =	shalt  }
0x6a: {  	_ =	shalt  }
0x6b: {  	_ =	shalt  }
0x6c: {  	_ =	shalt  }
0x6d: {  	_ =	shalt  }
0x6e: {  	_ =	shalt  }
0x6f: {  	_ =	shalt  }
0x70: {  	_ =	shalt  }
0x71: {  	_ =	shalt  }
0x72: {  	_ =	shalt  }
0x73: {  	_ =	shalt  }
0x74: {  	_ =	shalt  }
0x75: {  	_ =	shalt  }
0x76: {  	_ =	shalt  }
0x77: {  	_ =	shalt  }
0x78: {  	_ =	shalt  }
0x79: {  	_ =	shalt  }
0x7a: {  	_ =	shalt  }
0x7b: {  	_ =	shalt  }
0x7c: {  	_ =	shalt  }
0x7d: {  	_ =	shalt  }
0x7e: {  	_ =	shalt  }
0x7f: {  	_ =	shalt  }
0x80: {  	_ =	shalt  }
0x81: {  	_ =	shalt  }
0x82: {  	_ =	shalt  }
0x83: {  	_ =	shalt  }
0x84: {  	_ =	shalt  }
0x85: {  	_ =	shalt  }
0x86: {  	_ =	shalt  }
0x87: {  	_ =	shalt  }
.Lfunc_end0:
.L_simem_size_0:
called_computation.2_lowered:
.L_overlay_start_0:
0x88: {  	s2 =	sld [smem:$0x3FD9]  }
0x89: {  	s3 =	sld [smem:$0x3FFE];
	_ =	sdelay $0x1  }
0x8a: {  	s1 =	srdreg.scid  }
0x8b: {  	s0 =	sand.u32 $0x1, s1  }
0x8c: {  	s16 =	sshll.u32 s0, $0xA;
	s2 =	sadd.s32 s3, s2  }
0x8d: {  	s2 =	sadd.s32 s2, s16  }
0x8e: {  	[smem:$0x3FBC] =	sst s2  }
0x8f: {  	_ = 	snop  }
0x90: {  	(tm) =	ssettm $0x1  }
0x91: {  	s17 =	sld [smem:$0x3FFB];
	_ =	sdelay $0x3  }
0x92: {  	_ =	strace s17  }
0x93: {  	s2 =	sld [smem:$0x3FFC];
	_ =	sdelay $0x3  }
0x94: {  	_ =	strace s2  }
0x95: {  	s2 =	sld [smem:$0x3FFD];
	_ =	sdelay $0x3  }
0x96: {  	_ =	strace s2  }
0x97: {  	_ =	strace $0x8FFFFFFF  }
0x98: {  	s18 =	sld [smem:$0x3FDB];
	_ =	sdelay $0x1  }
0x99: {  	s19 =	simm.s32 $_scs_section_size  }
0x9a: {  	s4 =	simm.s32 $_size__tile_overlayer_lowered;
	s5 =	simm.s32 $_tile_overlayer_lowered  }
0x9b: {  	s22 =	simm.s32 $0x1BFF;
	s21 =	sshll.u32 s5, $0x1;
	s2 =	sadd.s32 s19, s18  }
0x9c: {  	s6 =	simm.s32 $0x0;
	s20 =	sshll.u32 s4, $0x1;
	s4 =	sadd.s32 s21, s2  }
0x9d: {  	[timem:s6], [sflag:s22] =	dma.local [hbm:s4], s20  }
0x9e: {  	_ =	swait.ge [sflag:s22], s20  }
0x9f: {  	s3 =	ssub.s32 $0x0, s20;
	[sflag:s22] =	ssyncset.done $0x0  }
0xa0: {  	[sflag:s22] =	ssyncadd.s32 s3;
	_ =	sdelay $0x1  }
0xa1: {  	s23 =	simm.s32 $0x1B8B  }
0xa2: {  	_ =	swait.ge [sflag:s23], $0x1  }
0xa3: {  	[sflag:s23] =	ssyncset.done $0x0  }
0xa4: {  	s25 =	simm.s32 $0x1B8E;
	s24 =	sld [smem:$0x3FFE];
	[sflag:s23] =	ssyncadd.s32 $0xFFFFFFFF  }
0xa5: {  	s26 =	simm.s32 $execute0_lowered;
	[smem:$0x3FD2] =	sst s25  }
0xa6: {  	s4 =	sshll.u32 s26, $0x1;
	_ =	strace $0x8000004C;
	[dreg:$0x1] =	wrdreg $0xFFFFFFFF  }
0xa7: {  	s28 =	simm.s32 $_size_execute0_lowered;
	s2 =	sadd.s32 s2, s4;
	[dreg:$0x0] =	wrdreg $0x0  }
0xa8: {  	s4 =	sshll.u32 s28, $0x1;
	[dreg:$0x2] =	wrdreg s2  }
0xa9: {  	[dreg:$0x3] =	wrdreg s4  }
0xaa: {  	[dreg:$0x4] =	wrdreg $0xC0  }
0xab: {  	_ =	task [dreg:s6], $0x5FFFF  }
0xac: {  	[dreg:$0x1] =	wrdreg $0xFFFFFFFF  }
0xad: {  	[dreg:$0x0] =	wrdreg $0x60  }
0xae: {  	[dreg:$0x2] =	wrdreg s24  }
0xaf: {  	[dreg:$0x3] =	wrdreg $0xAC800  }
0xb0: {  	[dreg:$0x4] =	wrdreg $0x1EC800  }
0xb1: {  	[dreg:$0x5] =	wrdreg $0x9  }
0xb2: {  	_ =	task.clear_ibuf [dreg:s6], $0x6FFFF;
	_ =	strace $0x9000004C  }
0xb3: {  	s29 =	simm.s32 $0x9;
	_ =	strace $0x8000004E  }
0xb4: {  	_ =	swait.ge [sflag:s29], $0x1  }
0xb5: {  	[sflag:s29] =	ssyncadd.s32 $0xFFFFFFFF  }
0xb6: {  	_ =	strace $0x9000004E  }
0xb7: {  	_ =	sfence  }
0xb8: {  	s30 =	sld [smem:$0x0];
	_ =	sdelay $0x2  }
0xb9: {  	s31 =	sshll.u32 s1, $0xD;
	s1 =	sshrl.u32 s1, $0x2  }
0xba: {  	s3 =	sand.u32 $0x4000, s31;
	s1 =	sadd.s32 s1, s30  }
0xbb: {  	s0 =	sor.u32 s3, s0;
	s1 =	sshll.u32 s1, $0x11  }
0xbc: {  	s0 =	sor.u32 s1, s0  }
0xbd: {  	s0 =	sadd.s32 $0x8F2B, s0  }
0xbe: {  	[sflag:s0] =	ssyncadd.remote.s32 $0x1  }
0xbf: {  	_ =	sfence.sel $0xFFFF  }
0xc0: {  	[dreg:$0x0] =	wrdreg $0xFFFFFFFF;
	(pc) =	sbr.abs _section_cstart, $3  }
0xc1: {  	[dreg:$0x1] =	wrdreg $0xFFFFFFFF  }
0xc2: {  	_ =	task.clear_ibuf [dreg:s6], $0x2FFFF;
	_ =	strace $0x9FFFFFFF  }
0xc3: {  	(tm) =	ssettm $0x7FFFFFFF  }
tec
execute0_lowered:
.L_overlay_start_1:
0x0: {  	(tag) =	ssettag $0x1  }
0x1: {  	s0 =	rddreg [dreg:$0x0]  }
0x2: {  	s2 =	rddreg [dreg:$0x1]  }
0x3: {  	s14 =	rddreg [dreg:$0x2];
	s1 =	srdreg.scid  }
0x4: {  	s5 =	stileid.u32;
	s4 =	simm.s32 $0x0;
	s29 =	simm.s32 $0x400  }
0x5: {  	s30 =	simm.s32 $0x280;
	s28 =	simm.s32 $0xC;
	s1 =	sand.u32 $0x1, s1  }
0x6: {  	s3 =	smul.u32 $0x280, s5;
	[smem:$0x7FF] =	sst s4;
	s31 =	sadd.s32 $0x18E00, s0  }
0x7: {  	s6 =	sadd.s32 $0x40800, s0;
	s8 =	sadd.s32 $0xE800, s0;
	s22 =	smul.u32 $0x50000, s5  }
0x8: {  	s10 =	sadd.s32 $0x18800, s0;
	s11 =	sadd.s32 $0x40000, s0;
	s13 =	smul.u32 $0x5000, s5  }
0x9: {  	s18 =	smul.u32 $0xA00, s5;
	_ =	strace $0x8000004D;
	[dreg:$0x5] =	wrdreg s10  }
0xa: {  	s9 =	sadd.s32 $0x4800, s0;
	s7 =	smul.u32 $0x2800, s1;
	[dreg:$0x6] =	wrdreg s11  }
0xb: {  	s12 =	ssub.s32 $0x2, s1;
	p0 =	sne.s32 s1, $0x0;
	s1 =	simm.s32 $0x80  }
0xc: {  	s11 =	simm.s32 $0x6;
	[dreg:$0x4] =	wrdreg s31;
	s23 =	sshrl.u32 s3, $0x3  }
0xd: {  	s10 =	sshrl.u32 s22, $0x2;
	s24 =	sshrl.u32 s12, $0x1;
	s26 =	sshrl.u32 s13, $0x3  }
0xe: {  	s19 =	sadd.s32 s18, s9;
	s13 =	simm.s32 $0x200;
	s7 =	sadd.s32 s3, s7  }
0xf: {  	s15 =	sadd.s32 s10, s2;
	s10 =	ssub.s32 s12, s24;
	s3 =	sadd.s32 s3, s14  }
0x10: {  	s14 =	sadd.s32 s8, s26;
	s16 =	sadd.s32 s9, s26;
	[dreg:$0xa] =	wrdreg s3  }
0x11: {  	s17 =	sor.u32 $0x10, s26;
	s7 =	sshll.u32 s7, $0x4;
	[dreg:$0xb] =	wrdreg s14  }
0x12: {  	s25 =	sadd.s32 $0x4000, s15;
	s12 =	sadd.s32 $0x8000, s15;
	[dreg:$0xc] =	wrdreg s16  }
0x13: {  	s20 =	sadd.s32 s8, s17;
	s3 =	sadd.s32 s9, s17;
	[dreg:$0x7] =	wrdreg s15  }
0x14: {  	s26 =	smax.u32 s10, $0x1;
	s5 =	sadd.s32 $0x10000, s15;
	[dreg:$0x8] =	wrdreg s25  }
0x15: {  	s9 =	simm.s32 $0x8500;
	s14 =	simm.s32 $0x1;
	[dreg:$0x9] =	wrdreg s12  }
0x16: {  	s17 =	simm.s32 $0x2;
	s10 =	simm.s32 $0xA;
	[dreg:$0xd] =	wrdreg s20  }
0x17: {  	s16 =	simm.s32 $0x0;
	s7 =	sadd.s32 s7, s0;
	[dreg:$0xe] =	wrdreg s3  }
0x18: {  	s0 =	sadd.s32 s23, s0;
	s20 =	sadd.s32 s18, s8;
	[dreg:$0x15] =	wrdreg s26  }
0x19: {  	s3 =	sadd.s32 $0xC000, s15;
	s8 =	simm.s32 $0x100;
	[dreg:$0x17] =	wrdreg s5  }
0x1a: {  	s15 =	simm.s32 $0x180;
	s21 =	sadd.s32 $0x68000, s7;
	[dreg:$0x16] =	wrdreg s3  }
0x1b: {  	s18 =	simm.s32 $0x4400;
	s22 =	sadd.s32 $0x68800, s7;
	[dreg:$0xf] =	wrdreg s21  }
0x1c: {  	s12 =	simm.s32 $0x3;
	s23 =	sadd.s32 $0x69000, s7;
	[dreg:$0x10] =	wrdreg s22  }
.Ltmp0:
0x1d: {  	s24 =	sadd.s32 $0x69800, s7;
	[dreg:$0x11] =	wrdreg s23;
	(pc) =	sbr.rel .LBB2_1-.Ltmp0, $4  }
0x1e: {  	s26 =	simm.s32 $0x7;
	s25 =	sadd.s32 $0x6A000, s7;
	[dreg:$0x12] =	wrdreg s24  }
0x1f: {  	s0 =	sadd.s32 $0x67A00, s0;
	s7 =	simm.s32 $0xF;
	[dreg:$0x13] =	wrdreg s25  }
0x20: {  	[dreg:$0x14] =	wrdreg s0;
	s21 =	simm.s32 $0x9;
	s22 =	simm.s32 $0x5  }
0x21: {  	v0 =	vimm.f32 $0.0e+00;
	s24 =	simm.s32 $0xB;
	s23 =	simm.s32 $0x4;
	s25 =	simm.s32 $0x8  }
.LBB2_7:
0x22: {  	s0 =	simm.s32 @!p2 $0xB;
	[sflag:s25] =	ssyncadd.s32 $0xFFFFFF80  }
0x23: {  	[spmem:s2] =	stream.indirect.scatter.add.f32 [tilespmem:s18], [sflag:$0xC], $0x80, s8, s1, $0xb8;
	[tilespmem:$0x1EF00] =	vst v63  }
0x24: {  	_ =	swait.ge @!p2 [sflag:s0], $0x4000  }
0x25: {  	s3 =	sadd.s32 s9, s20;
	[sflag:s0] =	ssyncset.done @!p2 $0x0  }
0x26: {  	s5 =	sadd.s32 s9, s19;
	s30 =	sadd.s32 $0x20, s3;
	[sflag:s0] =	ssyncadd.s32 @!p2 $0xFFFFC000  }
0x27: {  	[tilespmem:s15], [sflag:$0x3] =	stream.linear.gather [hbm4b:s30+s4], $0x80, $0x38;
	[tilespmem:$0x1EF00] =	vst v63  }
0x28: {  	s30 =	sadd.s32 $0x20, s5  }
0x29: {  	[tilespmem:s7], [sflag:$0x7] =	stream.linear.gather [hbm4b:s30+s4], $0x80, $0x38;
	[tilespmem:$0x1EF00] =	vst v63  }
0x2a: {  	_ =	swait.ge [sflag:s14], $0x80  }
0x2b: {  	[sflag:s14] =	ssyncset.done $0x0  }
0x2c: {  	s0 =	simm.s32 @!p2 $0xC;
	[sflag:s14] =	ssyncadd.s32 $0xFFFFFF80  }
0x2d: {  	[tilespmem:s29], [sflag:$0x9] =	stream.indirect.gather [hbm4b:s6+s1], $0x80, s4, s1, $0xb8;
	[tilespmem:$0x1EF00] =	vst v63  }
0x2e: {  	_ =	swait.ge @!p2 [sflag:s0], $0x4000  }
0x2f: {  	[sflag:s0] =	ssyncset.done @!p2 $0x0  }
0x30: {  	s3 =	sadd.s32 $0x30, s3;
	[sflag:s0] =	ssyncadd.s32 @!p2 $0xFFFFC000  }
0x31: {  	[tilespmem:s16], [sflag:$0x4] =	stream.linear.gather [hbm4b:s3+s4], $0x80, $0x38;
	[tilespmem:$0x1EF00] =	vst v63  }
0x32: {  	s7 =	sadd.s32 $0x30, s5  }
0x33: {  	[tilespmem:s8], [sflag:$0x8] =	stream.linear.gather [hbm4b:s7+s4], $0x80, $0x38;
	[tilespmem:$0x1EF00] =	vst v63  }
0x34: {  	_ =	swait.ge [sflag:s17], $0x80  }
0x35: {  	[sflag:s17] =	ssyncset.done $0x0  }
0x36: {  	[sflag:s17] =	ssyncadd.s32 $0xFFFFFF80  }
0x37: {  	[tilespmem:s18], [sflag:$0xA] =	stream.indirect.gather [hbm4b:s6+s1], $0x80, s1, s1, $0xb8;
	[tilespmem:$0x1EF00] =	vst v63  }
0x38: {  	_ =	swait.ge [sflag:s21], $0x4000  }
0x39: {  	[sflag:s21] =	ssyncset.done $0x0  }
0x3a: {  	[sflag:s21] =	ssyncadd.s32 $0xFFFFC000  }
0x3b: {  	_ =	swait.ge [sflag:s22], $0x80  }
0x3c: {  	[sflag:s22] =	ssyncset.done $0x0  }
0x3d: {  	[sflag:s22] =	ssyncadd.s32 $0xFFFFFF80  }
0x3e: {  	[spmem:s2] =	stream.indirect.scatter.add.f32 [tilespmem:s29], [sflag:$0xB], $0x80, s13, s1, $0xb8;
	[tilespmem:$0x1EF00] =	vst v63  }
0x3f: {  	p1 =	seq.s32 s9, $0x9C0;
	_ =	swait.ge [sflag:s24], $0x4000  }
0x40: {  	s0 =	sadd.s32 @!p1 s9, s20;
	s3 =	sadd.s32 @!p1 s9, s19;
	[sflag:s24] =	ssyncset.done $0x0  }
0x41: {  	s5 =	sadd.s32 @!p1 $0x40, s0;
	s7 =	simm.s32 @!p1 $0x0;
	[sflag:s24] =	ssyncadd.s32 $0xFFFFC000  }
0x42: {  	[tilespmem:s7], [sflag:$0x1] =	stream.linear.gather @!p1 [hbm4b:s5+s7], $0x80, $0x38;
	[tilespmem:$0x1EF00] =	vst v63  }
0x43: {  	s9 =	simm.s32 @!p1 $0x200;
	s5 =	sadd.s32 @!p1 $0x40, s3  }
0x44: {  	[tilespmem:s9], [sflag:$0x5] =	stream.linear.gather @!p1 [hbm4b:s5+s7], $0x80, $0x38;
	[tilespmem:$0x1EF00] =	vst v63  }
0x45: {  	_ =	swait.ge [sflag:s12], $0x80  }
0x46: {  	[sflag:s12] =	ssyncset.done $0x0  }
0x47: {  	[sflag:s12] =	ssyncadd.s32 $0xFFFFFF80  }
0x48: {  	[tilespmem:s29], [sflag:$0x9] =	stream.indirect.gather [hbm4b:s6+s1], $0x80, s15, s1, $0xb8;
	[tilespmem:$0x1EF00] =	vst v63  }
0x49: {  	_ =	swait.ge [sflag:s10], $0x4000  }
0x4a: {  	[sflag:s10] =	ssyncset.done $0x0  }
0x4b: {  	[sflag:s10] =	ssyncadd.s32 $0xFFFFC000  }
0x4c: {  	_ =	swait.ge [sflag:s11], $0x80  }
0x4d: {  	[sflag:s11] =	ssyncset.done $0x0  }
0x4e: {  	s15 =	simm.s32 $0x280;
	[sflag:s11] =	ssyncadd.s32 $0xFFFFFF80  }
0x4f: {  	[spmem:s2] =	stream.indirect.scatter.add.f32 [tilespmem:s18], [sflag:$0xC], $0x80, s15, s1, $0xb8;
	[tilespmem:$0x1EF00] =	vst v63  }
0x50: {  	_ =	swait.ge [sflag:s28], $0x4000  }
0x51: {  	[sflag:s28] =	ssyncset.done $0x0  }
0x52: {  	s0 =	sadd.s32 @!p1 $0x50, s0;
	s5 =	simm.s32 @!p1 $0x80;
	[sflag:s28] =	ssyncadd.s32 $0xFFFFC000  }
0x53: {  	[tilespmem:s5], [sflag:$0x2] =	stream.linear.gather @!p1 [hbm4b:s0+s7], $0x80, $0x38;
	[tilespmem:$0x1EF00] =	vst v63  }
0x54: {  	s0 =	sadd.s32 @!p1 $0x50, s3;
	s3 =	simm.s32 @!p1 $0x280  }
0x55: {  	[tilespmem:s3], [sflag:$0x6] =	stream.linear.gather @!p1 [hbm4b:s0+s7], $0x80, $0x38;
	[tilespmem:$0x1EF00] =	vst v63  }
0x56: {  	_ =	swait.ge [sflag:s23], $0x80  }
0x57: {  	[sflag:s23] =	ssyncset.done $0x0  }
0x58: {  	[sflag:s23] =	ssyncadd.s32 $0xFFFFFF80  }
0x59: {  	[tilespmem:s18], [sflag:$0xA] =	stream.indirect.gather [hbm4b:s6+s1], $0x80, s16, s1, $0xb8;
	[tilespmem:$0x1EF00] =	vst v63  }
0x5a: {  	_ =	swait.ge [sflag:s21], $0x4000  }
0x5b: {  	[sflag:s21] =	ssyncset.done $0x0  }
0x5c: {  	[sflag:s21] =	ssyncadd.s32 $0xFFFFC000  }
0x5d: {  	_ =	swait.ge [sflag:s26], $0x80  }
0x5e: {  	[sflag:s26] =	ssyncset.done $0x0  }
0x5f: {  	s30 =	simm.s32 $0x300;
	[sflag:s26] =	ssyncadd.s32 $0xFFFFFF80  }
0x60: {  	[spmem:s2] =	stream.indirect.scatter.add.f32 [tilespmem:s29], [sflag:$0xB], $0x80, s30, s1, $0xb8;
	[tilespmem:$0x1EF00] =	vst v63  }
0x61: {  	_ =	swait.ge [sflag:s10], $0x4000  }
0x62: {  	[sflag:s10] =	ssyncset.done $0x0  }
0x63: {  	[sflag:s10] =	ssyncadd.s32 $0xFFFFC000  }
0x64: {  	_ =	swait.ge [sflag:s25], $0x80  }
0x65: {  	[sflag:s25] =	ssyncset.done $0x0  }
0x66: {  	[sflag:s25] =	ssyncadd.s32 $0xFFFFFF80  }
0x67: {  	[spmem:s2] =	stream.indirect.scatter.add.f32 [tilespmem:s18], [sflag:$0xC], $0x80, s8, s1, $0xb8;
	[tilespmem:$0x1EF00] =	vst v63  }
0x68: {  	_ =	swait.ge [sflag:s24], $0x4000  }
0x69: {  	[sflag:s24] =	ssyncset.done $0x0  }
0x6a: {  	[sflag:s24] =	ssyncadd.s32 $0xFFFFC000  }
0x6b: {  	_ =	swait.ge [sflag:s28], $0x4000  }
0x6c: {  	s15 =	simm.s32 $0x180;
	[sflag:s28] =	ssyncset.done $0x0;
	s31 =	rddreg [dreg:$0x4]  }
0x6d: {  	s8 =	simm.s32 $0x100;
	s16 =	rddreg [dreg:$0x18];
	[sflag:s28] =	ssyncadd.s32 $0xFFFFC000  }
.LBB2_8:
0x6e: {  	[bflag:$0x0] =	sbarrier.arrive $0xFFFF  }
0x6f: {  	s3 =	simm.s32 $0xF;
	s0 =	rddreg [dreg:$0x7]  }
0x70: {  	[tilespmem:s29], [sflag:$0xF] =	stream.linear.gather [spmem:s0], $0x4000, $0x38;
	[tilespmem:$0x1EF00] =	vst v63  }
0x71: {  	_ =	swait.ge [sflag:s3], $0x4000  }
0x72: {  	[sflag:s3] =	ssyncset.done $0x0  }
0x73: {  	s7 =	rddreg [dreg:$0xf];
	[sflag:s3] =	ssyncadd.s32 $0xFFFFC000  }
0x74: {  	[hbm4b:s7+s4] =	stream.linear.scatter [tilespmem:s29], [sflag:$0xF], $0x4000, $0x38;
	[tilespmem:$0x1EF00] =	vst v63  }
0x75: {  	_ =	swait.ge [sflag:s3], $0x4000  }
0x76: {  	[sflag:s3] =	ssyncset.done $0x0  }
0x77: {  	s9 =	rddreg [dreg:$0x8];
	[sflag:s3] =	ssyncadd.s32 $0xFFFFC000  }
0x78: {  	[tilespmem:s29], [sflag:$0xF] =	stream.linear.gather [spmem:s9], $0x4000, $0x38;
	[tilespmem:$0x1EF00] =	vst v63  }
0x79: {  	_ =	swait.ge [sflag:s3], $0x4000  }
0x7a: {  	[sflag:s3] =	ssyncset.done $0x0  }
0x7b: {  	s5 =	rddreg [dreg:$0x10];
	[sflag:s3] =	ssyncadd.s32 $0xFFFFC000  }
0x7c: {  	[hbm4b:s5+s4] =	stream.linear.scatter [tilespmem:s29], [sflag:$0xF], $0x4000, $0x38;
	[tilespmem:$0x1EF00] =	vst v63  }
0x7d: {  	_ =	swait.ge [sflag:s3], $0x4000  }
0x7e: {  	[sflag:s3] =	ssyncset.done $0x0  }
0x7f: {  	s7 =	rddreg [dreg:$0x9];
	[sflag:s3] =	ssyncadd.s32 $0xFFFFC000  }
0x80: {  	[tilespmem:s29], [sflag:$0xF] =	stream.linear.gather [spmem:s7], $0x4000, $0x38;
	[tilespmem:$0x1EF00] =	vst v63  }
0x81: {  	_ =	swait.ge [sflag:s3], $0x4000  }
0x82: {  	[sflag:s3] =	ssyncset.done $0x0  }
0x83: {  	s9 =	rddreg [dreg:$0x11];
	[sflag:s3] =	ssyncadd.s32 $0xFFFFC000  }
0x84: {  	[hbm4b:s9+s4] =	stream.linear.scatter [tilespmem:s29], [sflag:$0xF], $0x4000, $0x38;
	[tilespmem:$0x1EF00] =	vst v63  }
0x85: {  	_ =	swait.ge [sflag:s3], $0x4000  }
0x86: {  	[sflag:s3] =	ssyncset.done $0x0  }
0x87: {  	s30 =	rddreg [dreg:$0x16];
	[sflag:s3] =	ssyncadd.s32 $0xFFFFC000  }
0x88: {  	[tilespmem:s29], [sflag:$0xF] =	stream.linear.gather [spmem:s30], $0x4000, $0x38;
	[tilespmem:$0x1EF00] =	vst v63  }
0x89: {  	_ =	swait.ge [sflag:s3], $0x4000  }
0x8a: {  	[sflag:s3] =	ssyncset.done $0x0  }
0x8b: {  	s5 =	rddreg [dreg:$0x12];
	[sflag:s3] =	ssyncadd.s32 $0xFFFFC000  }
0x8c: {  	[hbm4b:s5+s4] =	stream.linear.scatter [tilespmem:s29], [sflag:$0xF], $0x4000, $0x38;
	[tilespmem:$0x1EF00] =	vst v63  }
0x8d: {  	_ =	swait.ge [sflag:s3], $0x4000  }
0x8e: {  	[sflag:s3] =	ssyncset.done $0x0  }
0x8f: {  	s9 =	rddreg [dreg:$0x17];
	[sflag:s3] =	ssyncadd.s32 $0xFFFFC000  }
0x90: {  	[tilespmem:s29], [sflag:$0xF] =	stream.linear.gather [spmem:s9], $0x4000, $0x38;
	[tilespmem:$0x1EF00] =	vst v63  }
0x91: {  	_ =	swait.ge [sflag:s3], $0x4000  }
0x92: {  	[sflag:s3] =	ssyncset.done $0x0  }
0x93: {  	s7 =	rddreg [dreg:$0x13];
	[sflag:s3] =	ssyncadd.s32 $0xFFFFC000  }
0x94: {  	[hbm4b:s7+s4] =	stream.linear.scatter [tilespmem:s29], [sflag:$0xF], $0x4000, $0x38;
	[tilespmem:$0x1EF00] =	vst v63  }
0x95: {  	_ =	swait.ge [sflag:s3], $0x4000  }
0x96: {  	[sflag:s3] =	ssyncset.done $0x0  }
0x97: {  	s0 =	simm.s32 @!p0 $0x8500;
	[sflag:s3] =	ssyncadd.s32 $0xFFFFC000;
	s3 =	rddreg [dreg:$0xa]  }
0x98: {  	[tilespmem:s0], [sflag:$0xF] =	stream.linear.gather @!p0 [spmem:s3], $0x280, $0x38;
	[tilespmem:$0x1EF00] =	vst v63  }
0x99: {  	s3 =	simm.s32 @!p0 $0xF  }
0x9a: {  	_ =	swait.ge @!p0 [sflag:s3], $0x280  }
0x9b: {  	[sflag:s3] =	ssyncset.done @!p0 $0x0  }
0x9c: {  	s5 =	simm.s32 @!p0 $0x0;
	s7 =	rddreg [dreg:$0x14];
	[sflag:s3] =	ssyncadd.s32 @!p0 $0xFFFFFD80  }
0x9d: {  	[hbm4b:s7+s5] =	stream.linear.scatter @!p0 [tilespmem:s0], [sflag:$0xF], $0x280, $0x38;
	[tilespmem:$0x1EF00] =	vst v63  }
0x9e: {  	_ =	swait.ge @!p0 [sflag:s3], $0x280  }
0x9f: {  	s16 =	sadd.s32 $0x1, s16;
	s5 =	smov.u32 s9;
	s9 =	rddreg [dreg:$0x15]  }
0xa0: {  	p1 =	sne.s32 s16, s9  }
.Ltmp1:
0xa1: {  	_ = 	snop;
	(pc) =	sbr.rel @!p1 .LBB2_9-.Ltmp1, $4  }
0xa2: {  	_ = 	snop  }
0xa3: {  	[sflag:s3] =	ssyncset.done @!p0 $0x0  }
0xa4: {  	s7 =	simm.s32 $0xF;
	[sflag:s3] =	ssyncadd.s32 @!p0 $0xFFFFFD80  }
0xa5: {  	s3 =	smov.u32 s30;
	s9 =	simm.s32 $0x8500;
	s30 =	simm.s32 $0x280  }
.LBB2_1:
0xa6: {  	[dreg:$0x18] =	wrdreg s16  }
0xa7: {  	s0 =	rddreg [dreg:$0x6]  }
0xa8: {  	[tilespmem:s29], [sflag:$0xF] =	stream.linear.gather [hbm4b:s0+s4], $0x4000, $0x38;
	[tilespmem:$0x1EF00] =	vst v63  }
0xa9: {  	_ =	swait.ge [sflag:s7], $0x4000  }
0xaa: {  	[sflag:s7] =	ssyncset.done $0x0  }
0xab: {  	s16 =	rddreg [dreg:$0x7];
	[sflag:s7] =	ssyncadd.s32 $0xFFFFC000  }
0xac: {  	[spmem:s16] =	stream.linear.scatter [tilespmem:s29], [sflag:$0xF], $0x4000, $0x38;
	[tilespmem:$0x1EF00] =	vst v63  }
0xad: {  	_ =	swait.ge [sflag:s7], $0x4000  }
0xae: {  	[sflag:s7] =	ssyncset.done $0x0  }
0xaf: {  	s16 =	rddreg [dreg:$0x8];
	[sflag:s7] =	ssyncadd.s32 $0xFFFFC000  }
0xb0: {  	[spmem:s16] =	stream.linear.scatter [tilespmem:s29], [sflag:$0xF], $0x4000, $0x38;
	[tilespmem:$0x1EF00] =	vst v63  }
0xb1: {  	_ =	swait.ge [sflag:s7], $0x4000  }
0xb2: {  	[sflag:s7] =	ssyncset.done $0x0  }
0xb3: {  	s16 =	rddreg [dreg:$0x9];
	[sflag:s7] =	ssyncadd.s32 $0xFFFFC000  }
0xb4: {  	[spmem:s16] =	stream.linear.scatter [tilespmem:s29], [sflag:$0xF], $0x4000, $0x38;
	[tilespmem:$0x1EF00] =	vst v63  }
0xb5: {  	_ =	swait.ge [sflag:s7], $0x4000  }
0xb6: {  	[sflag:s7] =	ssyncset.done $0x0  }
0xb7: {  	[sflag:s7] =	ssyncadd.s32 $0xFFFFC000  }
0xb8: {  	[spmem:s3] =	stream.linear.scatter [tilespmem:s29], [sflag:$0xF], $0x4000, $0x38;
	[tilespmem:$0x1EF00] =	vst v63  }
0xb9: {  	_ =	swait.ge [sflag:s7], $0x4000  }
0xba: {  	[sflag:s7] =	ssyncset.done $0x0  }
.Ltmp2:
0xbb: {  	[sflag:s7] =	ssyncadd.s32 $0xFFFFC000;
	(pc) =	sbr.rel @p0 .LBB2_5-.Ltmp2, $4  }
0xbc: {  	[spmem:s5] =	stream.linear.scatter [tilespmem:s29], [sflag:$0xF], $0x4000, $0x38;
	[tilespmem:$0x1EF00] =	vst v63  }
0xbd: {  	_ =	swait.ge [sflag:s7], $0x4000  }
0xbe: {  	[sflag:s7] =	ssyncset.done $0x0  }
0xbf: {  	[sflag:s7] =	ssyncadd.s32 $0xFFFFC000  }
0xc0: {  	[tilespmem:$0x8500] =	vst v0  }
0xc1: {  	[tilespmem:$0x8510] =	vst v0  }
0xc2: {  	[tilespmem:$0x8520] =	vst v0  }
0xc3: {  	[tilespmem:$0x8530] =	vst v0  }
0xc4: {  	[tilespmem:$0x8540] =	vst v0  }
0xc5: {  	[tilespmem:$0x8550] =	vst v0  }
0xc6: {  	[tilespmem:$0x8560] =	vst v0  }
0xc7: {  	[tilespmem:$0x8570] =	vst v0  }
0xc8: {  	[tilespmem:$0x8580] =	vst v0  }
0xc9: {  	[tilespmem:$0x8590] =	vst v0  }
0xca: {  	[tilespmem:$0x85A0] =	vst v0  }
0xcb: {  	[tilespmem:$0x85B0] =	vst v0  }
0xcc: {  	[tilespmem:$0x85C0] =	vst v0  }
0xcd: {  	[tilespmem:$0x85D0] =	vst v0  }
0xce: {  	[tilespmem:$0x85E0] =	vst v0  }
0xcf: {  	[tilespmem:$0x85F0] =	vst v0  }
0xd0: {  	[tilespmem:$0x8600] =	vst v0  }
0xd1: {  	[tilespmem:$0x8610] =	vst v0  }
0xd2: {  	[tilespmem:$0x8620] =	vst v0  }
0xd3: {  	[tilespmem:$0x8630] =	vst v0  }
0xd4: {  	[tilespmem:$0x8640] =	vst v0  }
0xd5: {  	[tilespmem:$0x8650] =	vst v0  }
0xd6: {  	[tilespmem:$0x8660] =	vst v0  }
0xd7: {  	[tilespmem:$0x8670] =	vst v0  }
0xd8: {  	[tilespmem:$0x8680] =	vst v0  }
0xd9: {  	[tilespmem:$0x8690] =	vst v0  }
0xda: {  	[tilespmem:$0x86A0] =	vst v0  }
0xdb: {  	[tilespmem:$0x86B0] =	vst v0  }
0xdc: {  	[tilespmem:$0x86C0] =	vst v0  }
0xdd: {  	[tilespmem:$0x86D0] =	vst v0  }
0xde: {  	[tilespmem:$0x86E0] =	vst v0  }
0xdf: {  	[tilespmem:$0x86F0] =	vst v0  }
0xe0: {  	[tilespmem:$0x8700] =	vst v0  }
0xe1: {  	[tilespmem:$0x8710] =	vst v0  }
0xe2: {  	[tilespmem:$0x8720] =	vst v0  }
0xe3: {  	[tilespmem:$0x8730] =	vst v0  }
0xe4: {  	[tilespmem:$0x8740] =	vst v0  }
0xe5: {  	[tilespmem:$0x8750] =	vst v0  }
0xe6: {  	[tilespmem:$0x8760] =	vst v0  }
0xe7: {  	[tilespmem:$0x8770] =	vst v0;
	s0 =	rddreg [dreg:$0xa]  }
0xe8: {  	[spmem:s0] =	stream.linear.scatter [tilespmem:s9], [sflag:$0xF], $0x280, $0x38;
	[tilespmem:$0x1EF00] =	vst v63  }
0xe9: {  	_ =	swait.ge [sflag:s7], $0x280  }
0xea: {  	s13 =	simm.s32 $0x8500;
	[sflag:s7] =	ssyncset.done $0x0  }
0xeb: {  	s9 =	simm.s32 $0x0;
	s5 =	rddreg [dreg:$0x5];
	[sflag:s7] =	ssyncadd.s32 $0xFFFFFD80  }
0xec: {  	[tilespmem:s13], [sflag:$0xF] =	stream.linear.gather [hbm4b:s5+s9], $0x2740, $0x38;
	[tilespmem:$0x1EF00] =	vst v63  }
0xed: {  	_ =	swait.ge [sflag:s7], $0x2740  }
0xee: {  	[sflag:s7] =	ssyncset.done $0x0  }
0xef: {  	[sflag:s7] =	ssyncadd.s32 $0xFFFFD8C0  }
0xf0: {  	[bflag:$0x0] =	sbarrier.arrive $0xFFFF  }
0xf1: {  	s16 =	rddreg [dreg:$0xb]  }
0xf2: {  	[tilespmem:s9], [sflag:$0x1] =	stream.linear.gather [hbm4b:s16+s9], $0x80, $0x38;
	[tilespmem:$0x1EF00] =	vst v63  }
0xf3: {  	s3 =	simm.s32 $0x200;
	s5 =	rddreg [dreg:$0xc]  }
0xf4: {  	[tilespmem:s3], [sflag:$0x5] =	stream.linear.gather [hbm4b:s5+s9], $0x80, $0x38;
	[tilespmem:$0x1EF00] =	vst v63  }
0xf5: {  	s7 =	rddreg [dreg:$0xd]  }
0xf6: {  	[tilespmem:s1], [sflag:$0x2] =	stream.linear.gather [hbm4b:s7+s9], $0x80, $0x38;
	[tilespmem:$0x1EF00] =	vst v63  }
0xf7: {  	s16 =	rddreg [dreg:$0xe]  }
0xf8: {  	[tilespmem:s30], [sflag:$0x6] =	stream.linear.gather [hbm4b:s16+s9], $0x80, $0x38;
	[tilespmem:$0x1EF00] =	vst v63  }
0xf9: {  	s0 =	simm.s32 $0x380;
	s16 =	rddreg [dreg:$0x2]  }
.LBB2_3:
0xfa: {  	p1 =	seq.s32 s9, $0x0  }
0xfb: {  	s3 =	simm.s32 @!p1 $0xB  }
0xfc: {  	_ =	swait.ge @!p1 [sflag:s3], $0x4000  }
0xfd: {  	[sflag:s3] =	ssyncset.done @!p1 $0x0  }
0xfe: {  	[sflag:s3] =	ssyncadd.s32 @!p1 $0xFFFFC000;
	s3 =	simm.s32 @!p1 $0xD  }
0xff: {  	_ =	swait.ge @!p1 [sflag:s3], $0x80  }
0x100: {  	s30 =	sadd.s32 s9, s20;
	[sflag:s3] =	ssyncset.done @!p1 $0x0  }
0x101: {  	s7 =	sadd.s32 $0x20, s30;
	[sflag:s3] =	ssyncadd.s32 @!p1 $0xFFFFFF80  }
0x102: {  	[tilespmem:s8], [sflag:$0x3] =	stream.linear.gather [hbm4b:s7+s4], $0x80, $0x38;
	[tilespmem:$0x1EF00] =	vst v63  }
0x103: {  	s8 =	sadd.s32 s9, s19  }
0x104: {  	s7 =	simm.s32 $0x300;
	s5 =	sadd.s32 $0x20, s8  }
0x105: {  	[tilespmem:s7], [sflag:$0x7] =	stream.linear.gather [hbm4b:s5+s4], $0x80, $0x38;
	[tilespmem:$0x1EF00] =	vst v63  }
0x106: {  	_ =	swait.ge [sflag:s14], $0x80  }
0x107: {  	[sflag:s14] =	ssyncset.done $0x0  }
0x108: {  	s5 =	simm.s32 @!p1 $0xC;
	[sflag:s14] =	ssyncadd.s32 $0xFFFFFF80  }
0x109: {  	[tilespmem:s29], [sflag:$0x9] =	stream.indirect.gather [hbm4b:s31+s1], $0x80, s4, s1, $0xb8;
	[tilespmem:$0x1EF00] =	vst v63  }
0x10a: {  	_ =	swait.ge @!p1 [sflag:s5], $0x4000  }
0x10b: {  	[sflag:s5] =	ssyncset.done @!p1 $0x0  }
0x10c: {  	[sflag:s5] =	ssyncadd.s32 @!p1 $0xFFFFC000;
	s5 =	simm.s32 @!p1 $0xE  }
0x10d: {  	_ =	swait.ge @!p1 [sflag:s5], $0x80  }
0x10e: {  	[sflag:s5] =	ssyncset.done @!p1 $0x0  }
0x10f: {  	s30 =	sadd.s32 $0x30, s30;
	[sflag:s5] =	ssyncadd.s32 @!p1 $0xFFFFFF80  }
0x110: {  	[tilespmem:s15], [sflag:$0x4] =	stream.linear.gather [hbm4b:s30+s4], $0x80, $0x38;
	[tilespmem:$0x1EF00] =	vst v63  }
0x111: {  	s3 =	sadd.s32 $0x30, s8  }
0x112: {  	[tilespmem:s0], [sflag:$0x8] =	stream.linear.gather [hbm4b:s3+s4], $0x80, $0x38;
	[tilespmem:$0x1EF00] =	vst v63  }
0x113: {  	_ =	swait.ge [sflag:s17], $0x80  }
0x114: {  	[sflag:s17] =	ssyncset.done $0x0  }
0x115: {  	[sflag:s17] =	ssyncadd.s32 $0xFFFFFF80  }
0x116: {  	[tilespmem:s18], [sflag:$0xA] =	stream.indirect.gather [hbm4b:s31+s1], $0x80, s1, s1, $0xb8;
	[tilespmem:$0x1EF00] =	vst v63  }
0x117: {  	_ =	swait.ge [sflag:s21], $0x4000  }
0x118: {  	[sflag:s21] =	ssyncset.done $0x0  }
0x119: {  	[sflag:s21] =	ssyncadd.s32 $0xFFFFC000  }
0x11a: {  	_ =	swait.ge [sflag:s22], $0x80  }
0x11b: {  	[sflag:s22] =	ssyncset.done $0x0  }
0x11c: {  	[sflag:s22] =	ssyncadd.s32 $0xFFFFFF80  }
0x11d: {  	v1 =	vld [tilespmem:$0x200];
	_ =	sdelay $0x5  }
0x11e: {  	v2 =	vld [tilespmem:$0x210];
	_ =	sdelay $0x1  }
0x11f: {  	v1 =	vld.idx.msk [tilespmem:v1+s13+$0x0], $0xffff;
	_ =	sdelay $0x3  }
0x120: {  	v3 =	vld [tilespmem:$0x220]  }
0x121: {  	[tilespmem:$0x8400] =	vst v1  }
0x122: {  	v1 =	vld.idx.msk [tilespmem:v2+s13+$0x0], $0xffff;
	_ =	sdelay $0x3  }
0x123: {  	v2 =	vld [tilespmem:$0x230]  }
0x124: {  	[tilespmem:$0x8410] =	vst v1  }
0x125: {  	v1 =	vld.idx.msk [tilespmem:v3+s13+$0x0], $0xffff;
	_ =	sdelay $0x3  }
0x126: {  	v3 =	vld [tilespmem:$0x240]  }
0x127: {  	[tilespmem:$0x8420] =	vst v1  }
0x128: {  	v1 =	vld.idx.msk [tilespmem:v2+s13+$0x0], $0xffff;
	_ =	sdelay $0x3  }
0x129: {  	v2 =	vld [tilespmem:$0x250]  }
0x12a: {  	[tilespmem:$0x8430] =	vst v1  }
0x12b: {  	v1 =	vld.idx.msk [tilespmem:v3+s13+$0x0], $0xffff;
	_ =	sdelay $0x3  }
0x12c: {  	v3 =	vld [tilespmem:$0x260]  }
0x12d: {  	[tilespmem:$0x8440] =	vst v1  }
0x12e: {  	v1 =	vld.idx.msk [tilespmem:v2+s13+$0x0], $0xffff;
	_ =	sdelay $0x3  }
0x12f: {  	v2 =	vld [tilespmem:$0x270]  }
0x130: {  	[tilespmem:$0x8450] =	vst v1  }
0x131: {  	v1 =	vld.idx.msk [tilespmem:v3+s13+$0x0], $0xffff;
	_ =	sdelay $0x4  }
0x132: {  	[tilespmem:$0x8460] =	vst v1  }
0x133: {  	v1 =	vld.idx.msk [tilespmem:v2+s13+$0x0], $0xffff;
	_ =	sdelay $0x4  }
0x134: {  	s15 =	simm.s32 $0x8400;
	[tilespmem:$0x8470] =	vst v1  }
0x135: {  	[spmem:s16] =	stream.indirect.scatter.add.f32 [tilespmem:s15], [sflag:$0xD], $0x1, s4, s1, $0xb8;
	[tilespmem:$0x1EF00] =	vst v63  }
0x136: {  	s3 =	simm.s32 $0x200  }
0x137: {  	[spmem:s2] =	stream.indirect.scatter.add.f32 [tilespmem:s29], [sflag:$0xB], $0x80, s3, s1, $0xb8;
	[tilespmem:$0x1EF00] =	vst v63  }
0x138: {  	_ =	swait.ge [sflag:s24], $0x4000  }
0x139: {  	[sflag:s24] =	ssyncset.done $0x0  }
0x13a: {  	s5 =	simm.s32 $0xD;
	[sflag:s24] =	ssyncadd.s32 $0xFFFFC000  }
0x13b: {  	p1 =	seq.s32 s9, $0x9C0;
	_ =	swait.ge [sflag:s5], $0x80  }
0x13c: {  	s3 =	sadd.s32 @!p1 s9, s20;
	[sflag:s5] =	ssyncset.done $0x0  }
0x13d: {  	s30 =	simm.s32 @!p1 $0x0;
	[sflag:s5] =	ssyncadd.s32 $0xFFFFFF80;
	s5 =	sadd.s32 @!p1 $0x40, s3  }
0x13e: {  	[tilespmem:s30], [sflag:$0x1] =	stream.linear.gather @!p1 [hbm4b:s5+s30], $0x80, $0x38;
	[tilespmem:$0x1EF00] =	vst v63  }
0x13f: {  	s5 =	sadd.s32 @!p1 s9, s19  }
0x140: {  	s0 =	simm.s32 @!p1 $0x200;
	s31 =	sadd.s32 @!p1 $0x40, s5  }
0x141: {  	[tilespmem:s0], [sflag:$0x5] =	stream.linear.gather @!p1 [hbm4b:s31+s30], $0x80, $0x38;
	[tilespmem:$0x1EF00] =	vst v63  }
0x142: {  	s31 =	rddreg [dreg:$0x4];
	_ =	swait.ge [sflag:s12], $0x80  }
0x143: {  	[sflag:s12] =	ssyncset.done $0x0  }
0x144: {  	s7 =	simm.s32 $0x100;
	[sflag:s12] =	ssyncadd.s32 $0xFFFFFF80  }
0x145: {  	[tilespmem:s29], [sflag:$0x9] =	stream.indirect.gather [hbm4b:s31+s1], $0x80, s7, s1, $0xb8;
	[tilespmem:$0x1EF00] =	vst v63  }
0x146: {  	_ =	swait.ge [sflag:s10], $0x4000  }
0x147: {  	[sflag:s10] =	ssyncset.done $0x0  }
0x148: {  	[sflag:s10] =	ssyncadd.s32 $0xFFFFC000  }
0x149: {  	_ =	swait.ge [sflag:s11], $0x80  }
0x14a: {  	[sflag:s11] =	ssyncset.done $0x0  }
0x14b: {  	[sflag:s11] =	ssyncadd.s32 $0xFFFFFF80  }
0x14c: {  	v1 =	vld [tilespmem:$0x280];
	_ =	sdelay $0x5  }
0x14d: {  	v2 =	vld [tilespmem:$0x290];
	_ =	sdelay $0x1  }
0x14e: {  	v1 =	vld.idx.msk [tilespmem:v1+s13+$0x0], $0xffff;
	_ =	sdelay $0x3  }
0x14f: {  	v3 =	vld [tilespmem:$0x2A0]  }
0x150: {  	[tilespmem:$0x8480] =	vst v1  }
0x151: {  	v1 =	vld.idx.msk [tilespmem:v2+s13+$0x0], $0xffff;
	_ =	sdelay $0x3  }
0x152: {  	v2 =	vld [tilespmem:$0x2B0]  }
0x153: {  	[tilespmem:$0x8490] =	vst v1  }
0x154: {  	v1 =	vld.idx.msk [tilespmem:v3+s13+$0x0], $0xffff;
	_ =	sdelay $0x3  }
0x155: {  	v3 =	vld [tilespmem:$0x2C0]  }
0x156: {  	[tilespmem:$0x84A0] =	vst v1  }
0x157: {  	v1 =	vld.idx.msk [tilespmem:v2+s13+$0x0], $0xffff;
	_ =	sdelay $0x3  }
0x158: {  	v2 =	vld [tilespmem:$0x2D0]  }
0x159: {  	[tilespmem:$0x84B0] =	vst v1  }
0x15a: {  	v1 =	vld.idx.msk [tilespmem:v3+s13+$0x0], $0xffff;
	_ =	sdelay $0x3  }
0x15b: {  	v3 =	vld [tilespmem:$0x2E0]  }
0x15c: {  	[tilespmem:$0x84C0] =	vst v1  }
0x15d: {  	v1 =	vld.idx.msk [tilespmem:v2+s13+$0x0], $0xffff;
	_ =	sdelay $0x3  }
0x15e: {  	v2 =	vld [tilespmem:$0x2F0]  }
0x15f: {  	[tilespmem:$0x84D0] =	vst v1  }
0x160: {  	v1 =	vld.idx.msk [tilespmem:v3+s13+$0x0], $0xffff;
	_ =	sdelay $0x4  }
0x161: {  	[tilespmem:$0x84E0] =	vst v1  }
0x162: {  	v1 =	vld.idx.msk [tilespmem:v2+s13+$0x0], $0xffff;
	_ =	sdelay $0x4  }
0x163: {  	s7 =	simm.s32 $0x8480;
	[tilespmem:$0x84F0] =	vst v1  }
0x164: {  	[spmem:s16] =	stream.indirect.scatter.add.f32 [tilespmem:s7], [sflag:$0xE], $0x1, s1, s1, $0xb8;
	[tilespmem:$0x1EF00] =	vst v63  }
0x165: {  	s0 =	simm.s32 $0x280  }
0x166: {  	[spmem:s2] =	stream.indirect.scatter.add.f32 [tilespmem:s18], [sflag:$0xC], $0x80, s0, s1, $0xb8;
	[tilespmem:$0x1EF00] =	vst v63  }
0x167: {  	_ =	swait.ge [sflag:s28], $0x4000  }
0x168: {  	[sflag:s28] =	ssyncset.done $0x0  }
0x169: {  	s0 =	simm.s32 $0xE;
	[sflag:s28] =	ssyncadd.s32 $0xFFFFC000  }
0x16a: {  	_ =	swait.ge [sflag:s0], $0x80  }
0x16b: {  	[sflag:s0] =	ssyncset.done $0x0  }
0x16c: {  	[sflag:s0] =	ssyncadd.s32 $0xFFFFFF80;
	s0 =	sadd.s32 @!p1 $0x50, s3;
	s3 =	simm.s32 @!p1 $0x80  }
0x16d: {  	[tilespmem:s3], [sflag:$0x2] =	stream.linear.gather @!p1 [hbm4b:s0+s30], $0x80, $0x38;
	[tilespmem:$0x1EF00] =	vst v63  }
0x16e: {  	s0 =	sadd.s32 @!p1 $0x50, s5;
	s3 =	simm.s32 @!p1 $0x280  }
0x16f: {  	[tilespmem:s3], [sflag:$0x6] =	stream.linear.gather @!p1 [hbm4b:s0+s30], $0x80, $0x38;
	[tilespmem:$0x1EF00] =	vst v63  }
0x170: {  	_ =	swait.ge [sflag:s23], $0x80  }
0x171: {  	[sflag:s23] =	ssyncset.done $0x0  }
0x172: {  	s8 =	simm.s32 $0x180;
	[sflag:s23] =	ssyncadd.s32 $0xFFFFFF80  }
0x173: {  	[tilespmem:s18], [sflag:$0xA] =	stream.indirect.gather [hbm4b:s31+s1], $0x80, s8, s1, $0xb8;
	[tilespmem:$0x1EF00] =	vst v63  }
0x174: {  	_ =	swait.ge [sflag:s21], $0x4000  }
0x175: {  	[sflag:s21] =	ssyncset.done $0x0  }
0x176: {  	[sflag:s21] =	ssyncadd.s32 $0xFFFFC000  }
0x177: {  	_ =	swait.ge [sflag:s26], $0x80  }
0x178: {  	[sflag:s26] =	ssyncset.done $0x0  }
0x179: {  	[sflag:s26] =	ssyncadd.s32 $0xFFFFFF80  }
0x17a: {  	v1 =	vld [tilespmem:$0x300];
	_ =	sdelay $0x5  }
0x17b: {  	v2 =	vld [tilespmem:$0x310];
	_ =	sdelay $0x1  }
0x17c: {  	v1 =	vld.idx.msk [tilespmem:v1+s13+$0x0], $0xffff;
	_ =	sdelay $0x3  }
0x17d: {  	v3 =	vld [tilespmem:$0x320]  }
0x17e: {  	[tilespmem:$0x8400] =	vst v1  }
0x17f: {  	v1 =	vld.idx.msk [tilespmem:v2+s13+$0x0], $0xffff;
	_ =	sdelay $0x3  }
0x180: {  	v2 =	vld [tilespmem:$0x330]  }
0x181: {  	[tilespmem:$0x8410] =	vst v1  }
0x182: {  	v1 =	vld.idx.msk [tilespmem:v3+s13+$0x0], $0xffff;
	_ =	sdelay $0x3  }
0x183: {  	v3 =	vld [tilespmem:$0x340]  }
0x184: {  	[tilespmem:$0x8420] =	vst v1  }
0x185: {  	v1 =	vld.idx.msk [tilespmem:v2+s13+$0x0], $0xffff;
	_ =	sdelay $0x3  }
0x186: {  	v2 =	vld [tilespmem:$0x350]  }
0x187: {  	[tilespmem:$0x8430] =	vst v1  }
0x188: {  	v1 =	vld.idx.msk [tilespmem:v3+s13+$0x0], $0xffff;
	_ =	sdelay $0x3  }
0x189: {  	v3 =	vld [tilespmem:$0x360]  }
0x18a: {  	[tilespmem:$0x8440] =	vst v1  }
0x18b: {  	v1 =	vld.idx.msk [tilespmem:v2+s13+$0x0], $0xffff;
	_ =	sdelay $0x3  }
0x18c: {  	v2 =	vld [tilespmem:$0x370]  }
0x18d: {  	[tilespmem:$0x8450] =	vst v1  }
0x18e: {  	v1 =	vld.idx.msk [tilespmem:v3+s13+$0x0], $0xffff;
	_ =	sdelay $0x4  }
0x18f: {  	[tilespmem:$0x8460] =	vst v1  }
0x190: {  	v1 =	vld.idx.msk [tilespmem:v2+s13+$0x0], $0xffff;
	_ =	sdelay $0x4  }
0x191: {  	s8 =	simm.s32 $0x100;
	[tilespmem:$0x8470] =	vst v1  }
0x192: {  	[spmem:s16] =	stream.indirect.scatter.add.f32 [tilespmem:s15], [sflag:$0xD], $0x1, s8, s1, $0xb8;
	[tilespmem:$0x1EF00] =	vst v63  }
0x193: {  	s30 =	simm.s32 $0x300  }
0x194: {  	[spmem:s2] =	stream.indirect.scatter.add.f32 [tilespmem:s29], [sflag:$0xB], $0x80, s30, s1, $0xb8;
	[tilespmem:$0x1EF00] =	vst v63  }
0x195: {  	_ =	swait.ge [sflag:s10], $0x4000  }
0x196: {  	[sflag:s10] =	ssyncset.done $0x0  }
0x197: {  	[sflag:s10] =	ssyncadd.s32 $0xFFFFC000  }
0x198: {  	_ =	swait.ge [sflag:s25], $0x80  }
0x199: {  	[sflag:s25] =	ssyncset.done $0x0  }
0x19a: {  	[sflag:s25] =	ssyncadd.s32 $0xFFFFFF80  }
0x19b: {  	v1 =	vld [tilespmem:$0x380];
	_ =	sdelay $0x5  }
0x19c: {  	v2 =	vld [tilespmem:$0x390];
	_ =	sdelay $0x1  }
0x19d: {  	v1 =	vld.idx.msk [tilespmem:v1+s13+$0x0], $0xffff;
	_ =	sdelay $0x3  }
0x19e: {  	v3 =	vld [tilespmem:$0x3A0]  }
0x19f: {  	[tilespmem:$0x8480] =	vst v1  }
0x1a0: {  	v1 =	vld.idx.msk [tilespmem:v2+s13+$0x0], $0xffff;
	_ =	sdelay $0x3  }
0x1a1: {  	v2 =	vld [tilespmem:$0x3B0]  }
0x1a2: {  	[tilespmem:$0x8490] =	vst v1  }
0x1a3: {  	v1 =	vld.idx.msk [tilespmem:v3+s13+$0x0], $0xffff;
	_ =	sdelay $0x3  }
0x1a4: {  	v3 =	vld [tilespmem:$0x3C0]  }
0x1a5: {  	[tilespmem:$0x84A0] =	vst v1  }
0x1a6: {  	v1 =	vld.idx.msk [tilespmem:v2+s13+$0x0], $0xffff;
	_ =	sdelay $0x3  }
0x1a7: {  	v2 =	vld [tilespmem:$0x3D0]  }
0x1a8: {  	[tilespmem:$0x84B0] =	vst v1  }
0x1a9: {  	v1 =	vld.idx.msk [tilespmem:v3+s13+$0x0], $0xffff;
	_ =	sdelay $0x3  }
0x1aa: {  	v3 =	vld [tilespmem:$0x3E0]  }
0x1ab: {  	[tilespmem:$0x84C0] =	vst v1  }
0x1ac: {  	v1 =	vld.idx.msk [tilespmem:v2+s13+$0x0], $0xffff;
	_ =	sdelay $0x3  }
0x1ad: {  	v2 =	vld [tilespmem:$0x3F0]  }
0x1ae: {  	[tilespmem:$0x84D0] =	vst v1  }
0x1af: {  	v1 =	vld.idx.msk [tilespmem:v3+s13+$0x0], $0xffff;
	_ =	sdelay $0x4  }
0x1b0: {  	[tilespmem:$0x84E0] =	vst v1  }
0x1b1: {  	v1 =	vld.idx.msk [tilespmem:v2+s13+$0x0], $0xffff;
	_ =	sdelay $0x1  }
0x1b2: {  	s9 =	sadd.s32 $0x40, s9  }
0x1b3: {  	p1 =	sne.s32 s9, $0xA00  }
.Ltmp3:
0x1b4: {  	_ = 	snop;
	(pc) =	sbr.rel @p1 .LBB2_3-.Ltmp3, $4  }
0x1b5: {  	s15 =	simm.s32 $0x180;
	[tilespmem:$0x84F0] =	vst v1  }
0x1b6: {  	[spmem:s16] =	stream.indirect.scatter.add.f32 [tilespmem:s7], [sflag:$0xE], $0x1, s15, s1, $0xb8;
	[tilespmem:$0x1EF00] =	vst v63  }
0x1b7: {  	s0 =	simm.s32 $0x380  }
0x1b8: {  	[spmem:s2] =	stream.indirect.scatter.add.f32 [tilespmem:s18], [sflag:$0xC], $0x80, s0, s1, $0xb8;
	[tilespmem:$0x1EF00] =	vst v63  }
0x1b9: {  	_ =	swait.ge [sflag:s24], $0x4000  }
0x1ba: {  	[sflag:s24] =	ssyncset.done $0x0  }
0x1bb: {  	[sflag:s24] =	ssyncadd.s32 $0xFFFFC000  }
0x1bc: {  	_ =	swait.ge [sflag:s28], $0x4000  }
0x1bd: {  	[sflag:s28] =	ssyncset.done $0x0  }
0x1be: {  	s0 =	simm.s32 $0xD;
	[sflag:s28] =	ssyncadd.s32 $0xFFFFC000  }
0x1bf: {  	_ =	swait.ge [sflag:s0], $0x80  }
.Ltmp4:
0x1c0: {  	[sflag:s0] =	ssyncset.done $0x0;
	(pc) =	sbr.rel .LBB2_8-.Ltmp4, $4  }
0x1c1: {  	s30 =	simm.s32 $0xE;
	[sflag:s0] =	ssyncadd.s32 $0xFFFFFF80  }
0x1c2: {  	_ =	swait.ge [sflag:s30], $0x80  }
0x1c3: {  	[sflag:s30] =	ssyncset.done $0x0  }
0x1c4: {  	s13 =	simm.s32 $0x200;
	s16 =	rddreg [dreg:$0x18];
	[sflag:s30] =	ssyncadd.s32 $0xFFFFFF80  }
.LBB2_5:
0x1c5: {  	s0 =	simm.s32 $0x0;
	s3 =	rddreg [dreg:$0x5]  }
0x1c6: {  	[tilespmem:s9], [sflag:$0xF] =	stream.linear.gather [hbm4b:s3+s0], $0x2740, $0x38;
	[tilespmem:$0x1EF00] =	vst v63  }
0x1c7: {  	_ =	swait.ge [sflag:s7], $0x2740  }
0x1c8: {  	[sflag:s7] =	ssyncset.done $0x0  }
0x1c9: {  	[sflag:s7] =	ssyncadd.s32 $0xFFFFD8C0  }
0x1ca: {  	[bflag:$0x0] =	sbarrier.arrive $0xFFFF  }
0x1cb: {  	s5 =	rddreg [dreg:$0xb]  }
0x1cc: {  	[tilespmem:s0], [sflag:$0x1] =	stream.linear.gather [hbm4b:s5+s0], $0x80, $0x38;
	[tilespmem:$0x1EF00] =	vst v63  }
0x1cd: {  	s7 =	rddreg [dreg:$0xc]  }
0x1ce: {  	[tilespmem:s13], [sflag:$0x5] =	stream.linear.gather [hbm4b:s7+s0], $0x80, $0x38;
	[tilespmem:$0x1EF00] =	vst v63  }
0x1cf: {  	s9 =	rddreg [dreg:$0xd]  }
0x1d0: {  	[tilespmem:s1], [sflag:$0x2] =	stream.linear.gather [hbm4b:s9+s0], $0x80, $0x38;
	[tilespmem:$0x1EF00] =	vst v63  }
0x1d1: {  	p1 =	por $0x1, $0x1;
	s16 =	rddreg [dreg:$0xe]  }
0x1d2: {  	[tilespmem:s30], [sflag:$0x6] =	stream.linear.gather [hbm4b:s16+s0], $0x80, $0x38;
	[tilespmem:$0x1EF00] =	vst v63  }
0x1d3: {  	s0 =	simm.s32 @!p1 $0xB  }
0x1d4: {  	_ =	swait.ge @!p1 [sflag:s0], $0x4000  }
0x1d5: {  	s31 =	sadd.s32 $0x0, s20;
	[sflag:s0] =	ssyncset.done @!p1 $0x0  }
0x1d6: {  	s5 =	sadd.s32 $0x0, s19;
	s7 =	sadd.s32 $0x20, s31;
	[sflag:s0] =	ssyncadd.s32 @!p1 $0xFFFFC000  }
0x1d7: {  	[tilespmem:s8], [sflag:$0x3] =	stream.linear.gather [hbm4b:s7+s4], $0x80, $0x38;
	[tilespmem:$0x1EF00] =	vst v63  }
0x1d8: {  	s9 =	sadd.s32 $0x20, s5;
	s7 =	simm.s32 $0x300  }
0x1d9: {  	[tilespmem:s7], [sflag:$0x7] =	stream.linear.gather [hbm4b:s9+s4], $0x80, $0x38;
	[tilespmem:$0x1EF00] =	vst v63  }
0x1da: {  	_ =	swait.ge [sflag:s14], $0x80  }
0x1db: {  	[sflag:s14] =	ssyncset.done $0x0  }
0x1dc: {  	s0 =	simm.s32 @!p1 $0xC;
	[sflag:s14] =	ssyncadd.s32 $0xFFFFFF80  }
0x1dd: {  	[tilespmem:s29], [sflag:$0x9] =	stream.indirect.gather [hbm4b:s6+s1], $0x80, s4, s1, $0xb8;
	[tilespmem:$0x1EF00] =	vst v63  }
0x1de: {  	_ =	swait.ge @!p1 [sflag:s0], $0x4000  }
0x1df: {  	[sflag:s0] =	ssyncset.done @!p1 $0x0  }
0x1e0: {  	s16 =	sadd.s32 $0x30, s31;
	[sflag:s0] =	ssyncadd.s32 @!p1 $0xFFFFC000  }
0x1e1: {  	[tilespmem:s15], [sflag:$0x4] =	stream.linear.gather [hbm4b:s16+s4], $0x80, $0x38;
	[tilespmem:$0x1EF00] =	vst v63  }
0x1e2: {  	s31 =	sadd.s32 $0x30, s5;
	s8 =	simm.s32 $0x380  }
0x1e3: {  	[tilespmem:s8], [sflag:$0x8] =	stream.linear.gather [hbm4b:s31+s4], $0x80, $0x38;
	[tilespmem:$0x1EF00] =	vst v63  }
0x1e4: {  	_ =	swait.ge [sflag:s17], $0x80  }
0x1e5: {  	[sflag:s17] =	ssyncset.done $0x0  }
0x1e6: {  	[sflag:s17] =	ssyncadd.s32 $0xFFFFFF80  }
0x1e7: {  	[tilespmem:s18], [sflag:$0xA] =	stream.indirect.gather [hbm4b:s6+s1], $0x80, s1, s1, $0xb8;
	[tilespmem:$0x1EF00] =	vst v63  }
0x1e8: {  	_ =	swait.ge [sflag:s21], $0x4000  }
0x1e9: {  	[sflag:s21] =	ssyncset.done $0x0  }
0x1ea: {  	[sflag:s21] =	ssyncadd.s32 $0xFFFFC000  }
0x1eb: {  	_ =	swait.ge [sflag:s22], $0x80  }
0x1ec: {  	[sflag:s22] =	ssyncset.done $0x0  }
0x1ed: {  	[sflag:s22] =	ssyncadd.s32 $0xFFFFFF80  }
0x1ee: {  	[spmem:s2] =	stream.indirect.scatter.add.f32 [tilespmem:s29], [sflag:$0xB], $0x80, s13, s1, $0xb8;
	[tilespmem:$0x1EF00] =	vst v63  }
0x1ef: {  	p1 =	por $0x0, $0x0;
	_ =	swait.ge [sflag:s24], $0x4000  }
0x1f0: {  	s0 =	sadd.s32 @!p1 $0x0, s20;
	s3 =	sadd.s32 @!p1 $0x0, s19;
	[sflag:s24] =	ssyncset.done $0x0  }
0x1f1: {  	s9 =	simm.s32 @!p1 $0x0;
	s5 =	sadd.s32 @!p1 $0x40, s0;
	[sflag:s24] =	ssyncadd.s32 $0xFFFFC000  }
0x1f2: {  	[tilespmem:s9], [sflag:$0x1] =	stream.linear.gather @!p1 [hbm4b:s5+s9], $0x80, $0x38;
	[tilespmem:$0x1EF00] =	vst v63  }
0x1f3: {  	s30 =	simm.s32 @!p1 $0x200;
	s5 =	sadd.s32 @!p1 $0x40, s3  }
0x1f4: {  	[tilespmem:s30], [sflag:$0x5] =	stream.linear.gather @!p1 [hbm4b:s5+s9], $0x80, $0x38;
	[tilespmem:$0x1EF00] =	vst v63  }
0x1f5: {  	_ =	swait.ge [sflag:s12], $0x80  }
0x1f6: {  	[sflag:s12] =	ssyncset.done $0x0  }
0x1f7: {  	s15 =	simm.s32 $0x100;
	[sflag:s12] =	ssyncadd.s32 $0xFFFFFF80  }
0x1f8: {  	[tilespmem:s29], [sflag:$0x9] =	stream.indirect.gather [hbm4b:s6+s1], $0x80, s15, s1, $0xb8;
	[tilespmem:$0x1EF00] =	vst v63  }
0x1f9: {  	_ =	swait.ge [sflag:s10], $0x4000  }
0x1fa: {  	[sflag:s10] =	ssyncset.done $0x0  }
0x1fb: {  	[sflag:s10] =	ssyncadd.s32 $0xFFFFC000  }
0x1fc: {  	_ =	swait.ge [sflag:s11], $0x80  }
0x1fd: {  	[sflag:s11] =	ssyncset.done $0x0  }
0x1fe: {  	s31 =	simm.s32 $0x280;
	[sflag:s11] =	ssyncadd.s32 $0xFFFFFF80  }
0x1ff: {  	[spmem:s2] =	stream.indirect.scatter.add.f32 [tilespmem:s18], [sflag:$0xC], $0x80, s31, s1, $0xb8;
	[tilespmem:$0x1EF00] =	vst v63  }
0x200: {  	_ =	swait.ge [sflag:s28], $0x4000  }
0x201: {  	[sflag:s28] =	ssyncset.done $0x0  }
0x202: {  	s0 =	sadd.s32 @!p1 $0x50, s0;
	s5 =	simm.s32 @!p1 $0x80;
	[sflag:s28] =	ssyncadd.s32 $0xFFFFC000  }
0x203: {  	[tilespmem:s5], [sflag:$0x2] =	stream.linear.gather @!p1 [hbm4b:s0+s9], $0x80, $0x38;
	[tilespmem:$0x1EF00] =	vst v63  }
0x204: {  	s0 =	sadd.s32 @!p1 $0x50, s3;
	s3 =	simm.s32 @!p1 $0x280  }
0x205: {  	[tilespmem:s3], [sflag:$0x6] =	stream.linear.gather @!p1 [hbm4b:s0+s9], $0x80, $0x38;
	[tilespmem:$0x1EF00] =	vst v63  }
0x206: {  	_ =	swait.ge [sflag:s23], $0x80  }
0x207: {  	[sflag:s23] =	ssyncset.done $0x0  }
0x208: {  	s16 =	simm.s32 $0x180;
	[sflag:s23] =	ssyncadd.s32 $0xFFFFFF80  }
0x209: {  	[tilespmem:s18], [sflag:$0xA] =	stream.indirect.gather [hbm4b:s6+s1], $0x80, s16, s1, $0xb8;
	[tilespmem:$0x1EF00] =	vst v63  }
0x20a: {  	_ =	swait.ge [sflag:s21], $0x4000  }
0x20b: {  	[sflag:s21] =	ssyncset.done $0x0  }
0x20c: {  	[sflag:s21] =	ssyncadd.s32 $0xFFFFC000  }
0x20d: {  	_ =	swait.ge [sflag:s26], $0x80  }
0x20e: {  	[sflag:s26] =	ssyncset.done $0x0  }
0x20f: {  	[sflag:s26] =	ssyncadd.s32 $0xFFFFFF80  }
0x210: {  	[spmem:s2] =	stream.indirect.scatter.add.f32 [tilespmem:s29], [sflag:$0xB], $0x80, s7, s1, $0xb8;
	[tilespmem:$0x1EF00] =	vst v63  }
0x211: {  	_ =	swait.ge [sflag:s10], $0x4000  }
0x212: {  	[sflag:s10] =	ssyncset.done $0x0  }
0x213: {  	[sflag:s10] =	ssyncadd.s32 $0xFFFFC000  }
0x214: {  	p2 =	por $0x0, $0x0;
	_ =	swait.ge [sflag:s25], $0x80  }
0x215: {  	s30 =	simm.s32 $0x80;
	s9 =	simm.s32 $0x40;
	[sflag:s25] =	ssyncset.done $0x0  }
.LBB2_6:
0x216: {  	s0 =	simm.s32 @!p2 $0xB  }
0x217: {  	[sflag:s25] =	ssyncadd.s32 $0xFFFFFF80;
	s3 =	smov.u32 s30;
	s30 =	sadd.s32 $0x40, s30  }
0x218: {  	[spmem:s2] =	stream.indirect.scatter.add.f32 [tilespmem:s18], [sflag:$0xC], $0x80, s8, s1, $0xb8;
	[tilespmem:$0x1EF00] =	vst v63  }
0x219: {  	p1 =	sne.s32 s30, $0xA00;
	_ =	swait.ge @!p2 [sflag:s0], $0x4000  }
0x21a: {  	s5 =	sadd.s32 s9, s20;
	[sflag:s0] =	ssyncset.done @!p2 $0x0  }
0x21b: {  	s31 =	sadd.s32 s9, s19;
	[sflag:s0] =	ssyncadd.s32 @!p2 $0xFFFFC000;
	s0 =	sadd.s32 $0x20, s5  }
0x21c: {  	[tilespmem:s15], [sflag:$0x3] =	stream.linear.gather [hbm4b:s0+s4], $0x80, $0x38;
	[tilespmem:$0x1EF00] =	vst v63  }
0x21d: {  	s0 =	sadd.s32 $0x20, s31  }
0x21e: {  	[tilespmem:s7], [sflag:$0x7] =	stream.linear.gather [hbm4b:s0+s4], $0x80, $0x38;
	[tilespmem:$0x1EF00] =	vst v63  }
0x21f: {  	_ =	swait.ge [sflag:s14], $0x80  }
0x220: {  	[sflag:s14] =	ssyncset.done $0x0  }
0x221: {  	s0 =	simm.s32 @!p2 $0xC;
	[sflag:s14] =	ssyncadd.s32 $0xFFFFFF80  }
0x222: {  	[tilespmem:s29], [sflag:$0x9] =	stream.indirect.gather [hbm4b:s6+s1], $0x80, s4, s1, $0xb8;
	[tilespmem:$0x1EF00] =	vst v63  }
0x223: {  	_ =	swait.ge @!p2 [sflag:s0], $0x4000  }
0x224: {  	[sflag:s0] =	ssyncset.done @!p2 $0x0  }
0x225: {  	[sflag:s0] =	ssyncadd.s32 @!p2 $0xFFFFC000;
	s0 =	sadd.s32 $0x30, s5  }
0x226: {  	[tilespmem:s16], [sflag:$0x4] =	stream.linear.gather [hbm4b:s0+s4], $0x80, $0x38;
	[tilespmem:$0x1EF00] =	vst v63  }
0x227: {  	s0 =	sadd.s32 $0x30, s31  }
0x228: {  	[tilespmem:s8], [sflag:$0x8] =	stream.linear.gather [hbm4b:s0+s4], $0x80, $0x38;
	[tilespmem:$0x1EF00] =	vst v63  }
0x229: {  	_ =	swait.ge [sflag:s17], $0x80  }
0x22a: {  	[sflag:s17] =	ssyncset.done $0x0  }
0x22b: {  	[sflag:s17] =	ssyncadd.s32 $0xFFFFFF80  }
0x22c: {  	[tilespmem:s18], [sflag:$0xA] =	stream.indirect.gather [hbm4b:s6+s1], $0x80, s1, s1, $0xb8;
	[tilespmem:$0x1EF00] =	vst v63  }
0x22d: {  	_ =	swait.ge [sflag:s21], $0x4000  }
0x22e: {  	[sflag:s21] =	ssyncset.done $0x0  }
0x22f: {  	[sflag:s21] =	ssyncadd.s32 $0xFFFFC000  }
0x230: {  	_ =	swait.ge [sflag:s22], $0x80  }
0x231: {  	[sflag:s22] =	ssyncset.done $0x0  }
0x232: {  	[sflag:s22] =	ssyncadd.s32 $0xFFFFFF80  }
0x233: {  	[spmem:s2] =	stream.indirect.scatter.add.f32 [tilespmem:s29], [sflag:$0xB], $0x80, s13, s1, $0xb8;
	[tilespmem:$0x1EF00] =	vst v63  }
0x234: {  	p2 =	seq.s32 s9, $0x9C0;
	_ =	swait.ge [sflag:s24], $0x4000  }
0x235: {  	s5 =	sadd.s32 @!p2 s9, s19;
	s0 =	sadd.s32 @!p2 s9, s20;
	[sflag:s24] =	ssyncset.done $0x0  }
0x236: {  	s31 =	simm.s32 @!p2 $0x0;
	s9 =	sadd.s32 @!p2 $0x40, s0;
	[sflag:s24] =	ssyncadd.s32 $0xFFFFC000  }
0x237: {  	[tilespmem:s31], [sflag:$0x1] =	stream.linear.gather @!p2 [hbm4b:s9+s31], $0x80, $0x38;
	[tilespmem:$0x1EF00] =	vst v63  }
0x238: {  	s7 =	simm.s32 @!p2 $0x200;
	s0 =	sadd.s32 @!p2 $0x50, s0;
	s9 =	sadd.s32 @!p2 $0x40, s5  }
0x239: {  	[tilespmem:s7], [sflag:$0x5] =	stream.linear.gather @!p2 [hbm4b:s9+s31], $0x80, $0x38;
	[tilespmem:$0x1EF00] =	vst v63  }
0x23a: {  	s7 =	simm.s32 $0x300  }
0x23b: {  	s5 =	sadd.s32 @!p2 $0x50, s5;
	s9 =	smov.u32 s3;
	_ =	swait.ge [sflag:s12], $0x80  }
0x23c: {  	[sflag:s12] =	ssyncset.done $0x0  }
0x23d: {  	[sflag:s12] =	ssyncadd.s32 $0xFFFFFF80  }
0x23e: {  	[tilespmem:s29], [sflag:$0x9] =	stream.indirect.gather [hbm4b:s6+s1], $0x80, s15, s1, $0xb8;
	[tilespmem:$0x1EF00] =	vst v63  }
0x23f: {  	_ =	swait.ge [sflag:s10], $0x4000  }
0x240: {  	[sflag:s10] =	ssyncset.done $0x0  }
0x241: {  	[sflag:s10] =	ssyncadd.s32 $0xFFFFC000  }
0x242: {  	_ =	swait.ge [sflag:s11], $0x80  }
0x243: {  	[sflag:s11] =	ssyncset.done $0x0  }
0x244: {  	s3 =	simm.s32 $0x280;
	[sflag:s11] =	ssyncadd.s32 $0xFFFFFF80  }
0x245: {  	[spmem:s2] =	stream.indirect.scatter.add.f32 [tilespmem:s18], [sflag:$0xC], $0x80, s3, s1, $0xb8;
	[tilespmem:$0x1EF00] =	vst v63  }
0x246: {  	_ =	swait.ge [sflag:s28], $0x4000  }
0x247: {  	[sflag:s28] =	ssyncset.done $0x0  }
0x248: {  	s3 =	simm.s32 @!p2 $0x80;
	[sflag:s28] =	ssyncadd.s32 $0xFFFFC000  }
0x249: {  	[tilespmem:s3], [sflag:$0x2] =	stream.linear.gather @!p2 [hbm4b:s0+s31], $0x80, $0x38;
	[tilespmem:$0x1EF00] =	vst v63  }
0x24a: {  	s0 =	simm.s32 @!p2 $0x280  }
0x24b: {  	[tilespmem:s0], [sflag:$0x6] =	stream.linear.gather @!p2 [hbm4b:s5+s31], $0x80, $0x38;
	[tilespmem:$0x1EF00] =	vst v63  }
0x24c: {  	_ =	swait.ge [sflag:s23], $0x80  }
0x24d: {  	[sflag:s23] =	ssyncset.done $0x0  }
0x24e: {  	[sflag:s23] =	ssyncadd.s32 $0xFFFFFF80  }
0x24f: {  	[tilespmem:s18], [sflag:$0xA] =	stream.indirect.gather [hbm4b:s6+s1], $0x80, s16, s1, $0xb8;
	[tilespmem:$0x1EF00] =	vst v63  }
0x250: {  	_ =	swait.ge [sflag:s21], $0x4000  }
0x251: {  	[sflag:s21] =	ssyncset.done $0x0  }
0x252: {  	[sflag:s21] =	ssyncadd.s32 $0xFFFFC000  }
0x253: {  	_ =	swait.ge [sflag:s26], $0x80  }
0x254: {  	[sflag:s26] =	ssyncset.done $0x0  }
0x255: {  	[sflag:s26] =	ssyncadd.s32 $0xFFFFFF80  }
0x256: {  	[spmem:s2] =	stream.indirect.scatter.add.f32 [tilespmem:s29], [sflag:$0xB], $0x80, s7, s1, $0xb8;
	[tilespmem:$0x1EF00] =	vst v63  }
.Ltmp5:
0x257: {  	_ =	swait.ge [sflag:s10], $0x4000;
	(pc) =	sbr.rel @p1 .LBB2_6-.Ltmp5, $4  }
0x258: {  	[sflag:s10] =	ssyncset.done $0x0  }
0x259: {  	[sflag:s10] =	ssyncadd.s32 $0xFFFFC000  }
0x25a: {  	_ =	swait.ge [sflag:s25], $0x80  }
0x25b: {  	p2 =	seq.s32 s9, $0x0;
	[sflag:s25] =	ssyncset.done $0x0  }
.Ltmp6:
0x25c: {  	_ = 	snop;
	(pc) =	sbr.rel .LBB2_7-.Ltmp6, $1  }
0x25d: {  	_ =	sdelay $0x3  }
.LBB2_9:
0x25e: {  	_ =	sfence.sel $0x180000  }
0x25f: {  	[bflag:$0x0] =	sbarrier.arrive $0xFFFF  }
0x260: {  	_ =	strace $0x9000004D  }
0x261: {  	s0 =	stileid.u32;
	[bflag:$0x2] =	sbarrier.arrive $0xFFFF  }
0x262: {  	p0 =	sne.s32 s0, $0x0;
	s0 =	rddreg [dreg:$0x3]  }
0x263: {  	s0 =	sadd.s32 @!p0 $0x100000, s0  }
0x264: {  	[sflag:s0] =	ssyncadd.tile.s32 @!p0 $0x1;
	_ =	shalt  }
.Lfunc_end2:
_tile_overlayer_lowered:
.L_overlay_start_2:
0x265: {  	(tag) =	ssettag $0x2  }
0x266: {  	s0 =	rddreg [dreg:$0x0];
	s2 =	stileid.u32  }
0x267: {  	s1 =	rddreg [dreg:$0x1];
	p0 =	sne.s32 s2, $0x0  }
0x268: {  	s3 =	rddreg [dreg:$0x2];
	[bflag:$0x3] =	sbarrier.arrive $0xFFFF;
	s2 =	simm.s32 @!p0 $0x1C0F  }
0x269: {  	[timem:s3], [sflag:s2] =	dma.local @!p0 [hbm:s0], s1  }
0x26a: {  	s0 =	simm.s32 @!p0 $0xF  }
0x26b: {  	_ =	swait.ge @!p0 [sflag:s0], s1  }
0x26c: {  	s1 =	ssub.s32 @!p0 $0x0, s1;
	[sflag:s0] =	ssyncset.done @!p0 $0x0  }
0x26d: {  	[sflag:s0] =	ssyncadd.s32 @!p0 s1  }
0x26e: {  	[bflag:$0x3] =	sbarrier.arrive $0xFFFF  }
0x26f: {  	_ =	shalt  }

// kernel: kernel.9.cloned.1.call-start
scs
__scs_entry_jumppad:
0x0: {  	(pc) =	sbr.rel $0x88, $3  }
0x1: {  	(tag) =	ssettag $0x0;
	lr =	simm.s32 $0x1  }
0x2: {  	[smem:$0x3F95] =	sst lr;
	_ =	strace $0xD0000000  }
0x3: {  	_ = 	snop  }
0x4: {  	_ = 	snop  }
0x5: {  	_ = 	snop  }
0x6: {  	_ = 	snop  }
0x7: {  	_ = 	snop  }
__scs_overlays_trampoline_lowered:
0x8: {  	[smem:$0x3FA4] =	sst s0  }
0x9: {  	[smem:$0x3FA5] =	sst s1  }
0xa: {  	[smem:$0x3FA6] =	sst s2  }
0xb: {  	[smem:$0x3FA7] =	sst s3  }
0xc: {  	[smem:$0x3FA8] =	sst s4  }
0xd: {  	[smem:$0x3FA9] =	sst s5  }
0xe: {  	[smem:$0x3FAA] =	sst s6  }
0xf: {  	[smem:$0x3FAB] =	sst s7  }
0x10: {  	[smem:$0x3FAC] =	sst s8  }
0x11: {  	[smem:$0x3FAD] =	sst s9;
	s0 =	simm.s32 @!p0 $0x0  }
0x12: {  	s1 =	sld [smem:$0x3F93];
	s0 =	simm.s32 @p0 $0x1  }
0x13: {  	[smem:$0x3FAE] =	sst s0;
	s0 =	simm.s32 @!p1 $0x0  }
0x14: {  	s2 =	sld [smem:$0x3F92];
	s0 =	simm.s32 @p1 $0x1  }
0x15: {  	[smem:$0x3FAF] =	sst s0;
	s0 =	simm.s32 @!p2 $0x0  }
0x16: {  	s3 =	sld [smem:$0x3FDB];
	s0 =	simm.s32 @p2 $0x1  }
0x17: {  	s4 =	simm.s32 $0x1BF5;
	[smem:$0x3FB1] =	sst s0  }
0x18: {  	s0 =	sld [smem:$0x3F94];
	_ =	swait.ge [sflag:s4], $0x0  }
0x19: {  	s7 =	sld [smem:$0x3F95]  }
0x1a: {  	s8 =	sadd.s32 $0xFFFFE003, lr  }
0x1b: {  	s9 =	sadd.s32 $0xFFFFFEF7, lr;
	s5 =	simm.s32 $0xFFFFFFFF;
	p2 =	slt.u32 s8, $0xFFFFF086  }
0x1c: {  	p1 =	slt.u32 s9, $0xF7A;
	s5 =	simm.s32 @!p2 $0x0  }
0x1d: {  	s5 =	simm.s32 @p1 $0x1;
	p0 =	seq.s32 s7, s2  }
0x1e: {  	s7 =	smul.u32 @!p0 $0xF7A, s2;
	p2 =	seq.s32 @!p0 s5, $0x0  }
0x1f: {  	s9 =	smul.u32 $0xF7A, s1;
	s8 =	simm.s32 @!p0 $0x1BF5;
	p2 =	por !p2, p0  }
0x20: {  	[sflag:s8] =	ssyncset.s32 @!p0 $0xFFFFF086;
	s6 =	sadd.s32 @!p0 s3, s7;
	s7 =	simm.s32 @!p0 $0x108  }
0x21: {  	s3 =	sadd.s32 s3, s9;
	s6 =	sadd.s32 @!p0 $0x88, s6;
	s7 =	simm.s32 @p2 $0x1082  }
0x22: {  	[simem:s7], [sflag:s8] =	dma.local @!p0 [hbm:s6], $0xF7A  }
0x23: {  	s9 =	sor.u32 $0xD0000000, s2;
	s6 =	simm.s32 $0x108;
	_ =	swait.ge @!p0 [sflag:s8], $0x0  }
0x24: {  	s3 =	sadd.s32 $0x88, s3;
	s6 =	simm.s32 @!p1 $0x1082;
	[sflag:s4] =	ssyncset.s32 $0xFFFFF086  }
0x25: {  	[simem:s6], [sflag:s4] =	dma.local [hbm:s3], $0xF7A  }
0x26: {  	[smem:$0x3F95] =	sst s1;
	(tag) =	ssettag s2;
	_ =	strace s9  }
0x27: {  	s1 =	sld [smem:$0x3FA5]  }
0x28: {  	s2 =	sld [smem:$0x3FA6]  }
0x29: {  	s4 =	sld [smem:$0x3FA8]  }
0x2a: {  	p0 =	seq.s32 s5, $0x0;
	s5 =	sld [smem:$0x3FA9]  }
0x2b: {  	s6 =	sld [smem:$0x3FAA]  }
0x2c: {  	s7 =	sld [smem:$0x3FAB]  }
0x2d: {  	s3 =	simm.s32 $0x108;
	s8 =	sld [smem:$0x3FAC]  }
0x2e: {  	s3 =	simm.s32 @!p0 $0x1082;
	s9 =	sld [smem:$0x3FAD]  }
0x2f: {  	lr =	sadd.s32 s0, s3;
	s0 =	sld [smem:$0x3FA4]  }
0x30: {  	s3 =	sld [smem:$0x3FA7]  }
0x31: {  	[smem:$0x3FB0] =	sst s10  }
0x32: {  	s10 =	sld [smem:$0x3FAE];
	_ =	sdelay $0x3  }
0x33: {  	p0 =	seq.s32 s10, $0x1;
	s10 =	sld [smem:$0x3FB0];
	_ =	sdelay $0x3  }
0x34: {  	[smem:$0x3FB0] =	sst s10  }
0x35: {  	s10 =	sld [smem:$0x3FAF];
	_ =	sdelay $0x3  }
0x36: {  	p1 =	seq.s32 s10, $0x1;
	s10 =	sld [smem:$0x3FB0];
	_ =	sdelay $0x3  }
0x37: {  	[smem:$0x3FB0] =	sst s10  }
0x38: {  	s10 =	sld [smem:$0x3FB1]  }
0x39: {  	_ = 	snop;
	(pc) =	sbr.ind lr, $3  }
0x3a: {  	_ = 	snop  }
0x3b: {  	_ = 	snop  }
0x3c: {  	p2 =	seq.s32 s10, $0x1;
	s10 =	sld [smem:$0x3FB0]  }
0x3d: {  	_ =	shalt  }
0x3e: {  	_ =	shalt  }
0x3f: {  	_ =	shalt  }
0x40: {  	_ =	shalt  }
0x41: {  	_ =	shalt  }
0x42: {  	_ =	shalt  }
0x43: {  	_ =	shalt  }
0x44: {  	_ =	shalt  }
0x45: {  	_ =	shalt  }
0x46: {  	_ =	shalt  }
0x47: {  	_ =	shalt  }
0x48: {  	_ =	shalt  }
0x49: {  	_ =	shalt  }
0x4a: {  	_ =	shalt  }
0x4b: {  	_ =	shalt  }
0x4c: {  	_ =	shalt  }
0x4d: {  	_ =	shalt  }
0x4e: {  	_ =	shalt  }
0x4f: {  	_ =	shalt  }
0x50: {  	_ =	shalt  }
0x51: {  	_ =	shalt  }
0x52: {  	_ =	shalt  }
0x53: {  	_ =	shalt  }
0x54: {  	_ =	shalt  }
0x55: {  	_ =	shalt  }
0x56: {  	_ =	shalt  }
0x57: {  	_ =	shalt  }
0x58: {  	_ =	shalt  }
0x59: {  	_ =	shalt  }
0x5a: {  	_ =	shalt  }
0x5b: {  	_ =	shalt  }
0x5c: {  	_ =	shalt  }
0x5d: {  	_ =	shalt  }
0x5e: {  	_ =	shalt  }
0x5f: {  	_ =	shalt  }
0x60: {  	_ =	shalt  }
0x61: {  	_ =	shalt  }
0x62: {  	_ =	shalt  }
0x63: {  	_ =	shalt  }
0x64: {  	_ =	shalt  }
0x65: {  	_ =	shalt  }
0x66: {  	_ =	shalt  }
0x67: {  	_ =	shalt  }
0x68: {  	_ =	shalt  }
0x69: {  	_ =	shalt  }
0x6a: {  	_ =	shalt  }
0x6b: {  	_ =	shalt  }
0x6c: {  	_ =	shalt  }
0x6d: {  	_ =	shalt  }
0x6e: {  	_ =	shalt  }
0x6f: {  	_ =	shalt  }
0x70: {  	_ =	shalt  }
0x71: {  	_ =	shalt  }
0x72: {  	_ =	shalt  }
0x73: {  	_ =	shalt  }
0x74: {  	_ =	shalt  }
0x75: {  	_ =	shalt  }
0x76: {  	_ =	shalt  }
0x77: {  	_ =	shalt  }
0x78: {  	_ =	shalt  }
0x79: {  	_ =	shalt  }
0x7a: {  	_ =	shalt  }
0x7b: {  	_ =	shalt  }
0x7c: {  	_ =	shalt  }
0x7d: {  	_ =	shalt  }
0x7e: {  	_ =	shalt  }
0x7f: {  	_ =	shalt  }
0x80: {  	_ =	shalt  }
0x81: {  	_ =	shalt  }
0x82: {  	_ =	shalt  }
0x83: {  	_ =	shalt  }
0x84: {  	_ =	shalt  }
0x85: {  	_ =	shalt  }
0x86: {  	_ =	shalt  }
0x87: {  	_ =	shalt  }
.Lfunc_end0:
.L_simem_size_0:
called_computation_lowered:
.L_overlay_start_0:
0x88: {  	s2 =	sld [smem:$0x3FD9]  }
0x89: {  	s3 =	sld [smem:$0x3FFE];
	_ =	sdelay $0x1  }
0x8a: {  	s1 =	srdreg.scid  }
0x8b: {  	s0 =	sand.u32 $0x1, s1  }
0x8c: {  	s16 =	sshll.u32 s0, $0xA;
	s2 =	sadd.s32 s3, s2  }
0x8d: {  	s2 =	sadd.s32 s2, s16  }
0x8e: {  	[smem:$0x3FBC] =	sst s2  }
0x8f: {  	_ = 	snop  }
0x90: {  	(tm) =	ssettm $0x1  }
0x91: {  	s17 =	sld [smem:$0x3FFB];
	_ =	sdelay $0x3  }
0x92: {  	_ =	strace s17  }
0x93: {  	s2 =	sld [smem:$0x3FFC];
	_ =	sdelay $0x3  }
0x94: {  	_ =	strace s2  }
0x95: {  	s2 =	sld [smem:$0x3FFD];
	_ =	sdelay $0x3  }
0x96: {  	_ =	strace s2  }
0x97: {  	_ =	strace $0x8FFFFFFF  }
0x98: {  	s18 =	sld [smem:$0x3FDB];
	_ =	sdelay $0x1  }
0x99: {  	s19 =	simm.s32 $_scs_section_size  }
0x9a: {  	s4 =	simm.s32 $_size__tile_overlayer_lowered;
	s5 =	simm.s32 $_tile_overlayer_lowered  }
0x9b: {  	s22 =	simm.s32 $0x1BFF;
	s21 =	sshll.u32 s5, $0x1;
	s2 =	sadd.s32 s19, s18  }
0x9c: {  	s6 =	simm.s32 $0x0;
	s20 =	sshll.u32 s4, $0x1;
	s4 =	sadd.s32 s21, s2  }
0x9d: {  	[timem:s6], [sflag:s22] =	dma.local [hbm:s4], s20  }
0x9e: {  	_ =	swait.ge [sflag:s22], s20  }
0x9f: {  	s3 =	ssub.s32 $0x0, s20;
	[sflag:s22] =	ssyncset.done $0x0  }
0xa0: {  	[sflag:s22] =	ssyncadd.s32 s3;
	_ =	sdelay $0x1  }
0xa1: {  	s23 =	simm.s32 $0x1B8B  }
0xa2: {  	_ =	swait.ge [sflag:s23], $0x1  }
0xa3: {  	[sflag:s23] =	ssyncset.done $0x0  }
0xa4: {  	s25 =	simm.s32 $0x1B8E;
	s24 =	sld [smem:$0x3FFE];
	[sflag:s23] =	ssyncadd.s32 $0xFFFFFFFF  }
0xa5: {  	s26 =	simm.s32 $execute0_lowered;
	[smem:$0x3FD2] =	sst s25  }
0xa6: {  	s4 =	sshll.u32 s26, $0x1;
	_ =	strace $0x80000046;
	[dreg:$0x1] =	wrdreg $0xFFFFFFFF  }
0xa7: {  	s28 =	simm.s32 $_size_execute0_lowered;
	s2 =	sadd.s32 s2, s4;
	[dreg:$0x0] =	wrdreg $0x0  }
0xa8: {  	s4 =	sshll.u32 s28, $0x1;
	[dreg:$0x2] =	wrdreg s2  }
0xa9: {  	[dreg:$0x3] =	wrdreg s4  }
0xaa: {  	[dreg:$0x4] =	wrdreg $0xC0  }
0xab: {  	_ =	task [dreg:s6], $0x5FFFF  }
0xac: {  	[dreg:$0x1] =	wrdreg $0xFFFFFFFF  }
0xad: {  	[dreg:$0x0] =	wrdreg $0x60  }
0xae: {  	[dreg:$0x2] =	wrdreg s24  }
0xaf: {  	[dreg:$0x3] =	wrdreg $0x7000  }
0xb0: {  	[dreg:$0x4] =	wrdreg $0x9  }
0xb1: {  	_ =	task.clear_ibuf [dreg:s6], $0x5FFFF;
	_ =	strace $0x90000046  }
0xb2: {  	s29 =	simm.s32 $0x9;
	_ =	strace $0x80000048  }
0xb3: {  	_ =	swait.ge [sflag:s29], $0x1  }
0xb4: {  	[sflag:s29] =	ssyncadd.s32 $0xFFFFFFFF  }
0xb5: {  	_ =	strace $0x90000048  }
0xb6: {  	_ =	sfence  }
0xb7: {  	s30 =	sld [smem:$0x0];
	_ =	sdelay $0x2  }
0xb8: {  	s31 =	sshll.u32 s1, $0xD;
	s1 =	sshrl.u32 s1, $0x2  }
0xb9: {  	s3 =	sand.u32 $0x4000, s31;
	s1 =	sadd.s32 s1, s30  }
0xba: {  	s0 =	sor.u32 s3, s0;
	s1 =	sshll.u32 s1, $0x11  }
0xbb: {  	s0 =	sor.u32 s1, s0  }
0xbc: {  	s0 =	sadd.s32 $0x8F2B, s0  }
0xbd: {  	[sflag:s0] =	ssyncadd.remote.s32 $0x1  }
0xbe: {  	_ =	sfence.sel $0xFFFF  }
0xbf: {  	[dreg:$0x0] =	wrdreg $0xFFFFFFFF;
	(pc) =	sbr.abs _section_cstart, $3  }
0xc0: {  	[dreg:$0x1] =	wrdreg $0xFFFFFFFF  }
0xc1: {  	_ =	task.clear_ibuf [dreg:s6], $0x2FFFF;
	_ =	strace $0x9FFFFFFF  }
0xc2: {  	(tm) =	ssettm $0x7FFFFFFF  }
0xc3: {  	_ =	shalt  }
tec
execute0_lowered:
.L_overlay_start_1:
0x0: {  	(tag) =	ssettag $0x1  }
0x1: {  	s0 =	rddreg [dreg:$0x0];
	s1 =	srdreg.scid  }
0x2: {  	s6 =	stileid.u32;
	s2 =	rddreg [dreg:$0x1]  }
0x3: {  	s3 =	simm.s32 $0x0;
	s29 =	simm.s32 $0xC;
	s4 =	smul.u32 $0x280, s6  }
0x4: {  	s30 =	simm.s32 $0xD;
	s1 =	sand.u32 $0x1, s1;
	s6 =	smul.u32 $0x5000, s6  }
0x5: {  	s31 =	simm.s32 $0xE;
	[smem:$0x7FF] =	sst s3;
	s5 =	smul.u32 $0x2800, s1  }
0x6: {  	s7 =	sadd.s32 $0x4800, s0;
	_ =	strace $0x80000047;
	s1 =	ssub.s32 $0x2, s1  }
0x7: {  	s12 =	sshrl.u32 s1, $0x1;
	s8 =	sadd.s32 s4, s5;
	s5 =	sadd.s32 s5, s6  }
0x8: {  	s1 =	ssub.s32 s1, s12;
	s4 =	sadd.s32 s4, s2;
	s12 =	simm.s32 $0x200  }
0x9: {  	s10 =	sshrl.u32 s8, $0x3;
	s11 =	sor.u32 $0x380, s5;
	s14 =	sor.u32 $0x300, s5  }
0xa: {  	s16 =	sor.u32 $0x280, s5;
	s9 =	sor.u32 $0x200, s5;
	s20 =	sor.u32 $0x180, s5  }
0xb: {  	s22 =	sor.u32 $0x100, s5;
	s23 =	sor.u32 $0x80, s5;
	s5 =	sshrl.u32 s5, $0x3  }
0xc: {  	s28 =	smax.u32 s1, $0x1;
	s1 =	simm.s32 $0xF;
	s0 =	sadd.s32 s10, s0  }
0xd: {  	s8 =	sshrl.u32 s11, $0x3;
	s15 =	sshrl.u32 s14, $0x3;
	s18 =	sshrl.u32 s9, $0x3  }
0xe: {  	s21 =	sshrl.u32 s20, $0x3;
	s25 =	sshrl.u32 s23, $0x3;
	s5 =	sadd.s32 s5, s7  }
0xf: {  	[dreg:$0xc] =	wrdreg s28;
	s9 =	simm.s32 $0x80;
	s10 =	simm.s32 $0x100  }
0x10: {  	s11 =	simm.s32 $0x180;
	s14 =	simm.s32 $0x300;
	s20 =	simm.s32 $0x4  }
0x11: {  	s23 =	simm.s32 $0x7;
	s13 =	sadd.s32 s8, s7;
	s6 =	sadd.s32 s15, s7  }
0x12: {  	s8 =	sshrl.u32 s16, $0x3;
	s19 =	sadd.s32 s18, s7;
	[dreg:$0xa] =	wrdreg s5  }
0x13: {  	s26 =	sadd.s32 s25, s7;
	s0 =	sadd.s32 $0x18800, s0;
	[dreg:$0x3] =	wrdreg s13  }
0x14: {  	s15 =	simm.s32 $0x380;
	s16 =	simm.s32 $0x1;
	[dreg:$0x4] =	wrdreg s6  }
0x15: {  	s18 =	simm.s32 $0x2;
	s5 =	simm.s32 $0x0;
	[dreg:$0x6] =	wrdreg s19  }
0x16: {  	s17 =	sadd.s32 s8, s7;
	s6 =	sadd.s32 s21, s7;
	[dreg:$0x9] =	wrdreg s26  }
0x17: {  	s8 =	sshrl.u32 s22, $0x3;
	[dreg:$0xb] =	wrdreg s0;
	s13 =	simm.s32 $0x280  }
0x18: {  	s19 =	simm.s32 $0x3;
	s21 =	simm.s32 $0x5;
	[dreg:$0x5] =	wrdreg s17  }
0x19: {  	s22 =	simm.s32 $0x6;
	s0 =	simm.s32 $0x10;
	[dreg:$0x7] =	wrdreg s6  }
0x1a: {  	s24 =	sadd.s32 s8, s7;
	s7 =	simm.s32 $0x480;
	s8 =	simm.s32 $0x11  }
0x1b: {  	v0 =	vimm.f32 $1.000000000e+00;
	v1 =	vimm.f32 $0.0e+00;
	s17 =	simm.s32 $0x400;
	[dreg:$0x8] =	wrdreg s24;
	s24 =	simm.s32 $0x8  }
.LBB2_1:
0x1c: {  	[tilespmem:$0x400] =	vst v0  }
0x1d: {  	[tilespmem:$0x410] =	vst v0  }
0x1e: {  	[tilespmem:$0x420] =	vst v0  }
0x1f: {  	[tilespmem:$0x430] =	vst v0  }
0x20: {  	[tilespmem:$0x440] =	vst v0  }
0x21: {  	[tilespmem:$0x450] =	vst v0  }
0x22: {  	[tilespmem:$0x460] =	vst v0  }
0x23: {  	[tilespmem:$0x470] =	vst v0  }
0x24: {  	[tilespmem:$0x480] =	vst v1  }
0x25: {  	[tilespmem:$0x490] =	vst v1  }
0x26: {  	[tilespmem:$0x4A0] =	vst v1  }
0x27: {  	[tilespmem:$0x4B0] =	vst v1  }
0x28: {  	[tilespmem:$0x4C0] =	vst v1  }
0x29: {  	[tilespmem:$0x4D0] =	vst v1  }
0x2a: {  	[tilespmem:$0x4E0] =	vst v1  }
0x2b: {  	[tilespmem:$0x4F0] =	vst v1  }
0x2c: {  	[tilespmem:$0x500] =	vst v1  }
0x2d: {  	[tilespmem:$0x510] =	vst v1  }
0x2e: {  	[tilespmem:$0x520] =	vst v1  }
0x2f: {  	[tilespmem:$0x530] =	vst v1  }
0x30: {  	[tilespmem:$0x540] =	vst v1  }
0x31: {  	[tilespmem:$0x550] =	vst v1  }
0x32: {  	[tilespmem:$0x560] =	vst v1  }
0x33: {  	[tilespmem:$0x570] =	vst v1  }
0x34: {  	[tilespmem:$0x580] =	vst v1  }
0x35: {  	[tilespmem:$0x590] =	vst v1  }
0x36: {  	[tilespmem:$0x5A0] =	vst v1  }
0x37: {  	[tilespmem:$0x5B0] =	vst v1  }
0x38: {  	[tilespmem:$0x5C0] =	vst v1  }
0x39: {  	[tilespmem:$0x5D0] =	vst v1  }
0x3a: {  	[tilespmem:$0x5E0] =	vst v1  }
0x3b: {  	[tilespmem:$0x5F0] =	vst v1  }
0x3c: {  	[tilespmem:$0x600] =	vst v1  }
0x3d: {  	[tilespmem:$0x610] =	vst v1  }
0x3e: {  	[tilespmem:$0x620] =	vst v1  }
0x3f: {  	[tilespmem:$0x630] =	vst v1  }
0x40: {  	[tilespmem:$0x640] =	vst v1  }
0x41: {  	[tilespmem:$0x650] =	vst v1  }
0x42: {  	[tilespmem:$0x660] =	vst v1  }
0x43: {  	[tilespmem:$0x670] =	vst v1  }
0x44: {  	[tilespmem:$0x680] =	vst v1  }
0x45: {  	[tilespmem:$0x690] =	vst v1  }
0x46: {  	[tilespmem:$0x6A0] =	vst v1  }
0x47: {  	[tilespmem:$0x6B0] =	vst v1  }
0x48: {  	[tilespmem:$0x6C0] =	vst v1  }
0x49: {  	[tilespmem:$0x6D0] =	vst v1  }
0x4a: {  	[tilespmem:$0x6E0] =	vst v1  }
0x4b: {  	[tilespmem:$0x6F0] =	vst v1  }
0x4c: {  	[spmem:s4] =	stream.linear.scatter [tilespmem:s7], [sflag:$0x11], $0x280, $0x38;
	[tilespmem:$0x980] =	vst v63  }
0x4d: {  	_ =	swait.ge [sflag:s8], $0x280  }
0x4e: {  	[sflag:s8] =	ssyncset.done $0x0  }
0x4f: {  	p0 =	por $0x1, $0x1;
	[sflag:s8] =	ssyncadd.s32 $0xFFFFFD80  }
0x50: {  	s6 =	simm.s32 @!p0 $0x9;
	[bflag:$0x0] =	sbarrier.arrive $0xFFFF  }
0x51: {  	_ =	swait.ge @!p0 [sflag:s6], $0x80  }
0x52: {  	s25 =	rddreg [dreg:$0xa];
	[sflag:s6] =	ssyncset.done @!p0 $0x0  }
0x53: {  	s7 =	simm.s32 @!p0 $0xA;
	[sflag:s6] =	ssyncadd.s32 @!p0 $0xFFFFFF80;
	s26 =	sadd.s32 $0x0, s25  }
0x54: {  	[tilespmem:s3], [sflag:$0x1] =	stream.linear.gather [hbm4b:s26+s3], $0x80, $0x38;
	[tilespmem:$0x980] =	vst v63  }
0x55: {  	_ =	swait.ge @!p0 [sflag:s7], $0x80  }
0x56: {  	s28 =	rddreg [dreg:$0x9];
	[sflag:s7] =	ssyncset.done @!p0 $0x0  }
0x57: {  	[sflag:s7] =	ssyncadd.s32 @!p0 $0xFFFFFF80;
	s6 =	sadd.s32 $0x0, s28;
	s7 =	simm.s32 @!p0 $0xB  }
0x58: {  	[tilespmem:s9], [sflag:$0x2] =	stream.linear.gather [hbm4b:s6+s3], $0x80, $0x38;
	[tilespmem:$0x980] =	vst v63  }
0x59: {  	_ =	swait.ge @!p0 [sflag:s7], $0x80  }
0x5a: {  	s25 =	rddreg [dreg:$0x8];
	[sflag:s7] =	ssyncset.done @!p0 $0x0  }
0x5b: {  	[sflag:s7] =	ssyncadd.s32 @!p0 $0xFFFFFF80;
	s6 =	sadd.s32 $0x0, s25;
	s7 =	simm.s32 @!p0 $0xC  }
0x5c: {  	[tilespmem:s10], [sflag:$0x3] =	stream.linear.gather [hbm4b:s6+s3], $0x80, $0x38;
	[tilespmem:$0x980] =	vst v63  }
0x5d: {  	_ =	swait.ge @!p0 [sflag:s7], $0x80  }
0x5e: {  	s26 =	rddreg [dreg:$0x7];
	[sflag:s7] =	ssyncset.done @!p0 $0x0  }
0x5f: {  	[sflag:s7] =	ssyncadd.s32 @!p0 $0xFFFFFF80;
	s6 =	sadd.s32 $0x0, s26;
	s7 =	simm.s32 @!p0 $0xD  }
0x60: {  	[tilespmem:s11], [sflag:$0x4] =	stream.linear.gather [hbm4b:s6+s3], $0x80, $0x38;
	[tilespmem:$0x980] =	vst v63  }
0x61: {  	_ =	swait.ge @!p0 [sflag:s7], $0x80  }
0x62: {  	s28 =	rddreg [dreg:$0x6];
	[sflag:s7] =	ssyncset.done @!p0 $0x0  }
0x63: {  	[sflag:s7] =	ssyncadd.s32 @!p0 $0xFFFFFF80;
	s6 =	sadd.s32 $0x0, s28;
	s7 =	simm.s32 @!p0 $0xE  }
0x64: {  	[tilespmem:s12], [sflag:$0x5] =	stream.linear.gather [hbm4b:s6+s3], $0x80, $0x38;
	[tilespmem:$0x980] =	vst v63  }
0x65: {  	_ =	swait.ge @!p0 [sflag:s7], $0x80  }
0x66: {  	s25 =	rddreg [dreg:$0x5];
	[sflag:s7] =	ssyncset.done @!p0 $0x0  }
0x67: {  	[sflag:s7] =	ssyncadd.s32 @!p0 $0xFFFFFF80;
	s6 =	sadd.s32 $0x0, s25;
	s7 =	simm.s32 @!p0 $0xF  }
0x68: {  	[tilespmem:s13], [sflag:$0x6] =	stream.linear.gather [hbm4b:s6+s3], $0x80, $0x38;
	[tilespmem:$0x980] =	vst v63  }
0x69: {  	_ =	swait.ge @!p0 [sflag:s7], $0x80  }
0x6a: {  	s26 =	rddreg [dreg:$0x4];
	[sflag:s7] =	ssyncset.done @!p0 $0x0  }
0x6b: {  	[sflag:s7] =	ssyncadd.s32 @!p0 $0xFFFFFF80;
	s6 =	sadd.s32 $0x0, s26;
	s7 =	simm.s32 @!p0 $0x10  }
0x6c: {  	[tilespmem:s14], [sflag:$0x7] =	stream.linear.gather [hbm4b:s6+s3], $0x80, $0x38;
	[tilespmem:$0x980] =	vst v63  }
0x6d: {  	_ =	swait.ge @!p0 [sflag:s7], $0x80  }
0x6e: {  	s28 =	rddreg [dreg:$0x3];
	[sflag:s7] =	ssyncset.done @!p0 $0x0  }
0x6f: {  	[sflag:s7] =	ssyncadd.s32 @!p0 $0xFFFFFF80;
	s6 =	sadd.s32 $0x0, s28  }
0x70: {  	[tilespmem:s15], [sflag:$0x8] =	stream.linear.gather [hbm4b:s6+s3], $0x80, $0x38;
	[tilespmem:$0x980] =	vst v63  }
0x71: {  	_ =	swait.ge [sflag:s16], $0x80  }
0x72: {  	[sflag:s16] =	ssyncset.done $0x0  }
0x73: {  	[sflag:s16] =	ssyncadd.s32 $0xFFFFFF80  }
0x74: {  	[spmem:s2] =	stream.indirect.scatter.add.f32 [tilespmem:s17], [sflag:$0x9], $0x1, s3, s9, $0xb8;
	[tilespmem:$0x980] =	vst v63  }
0x75: {  	_ =	swait.ge [sflag:s18], $0x80  }
0x76: {  	[sflag:s18] =	ssyncset.done $0x0  }
0x77: {  	[sflag:s18] =	ssyncadd.s32 $0xFFFFFF80  }
0x78: {  	[spmem:s2] =	stream.indirect.scatter.add.f32 [tilespmem:s17], [sflag:$0xA], $0x1, s9, s9, $0xb8;
	[tilespmem:$0x980] =	vst v63  }
0x79: {  	_ =	swait.ge [sflag:s19], $0x80  }
0x7a: {  	[sflag:s19] =	ssyncset.done $0x0  }
0x7b: {  	[sflag:s19] =	ssyncadd.s32 $0xFFFFFF80  }
0x7c: {  	[spmem:s2] =	stream.indirect.scatter.add.f32 [tilespmem:s17], [sflag:$0xB], $0x1, s10, s9, $0xb8;
	[tilespmem:$0x980] =	vst v63  }
0x7d: {  	_ =	swait.ge [sflag:s20], $0x80  }
0x7e: {  	[sflag:s20] =	ssyncset.done $0x0  }
0x7f: {  	[sflag:s20] =	ssyncadd.s32 $0xFFFFFF80  }
0x80: {  	[spmem:s2] =	stream.indirect.scatter.add.f32 [tilespmem:s17], [sflag:$0xC], $0x1, s11, s9, $0xb8;
	[tilespmem:$0x980] =	vst v63  }
0x81: {  	_ =	swait.ge [sflag:s21], $0x80  }
0x82: {  	[sflag:s21] =	ssyncset.done $0x0  }
0x83: {  	[sflag:s21] =	ssyncadd.s32 $0xFFFFFF80  }
0x84: {  	[spmem:s2] =	stream.indirect.scatter.add.f32 [tilespmem:s17], [sflag:$0xD], $0x1, s12, s9, $0xb8;
	[tilespmem:$0x980] =	vst v63  }
0x85: {  	_ =	swait.ge [sflag:s22], $0x80  }
0x86: {  	[sflag:s22] =	ssyncset.done $0x0  }
0x87: {  	[sflag:s22] =	ssyncadd.s32 $0xFFFFFF80  }
0x88: {  	[spmem:s2] =	stream.indirect.scatter.add.f32 [tilespmem:s17], [sflag:$0xE], $0x1, s13, s9, $0xb8;
	[tilespmem:$0x980] =	vst v63  }
0x89: {  	_ =	swait.ge [sflag:s23], $0x80  }
0x8a: {  	[sflag:s23] =	ssyncset.done $0x0  }
0x8b: {  	[sflag:s23] =	ssyncadd.s32 $0xFFFFFF80  }
0x8c: {  	[spmem:s2] =	stream.indirect.scatter.add.f32 [tilespmem:s17], [sflag:$0xF], $0x1, s14, s9, $0xb8;
	[tilespmem:$0x980] =	vst v63  }
0x8d: {  	s7 =	simm.s32 $0x100;
	_ =	swait.ge [sflag:s24], $0x80  }
0x8e: {  	p0 =	por $0x0, $0x0;
	s6 =	simm.s32 $0x80;
	[sflag:s24] =	ssyncset.done $0x0  }
.LBB2_2:
0x8f: {  	s26 =	simm.s32 @!p0 $0x9;
	[sflag:s24] =	ssyncadd.s32 $0xFFFFFF80  }
0x90: {  	[spmem:s2] =	stream.indirect.scatter.add.f32 [tilespmem:s17], [sflag:$0x10], $0x1, s15, s9, $0xb8;
	[tilespmem:$0x980] =	vst v63  }
0x91: {  	_ =	swait.ge @!p0 [sflag:s26], $0x80  }
0x92: {  	[sflag:s26] =	ssyncset.done @!p0 $0x0;
	s28 =	rddreg [dreg:$0xa]  }
0x93: {  	[sflag:s26] =	ssyncadd.s32 @!p0 $0xFFFFFF80;
	s26 =	sadd.s32 s6, s28;
	s28 =	simm.s32 @!p0 $0xA  }
0x94: {  	[tilespmem:s3], [sflag:$0x1] =	stream.linear.gather [hbm4b:s26+s3], $0x80, $0x38;
	[tilespmem:$0x980] =	vst v63  }
0x95: {  	_ =	swait.ge @!p0 [sflag:s28], $0x80  }
0x96: {  	[sflag:s28] =	ssyncset.done @!p0 $0x0;
	s26 =	rddreg [dreg:$0x9]  }
0x97: {  	[sflag:s28] =	ssyncadd.s32 @!p0 $0xFFFFFF80;
	s26 =	sadd.s32 s6, s26;
	s28 =	simm.s32 @!p0 $0xB  }
0x98: {  	[tilespmem:s9], [sflag:$0x2] =	stream.linear.gather [hbm4b:s26+s3], $0x80, $0x38;
	[tilespmem:$0x980] =	vst v63  }
0x99: {  	_ =	swait.ge @!p0 [sflag:s28], $0x80  }
0x9a: {  	[sflag:s28] =	ssyncset.done @!p0 $0x0;
	s26 =	rddreg [dreg:$0x8]  }
0x9b: {  	[sflag:s28] =	ssyncadd.s32 @!p0 $0xFFFFFF80;
	s26 =	sadd.s32 s6, s26;
	s28 =	simm.s32 @!p0 $0xC  }
0x9c: {  	[tilespmem:s10], [sflag:$0x3] =	stream.linear.gather [hbm4b:s26+s3], $0x80, $0x38;
	[tilespmem:$0x980] =	vst v63  }
0x9d: {  	_ =	swait.ge @!p0 [sflag:s28], $0x80  }
0x9e: {  	[sflag:s28] =	ssyncset.done @!p0 $0x0;
	s26 =	rddreg [dreg:$0x7]  }
0x9f: {  	[sflag:s28] =	ssyncadd.s32 @!p0 $0xFFFFFF80;
	s26 =	sadd.s32 s6, s26;
	s28 =	simm.s32 @!p0 $0xD  }
0xa0: {  	[tilespmem:s11], [sflag:$0x4] =	stream.linear.gather [hbm4b:s26+s3], $0x80, $0x38;
	[tilespmem:$0x980] =	vst v63  }
0xa1: {  	_ =	swait.ge @!p0 [sflag:s28], $0x80  }
0xa2: {  	[sflag:s28] =	ssyncset.done @!p0 $0x0;
	s26 =	rddreg [dreg:$0x6]  }
0xa3: {  	[sflag:s28] =	ssyncadd.s32 @!p0 $0xFFFFFF80;
	s26 =	sadd.s32 s6, s26;
	s28 =	simm.s32 @!p0 $0xE  }
0xa4: {  	[tilespmem:s12], [sflag:$0x5] =	stream.linear.gather [hbm4b:s26+s3], $0x80, $0x38;
	[tilespmem:$0x980] =	vst v63  }
0xa5: {  	_ =	swait.ge @!p0 [sflag:s28], $0x80  }
0xa6: {  	[sflag:s28] =	ssyncset.done @!p0 $0x0;
	s26 =	rddreg [dreg:$0x5]  }
0xa7: {  	[sflag:s28] =	ssyncadd.s32 @!p0 $0xFFFFFF80;
	s26 =	sadd.s32 s6, s26;
	s28 =	simm.s32 @!p0 $0xF  }
0xa8: {  	[tilespmem:s13], [sflag:$0x6] =	stream.linear.gather [hbm4b:s26+s3], $0x80, $0x38;
	[tilespmem:$0x980] =	vst v63  }
0xa9: {  	_ =	swait.ge @!p0 [sflag:s28], $0x80  }
0xaa: {  	[sflag:s28] =	ssyncset.done @!p0 $0x0;
	s26 =	rddreg [dreg:$0x4]  }
0xab: {  	[sflag:s28] =	ssyncadd.s32 @!p0 $0xFFFFFF80;
	s26 =	sadd.s32 s6, s26;
	s28 =	simm.s32 @!p0 $0x10  }
0xac: {  	[tilespmem:s14], [sflag:$0x7] =	stream.linear.gather [hbm4b:s26+s3], $0x80, $0x38;
	[tilespmem:$0x980] =	vst v63  }
0xad: {  	_ =	swait.ge @!p0 [sflag:s28], $0x80  }
0xae: {  	[sflag:s28] =	ssyncset.done @!p0 $0x0;
	s26 =	rddreg [dreg:$0x3]  }
0xaf: {  	[sflag:s28] =	ssyncadd.s32 @!p0 $0xFFFFFF80;
	s26 =	sadd.s32 s6, s26  }
0xb0: {  	[tilespmem:s15], [sflag:$0x8] =	stream.linear.gather [hbm4b:s26+s3], $0x80, $0x38;
	[tilespmem:$0x980] =	vst v63  }
0xb1: {  	_ =	swait.ge [sflag:s16], $0x80  }
0xb2: {  	[sflag:s16] =	ssyncset.done $0x0  }
0xb3: {  	[sflag:s16] =	ssyncadd.s32 $0xFFFFFF80  }
0xb4: {  	[spmem:s2] =	stream.indirect.scatter.add.f32 [tilespmem:s17], [sflag:$0x9], $0x1, s3, s9, $0xb8;
	[tilespmem:$0x980] =	vst v63  }
0xb5: {  	_ =	swait.ge [sflag:s18], $0x80  }
0xb6: {  	[sflag:s18] =	ssyncset.done $0x0  }
0xb7: {  	[sflag:s18] =	ssyncadd.s32 $0xFFFFFF80  }
0xb8: {  	[spmem:s2] =	stream.indirect.scatter.add.f32 [tilespmem:s17], [sflag:$0xA], $0x1, s9, s9, $0xb8;
	[tilespmem:$0x980] =	vst v63  }
0xb9: {  	_ =	swait.ge [sflag:s19], $0x80  }
0xba: {  	[sflag:s19] =	ssyncset.done $0x0  }
0xbb: {  	[sflag:s19] =	ssyncadd.s32 $0xFFFFFF80  }
0xbc: {  	[spmem:s2] =	stream.indirect.scatter.add.f32 [tilespmem:s17], [sflag:$0xB], $0x1, s10, s9, $0xb8;
	[tilespmem:$0x980] =	vst v63  }
0xbd: {  	_ =	swait.ge [sflag:s20], $0x80  }
0xbe: {  	[sflag:s20] =	ssyncset.done $0x0  }
0xbf: {  	[sflag:s20] =	ssyncadd.s32 $0xFFFFFF80  }
0xc0: {  	[spmem:s2] =	stream.indirect.scatter.add.f32 [tilespmem:s17], [sflag:$0xC], $0x1, s11, s9, $0xb8;
	[tilespmem:$0x980] =	vst v63  }
0xc1: {  	_ =	swait.ge [sflag:s21], $0x80  }
0xc2: {  	[sflag:s21] =	ssyncset.done $0x0  }
0xc3: {  	[sflag:s21] =	ssyncadd.s32 $0xFFFFFF80  }
0xc4: {  	[spmem:s2] =	stream.indirect.scatter.add.f32 [tilespmem:s17], [sflag:$0xD], $0x1, s12, s9, $0xb8;
	[tilespmem:$0x980] =	vst v63  }
0xc5: {  	_ =	swait.ge [sflag:s22], $0x80  }
0xc6: {  	[sflag:s22] =	ssyncset.done $0x0  }
0xc7: {  	s25 =	smov.u32 s7;
	s7 =	sadd.s32 $0x80, s7;
	[sflag:s22] =	ssyncadd.s32 $0xFFFFFF80  }
0xc8: {  	[spmem:s2] =	stream.indirect.scatter.add.f32 [tilespmem:s17], [sflag:$0xE], $0x1, s13, s9, $0xb8;
	[tilespmem:$0x980] =	vst v63  }
0xc9: {  	p1 =	sne.s32 s7, $0x500;
	_ =	swait.ge [sflag:s23], $0x80  }
.Ltmp0:
0xca: {  	[sflag:s23] =	ssyncset.done $0x0;
	(pc) =	sbr.rel @p1 .LBB2_2-.Ltmp0, $4  }
0xcb: {  	[sflag:s23] =	ssyncadd.s32 $0xFFFFFF80  }
0xcc: {  	[spmem:s2] =	stream.indirect.scatter.add.f32 [tilespmem:s17], [sflag:$0xF], $0x1, s14, s9, $0xb8;
	[tilespmem:$0x980] =	vst v63  }
0xcd: {  	s6 =	smov.u32 s25;
	_ =	swait.ge [sflag:s24], $0x80  }
0xce: {  	p0 =	seq.s32 s6, $0x0;
	[sflag:s24] =	ssyncset.done $0x0  }
0xcf: {  	s7 =	simm.s32 @!p0 $0x9;
	[sflag:s24] =	ssyncadd.s32 $0xFFFFFF80  }
0xd0: {  	[spmem:s2] =	stream.indirect.scatter.add.f32 [tilespmem:s17], [sflag:$0x10], $0x1, s15, s9, $0xb8;
	[tilespmem:$0x980] =	vst v63  }
0xd1: {  	_ =	swait.ge @!p0 [sflag:s7], $0x80  }
0xd2: {  	s25 =	rddreg [dreg:$0xa];
	[sflag:s7] =	ssyncset.done @!p0 $0x0  }
0xd3: {  	[sflag:s7] =	ssyncadd.s32 @!p0 $0xFFFFFF80;
	s26 =	sadd.s32 s6, s25;
	s25 =	simm.s32 @!p0 $0xA  }
0xd4: {  	[tilespmem:s3], [sflag:$0x1] =	stream.linear.gather [hbm4b:s26+s3], $0x80, $0x38;
	[tilespmem:$0x980] =	vst v63  }
0xd5: {  	_ =	swait.ge @!p0 [sflag:s25], $0x80  }
0xd6: {  	s28 =	rddreg [dreg:$0x9];
	[sflag:s25] =	ssyncset.done @!p0 $0x0  }
0xd7: {  	[sflag:s25] =	ssyncadd.s32 @!p0 $0xFFFFFF80;
	s7 =	sadd.s32 s6, s28;
	s25 =	simm.s32 @!p0 $0xB  }
0xd8: {  	[tilespmem:s9], [sflag:$0x2] =	stream.linear.gather [hbm4b:s7+s3], $0x80, $0x38;
	[tilespmem:$0x980] =	vst v63  }
0xd9: {  	_ =	swait.ge @!p0 [sflag:s25], $0x80  }
0xda: {  	s26 =	rddreg [dreg:$0x8];
	[sflag:s25] =	ssyncset.done @!p0 $0x0  }
0xdb: {  	[sflag:s25] =	ssyncadd.s32 @!p0 $0xFFFFFF80;
	s7 =	sadd.s32 s6, s26;
	s25 =	simm.s32 @!p0 $0xC  }
0xdc: {  	[tilespmem:s10], [sflag:$0x3] =	stream.linear.gather [hbm4b:s7+s3], $0x80, $0x38;
	[tilespmem:$0x980] =	vst v63  }
0xdd: {  	_ =	swait.ge @!p0 [sflag:s25], $0x80  }
0xde: {  	s28 =	rddreg [dreg:$0x7];
	[sflag:s25] =	ssyncset.done @!p0 $0x0  }
0xdf: {  	[sflag:s25] =	ssyncadd.s32 @!p0 $0xFFFFFF80;
	s7 =	sadd.s32 s6, s28;
	s25 =	simm.s32 @!p0 $0xD  }
0xe0: {  	[tilespmem:s11], [sflag:$0x4] =	stream.linear.gather [hbm4b:s7+s3], $0x80, $0x38;
	[tilespmem:$0x980] =	vst v63  }
0xe1: {  	_ =	swait.ge @!p0 [sflag:s25], $0x80  }
0xe2: {  	s26 =	rddreg [dreg:$0x6];
	[sflag:s25] =	ssyncset.done @!p0 $0x0  }
0xe3: {  	[sflag:s25] =	ssyncadd.s32 @!p0 $0xFFFFFF80;
	s7 =	sadd.s32 s6, s26;
	s25 =	simm.s32 @!p0 $0xE  }
0xe4: {  	[tilespmem:s12], [sflag:$0x5] =	stream.linear.gather [hbm4b:s7+s3], $0x80, $0x38;
	[tilespmem:$0x980] =	vst v63  }
0xe5: {  	_ =	swait.ge @!p0 [sflag:s25], $0x80  }
0xe6: {  	s28 =	rddreg [dreg:$0x5];
	[sflag:s25] =	ssyncset.done @!p0 $0x0  }
0xe7: {  	[sflag:s25] =	ssyncadd.s32 @!p0 $0xFFFFFF80;
	s7 =	sadd.s32 s6, s28;
	s25 =	simm.s32 @!p0 $0xF  }
0xe8: {  	[tilespmem:s13], [sflag:$0x6] =	stream.linear.gather [hbm4b:s7+s3], $0x80, $0x38;
	[tilespmem:$0x980] =	vst v63  }
0xe9: {  	_ =	swait.ge @!p0 [sflag:s25], $0x80  }
0xea: {  	s26 =	rddreg [dreg:$0x4];
	[sflag:s25] =	ssyncset.done @!p0 $0x0  }
0xeb: {  	[sflag:s25] =	ssyncadd.s32 @!p0 $0xFFFFFF80;
	s7 =	sadd.s32 s6, s26;
	s25 =	simm.s32 @!p0 $0x10  }
0xec: {  	[tilespmem:s14], [sflag:$0x7] =	stream.linear.gather [hbm4b:s7+s3], $0x80, $0x38;
	[tilespmem:$0x980] =	vst v63  }
0xed: {  	_ =	swait.ge @!p0 [sflag:s25], $0x80  }
0xee: {  	s28 =	rddreg [dreg:$0x3];
	[sflag:s25] =	ssyncset.done @!p0 $0x0  }
0xef: {  	[sflag:s25] =	ssyncadd.s32 @!p0 $0xFFFFFF80;
	s26 =	sadd.s32 s6, s28  }
0xf0: {  	[tilespmem:s15], [sflag:$0x8] =	stream.linear.gather [hbm4b:s26+s3], $0x80, $0x38;
	[tilespmem:$0x980] =	vst v63  }
0xf1: {  	_ =	swait.ge [sflag:s16], $0x80  }
0xf2: {  	[sflag:s16] =	ssyncset.done $0x0  }
0xf3: {  	[sflag:s16] =	ssyncadd.s32 $0xFFFFFF80  }
0xf4: {  	[spmem:s2] =	stream.indirect.scatter.add.f32 [tilespmem:s17], [sflag:$0x9], $0x1, s3, s9, $0xb8;
	[tilespmem:$0x980] =	vst v63  }
0xf5: {  	_ =	swait.ge [sflag:s18], $0x80  }
0xf6: {  	[sflag:s18] =	ssyncset.done $0x0  }
0xf7: {  	[sflag:s18] =	ssyncadd.s32 $0xFFFFFF80  }
0xf8: {  	[spmem:s2] =	stream.indirect.scatter.add.f32 [tilespmem:s17], [sflag:$0xA], $0x1, s9, s9, $0xb8;
	[tilespmem:$0x980] =	vst v63  }
0xf9: {  	_ =	swait.ge [sflag:s19], $0x80  }
0xfa: {  	[sflag:s19] =	ssyncset.done $0x0  }
0xfb: {  	[sflag:s19] =	ssyncadd.s32 $0xFFFFFF80  }
0xfc: {  	[spmem:s2] =	stream.indirect.scatter.add.f32 [tilespmem:s17], [sflag:$0xB], $0x1, s10, s9, $0xb8;
	[tilespmem:$0x980] =	vst v63  }
0xfd: {  	_ =	swait.ge [sflag:s20], $0x80  }
0xfe: {  	[sflag:s20] =	ssyncset.done $0x0  }
0xff: {  	[sflag:s20] =	ssyncadd.s32 $0xFFFFFF80  }
0x100: {  	[spmem:s2] =	stream.indirect.scatter.add.f32 [tilespmem:s17], [sflag:$0xC], $0x1, s11, s9, $0xb8;
	[tilespmem:$0x980] =	vst v63  }
0x101: {  	_ =	swait.ge [sflag:s21], $0x80  }
0x102: {  	[sflag:s21] =	ssyncset.done $0x0  }
0x103: {  	[sflag:s21] =	ssyncadd.s32 $0xFFFFFF80  }
0x104: {  	[spmem:s2] =	stream.indirect.scatter.add.f32 [tilespmem:s17], [sflag:$0xD], $0x1, s12, s9, $0xb8;
	[tilespmem:$0x980] =	vst v63  }
0x105: {  	_ =	swait.ge [sflag:s22], $0x80  }
0x106: {  	[sflag:s22] =	ssyncset.done $0x0  }
0x107: {  	[sflag:s22] =	ssyncadd.s32 $0xFFFFFF80  }
0x108: {  	[spmem:s2] =	stream.indirect.scatter.add.f32 [tilespmem:s17], [sflag:$0xE], $0x1, s13, s9, $0xb8;
	[tilespmem:$0x980] =	vst v63  }
0x109: {  	_ =	swait.ge [sflag:s23], $0x80  }
0x10a: {  	[sflag:s23] =	ssyncset.done $0x0  }
0x10b: {  	[sflag:s23] =	ssyncadd.s32 $0xFFFFFF80  }
0x10c: {  	[spmem:s2] =	stream.indirect.scatter.add.f32 [tilespmem:s17], [sflag:$0xF], $0x1, s14, s9, $0xb8;
	[tilespmem:$0x980] =	vst v63  }
0x10d: {  	_ =	swait.ge [sflag:s24], $0x80  }
0x10e: {  	[sflag:s24] =	ssyncset.done $0x0  }
0x10f: {  	s28 =	simm.s32 $0x9;
	[sflag:s24] =	ssyncadd.s32 $0xFFFFFF80  }
0x110: {  	[spmem:s2] =	stream.indirect.scatter.add.f32 [tilespmem:s17], [sflag:$0x10], $0x1, s15, s9, $0xb8;
	[tilespmem:$0x980] =	vst v63  }
0x111: {  	_ =	swait.ge [sflag:s28], $0x80  }
0x112: {  	[sflag:s28] =	ssyncset.done $0x0  }
0x113: {  	s7 =	simm.s32 $0xA;
	[sflag:s28] =	ssyncadd.s32 $0xFFFFFF80  }
0x114: {  	_ =	swait.ge [sflag:s7], $0x80  }
0x115: {  	[sflag:s7] =	ssyncset.done $0x0  }
0x116: {  	s25 =	simm.s32 $0xB;
	[sflag:s7] =	ssyncadd.s32 $0xFFFFFF80  }
0x117: {  	_ =	swait.ge [sflag:s25], $0x80  }
0x118: {  	[sflag:s25] =	ssyncset.done $0x0  }
0x119: {  	[sflag:s25] =	ssyncadd.s32 $0xFFFFFF80  }
0x11a: {  	_ =	swait.ge [sflag:s29], $0x80  }
0x11b: {  	[sflag:s29] =	ssyncset.done $0x0  }
0x11c: {  	[sflag:s29] =	ssyncadd.s32 $0xFFFFFF80  }
0x11d: {  	_ =	swait.ge [sflag:s30], $0x80  }
0x11e: {  	[sflag:s30] =	ssyncset.done $0x0  }
0x11f: {  	[sflag:s30] =	ssyncadd.s32 $0xFFFFFF80  }
0x120: {  	_ =	swait.ge [sflag:s31], $0x80  }
0x121: {  	[sflag:s31] =	ssyncset.done $0x0  }
0x122: {  	[sflag:s31] =	ssyncadd.s32 $0xFFFFFF80  }
0x123: {  	_ =	swait.ge [sflag:s1], $0x80  }
0x124: {  	[sflag:s1] =	ssyncset.done $0x0  }
0x125: {  	[sflag:s1] =	ssyncadd.s32 $0xFFFFFF80  }
0x126: {  	_ =	swait.ge [sflag:s0], $0x80  }
0x127: {  	[sflag:s0] =	ssyncset.done $0x0  }
0x128: {  	[sflag:s0] =	ssyncadd.s32 $0xFFFFFF80  }
0x129: {  	s7 =	simm.s32 $0x480;
	[bflag:$0x0] =	sbarrier.arrive $0xFFFF  }
0x12a: {  	[tilespmem:s7], [sflag:$0x11] =	stream.linear.gather [spmem:s4], $0x280, $0x38;
	[tilespmem:$0x980] =	vst v63  }
0x12b: {  	_ =	swait.ge [sflag:s8], $0x280  }
0x12c: {  	[sflag:s8] =	ssyncset.done $0x0  }
0x12d: {  	s26 =	rddreg [dreg:$0xb];
	[sflag:s8] =	ssyncadd.s32 $0xFFFFFD80  }
0x12e: {  	[hbm4b:s26+s3] =	stream.linear.scatter [tilespmem:s7], [sflag:$0x11], $0x280, $0x38;
	[tilespmem:$0x980] =	vst v63  }
0x12f: {  	_ =	swait.ge [sflag:s8], $0x280  }
0x130: {  	s5 =	sadd.s32 $0x1, s5;
	s28 =	rddreg [dreg:$0xc]  }
0x131: {  	p0 =	sne.s32 s5, s28  }
.Ltmp1:
0x132: {  	_ = 	snop;
	(pc) =	sbr.rel @p0 .LBB2_1-.Ltmp1, $3  }
0x133: {  	_ =	sdelay $0x1  }
0x134: {  	[sflag:s8] =	ssyncset.done $0x0  }
0x135: {  	[sflag:s8] =	ssyncadd.s32 $0xFFFFFD80  }
0x136: {  	_ =	sfence.sel $0x180000  }
0x137: {  	[bflag:$0x0] =	sbarrier.arrive $0xFFFF  }
0x138: {  	_ =	strace $0x90000047  }
0x139: {  	s0 =	stileid.u32;
	[bflag:$0x2] =	sbarrier.arrive $0xFFFF  }
0x13a: {  	p0 =	sne.s32 s0, $0x0;
	s0 =	rddreg [dreg:$0x2]  }
0x13b: {  	s0 =	sadd.s32 @!p0 $0x100000, s0  }
0x13c: {  	[sflag:s0] =	ssyncadd.tile.s32 @!p0 $0x1;
	_ =	shalt  }
.Lfunc_end2:
_tile_overlayer_lowered:
.L_overlay_start_2:
0x13d: {  	(tag) =	ssettag $0x2  }
0x13e: {  	s0 =	rddreg [dreg:$0x0];
	s2 =	stileid.u32  }
0x13f: {  	s1 =	rddreg [dreg:$0x1];
	p0 =	sne.s32 s2, $0x0  }
0x140: {  	s3 =	rddreg [dreg:$0x2];
	[bflag:$0x3] =	sbarrier.arrive $0xFFFF;
	s2 =	simm.s32 @!p0 $0x1C11  }
0x141: {  	[timem:s3], [sflag:s2] =	dma.local @!p0 [hbm:s0], s1  }
0x142: {  	s0 =	simm.s32 @!p0 $0x11  }
0x143: {  	_ =	swait.ge @!p0 [sflag:s0], s1  }
0x144: {  	s1 =	ssub.s32 @!p0 $0x0, s1;
	[sflag:s0] =	ssyncset.done @!p0 $0x0  }
0x145: {  	[sflag:s0] =	ssyncadd.s32 @!p0 s1  }
0x146: {  	[bflag:$0x3] =	sbarrier.arrive $0xFFFF  }
0x147: {  	_ =	shalt  }

</sc_bundles>
